<compile_context>
chip_gen: v7x
topology: tpu7x:2x2x1
jax: 0.10.2.dev20260603
libtpu: 0.0.44.dev20260713+nightly
codegen_flags: <defaults>
</compile_context>

<pallas_src>
import functools

import jax
import jax.numpy as jnp
from jax import lax
from jax.experimental import pallas as pl
from jax.experimental.pallas import tpu as pltpu
from jax.experimental.pallas import tpu_sc as plsc

N = 10000
E = 320000
D = 128
EPS = 1e-5

NC = 2
NS = 16
NW = NC * NS
CH = 128
NCH = E // CH
PW0 = NCH // NW
PXT = NCH - PW0 * NW
P = PW0 + 1
ACCN = N
RPT = N // NS
DEGW = 8

_mesh = plsc.VectorSubcoreMesh(core_axis_name="c", subcore_axis_name="s")
_sc_params = pltpu.CompilerParams(use_tc_tiling_on_sc=False)


@functools.partial(
    pl.kernel,
    out_type=jax.ShapeDtypeStruct((NC, N, DEGW), jnp.float32),
    mesh=_mesh,
    scratch_types=[
        [pltpu.VMEM((CH,), jnp.int32)] * 6,
        pltpu.VMEM((CH, DEGW), jnp.float32),
        pltpu.VMEM_SHARED((ACCN, DEGW), jnp.float32),
        [pltpu.SemaphoreType.DMA] * 6,
        [pltpu.SemaphoreType.DMA] * 4,
    ],
    compiler_params=_sc_params,
)
def _deg_kernel(dst_hbm, ones_hbm, out_hbm, dst_v, ones_v, acc, isems, ssems):
    c = lax.axis_index("c")
    s = lax.axis_index("s")
    wid = s * NC + c
    pw = jnp.where(wid < PXT, PW0 + 1, PW0)
    cb = wid * PW0 + jnp.minimum(wid, PXT)
    pltpu.sync_copy(ones_hbm.at[pl.ds(s * RPT, RPT)], acc.at[pl.ds(s * RPT, RPT)])
    pltpu.sync_copy(ones_hbm.at[pl.ds(0, CH)], ones_v)
    plsc.subcore_barrier()

    def idx(ci, q):
        return pltpu.make_async_copy(dst_hbm.at[cb + ci], dst_v[q], isems[q])

    def scat(q, b):
        return pltpu.make_async_copy(ones_v, acc.at[dst_v[q]], ssems[b])

    idx(0, 0).start()
    idx(1, 1).start()

    def body(g, carry):
        for k12 in range(12):
            ci = 12 * g + k12
            q6 = k12 % 6
            k4 = k12 % 4

            @pl.when(ci < pw)
            def _():
                idx(ci, q6).wait()

            @pl.when((ci >= 3) & (ci < pw + 3))
            def _():
                scat((q6 + 3) % 6, (k4 + 1) % 4).wait()

            @pl.when(ci < pw)
            def _():
                scat(q6, k4).start(add=True)

            @pl.when(ci + 2 < pw)
            def _():
                idx(ci + 2, (q6 + 2) % 6).start()

        return carry

    lax.fori_loop(0, (P + 3 + 11) // 12, body, 0)
    plsc.subcore_barrier()
    pltpu.sync_copy(acc.at[pl.ds(s * RPT, RPT)], out_hbm.at[c, pl.ds(s * RPT, RPT)])


@functools.partial(
    pl.kernel,
    out_type=jax.ShapeDtypeStruct((NC, N, D), jnp.float32),
    mesh=_mesh,
    scratch_types=[
        [pltpu.VMEM((CH,), jnp.int32)] * 6,
        [pltpu.VMEM((CH,), jnp.int32)] * 6,
        [pltpu.VMEM((CH, D), jnp.float32)] * 3,
        pltpu.VMEM_SHARED((ACCN, D), jnp.float32),
        [pltpu.SemaphoreType.DMA] * 6,
        [pltpu.SemaphoreType.DMA] * 3,
        [pltpu.SemaphoreType.DMA] * 2,
    ],
    compiler_params=_sc_params,
)
def _conv_kernel(xs_hbm, src_hbm, dst_hbm, out_hbm, src_v, dst_v, rows,
                 acc, isems, gsems, ssems):
    c = lax.axis_index("c")
    s = lax.axis_index("s")
    wid = s * NC + c
    pw = jnp.where(wid < PXT, PW0 + 1, PW0)
    cb = wid * PW0 + jnp.minimum(wid, PXT)

    def idx(ci, q):
        return (pltpu.make_async_copy(src_hbm.at[cb + ci], src_v[q], isems[q]),
                pltpu.make_async_copy(dst_hbm.at[cb + ci], dst_v[q], isems[q]))

    def gath(ci8, b4):
        return pltpu.make_async_copy(xs_hbm.at[src_v[ci8]], rows[b4], gsems[b4])

    def scat(ci8, b4, k):
        return pltpu.make_async_copy(rows[b4], acc.at[dst_v[ci8]], ssems[k])

    for q in range(4):
        for d in idx(q, q):
            d.start()
    for d in idx(0, 0):
        d.wait()
    gath(0, 0).start()
    for d in idx(1, 1):
        d.wait()
    gath(1, 1).start()
    pltpu.sync_copy(xs_hbm.at[pl.ds(s * RPT, RPT)], acc.at[pl.ds(s * RPT, RPT)])
    plsc.subcore_barrier()

    def body(g, carry):
        for k6 in range(6):
            ci = 6 * g + k6
            k3 = k6 % 3
            k = k6 % 2

            @pl.when(ci < pw)
            def _():
                gath(k6, k3).wait()

            @pl.when((ci >= 1) & (ci < pw + 1))
            def _():
                scat((k6 + 5) % 6, (k3 + 2) % 3, 1 - k).wait()

            @pl.when(ci < pw)
            def _():
                scat(k6, k3, k).start(add=True)

            @pl.when(ci + 2 < pw)
            def _():
                for d in idx(ci + 2, (k6 + 2) % 6):
                    d.wait()
                gath((k6 + 2) % 6, (k3 + 2) % 3).start()

            @pl.when(ci + 4 < pw)
            def _():
                for d in idx(ci + 4, (k6 + 4) % 6):
                    d.start()

        return carry

    lax.fori_loop(0, (P + 1 + 5) // 6, body, 0)
    plsc.subcore_barrier()
    pltpu.sync_copy(acc.at[pl.ds(s * RPT, RPT)], out_hbm.at[c, pl.ds(s * RPT, RPT)])


MB = 2000
NBLK = N // MB


def _prep_body(d0_ref, d1_ref, x_ref, dinv_ref, xs_ref):
    deg = d0_ref[...] + d1_ref[...] - 1.0
    dinv = lax.rsqrt(deg)
    dinv_ref[...] = dinv
    xs_ref[...] = x_ref[...] * dinv


_prep = pl.pallas_call(
    _prep_body,
    grid=(NBLK,),
    in_specs=[
        pl.BlockSpec((MB, 1), lambda i: (i, 0)),
        pl.BlockSpec((MB, 1), lambda i: (i, 0)),
        pl.BlockSpec((MB, D), lambda i: (i, 0)),
    ],
    out_specs=(
        pl.BlockSpec((MB, 1), lambda i: (i, 0)),
        pl.BlockSpec((MB, D), lambda i: (i, 0)),
    ),
    out_shape=(
        jax.ShapeDtypeStruct((N, 1), jnp.float32),
        jax.ShapeDtypeStruct((N, D), jnp.float32),
    ),
)


def _mmln_body(residual, scale_out, *refs):
    if residual:
        (p0_ref, p1_ref, xs_ref, dinv_ref, w_ref, b_ref, xres_ref,
         lnw_ref, lnb_ref, out_ref, h_scr, acc_ref) = refs
    else:
        (p0_ref, p1_ref, xs_ref, dinv_ref, w_ref, b_ref,
         lnw_ref, lnb_ref, out_ref, h_scr, acc_ref) = refs
    i = pl.program_id(0)

    @pl.when(i == 0)
    def _():
        acc_ref[0] = 0.0
        acc_ref[1] = 0.0

    @pl.when(i < NBLK)
    def _():
        t = p0_ref[0] + p1_ref[0] - xs_ref[...]
        z = t * dinv_ref[...]
        h = jnp.dot(z, w_ref[...], preferred_element_type=jnp.float32) + b_ref[...]
        if residual:
            h = h + xres_ref[...]
        h_scr[pl.ds(i * MB, MB), :] = h
        acc_ref[0] += jnp.sum(h)
        acc_ref[1] += jnp.sum(h * h)

    @pl.when(i >= NBLK)
    def _():
        inv_n = 1.0 / (N * D)
        mean = acc_ref[0] * inv_n
        var = acc_ref[1] * inv_n - mean * mean
        rstd = lax.rsqrt(var + EPS)
        h = h_scr[pl.ds((i - NBLK) * MB, MB), :]
        y = (h - mean) * rstd * lnw_ref[...] + lnb_ref[...]
        y = jnp.maximum(y, 0.0)
        if scale_out:
            y = y * dinv_ref[...]
        out_ref[...] = y


def _make_mmln(residual, scale_out):
    def ph1_map(i):
        return (jnp.minimum(i, NBLK - 1), 0)

    p0_spec = pl.BlockSpec((1, MB, D), lambda i: (0, jnp.minimum(i, NBLK - 1), 0))
    p1_spec = pl.BlockSpec((1, MB, D), lambda i: (1, jnp.minimum(i, NBLK - 1), 0))
    row1_spec = pl.BlockSpec((MB, D), ph1_map)
    dinv_spec = pl.BlockSpec((MB, 1), lambda i: (i % NBLK, 0))
    full_spec = pl.BlockSpec((D, D), lambda i: (0, 0))
    b_spec = pl.BlockSpec((1, D), lambda i: (0, 0))
    in_specs = [p0_spec, p1_spec, row1_spec, dinv_spec, full_spec, b_spec]
    if residual:
        in_specs.append(row1_spec)
    in_specs += [b_spec, b_spec]
    return pl.pallas_call(
        functools.partial(_mmln_body, residual, scale_out),
        grid=(2 * NBLK,),
        in_specs=in_specs,
        out_specs=pl.BlockSpec(
            (MB, D), lambda i: (jnp.where(i < NBLK, 0, i - NBLK), 0)),
        out_shape=jax.ShapeDtypeStruct((N, D), jnp.float32),
        scratch_shapes=[
            pltpu.VMEM((N, D), jnp.float32),
            pltpu.SMEM((2,), jnp.float32),
        ],
    )


_mmln0 = _make_mmln(False, True)
_mmln1 = _make_mmln(True, False)


def kernel(x, edge_index, W0, b0, W1, b1, ln0_w, ln0_b, ln1_w, ln1_b):
    src = edge_index[0].reshape(NCH, CH)
    dst = edge_index[1].reshape(NCH, CH)
    ones = jnp.ones((N, DEGW), jnp.float32)
    b0r = b0.reshape(1, D)
    b1r = b1.reshape(1, D)
    ln0w = ln0_w.reshape(1, D)
    ln0b = ln0_b.reshape(1, D)
    ln1w = ln1_w.reshape(1, D)
    ln1b = ln1_b.reshape(1, D)

    degp = _deg_kernel(dst, ones)
    dinv, xs0 = _prep(degp[0, :, 0:1], degp[1, :, 0:1], x)

    p = _conv_kernel(xs0, src, dst)
    xs1 = _mmln0(p, p, xs0, dinv, W0, b0r, ln0w, ln0b)

    q = _conv_kernel(xs1, src, dst)
    out = _mmln1(q, q, xs1, dinv, W1, b1r, x, ln1w, ln1b)
    return out

# --- scband reference (transcript-rebuilt; emitter-appended) ---
"""Pipeline reference for scband-res-block-47064251630157 (READ-ONLY COPY).

The authoritative reference and input builder live on the scoring server;
editing this copy changes nothing except your own understanding.
"""

import jax, jax.numpy as jnp
import numpy as np

N = 10000
E = 320000
D = 128
EPS = 1e-5


def setup_inputs(seed: int = 0) -> dict:
    key = jax.random.key(seed)
    ks = jax.random.split(key, 12)
    x = jax.random.normal(ks[0], (N, D), dtype=jnp.float32)
    edge_index = jax.random.randint(ks[1], (2, E), 0, N, dtype=jnp.int32)
    s = 1.0 / np.sqrt(D)
    W0 = jax.random.uniform(ks[2], (D, D), dtype=jnp.float32, minval=-s, maxval=s)
    b0 = jax.random.uniform(ks[3], (D,), dtype=jnp.float32, minval=-s, maxval=s)
    W1 = jax.random.uniform(ks[4], (D, D), dtype=jnp.float32, minval=-s, maxval=s)
    b1 = jax.random.uniform(ks[5], (D,), dtype=jnp.float32, minval=-s, maxval=s)
    ln0_w = jnp.ones((D,), dtype=jnp.float32)
    ln0_b = jnp.zeros((D,), dtype=jnp.float32)
    ln1_w = jnp.ones((D,), dtype=jnp.float32)
    ln1_b = jnp.zeros((D,), dtype=jnp.float32)
    return {"x": x, "edge_index": edge_index, "W0": W0, "b0": b0, "W1": W1, "b1": b1,
            "ln0_w": ln0_w, "ln0_b": ln0_b, "ln1_w": ln1_w, "ln1_b": ln1_b}


def _gcn_conv(x, W, b, src, dst, n):
    # GCNConv with self-loops and symmetric normalization
    h = x @ W
    ones = jnp.ones(src.shape[0], dtype=x.dtype)
    deg = jax.ops.segment_sum(ones, dst, num_segments=n)
    dinv = jnp.where(deg > 0, 1.0 / jnp.sqrt(jnp.maximum(deg, 1e-12)), 0.0)
    norm = dinv[src] * dinv[dst]
    msg = h[src] * norm[:, None]
    out = jax.ops.segment_sum(msg, dst, num_segments=n)
    return out + b


def _graph_layernorm(x, w, b):
    # torch_geometric.nn.LayerNorm default mode='graph': normalize over all nodes & channels
    mean = jnp.mean(x)
    var = jnp.mean((x - mean) ** 2)
    xn = (x - mean) / jnp.sqrt(var + EPS)
    return xn * w[None, :] + b[None, :]


def reference(x, edge_index, W0, b0, W1, b1, ln0_w, ln0_b, ln1_w, ln1_b):
    loops = jnp.arange(N, dtype=edge_index.dtype)
    src = jnp.concatenate([edge_index[0], loops])
    dst = jnp.concatenate([edge_index[1], loops])
    # conv0 (checkpoint in torch is a no-op mathematically)
    y = _gcn_conv(x, W0, b0, src, dst, N)
    y = _graph_layernorm(y, ln0_w, ln0_b)
    y = jax.nn.relu(y)
    # conv1
    y = _gcn_conv(y, W1, b1, src, dst, N)
    # in_channels == out_channels -> lin is Identity
    out = y + x
    out = _graph_layernorm(out, ln1_w, ln1_b)
    out = jax.nn.relu(out)
    return jnp.squeeze(out)


if False:  # reference __main__ guard neutralized (emitter)
    inp = setup_inputs()
    o = reference(**inp)
    print(o.shape, o.dtype)

if __name__ == "__main__":
    import jax
    _d = setup_inputs()
    print(jax.jit(kernel)(*tuple(_d.values())))

</pallas_src>

<mosaic_0001>
#map = affine_map<(d0, d1) -> (0, 0)>
#map1 = affine_map<(d0, d1) -> (0, 0, 0)>
module attributes {stable_mosaic.version = 14 : i64} {
  func.func @_conv_kernel(%arg0: i32, %arg1: i32, %arg2: memref<10000x128xf32, #tpu.memory_space<hbm>>, %arg3: memref<2500x128xi32, #tpu.memory_space<hbm>>, %arg4: memref<2500x128xi32, #tpu.memory_space<hbm>>, %arg5: memref<2x10000x128xf32, #tpu.memory_space<hbm>>, %arg6: memref<128xi32, #tpu.memory_space<vmem>>, %arg7: memref<128xi32, #tpu.memory_space<vmem>>, %arg8: memref<128xi32, #tpu.memory_space<vmem>>, %arg9: memref<128xi32, #tpu.memory_space<vmem>>, %arg10: memref<128xi32, #tpu.memory_space<vmem>>, %arg11: memref<128xi32, #tpu.memory_space<vmem>>, %arg12: memref<128xi32, #tpu.memory_space<vmem>>, %arg13: memref<128xi32, #tpu.memory_space<vmem>>, %arg14: memref<128xi32, #tpu.memory_space<vmem>>, %arg15: memref<128xi32, #tpu.memory_space<vmem>>, %arg16: memref<128xi32, #tpu.memory_space<vmem>>, %arg17: memref<128xi32, #tpu.memory_space<vmem>>, %arg18: memref<128x128xf32, #tpu.memory_space<vmem>>, %arg19: memref<128x128xf32, #tpu.memory_space<vmem>>, %arg20: memref<128x128xf32, #tpu.memory_space<vmem>>, %arg21: memref<10000x128xf32, #tpu.memory_space<vmem_shared>>, %arg22: memref<!tpu.dma_semaphore, #tpu.memory_space<semaphore_mem>>, %arg23: memref<!tpu.dma_semaphore, #tpu.memory_space<semaphore_mem>>, %arg24: memref<!tpu.dma_semaphore, #tpu.memory_space<semaphore_mem>>, %arg25: memref<!tpu.dma_semaphore, #tpu.memory_space<semaphore_mem>>, %arg26: memref<!tpu.dma_semaphore, #tpu.memory_space<semaphore_mem>>, %arg27: memref<!tpu.dma_semaphore, #tpu.memory_space<semaphore_mem>>, %arg28: memref<!tpu.dma_semaphore, #tpu.memory_space<semaphore_mem>>, %arg29: memref<!tpu.dma_semaphore, #tpu.memory_space<semaphore_mem>>, %arg30: memref<!tpu.dma_semaphore, #tpu.memory_space<semaphore_mem>>, %arg31: memref<!tpu.dma_semaphore, #tpu.memory_space<semaphore_mem>>, %arg32: memref<!tpu.dma_semaphore, #tpu.memory_space<semaphore_mem>>) attributes {dimension_semantics = [#tpu.dimension_semantics<core_parallel>, #tpu.dimension_semantics<subcore_parallel>], iteration_bounds = array<i64: 2, 16>, scalar_prefetch = 0 : i64, scratch_operands = 27 : i64, tpu.core_type = #tpu.core_type<sc_vector_subcore>, window_params = [{transform_indices = #map}, {transform_indices = #map}, {transform_indices = #map}, {transform_indices = #map1}]} {
    %mul3A = arith.constant 2 : i32
    %mul3A_0 = arith.muli %arg1, %mul3A : i32
    %add3A = arith.addi %mul3A_0, %arg0 : i32
    %lt3A = arith.constant 4 : i32
    %lt3A_1 = arith.cmpi slt, %add3A, %lt3A : i32
    %jit3A = arith.constant 79 : i32
    %jit3A_2 = arith.constant 78 : i32
    %select_n3A = arith.select %lt3A_1, %jit3A, %jit3A_2 : i32
    %mul3A_3 = arith.constant 78 : i32
    %mul3A_4 = arith.muli %add3A, %mul3A_3 : i32
    %min3A = arith.constant 4 : i32
    %min3A_5 = arith.minsi %add3A, %min3A : i32
    %add3A_6 = arith.addi %mul3A_4, %min3A_5 : i32
    %add3A_7 = arith.constant 0 : i32
    %add3A_8 = arith.addi %add3A_6, %add3A_7 : i32
    %add3A_9 = arith.constant 0 : i32
    %add3A_10 = arith.addi %add3A_6, %add3A_9 : i32
    %dma_start3A = arith.constant 0 : i32
    %dma_start3A_11 = tpu.memref_slice %arg3[%add3A_8, %dma_start3A] : memref<2500x128xi32, #tpu.memory_space<hbm>> -> memref<1x128xi32, #tpu.memory_space<hbm>>
    %dma_start3A_12 = tpu.memref_squeeze %dma_start3A_11 : memref<1x128xi32, #tpu.memory_space<hbm>> -> memref<128xi32, #tpu.memory_space<hbm>>
    %dma_start3A_13 = arith.constant 0 : i32
    %dma_start3A_14 = tpu.memref_slice %arg3[%add3A_8, %dma_start3A_13] : memref<2500x128xi32, #tpu.memory_space<hbm>> -> memref<1x128xi32, #tpu.memory_space<hbm>>
    %dma_start3A_15 = tpu.memref_squeeze %dma_start3A_14 : memref<1x128xi32, #tpu.memory_space<hbm>> -> memref<128xi32, #tpu.memory_space<hbm>>
    tpu.enqueue_dma source(%dma_start3A_15 : memref<128xi32, #tpu.memory_space<hbm>>) target(%arg6 : memref<128xi32, #tpu.memory_space<vmem>>) target_semaphore(%arg22 : memref<!tpu.dma_semaphore, #tpu.memory_space<semaphore_mem>>)
    %dma_start3A_16 = arith.constant 0 : i32
    %dma_start3A_17 = tpu.memref_slice %arg4[%add3A_10, %dma_start3A_16] : memref<2500x128xi32, #tpu.memory_space<hbm>> -> memref<1x128xi32, #tpu.memory_space<hbm>>
    %dma_start3A_18 = tpu.memref_squeeze %dma_start3A_17 : memref<1x128xi32, #tpu.memory_space<hbm>> -> memref<128xi32, #tpu.memory_space<hbm>>
    %dma_start3A_19 = arith.constant 0 : i32
    %dma_start3A_20 = tpu.memref_slice %arg4[%add3A_10, %dma_start3A_19] : memref<2500x128xi32, #tpu.memory_space<hbm>> -> memref<1x128xi32, #tpu.memory_space<hbm>>
    %dma_start3A_21 = tpu.memref_squeeze %dma_start3A_20 : memref<1x128xi32, #tpu.memory_space<hbm>> -> memref<128xi32, #tpu.memory_space<hbm>>
    tpu.enqueue_dma source(%dma_start3A_21 : memref<128xi32, #tpu.memory_space<hbm>>) target(%arg12 : memref<128xi32, #tpu.memory_space<vmem>>) target_semaphore(%arg22 : memref<!tpu.dma_semaphore, #tpu.memory_space<semaphore_mem>>)
    %add3A_22 = arith.constant 1 : i32
    %add3A_23 = arith.addi %add3A_6, %add3A_22 : i32
    %add3A_24 = arith.constant 1 : i32
    %add3A_25 = arith.addi %add3A_6, %add3A_24 : i32
    %dma_start3A_26 = arith.constant 0 : i32
    %dma_start3A_27 = tpu.memref_slice %arg3[%add3A_23, %dma_start3A_26] : memref<2500x128xi32, #tpu.memory_space<hbm>> -> memref<1x128xi32, #tpu.memory_space<hbm>>
    %dma_start3A_28 = tpu.memref_squeeze %dma_start3A_27 : memref<1x128xi32, #tpu.memory_space<hbm>> -> memref<128xi32, #tpu.memory_space<hbm>>
    %dma_start3A_29 = arith.constant 0 : i32
    %dma_start3A_30 = tpu.memref_slice %arg3[%add3A_23, %dma_start3A_29] : memref<2500x128xi32, #tpu.memory_space<hbm>> -> memref<1x128xi32, #tpu.memory_space<hbm>>
    %dma_start3A_31 = tpu.memref_squeeze %dma_start3A_30 : memref<1x128xi32, #tpu.memory_space<hbm>> -> memref<128xi32, #tpu.memory_space<hbm>>
    tpu.enqueue_dma source(%dma_start3A_31 : memref<128xi32, #tpu.memory_space<hbm>>) target(%arg7 : memref<128xi32, #tpu.memory_space<vmem>>) target_semaphore(%arg23 : memref<!tpu.dma_semaphore, #tpu.memory_space<semaphore_mem>>)
    %dma_start3A_32 = arith.constant 0 : i32
    %dma_start3A_33 = tpu.memref_slice %arg4[%add3A_25, %dma_start3A_32] : memref<2500x128xi32, #tpu.memory_space<hbm>> -> memref<1x128xi32, #tpu.memory_space<hbm>>
    %dma_start3A_34 = tpu.memref_squeeze %dma_start3A_33 : memref<1x128xi32, #tpu.memory_space<hbm>> -> memref<128xi32, #tpu.memory_space<hbm>>
    %dma_start3A_35 = arith.constant 0 : i32
    %dma_start3A_36 = tpu.memref_slice %arg4[%add3A_25, %dma_start3A_35] : memref<2500x128xi32, #tpu.memory_space<hbm>> -> memref<1x128xi32, #tpu.memory_space<hbm>>
    %dma_start3A_37 = tpu.memref_squeeze %dma_start3A_36 : memref<1x128xi32, #tpu.memory_space<hbm>> -> memref<128xi32, #tpu.memory_space<hbm>>
    tpu.enqueue_dma source(%dma_start3A_37 : memref<128xi32, #tpu.memory_space<hbm>>) target(%arg13 : memref<128xi32, #tpu.memory_space<vmem>>) target_semaphore(%arg23 : memref<!tpu.dma_semaphore, #tpu.memory_space<semaphore_mem>>)
    %add3A_38 = arith.constant 2 : i32
    %add3A_39 = arith.addi %add3A_6, %add3A_38 : i32
    %add3A_40 = arith.constant 2 : i32
    %add3A_41 = arith.addi %add3A_6, %add3A_40 : i32
    %dma_start3A_42 = arith.constant 0 : i32
    %dma_start3A_43 = tpu.memref_slice %arg3[%add3A_39, %dma_start3A_42] : memref<2500x128xi32, #tpu.memory_space<hbm>> -> memref<1x128xi32, #tpu.memory_space<hbm>>
    %dma_start3A_44 = tpu.memref_squeeze %dma_start3A_43 : memref<1x128xi32, #tpu.memory_space<hbm>> -> memref<128xi32, #tpu.memory_space<hbm>>
    %dma_start3A_45 = arith.constant 0 : i32
    %dma_start3A_46 = tpu.memref_slice %arg3[%add3A_39, %dma_start3A_45] : memref<2500x128xi32, #tpu.memory_space<hbm>> -> memref<1x128xi32, #tpu.memory_space<hbm>>
    %dma_start3A_47 = tpu.memref_squeeze %dma_start3A_46 : memref<1x128xi32, #tpu.memory_space<hbm>> -> memref<128xi32, #tpu.memory_space<hbm>>
    tpu.enqueue_dma source(%dma_start3A_47 : memref<128xi32, #tpu.memory_space<hbm>>) target(%arg8 : memref<128xi32, #tpu.memory_space<vmem>>) target_semaphore(%arg24 : memref<!tpu.dma_semaphore, #tpu.memory_space<semaphore_mem>>)
    %dma_start3A_48 = arith.constant 0 : i32
    %dma_start3A_49 = tpu.memref_slice %arg4[%add3A_41, %dma_start3A_48] : memref<2500x128xi32, #tpu.memory_space<hbm>> -> memref<1x128xi32, #tpu.memory_space<hbm>>
    %dma_start3A_50 = tpu.memref_squeeze %dma_start3A_49 : memref<1x128xi32, #tpu.memory_space<hbm>> -> memref<128xi32, #tpu.memory_space<hbm>>
    %dma_start3A_51 = arith.constant 0 : i32
    %dma_start3A_52 = tpu.memref_slice %arg4[%add3A_41, %dma_start3A_51] : memref<2500x128xi32, #tpu.memory_space<hbm>> -> memref<1x128xi32, #tpu.memory_space<hbm>>
    %dma_start3A_53 = tpu.memref_squeeze %dma_start3A_52 : memref<1x128xi32, #tpu.memory_space<hbm>> -> memref<128xi32, #tpu.memory_space<hbm>>
    tpu.enqueue_dma source(%dma_start3A_53 : memref<128xi32, #tpu.memory_space<hbm>>) target(%arg14 : memref<128xi32, #tpu.memory_space<vmem>>) target_semaphore(%arg24 : memref<!tpu.dma_semaphore, #tpu.memory_space<semaphore_mem>>)
    %add3A_54 = arith.constant 3 : i32
    %add3A_55 = arith.addi %add3A_6, %add3A_54 : i32
    %add3A_56 = arith.constant 3 : i32
    %add3A_57 = arith.addi %add3A_6, %add3A_56 : i32
    %dma_start3A_58 = arith.constant 0 : i32
    %dma_start3A_59 = tpu.memref_slice %arg3[%add3A_55, %dma_start3A_58] : memref<2500x128xi32, #tpu.memory_space<hbm>> -> memref<1x128xi32, #tpu.memory_space<hbm>>
    %dma_start3A_60 = tpu.memref_squeeze %dma_start3A_59 : memref<1x128xi32, #tpu.memory_space<hbm>> -> memref<128xi32, #tpu.memory_space<hbm>>
    %dma_start3A_61 = arith.constant 0 : i32
    %dma_start3A_62 = tpu.memref_slice %arg3[%add3A_55, %dma_start3A_61] : memref<2500x128xi32, #tpu.memory_space<hbm>> -> memref<1x128xi32, #tpu.memory_space<hbm>>
    %dma_start3A_63 = tpu.memref_squeeze %dma_start3A_62 : memref<1x128xi32, #tpu.memory_space<hbm>> -> memref<128xi32, #tpu.memory_space<hbm>>
    tpu.enqueue_dma source(%dma_start3A_63 : memref<128xi32, #tpu.memory_space<hbm>>) target(%arg9 : memref<128xi32, #tpu.memory_space<vmem>>) target_semaphore(%arg25 : memref<!tpu.dma_semaphore, #tpu.memory_space<semaphore_mem>>)
    %dma_start3A_64 = arith.constant 0 : i32
    %dma_start3A_65 = tpu.memref_slice %arg4[%add3A_57, %dma_start3A_64] : memref<2500x128xi32, #tpu.memory_space<hbm>> -> memref<1x128xi32, #tpu.memory_space<hbm>>
    %dma_start3A_66 = tpu.memref_squeeze %dma_start3A_65 : memref<1x128xi32, #tpu.memory_space<hbm>> -> memref<128xi32, #tpu.memory_space<hbm>>
    %dma_start3A_67 = arith.constant 0 : i32
    %dma_start3A_68 = tpu.memref_slice %arg4[%add3A_57, %dma_start3A_67] : memref<2500x128xi32, #tpu.memory_space<hbm>> -> memref<1x128xi32, #tpu.memory_space<hbm>>
    %dma_start3A_69 = tpu.memref_squeeze %dma_start3A_68 : memref<1x128xi32, #tpu.memory_space<hbm>> -> memref<128xi32, #tpu.memory_space<hbm>>
    tpu.enqueue_dma source(%dma_start3A_69 : memref<128xi32, #tpu.memory_space<hbm>>) target(%arg15 : memref<128xi32, #tpu.memory_space<vmem>>) target_semaphore(%arg25 : memref<!tpu.dma_semaphore, #tpu.memory_space<semaphore_mem>>)
    %add3A_70 = arith.constant 0 : i32
    %add3A_71 = arith.addi %add3A_6, %add3A_70 : i32
    %add3A_72 = arith.constant 0 : i32
    %add3A_73 = arith.addi %add3A_6, %add3A_72 : i32
    %dma_wait3A = arith.constant 0 : i32
    %dma_wait3A_74 = tpu.memref_slice %arg3[%add3A_71, %dma_wait3A] : memref<2500x128xi32, #tpu.memory_space<hbm>> -> memref<1x128xi32, #tpu.memory_space<hbm>>
    %dma_wait3A_75 = tpu.memref_squeeze %dma_wait3A_74 : memref<1x128xi32, #tpu.memory_space<hbm>> -> memref<128xi32, #tpu.memory_space<hbm>>
    %dma_wait3A_76 = arith.constant 0 : i32
    %dma_wait3A_77 = tpu.memref_slice %arg3[%add3A_71, %dma_wait3A_76] : memref<2500x128xi32, #tpu.memory_space<hbm>> -> memref<1x128xi32, #tpu.memory_space<hbm>>
    %dma_wait3A_78 = tpu.memref_squeeze %dma_wait3A_77 : memref<1x128xi32, #tpu.memory_space<hbm>> -> memref<128xi32, #tpu.memory_space<hbm>>
    tpu.wait_dma2 semaphore(%arg22 : memref<!tpu.dma_semaphore, #tpu.memory_space<semaphore_mem>>) src(%dma_wait3A_78 : memref<128xi32, #tpu.memory_space<hbm>>) dst(%arg6 : memref<128xi32, #tpu.memory_space<vmem>>)
    %dma_wait3A_79 = arith.constant 0 : i32
    %dma_wait3A_80 = tpu.memref_slice %arg4[%add3A_73, %dma_wait3A_79] : memref<2500x128xi32, #tpu.memory_space<hbm>> -> memref<1x128xi32, #tpu.memory_space<hbm>>
    %dma_wait3A_81 = tpu.memref_squeeze %dma_wait3A_80 : memref<1x128xi32, #tpu.memory_space<hbm>> -> memref<128xi32, #tpu.memory_space<hbm>>
    %dma_wait3A_82 = arith.constant 0 : i32
    %dma_wait3A_83 = tpu.memref_slice %arg4[%add3A_73, %dma_wait3A_82] : memref<2500x128xi32, #tpu.memory_space<hbm>> -> memref<1x128xi32, #tpu.memory_space<hbm>>
    %dma_wait3A_84 = tpu.memref_squeeze %dma_wait3A_83 : memref<1x128xi32, #tpu.memory_space<hbm>> -> memref<128xi32, #tpu.memory_space<hbm>>
    tpu.wait_dma2 semaphore(%arg22 : memref<!tpu.dma_semaphore, #tpu.memory_space<semaphore_mem>>) src(%dma_wait3A_84 : memref<128xi32, #tpu.memory_space<hbm>>) dst(%arg12 : memref<128xi32, #tpu.memory_space<vmem>>)
    %dma_start3A_85 = arith.constant 0 : i32
    %dma_start3A_86 = arith.constant 0 : i32
    %dma_start3A_87 = tpu.memref_slice %arg2[%dma_start3A_85, %dma_start3A_86] : memref<10000x128xf32, #tpu.memory_space<hbm>> -> memref<10000x128xf32, #tpu.memory_space<hbm>>
    tpu.enqueue_indirect_dma source(%dma_start3A_87 : memref<10000x128xf32, #tpu.memory_space<hbm>>) target(%arg18 : memref<128x128xf32, #tpu.memory_space<vmem>>) offsets(%arg6 : memref<128xi32, #tpu.memory_space<vmem>>) semaphore(%arg28 : memref<!tpu.dma_semaphore, #tpu.memory_space<semaphore_mem>>)
    %add3A_88 = arith.constant 1 : i32
    %add3A_89 = arith.addi %add3A_6, %add3A_88 : i32
    %add3A_90 = arith.constant 1 : i32
    %add3A_91 = arith.addi %add3A_6, %add3A_90 : i32
    %dma_wait3A_92 = arith.constant 0 : i32
    %dma_wait3A_93 = tpu.memref_slice %arg3[%add3A_89, %dma_wait3A_92] : memref<2500x128xi32, #tpu.memory_space<hbm>> -> memref<1x128xi32, #tpu.memory_space<hbm>>
    %dma_wait3A_94 = tpu.memref_squeeze %dma_wait3A_93 : memref<1x128xi32, #tpu.memory_space<hbm>> -> memref<128xi32, #tpu.memory_space<hbm>>
    %dma_wait3A_95 = arith.constant 0 : i32
    %dma_wait3A_96 = tpu.memref_slice %arg3[%add3A_89, %dma_wait3A_95] : memref<2500x128xi32, #tpu.memory_space<hbm>> -> memref<1x128xi32, #tpu.memory_space<hbm>>
    %dma_wait3A_97 = tpu.memref_squeeze %dma_wait3A_96 : memref<1x128xi32, #tpu.memory_space<hbm>> -> memref<128xi32, #tpu.memory_space<hbm>>
    tpu.wait_dma2 semaphore(%arg23 : memref<!tpu.dma_semaphore, #tpu.memory_space<semaphore_mem>>) src(%dma_wait3A_97 : memref<128xi32, #tpu.memory_space<hbm>>) dst(%arg7 : memref<128xi32, #tpu.memory_space<vmem>>)
    %dma_wait3A_98 = arith.constant 0 : i32
    %dma_wait3A_99 = tpu.memref_slice %arg4[%add3A_91, %dma_wait3A_98] : memref<2500x128xi32, #tpu.memory_space<hbm>> -> memref<1x128xi32, #tpu.memory_space<hbm>>
    %dma_wait3A_100 = tpu.memref_squeeze %dma_wait3A_99 : memref<1x128xi32, #tpu.memory_space<hbm>> -> memref<128xi32, #tpu.memory_space<hbm>>
    %dma_wait3A_101 = arith.constant 0 : i32
    %dma_wait3A_102 = tpu.memref_slice %arg4[%add3A_91, %dma_wait3A_101] : memref<2500x128xi32, #tpu.memory_space<hbm>> -> memref<1x128xi32, #tpu.memory_space<hbm>>
    %dma_wait3A_103 = tpu.memref_squeeze %dma_wait3A_102 : memref<1x128xi32, #tpu.memory_space<hbm>> -> memref<128xi32, #tpu.memory_space<hbm>>
    tpu.wait_dma2 semaphore(%arg23 : memref<!tpu.dma_semaphore, #tpu.memory_space<semaphore_mem>>) src(%dma_wait3A_103 : memref<128xi32, #tpu.memory_space<hbm>>) dst(%arg13 : memref<128xi32, #tpu.memory_space<vmem>>)
    %dma_start3A_104 = arith.constant 0 : i32
    %dma_start3A_105 = arith.constant 0 : i32
    %dma_start3A_106 = tpu.memref_slice %arg2[%dma_start3A_104, %dma_start3A_105] : memref<10000x128xf32, #tpu.memory_space<hbm>> -> memref<10000x128xf32, #tpu.memory_space<hbm>>
    tpu.enqueue_indirect_dma source(%dma_start3A_106 : memref<10000x128xf32, #tpu.memory_space<hbm>>) target(%arg19 : memref<128x128xf32, #tpu.memory_space<vmem>>) offsets(%arg7 : memref<128xi32, #tpu.memory_space<vmem>>) semaphore(%arg29 : memref<!tpu.dma_semaphore, #tpu.memory_space<semaphore_mem>>)
    %mul3A_107 = arith.constant 625 : i32
    %mul3A_108 = arith.muli %arg1, %mul3A_107 : i32
    %mul3A_109 = arith.constant 625 : i32
    %mul3A_110 = arith.muli %arg1, %mul3A_109 : i32
    "tpu.region"() ({
      %run_scoped3A = tpu.sem_alloc : memref<!tpu.dma_semaphore, #tpu.memory_space<semaphore_mem>>
      %dma_start3A_121 = arith.constant 0 : i32
      %dma_start3A_122 = tpu.memref_slice %arg21[%mul3A_110, %dma_start3A_121] : memref<10000x128xf32, #tpu.memory_space<vmem_shared>> -> memref<625x128xf32, #tpu.memory_space<vmem_shared>>
      %dma_start3A_123 = arith.constant 0 : i32
      %dma_start3A_124 = tpu.memref_slice %arg2[%mul3A_108, %dma_start3A_123] : memref<10000x128xf32, #tpu.memory_space<hbm>> -> memref<625x128xf32, #tpu.memory_space<hbm>>
      tpu.enqueue_dma source(%dma_start3A_124 : memref<625x128xf32, #tpu.memory_space<hbm>>) target(%dma_start3A_122 : memref<625x128xf32, #tpu.memory_space<vmem_shared>>) target_semaphore(%run_scoped3A : memref<!tpu.dma_semaphore, #tpu.memory_space<semaphore_mem>>)
      %dma_wait3A_125 = arith.constant 0 : i32
      %dma_wait3A_126 = tpu.memref_slice %arg21[%mul3A_110, %dma_wait3A_125] : memref<10000x128xf32, #tpu.memory_space<vmem_shared>> -> memref<625x128xf32, #tpu.memory_space<vmem_shared>>
      %dma_wait3A_127 = arith.constant 0 : i32
      %dma_wait3A_128 = tpu.memref_slice %arg2[%mul3A_108, %dma_wait3A_127] : memref<10000x128xf32, #tpu.memory_space<hbm>> -> memref<625x128xf32, #tpu.memory_space<hbm>>
      tpu.wait_dma2 semaphore(%run_scoped3A : memref<!tpu.dma_semaphore, #tpu.memory_space<semaphore_mem>>) src(%dma_wait3A_128 : memref<625x128xf32, #tpu.memory_space<hbm>>) dst(%dma_wait3A_126 : memref<625x128xf32, #tpu.memory_space<vmem_shared>>)
      tpu.yield
    }) : () -> ()
    %barrier3A = arith.constant 0 : index
    tpu.barrier barrier_id(%barrier3A)
    %scan3A = arith.constant 0 : i32
    %scan3A_111 = arith.constant 0 : i32
    %scan3A_112 = arith.constant 14 : i32
    %scan3A_113 = arith.addi %scan3A_111, %scan3A_112 : i32
    %scan3A_114 = arith.constant 1 : i32
    scf.for %scan3A_121 = %scan3A_111 to %scan3A_113 step %scan3A_114  : i32 {
      %mul3A_122 = arith.constant 6 : i32
      %mul3A_123 = arith.muli %mul3A_122, %scan3A_121 : i32
      %add3A_124 = arith.constant 0 : i32
      %add3A_125 = arith.addi %mul3A_123, %add3A_124 : i32
      %lt3A_126 = arith.cmpi slt, %add3A_125, %select_n3A : i32
      %convert_element_type3A = arith.extui %lt3A_126 : i1 to i32
      %cond3A = arith.constant 0 : i32
      %cond3A_127 = arith.cmpi ne, %convert_element_type3A, %cond3A : i32
      scf.if %cond3A_127 {
        %dma_wait3A_316 = arith.constant 0 : i32
        %dma_wait3A_317 = arith.constant 0 : i32
        %dma_wait3A_318 = tpu.memref_slice %arg2[%dma_wait3A_316, %dma_wait3A_317] : memref<10000x128xf32, #tpu.memory_space<hbm>> -> memref<10000x128xf32, #tpu.memory_space<hbm>>
        tpu.wait_indirect_dma semaphore(%arg28 : memref<!tpu.dma_semaphore, #tpu.memory_space<semaphore_mem>>) src(%dma_wait3A_318 : memref<10000x128xf32, #tpu.memory_space<hbm>>) dst(%arg18 : memref<128x128xf32, #tpu.memory_space<vmem>>)
      } else {
      }
      %ge3A = arith.constant 1 : i32
      %ge3A_128 = arith.cmpi sge, %add3A_125, %ge3A : i32
      %add3A_129 = arith.constant 1 : i32
      %add3A_130 = arith.addi %select_n3A, %add3A_129 : i32
      %lt3A_131 = arith.cmpi slt, %add3A_125, %add3A_130 : i32
      %and3A = arith.andi %ge3A_128, %lt3A_131 : i1
      %convert_element_type3A_132 = arith.extui %and3A : i1 to i32
      %cond3A_133 = arith.constant 0 : i32
      %cond3A_134 = arith.cmpi ne, %convert_element_type3A_132, %cond3A_133 : i32
      scf.if %cond3A_134 {
        %dma_wait3A_316 = arith.constant 0 : i32
        %dma_wait3A_317 = arith.constant 0 : i32
        %dma_wait3A_318 = tpu.memref_slice %arg21[%dma_wait3A_316, %dma_wait3A_317] : memref<10000x128xf32, #tpu.memory_space<vmem_shared>> -> memref<10000x128xf32, #tpu.memory_space<vmem_shared>>
        tpu.wait_indirect_dma semaphore(%arg32 : memref<!tpu.dma_semaphore, #tpu.memory_space<semaphore_mem>>) src(%arg20 : memref<128x128xf32, #tpu.memory_space<vmem>>) dst(%dma_wait3A_318 : memref<10000x128xf32, #tpu.memory_space<vmem_shared>>)
      } else {
      }
      %lt3A_135 = arith.cmpi slt, %add3A_125, %select_n3A : i32
      %convert_element_type3A_136 = arith.extui %lt3A_135 : i1 to i32
      %cond3A_137 = arith.constant 0 : i32
      %cond3A_138 = arith.cmpi ne, %convert_element_type3A_136, %cond3A_137 : i32
      scf.if %cond3A_138 {
        %dma_start3A_316 = arith.constant 0 : i32
        %dma_start3A_317 = arith.constant 0 : i32
        %dma_start3A_318 = tpu.memref_slice %arg21[%dma_start3A_316, %dma_start3A_317] : memref<10000x128xf32, #tpu.memory_space<vmem_shared>> -> memref<10000x128xf32, #tpu.memory_space<vmem_shared>>
        tpu.enqueue_indirect_dma source(%arg18 : memref<128x128xf32, #tpu.memory_space<vmem>>) target(%dma_start3A_318 : memref<10000x128xf32, #tpu.memory_space<vmem_shared>>) offsets(%arg12 : memref<128xi32, #tpu.memory_space<vmem>>) semaphore(%arg31 : memref<!tpu.dma_semaphore, #tpu.memory_space<semaphore_mem>>) {add = true}
      } else {
      }
      %add3A_139 = arith.constant 2 : i32
      %add3A_140 = arith.addi %add3A_125, %add3A_139 : i32
      %lt3A_141 = arith.cmpi slt, %add3A_140, %select_n3A : i32
      %convert_element_type3A_142 = arith.extui %lt3A_141 : i1 to i32
      %cond3A_143 = arith.constant 0 : i32
      %cond3A_144 = arith.cmpi ne, %convert_element_type3A_142, %cond3A_143 : i32
      scf.if %cond3A_144 {
        %add3A_316 = arith.constant 2 : i32
        %add3A_317 = arith.addi %add3A_125, %add3A_316 : i32
        %add3A_318 = arith.addi %add3A_6, %add3A_317 : i32
        %add3A_319 = arith.addi %add3A_6, %add3A_317 : i32
        %dma_wait3A_320 = arith.constant 0 : i32
        %dma_wait3A_321 = tpu.memref_slice %arg3[%add3A_318, %dma_wait3A_320] : memref<2500x128xi32, #tpu.memory_space<hbm>> -> memref<1x128xi32, #tpu.memory_space<hbm>>
        %dma_wait3A_322 = tpu.memref_squeeze %dma_wait3A_321 : memref<1x128xi32, #tpu.memory_space<hbm>> -> memref<128xi32, #tpu.memory_space<hbm>>
        %dma_wait3A_323 = arith.constant 0 : i32
        %dma_wait3A_324 = tpu.memref_slice %arg3[%add3A_318, %dma_wait3A_323] : memref<2500x128xi32, #tpu.memory_space<hbm>> -> memref<1x128xi32, #tpu.memory_space<hbm>>
        %dma_wait3A_325 = tpu.memref_squeeze %dma_wait3A_324 : memref<1x128xi32, #tpu.memory_space<hbm>> -> memref<128xi32, #tpu.memory_space<hbm>>
        tpu.wait_dma2 semaphore(%arg24 : memref<!tpu.dma_semaphore, #tpu.memory_space<semaphore_mem>>) src(%dma_wait3A_325 : memref<128xi32, #tpu.memory_space<hbm>>) dst(%arg8 : memref<128xi32, #tpu.memory_space<vmem>>)
        %dma_wait3A_326 = arith.constant 0 : i32
        %dma_wait3A_327 = tpu.memref_slice %arg4[%add3A_319, %dma_wait3A_326] : memref<2500x128xi32, #tpu.memory_space<hbm>> -> memref<1x128xi32, #tpu.memory_space<hbm>>
        %dma_wait3A_328 = tpu.memref_squeeze %dma_wait3A_327 : memref<1x128xi32, #tpu.memory_space<hbm>> -> memref<128xi32, #tpu.memory_space<hbm>>
        %dma_wait3A_329 = arith.constant 0 : i32
        %dma_wait3A_330 = tpu.memref_slice %arg4[%add3A_319, %dma_wait3A_329] : memref<2500x128xi32, #tpu.memory_space<hbm>> -> memref<1x128xi32, #tpu.memory_space<hbm>>
        %dma_wait3A_331 = tpu.memref_squeeze %dma_wait3A_330 : memref<1x128xi32, #tpu.memory_space<hbm>> -> memref<128xi32, #tpu.memory_space<hbm>>
        tpu.wait_dma2 semaphore(%arg24 : memref<!tpu.dma_semaphore, #tpu.memory_space<semaphore_mem>>) src(%dma_wait3A_331 : memref<128xi32, #tpu.memory_space<hbm>>) dst(%arg14 : memref<128xi32, #tpu.memory_space<vmem>>)
        %dma_start3A_332 = arith.constant 0 : i32
        %dma_start3A_333 = arith.constant 0 : i32
        %dma_start3A_334 = tpu.memref_slice %arg2[%dma_start3A_332, %dma_start3A_333] : memref<10000x128xf32, #tpu.memory_space<hbm>> -> memref<10000x128xf32, #tpu.memory_space<hbm>>
        tpu.enqueue_indirect_dma source(%dma_start3A_334 : memref<10000x128xf32, #tpu.memory_space<hbm>>) target(%arg20 : memref<128x128xf32, #tpu.memory_space<vmem>>) offsets(%arg8 : memref<128xi32, #tpu.memory_space<vmem>>) semaphore(%arg30 : memref<!tpu.dma_semaphore, #tpu.memory_space<semaphore_mem>>)
      } else {
      }
      %add3A_145 = arith.constant 4 : i32
      %add3A_146 = arith.addi %add3A_125, %add3A_145 : i32
      %lt3A_147 = arith.cmpi slt, %add3A_146, %select_n3A : i32
      %convert_element_type3A_148 = arith.extui %lt3A_147 : i1 to i32
      %cond3A_149 = arith.constant 0 : i32
      %cond3A_150 = arith.cmpi ne, %convert_element_type3A_148, %cond3A_149 : i32
      scf.if %cond3A_150 {
        %add3A_316 = arith.constant 4 : i32
        %add3A_317 = arith.addi %add3A_125, %add3A_316 : i32
        %add3A_318 = arith.addi %add3A_6, %add3A_317 : i32
        %add3A_319 = arith.addi %add3A_6, %add3A_317 : i32
        %dma_start3A_320 = arith.constant 0 : i32
        %dma_start3A_321 = tpu.memref_slice %arg3[%add3A_318, %dma_start3A_320] : memref<2500x128xi32, #tpu.memory_space<hbm>> -> memref<1x128xi32, #tpu.memory_space<hbm>>
        %dma_start3A_322 = tpu.memref_squeeze %dma_start3A_321 : memref<1x128xi32, #tpu.memory_space<hbm>> -> memref<128xi32, #tpu.memory_space<hbm>>
        %dma_start3A_323 = arith.constant 0 : i32
        %dma_start3A_324 = tpu.memref_slice %arg3[%add3A_318, %dma_start3A_323] : memref<2500x128xi32, #tpu.memory_space<hbm>> -> memref<1x128xi32, #tpu.memory_space<hbm>>
        %dma_start3A_325 = tpu.memref_squeeze %dma_start3A_324 : memref<1x128xi32, #tpu.memory_space<hbm>> -> memref<128xi32, #tpu.memory_space<hbm>>
        tpu.enqueue_dma source(%dma_start3A_325 : memref<128xi32, #tpu.memory_space<hbm>>) target(%arg10 : memref<128xi32, #tpu.memory_space<vmem>>) target_semaphore(%arg26 : memref<!tpu.dma_semaphore, #tpu.memory_space<semaphore_mem>>)
        %dma_start3A_326 = arith.constant 0 : i32
        %dma_start3A_327 = tpu.memref_slice %arg4[%add3A_319, %dma_start3A_326] : memref<2500x128xi32, #tpu.memory_space<hbm>> -> memref<1x128xi32, #tpu.memory_space<hbm>>
        %dma_start3A_328 = tpu.memref_squeeze %dma_start3A_327 : memref<1x128xi32, #tpu.memory_space<hbm>> -> memref<128xi32, #tpu.memory_space<hbm>>
        %dma_start3A_329 = arith.constant 0 : i32
        %dma_start3A_330 = tpu.memref_slice %arg4[%add3A_319, %dma_start3A_329] : memref<2500x128xi32, #tpu.memory_space<hbm>> -> memref<1x128xi32, #tpu.memory_space<hbm>>
        %dma_start3A_331 = tpu.memref_squeeze %dma_start3A_330 : memref<1x128xi32, #tpu.memory_space<hbm>> -> memref<128xi32, #tpu.memory_space<hbm>>
        tpu.enqueue_dma source(%dma_start3A_331 : memref<128xi32, #tpu.memory_space<hbm>>) target(%arg16 : memref<128xi32, #tpu.memory_space<vmem>>) target_semaphore(%arg26 : memref<!tpu.dma_semaphore, #tpu.memory_space<semaphore_mem>>)
      } else {
      }
      %mul3A_151 = arith.constant 6 : i32
      %mul3A_152 = arith.muli %mul3A_151, %scan3A_121 : i32
      %add3A_153 = arith.constant 1 : i32
      %add3A_154 = arith.addi %mul3A_152, %add3A_153 : i32
      %lt3A_155 = arith.cmpi slt, %add3A_154, %select_n3A : i32
      %convert_element_type3A_156 = arith.extui %lt3A_155 : i1 to i32
      %cond3A_157 = arith.constant 0 : i32
      %cond3A_158 = arith.cmpi ne, %convert_element_type3A_156, %cond3A_157 : i32
      scf.if %cond3A_158 {
        %dma_wait3A_316 = arith.constant 0 : i32
        %dma_wait3A_317 = arith.constant 0 : i32
        %dma_wait3A_318 = tpu.memref_slice %arg2[%dma_wait3A_316, %dma_wait3A_317] : memref<10000x128xf32, #tpu.memory_space<hbm>> -> memref<10000x128xf32, #tpu.memory_space<hbm>>
        tpu.wait_indirect_dma semaphore(%arg29 : memref<!tpu.dma_semaphore, #tpu.memory_space<semaphore_mem>>) src(%dma_wait3A_318 : memref<10000x128xf32, #tpu.memory_space<hbm>>) dst(%arg19 : memref<128x128xf32, #tpu.memory_space<vmem>>)
      } else {
      }
      %ge3A_159 = arith.constant 1 : i32
      %ge3A_160 = arith.cmpi sge, %add3A_154, %ge3A_159 : i32
      %add3A_161 = arith.constant 1 : i32
      %add3A_162 = arith.addi %select_n3A, %add3A_161 : i32
      %lt3A_163 = arith.cmpi slt, %add3A_154, %add3A_162 : i32
      %and3A_164 = arith.andi %ge3A_160, %lt3A_163 : i1
      %convert_element_type3A_165 = arith.extui %and3A_164 : i1 to i32
      %cond3A_166 = arith.constant 0 : i32
      %cond3A_167 = arith.cmpi ne, %convert_element_type3A_165, %cond3A_166 : i32
      scf.if %cond3A_167 {
        %dma_wait3A_316 = arith.constant 0 : i32
        %dma_wait3A_317 = arith.constant 0 : i32
        %dma_wait3A_318 = tpu.memref_slice %arg21[%dma_wait3A_316, %dma_wait3A_317] : memref<10000x128xf32, #tpu.memory_space<vmem_shared>> -> memref<10000x128xf32, #tpu.memory_space<vmem_shared>>
        tpu.wait_indirect_dma semaphore(%arg31 : memref<!tpu.dma_semaphore, #tpu.memory_space<semaphore_mem>>) src(%arg18 : memref<128x128xf32, #tpu.memory_space<vmem>>) dst(%dma_wait3A_318 : memref<10000x128xf32, #tpu.memory_space<vmem_shared>>)
      } else {
      }
      %lt3A_168 = arith.cmpi slt, %add3A_154, %select_n3A : i32
      %convert_element_type3A_169 = arith.extui %lt3A_168 : i1 to i32
      %cond3A_170 = arith.constant 0 : i32
      %cond3A_171 = arith.cmpi ne, %convert_element_type3A_169, %cond3A_170 : i32
      scf.if %cond3A_171 {
        %dma_start3A_316 = arith.constant 0 : i32
        %dma_start3A_317 = arith.constant 0 : i32
        %dma_start3A_318 = tpu.memref_slice %arg21[%dma_start3A_316, %dma_start3A_317] : memref<10000x128xf32, #tpu.memory_space<vmem_shared>> -> memref<10000x128xf32, #tpu.memory_space<vmem_shared>>
        tpu.enqueue_indirect_dma source(%arg19 : memref<128x128xf32, #tpu.memory_space<vmem>>) target(%dma_start3A_318 : memref<10000x128xf32, #tpu.memory_space<vmem_shared>>) offsets(%arg13 : memref<128xi32, #tpu.memory_space<vmem>>) semaphore(%arg32 : memref<!tpu.dma_semaphore, #tpu.memory_space<semaphore_mem>>) {add = true}
      } else {
      }
      %add3A_172 = arith.constant 2 : i32
      %add3A_173 = arith.addi %add3A_154, %add3A_172 : i32
      %lt3A_174 = arith.cmpi slt, %add3A_173, %select_n3A : i32
      %convert_element_type3A_175 = arith.extui %lt3A_174 : i1 to i32
      %cond3A_176 = arith.constant 0 : i32
      %cond3A_177 = arith.cmpi ne, %convert_element_type3A_175, %cond3A_176 : i32
      scf.if %cond3A_177 {
        %add3A_316 = arith.constant 2 : i32
        %add3A_317 = arith.addi %add3A_154, %add3A_316 : i32
        %add3A_318 = arith.addi %add3A_6, %add3A_317 : i32
        %add3A_319 = arith.addi %add3A_6, %add3A_317 : i32
        %dma_wait3A_320 = arith.constant 0 : i32
        %dma_wait3A_321 = tpu.memref_slice %arg3[%add3A_318, %dma_wait3A_320] : memref<2500x128xi32, #tpu.memory_space<hbm>> -> memref<1x128xi32, #tpu.memory_space<hbm>>
        %dma_wait3A_322 = tpu.memref_squeeze %dma_wait3A_321 : memref<1x128xi32, #tpu.memory_space<hbm>> -> memref<128xi32, #tpu.memory_space<hbm>>
        %dma_wait3A_323 = arith.constant 0 : i32
        %dma_wait3A_324 = tpu.memref_slice %arg3[%add3A_318, %dma_wait3A_323] : memref<2500x128xi32, #tpu.memory_space<hbm>> -> memref<1x128xi32, #tpu.memory_space<hbm>>
        %dma_wait3A_325 = tpu.memref_squeeze %dma_wait3A_324 : memref<1x128xi32, #tpu.memory_space<hbm>> -> memref<128xi32, #tpu.memory_space<hbm>>
        tpu.wait_dma2 semaphore(%arg25 : memref<!tpu.dma_semaphore, #tpu.memory_space<semaphore_mem>>) src(%dma_wait3A_325 : memref<128xi32, #tpu.memory_space<hbm>>) dst(%arg9 : memref<128xi32, #tpu.memory_space<vmem>>)
        %dma_wait3A_326 = arith.constant 0 : i32
        %dma_wait3A_327 = tpu.memref_slice %arg4[%add3A_319, %dma_wait3A_326] : memref<2500x128xi32, #tpu.memory_space<hbm>> -> memref<1x128xi32, #tpu.memory_space<hbm>>
        %dma_wait3A_328 = tpu.memref_squeeze %dma_wait3A_327 : memref<1x128xi32, #tpu.memory_space<hbm>> -> memref<128xi32, #tpu.memory_space<hbm>>
        %dma_wait3A_329 = arith.constant 0 : i32
        %dma_wait3A_330 = tpu.memref_slice %arg4[%add3A_319, %dma_wait3A_329] : memref<2500x128xi32, #tpu.memory_space<hbm>> -> memref<1x128xi32, #tpu.memory_space<hbm>>
        %dma_wait3A_331 = tpu.memref_squeeze %dma_wait3A_330 : memref<1x128xi32, #tpu.memory_space<hbm>> -> memref<128xi32, #tpu.memory_space<hbm>>
        tpu.wait_dma2 semaphore(%arg25 : memref<!tpu.dma_semaphore, #tpu.memory_space<semaphore_mem>>) src(%dma_wait3A_331 : memref<128xi32, #tpu.memory_space<hbm>>) dst(%arg15 : memref<128xi32, #tpu.memory_space<vmem>>)
        %dma_start3A_332 = arith.constant 0 : i32
        %dma_start3A_333 = arith.constant 0 : i32
        %dma_start3A_334 = tpu.memref_slice %arg2[%dma_start3A_332, %dma_start3A_333] : memref<10000x128xf32, #tpu.memory_space<hbm>> -> memref<10000x128xf32, #tpu.memory_space<hbm>>
        tpu.enqueue_indirect_dma source(%dma_start3A_334 : memref<10000x128xf32, #tpu.memory_space<hbm>>) target(%arg18 : memref<128x128xf32, #tpu.memory_space<vmem>>) offsets(%arg9 : memref<128xi32, #tpu.memory_space<vmem>>) semaphore(%arg28 : memref<!tpu.dma_semaphore, #tpu.memory_space<semaphore_mem>>)
      } else {
      }
      %add3A_178 = arith.constant 4 : i32
      %add3A_179 = arith.addi %add3A_154, %add3A_178 : i32
      %lt3A_180 = arith.cmpi slt, %add3A_179, %select_n3A : i32
      %convert_element_type3A_181 = arith.extui %lt3A_180 : i1 to i32
      %cond3A_182 = arith.constant 0 : i32
      %cond3A_183 = arith.cmpi ne, %convert_element_type3A_181, %cond3A_182 : i32
      scf.if %cond3A_183 {
        %add3A_316 = arith.constant 4 : i32
        %add3A_317 = arith.addi %add3A_154, %add3A_316 : i32
        %add3A_318 = arith.addi %add3A_6, %add3A_317 : i32
        %add3A_319 = arith.addi %add3A_6, %add3A_317 : i32
        %dma_start3A_320 = arith.constant 0 : i32
        %dma_start3A_321 = tpu.memref_slice %arg3[%add3A_318, %dma_start3A_320] : memref<2500x128xi32, #tpu.memory_space<hbm>> -> memref<1x128xi32, #tpu.memory_space<hbm>>
        %dma_start3A_322 = tpu.memref_squeeze %dma_start3A_321 : memref<1x128xi32, #tpu.memory_space<hbm>> -> memref<128xi32, #tpu.memory_space<hbm>>
        %dma_start3A_323 = arith.constant 0 : i32
        %dma_start3A_324 = tpu.memref_slice %arg3[%add3A_318, %dma_start3A_323] : memref<2500x128xi32, #tpu.memory_space<hbm>> -> memref<1x128xi32, #tpu.memory_space<hbm>>
        %dma_start3A_325 = tpu.memref_squeeze %dma_start3A_324 : memref<1x128xi32, #tpu.memory_space<hbm>> -> memref<128xi32, #tpu.memory_space<hbm>>
        tpu.enqueue_dma source(%dma_start3A_325 : memref<128xi32, #tpu.memory_space<hbm>>) target(%arg11 : memref<128xi32, #tpu.memory_space<vmem>>) target_semaphore(%arg27 : memref<!tpu.dma_semaphore, #tpu.memory_space<semaphore_mem>>)
        %dma_start3A_326 = arith.constant 0 : i32
        %dma_start3A_327 = tpu.memref_slice %arg4[%add3A_319, %dma_start3A_326] : memref<2500x128xi32, #tpu.memory_space<hbm>> -> memref<1x128xi32, #tpu.memory_space<hbm>>
        %dma_start3A_328 = tpu.memref_squeeze %dma_start3A_327 : memref<1x128xi32, #tpu.memory_space<hbm>> -> memref<128xi32, #tpu.memory_space<hbm>>
        %dma_start3A_329 = arith.constant 0 : i32
        %dma_start3A_330 = tpu.memref_slice %arg4[%add3A_319, %dma_start3A_329] : memref<2500x128xi32, #tpu.memory_space<hbm>> -> memref<1x128xi32, #tpu.memory_space<hbm>>
        %dma_start3A_331 = tpu.memref_squeeze %dma_start3A_330 : memref<1x128xi32, #tpu.memory_space<hbm>> -> memref<128xi32, #tpu.memory_space<hbm>>
        tpu.enqueue_dma source(%dma_start3A_331 : memref<128xi32, #tpu.memory_space<hbm>>) target(%arg17 : memref<128xi32, #tpu.memory_space<vmem>>) target_semaphore(%arg27 : memref<!tpu.dma_semaphore, #tpu.memory_space<semaphore_mem>>)
      } else {
      }
      %mul3A_184 = arith.constant 6 : i32
      %mul3A_185 = arith.muli %mul3A_184, %scan3A_121 : i32
      %add3A_186 = arith.constant 2 : i32
      %add3A_187 = arith.addi %mul3A_185, %add3A_186 : i32
      %lt3A_188 = arith.cmpi slt, %add3A_187, %select_n3A : i32
      %convert_element_type3A_189 = arith.extui %lt3A_188 : i1 to i32
      %cond3A_190 = arith.constant 0 : i32
      %cond3A_191 = arith.cmpi ne, %convert_element_type3A_189, %cond3A_190 : i32
      scf.if %cond3A_191 {
        %dma_wait3A_316 = arith.constant 0 : i32
        %dma_wait3A_317 = arith.constant 0 : i32
        %dma_wait3A_318 = tpu.memref_slice %arg2[%dma_wait3A_316, %dma_wait3A_317] : memref<10000x128xf32, #tpu.memory_space<hbm>> -> memref<10000x128xf32, #tpu.memory_space<hbm>>
        tpu.wait_indirect_dma semaphore(%arg30 : memref<!tpu.dma_semaphore, #tpu.memory_space<semaphore_mem>>) src(%dma_wait3A_318 : memref<10000x128xf32, #tpu.memory_space<hbm>>) dst(%arg20 : memref<128x128xf32, #tpu.memory_space<vmem>>)
      } else {
      }
      %ge3A_192 = arith.constant 1 : i32
      %ge3A_193 = arith.cmpi sge, %add3A_187, %ge3A_192 : i32
      %add3A_194 = arith.constant 1 : i32
      %add3A_195 = arith.addi %select_n3A, %add3A_194 : i32
      %lt3A_196 = arith.cmpi slt, %add3A_187, %add3A_195 : i32
      %and3A_197 = arith.andi %ge3A_193, %lt3A_196 : i1
      %convert_element_type3A_198 = arith.extui %and3A_197 : i1 to i32
      %cond3A_199 = arith.constant 0 : i32
      %cond3A_200 = arith.cmpi ne, %convert_element_type3A_198, %cond3A_199 : i32
      scf.if %cond3A_200 {
        %dma_wait3A_316 = arith.constant 0 : i32
        %dma_wait3A_317 = arith.constant 0 : i32
        %dma_wait3A_318 = tpu.memref_slice %arg21[%dma_wait3A_316, %dma_wait3A_317] : memref<10000x128xf32, #tpu.memory_space<vmem_shared>> -> memref<10000x128xf32, #tpu.memory_space<vmem_shared>>
        tpu.wait_indirect_dma semaphore(%arg32 : memref<!tpu.dma_semaphore, #tpu.memory_space<semaphore_mem>>) src(%arg19 : memref<128x128xf32, #tpu.memory_space<vmem>>) dst(%dma_wait3A_318 : memref<10000x128xf32, #tpu.memory_space<vmem_shared>>)
      } else {
      }
      %lt3A_201 = arith.cmpi slt, %add3A_187, %select_n3A : i32
      %convert_element_type3A_202 = arith.extui %lt3A_201 : i1 to i32
      %cond3A_203 = arith.constant 0 : i32
      %cond3A_204 = arith.cmpi ne, %convert_element_type3A_202, %cond3A_203 : i32
      scf.if %cond3A_204 {
        %dma_start3A_316 = arith.constant 0 : i32
        %dma_start3A_317 = arith.constant 0 : i32
        %dma_start3A_318 = tpu.memref_slice %arg21[%dma_start3A_316, %dma_start3A_317] : memref<10000x128xf32, #tpu.memory_space<vmem_shared>> -> memref<10000x128xf32, #tpu.memory_space<vmem_shared>>
        tpu.enqueue_indirect_dma source(%arg20 : memref<128x128xf32, #tpu.memory_space<vmem>>) target(%dma_start3A_318 : memref<10000x128xf32, #tpu.memory_space<vmem_shared>>) offsets(%arg14 : memref<128xi32, #tpu.memory_space<vmem>>) semaphore(%arg31 : memref<!tpu.dma_semaphore, #tpu.memory_space<semaphore_mem>>) {add = true}
      } else {
      }
      %add3A_205 = arith.constant 2 : i32
      %add3A_206 = arith.addi %add3A_187, %add3A_205 : i32
      %lt3A_207 = arith.cmpi slt, %add3A_206, %select_n3A : i32
      %convert_element_type3A_208 = arith.extui %lt3A_207 : i1 to i32
      %cond3A_209 = arith.constant 0 : i32
      %cond3A_210 = arith.cmpi ne, %convert_element_type3A_208, %cond3A_209 : i32
      scf.if %cond3A_210 {
        %add3A_316 = arith.constant 2 : i32
        %add3A_317 = arith.addi %add3A_187, %add3A_316 : i32
        %add3A_318 = arith.addi %add3A_6, %add3A_317 : i32
        %add3A_319 = arith.addi %add3A_6, %add3A_317 : i32
        %dma_wait3A_320 = arith.constant 0 : i32
        %dma_wait3A_321 = tpu.memref_slice %arg3[%add3A_318, %dma_wait3A_320] : memref<2500x128xi32, #tpu.memory_space<hbm>> -> memref<1x128xi32, #tpu.memory_space<hbm>>
        %dma_wait3A_322 = tpu.memref_squeeze %dma_wait3A_321 : memref<1x128xi32, #tpu.memory_space<hbm>> -> memref<128xi32, #tpu.memory_space<hbm>>
        %dma_wait3A_323 = arith.constant 0 : i32
        %dma_wait3A_324 = tpu.memref_slice %arg3[%add3A_318, %dma_wait3A_323] : memref<2500x128xi32, #tpu.memory_space<hbm>> -> memref<1x128xi32, #tpu.memory_space<hbm>>
        %dma_wait3A_325 = tpu.memref_squeeze %dma_wait3A_324 : memref<1x128xi32, #tpu.memory_space<hbm>> -> memref<128xi32, #tpu.memory_space<hbm>>
        tpu.wait_dma2 semaphore(%arg26 : memref<!tpu.dma_semaphore, #tpu.memory_space<semaphore_mem>>) src(%dma_wait3A_325 : memref<128xi32, #tpu.memory_space<hbm>>) dst(%arg10 : memref<128xi32, #tpu.memory_space<vmem>>)
        %dma_wait3A_326 = arith.constant 0 : i32
        %dma_wait3A_327 = tpu.memref_slice %arg4[%add3A_319, %dma_wait3A_326] : memref<2500x128xi32, #tpu.memory_space<hbm>> -> memref<1x128xi32, #tpu.memory_space<hbm>>
        %dma_wait3A_328 = tpu.memref_squeeze %dma_wait3A_327 : memref<1x128xi32, #tpu.memory_space<hbm>> -> memref<128xi32, #tpu.memory_space<hbm>>
        %dma_wait3A_329 = arith.constant 0 : i32
        %dma_wait3A_330 = tpu.memref_slice %arg4[%add3A_319, %dma_wait3A_329] : memref<2500x128xi32, #tpu.memory_space<hbm>> -> memref<1x128xi32, #tpu.memory_space<hbm>>
        %dma_wait3A_331 = tpu.memref_squeeze %dma_wait3A_330 : memref<1x128xi32, #tpu.memory_space<hbm>> -> memref<128xi32, #tpu.memory_space<hbm>>
        tpu.wait_dma2 semaphore(%arg26 : memref<!tpu.dma_semaphore, #tpu.memory_space<semaphore_mem>>) src(%dma_wait3A_331 : memref<128xi32, #tpu.memory_space<hbm>>) dst(%arg16 : memref<128xi32, #tpu.memory_space<vmem>>)
        %dma_start3A_332 = arith.constant 0 : i32
        %dma_start3A_333 = arith.constant 0 : i32
        %dma_start3A_334 = tpu.memref_slice %arg2[%dma_start3A_332, %dma_start3A_333] : memref<10000x128xf32, #tpu.memory_space<hbm>> -> memref<10000x128xf32, #tpu.memory_space<hbm>>
        tpu.enqueue_indirect_dma source(%dma_start3A_334 : memref<10000x128xf32, #tpu.memory_space<hbm>>) target(%arg19 : memref<128x128xf32, #tpu.memory_space<vmem>>) offsets(%arg10 : memref<128xi32, #tpu.memory_space<vmem>>) semaphore(%arg29 : memref<!tpu.dma_semaphore, #tpu.memory_space<semaphore_mem>>)
      } else {
      }
      %add3A_211 = arith.constant 4 : i32
      %add3A_212 = arith.addi %add3A_187, %add3A_211 : i32
      %lt3A_213 = arith.cmpi slt, %add3A_212, %select_n3A : i32
      %convert_element_type3A_214 = arith.extui %lt3A_213 : i1 to i32
      %cond3A_215 = arith.constant 0 : i32
      %cond3A_216 = arith.cmpi ne, %convert_element_type3A_214, %cond3A_215 : i32
      scf.if %cond3A_216 {
        %add3A_316 = arith.constant 4 : i32
        %add3A_317 = arith.addi %add3A_187, %add3A_316 : i32
        %add3A_318 = arith.addi %add3A_6, %add3A_317 : i32
        %add3A_319 = arith.addi %add3A_6, %add3A_317 : i32
        %dma_start3A_320 = arith.constant 0 : i32
        %dma_start3A_321 = tpu.memref_slice %arg3[%add3A_318, %dma_start3A_320] : memref<2500x128xi32, #tpu.memory_space<hbm>> -> memref<1x128xi32, #tpu.memory_space<hbm>>
        %dma_start3A_322 = tpu.memref_squeeze %dma_start3A_321 : memref<1x128xi32, #tpu.memory_space<hbm>> -> memref<128xi32, #tpu.memory_space<hbm>>
        %dma_start3A_323 = arith.constant 0 : i32
        %dma_start3A_324 = tpu.memref_slice %arg3[%add3A_318, %dma_start3A_323] : memref<2500x128xi32, #tpu.memory_space<hbm>> -> memref<1x128xi32, #tpu.memory_space<hbm>>
        %dma_start3A_325 = tpu.memref_squeeze %dma_start3A_324 : memref<1x128xi32, #tpu.memory_space<hbm>> -> memref<128xi32, #tpu.memory_space<hbm>>
        tpu.enqueue_dma source(%dma_start3A_325 : memref<128xi32, #tpu.memory_space<hbm>>) target(%arg6 : memref<128xi32, #tpu.memory_space<vmem>>) target_semaphore(%arg22 : memref<!tpu.dma_semaphore, #tpu.memory_space<semaphore_mem>>)
        %dma_start3A_326 = arith.constant 0 : i32
        %dma_start3A_327 = tpu.memref_slice %arg4[%add3A_319, %dma_start3A_326] : memref<2500x128xi32, #tpu.memory_space<hbm>> -> memref<1x128xi32, #tpu.memory_space<hbm>>
        %dma_start3A_328 = tpu.memref_squeeze %dma_start3A_327 : memref<1x128xi32, #tpu.memory_space<hbm>> -> memref<128xi32, #tpu.memory_space<hbm>>
        %dma_start3A_329 = arith.constant 0 : i32
        %dma_start3A_330 = tpu.memref_slice %arg4[%add3A_319, %dma_start3A_329] : memref<2500x128xi32, #tpu.memory_space<hbm>> -> memref<1x128xi32, #tpu.memory_space<hbm>>
        %dma_start3A_331 = tpu.memref_squeeze %dma_start3A_330 : memref<1x128xi32, #tpu.memory_space<hbm>> -> memref<128xi32, #tpu.memory_space<hbm>>
        tpu.enqueue_dma source(%dma_start3A_331 : memref<128xi32, #tpu.memory_space<hbm>>) target(%arg12 : memref<128xi32, #tpu.memory_space<vmem>>) target_semaphore(%arg22 : memref<!tpu.dma_semaphore, #tpu.memory_space<semaphore_mem>>)
      } else {
      }
      %mul3A_217 = arith.constant 6 : i32
      %mul3A_218 = arith.muli %mul3A_217, %scan3A_121 : i32
      %add3A_219 = arith.constant 3 : i32
      %add3A_220 = arith.addi %mul3A_218, %add3A_219 : i32
      %lt3A_221 = arith.cmpi slt, %add3A_220, %select_n3A : i32
      %convert_element_type3A_222 = arith.extui %lt3A_221 : i1 to i32
      %cond3A_223 = arith.constant 0 : i32
      %cond3A_224 = arith.cmpi ne, %convert_element_type3A_222, %cond3A_223 : i32
      scf.if %cond3A_224 {
        %dma_wait3A_316 = arith.constant 0 : i32
        %dma_wait3A_317 = arith.constant 0 : i32
        %dma_wait3A_318 = tpu.memref_slice %arg2[%dma_wait3A_316, %dma_wait3A_317] : memref<10000x128xf32, #tpu.memory_space<hbm>> -> memref<10000x128xf32, #tpu.memory_space<hbm>>
        tpu.wait_indirect_dma semaphore(%arg28 : memref<!tpu.dma_semaphore, #tpu.memory_space<semaphore_mem>>) src(%dma_wait3A_318 : memref<10000x128xf32, #tpu.memory_space<hbm>>) dst(%arg18 : memref<128x128xf32, #tpu.memory_space<vmem>>)
      } else {
      }
      %ge3A_225 = arith.constant 1 : i32
      %ge3A_226 = arith.cmpi sge, %add3A_220, %ge3A_225 : i32
      %add3A_227 = arith.constant 1 : i32
      %add3A_228 = arith.addi %select_n3A, %add3A_227 : i32
      %lt3A_229 = arith.cmpi slt, %add3A_220, %add3A_228 : i32
      %and3A_230 = arith.andi %ge3A_226, %lt3A_229 : i1
      %convert_element_type3A_231 = arith.extui %and3A_230 : i1 to i32
      %cond3A_232 = arith.constant 0 : i32
      %cond3A_233 = arith.cmpi ne, %convert_element_type3A_231, %cond3A_232 : i32
      scf.if %cond3A_233 {
        %dma_wait3A_316 = arith.constant 0 : i32
        %dma_wait3A_317 = arith.constant 0 : i32
        %dma_wait3A_318 = tpu.memref_slice %arg21[%dma_wait3A_316, %dma_wait3A_317] : memref<10000x128xf32, #tpu.memory_space<vmem_shared>> -> memref<10000x128xf32, #tpu.memory_space<vmem_shared>>
        tpu.wait_indirect_dma semaphore(%arg31 : memref<!tpu.dma_semaphore, #tpu.memory_space<semaphore_mem>>) src(%arg20 : memref<128x128xf32, #tpu.memory_space<vmem>>) dst(%dma_wait3A_318 : memref<10000x128xf32, #tpu.memory_space<vmem_shared>>)
      } else {
      }
      %lt3A_234 = arith.cmpi slt, %add3A_220, %select_n3A : i32
      %convert_element_type3A_235 = arith.extui %lt3A_234 : i1 to i32
      %cond3A_236 = arith.constant 0 : i32
      %cond3A_237 = arith.cmpi ne, %convert_element_type3A_235, %cond3A_236 : i32
      scf.if %cond3A_237 {
        %dma_start3A_316 = arith.constant 0 : i32
        %dma_start3A_317 = arith.constant 0 : i32
        %dma_start3A_318 = tpu.memref_slice %arg21[%dma_start3A_316, %dma_start3A_317] : memref<10000x128xf32, #tpu.memory_space<vmem_shared>> -> memref<10000x128xf32, #tpu.memory_space<vmem_shared>>
        tpu.enqueue_indirect_dma source(%arg18 : memref<128x128xf32, #tpu.memory_space<vmem>>) target(%dma_start3A_318 : memref<10000x128xf32, #tpu.memory_space<vmem_shared>>) offsets(%arg15 : memref<128xi32, #tpu.memory_space<vmem>>) semaphore(%arg32 : memref<!tpu.dma_semaphore, #tpu.memory_space<semaphore_mem>>) {add = true}
      } else {
      }
      %add3A_238 = arith.constant 2 : i32
      %add3A_239 = arith.addi %add3A_220, %add3A_238 : i32
      %lt3A_240 = arith.cmpi slt, %add3A_239, %select_n3A : i32
      %convert_element_type3A_241 = arith.extui %lt3A_240 : i1 to i32
      %cond3A_242 = arith.constant 0 : i32
      %cond3A_243 = arith.cmpi ne, %convert_element_type3A_241, %cond3A_242 : i32
      scf.if %cond3A_243 {
        %add3A_316 = arith.constant 2 : i32
        %add3A_317 = arith.addi %add3A_220, %add3A_316 : i32
        %add3A_318 = arith.addi %add3A_6, %add3A_317 : i32
        %add3A_319 = arith.addi %add3A_6, %add3A_317 : i32
        %dma_wait3A_320 = arith.constant 0 : i32
        %dma_wait3A_321 = tpu.memref_slice %arg3[%add3A_318, %dma_wait3A_320] : memref<2500x128xi32, #tpu.memory_space<hbm>> -> memref<1x128xi32, #tpu.memory_space<hbm>>
        %dma_wait3A_322 = tpu.memref_squeeze %dma_wait3A_321 : memref<1x128xi32, #tpu.memory_space<hbm>> -> memref<128xi32, #tpu.memory_space<hbm>>
        %dma_wait3A_323 = arith.constant 0 : i32
        %dma_wait3A_324 = tpu.memref_slice %arg3[%add3A_318, %dma_wait3A_323] : memref<2500x128xi32, #tpu.memory_space<hbm>> -> memref<1x128xi32, #tpu.memory_space<hbm>>
        %dma_wait3A_325 = tpu.memref_squeeze %dma_wait3A_324 : memref<1x128xi32, #tpu.memory_space<hbm>> -> memref<128xi32, #tpu.memory_space<hbm>>
        tpu.wait_dma2 semaphore(%arg27 : memref<!tpu.dma_semaphore, #tpu.memory_space<semaphore_mem>>) src(%dma_wait3A_325 : memref<128xi32, #tpu.memory_space<hbm>>) dst(%arg11 : memref<128xi32, #tpu.memory_space<vmem>>)
        %dma_wait3A_326 = arith.constant 0 : i32
        %dma_wait3A_327 = tpu.memref_slice %arg4[%add3A_319, %dma_wait3A_326] : memref<2500x128xi32, #tpu.memory_space<hbm>> -> memref<1x128xi32, #tpu.memory_space<hbm>>
        %dma_wait3A_328 = tpu.memref_squeeze %dma_wait3A_327 : memref<1x128xi32, #tpu.memory_space<hbm>> -> memref<128xi32, #tpu.memory_space<hbm>>
        %dma_wait3A_329 = arith.constant 0 : i32
        %dma_wait3A_330 = tpu.memref_slice %arg4[%add3A_319, %dma_wait3A_329] : memref<2500x128xi32, #tpu.memory_space<hbm>> -> memref<1x128xi32, #tpu.memory_space<hbm>>
        %dma_wait3A_331 = tpu.memref_squeeze %dma_wait3A_330 : memref<1x128xi32, #tpu.memory_space<hbm>> -> memref<128xi32, #tpu.memory_space<hbm>>
        tpu.wait_dma2 semaphore(%arg27 : memref<!tpu.dma_semaphore, #tpu.memory_space<semaphore_mem>>) src(%dma_wait3A_331 : memref<128xi32, #tpu.memory_space<hbm>>) dst(%arg17 : memref<128xi32, #tpu.memory_space<vmem>>)
        %dma_start3A_332 = arith.constant 0 : i32
        %dma_start3A_333 = arith.constant 0 : i32
        %dma_start3A_334 = tpu.memref_slice %arg2[%dma_start3A_332, %dma_start3A_333] : memref<10000x128xf32, #tpu.memory_space<hbm>> -> memref<10000x128xf32, #tpu.memory_space<hbm>>
        tpu.enqueue_indirect_dma source(%dma_start3A_334 : memref<10000x128xf32, #tpu.memory_space<hbm>>) target(%arg20 : memref<128x128xf32, #tpu.memory_space<vmem>>) offsets(%arg11 : memref<128xi32, #tpu.memory_space<vmem>>) semaphore(%arg30 : memref<!tpu.dma_semaphore, #tpu.memory_space<semaphore_mem>>)
      } else {
      }
      %add3A_244 = arith.constant 4 : i32
      %add3A_245 = arith.addi %add3A_220, %add3A_244 : i32
      %lt3A_246 = arith.cmpi slt, %add3A_245, %select_n3A : i32
      %convert_element_type3A_247 = arith.extui %lt3A_246 : i1 to i32
      %cond3A_248 = arith.constant 0 : i32
      %cond3A_249 = arith.cmpi ne, %convert_element_type3A_247, %cond3A_248 : i32
      scf.if %cond3A_249 {
        %add3A_316 = arith.constant 4 : i32
        %add3A_317 = arith.addi %add3A_220, %add3A_316 : i32
        %add3A_318 = arith.addi %add3A_6, %add3A_317 : i32
        %add3A_319 = arith.addi %add3A_6, %add3A_317 : i32
        %dma_start3A_320 = arith.constant 0 : i32
        %dma_start3A_321 = tpu.memref_slice %arg3[%add3A_318, %dma_start3A_320] : memref<2500x128xi32, #tpu.memory_space<hbm>> -> memref<1x128xi32, #tpu.memory_space<hbm>>
        %dma_start3A_322 = tpu.memref_squeeze %dma_start3A_321 : memref<1x128xi32, #tpu.memory_space<hbm>> -> memref<128xi32, #tpu.memory_space<hbm>>
        %dma_start3A_323 = arith.constant 0 : i32
        %dma_start3A_324 = tpu.memref_slice %arg3[%add3A_318, %dma_start3A_323] : memref<2500x128xi32, #tpu.memory_space<hbm>> -> memref<1x128xi32, #tpu.memory_space<hbm>>
        %dma_start3A_325 = tpu.memref_squeeze %dma_start3A_324 : memref<1x128xi32, #tpu.memory_space<hbm>> -> memref<128xi32, #tpu.memory_space<hbm>>
        tpu.enqueue_dma source(%dma_start3A_325 : memref<128xi32, #tpu.memory_space<hbm>>) target(%arg7 : memref<128xi32, #tpu.memory_space<vmem>>) target_semaphore(%arg23 : memref<!tpu.dma_semaphore, #tpu.memory_space<semaphore_mem>>)
        %dma_start3A_326 = arith.constant 0 : i32
        %dma_start3A_327 = tpu.memref_slice %arg4[%add3A_319, %dma_start3A_326] : memref<2500x128xi32, #tpu.memory_space<hbm>> -> memref<1x128xi32, #tpu.memory_space<hbm>>
        %dma_start3A_328 = tpu.memref_squeeze %dma_start3A_327 : memref<1x128xi32, #tpu.memory_space<hbm>> -> memref<128xi32, #tpu.memory_space<hbm>>
        %dma_start3A_329 = arith.constant 0 : i32
        %dma_start3A_330 = tpu.memref_slice %arg4[%add3A_319, %dma_start3A_329] : memref<2500x128xi32, #tpu.memory_space<hbm>> -> memref<1x128xi32, #tpu.memory_space<hbm>>
        %dma_start3A_331 = tpu.memref_squeeze %dma_start3A_330 : memref<1x128xi32, #tpu.memory_space<hbm>> -> memref<128xi32, #tpu.memory_space<hbm>>
        tpu.enqueue_dma source(%dma_start3A_331 : memref<128xi32, #tpu.memory_space<hbm>>) target(%arg13 : memref<128xi32, #tpu.memory_space<vmem>>) target_semaphore(%arg23 : memref<!tpu.dma_semaphore, #tpu.memory_space<semaphore_mem>>)
      } else {
      }
      %mul3A_250 = arith.constant 6 : i32
      %mul3A_251 = arith.muli %mul3A_250, %scan3A_121 : i32
      %add3A_252 = arith.constant 4 : i32
      %add3A_253 = arith.addi %mul3A_251, %add3A_252 : i32
      %lt3A_254 = arith.cmpi slt, %add3A_253, %select_n3A : i32
      %convert_element_type3A_255 = arith.extui %lt3A_254 : i1 to i32
      %cond3A_256 = arith.constant 0 : i32
      %cond3A_257 = arith.cmpi ne, %convert_element_type3A_255, %cond3A_256 : i32
      scf.if %cond3A_257 {
        %dma_wait3A_316 = arith.constant 0 : i32
        %dma_wait3A_317 = arith.constant 0 : i32
        %dma_wait3A_318 = tpu.memref_slice %arg2[%dma_wait3A_316, %dma_wait3A_317] : memref<10000x128xf32, #tpu.memory_space<hbm>> -> memref<10000x128xf32, #tpu.memory_space<hbm>>
        tpu.wait_indirect_dma semaphore(%arg29 : memref<!tpu.dma_semaphore, #tpu.memory_space<semaphore_mem>>) src(%dma_wait3A_318 : memref<10000x128xf32, #tpu.memory_space<hbm>>) dst(%arg19 : memref<128x128xf32, #tpu.memory_space<vmem>>)
      } else {
      }
      %ge3A_258 = arith.constant 1 : i32
      %ge3A_259 = arith.cmpi sge, %add3A_253, %ge3A_258 : i32
      %add3A_260 = arith.constant 1 : i32
      %add3A_261 = arith.addi %select_n3A, %add3A_260 : i32
      %lt3A_262 = arith.cmpi slt, %add3A_253, %add3A_261 : i32
      %and3A_263 = arith.andi %ge3A_259, %lt3A_262 : i1
      %convert_element_type3A_264 = arith.extui %and3A_263 : i1 to i32
      %cond3A_265 = arith.constant 0 : i32
      %cond3A_266 = arith.cmpi ne, %convert_element_type3A_264, %cond3A_265 : i32
      scf.if %cond3A_266 {
        %dma_wait3A_316 = arith.constant 0 : i32
        %dma_wait3A_317 = arith.constant 0 : i32
        %dma_wait3A_318 = tpu.memref_slice %arg21[%dma_wait3A_316, %dma_wait3A_317] : memref<10000x128xf32, #tpu.memory_space<vmem_shared>> -> memref<10000x128xf32, #tpu.memory_space<vmem_shared>>
        tpu.wait_indirect_dma semaphore(%arg32 : memref<!tpu.dma_semaphore, #tpu.memory_space<semaphore_mem>>) src(%arg18 : memref<128x128xf32, #tpu.memory_space<vmem>>) dst(%dma_wait3A_318 : memref<10000x128xf32, #tpu.memory_space<vmem_shared>>)
      } else {
      }
      %lt3A_267 = arith.cmpi slt, %add3A_253, %select_n3A : i32
      %convert_element_type3A_268 = arith.extui %lt3A_267 : i1 to i32
      %cond3A_269 = arith.constant 0 : i32
      %cond3A_270 = arith.cmpi ne, %convert_element_type3A_268, %cond3A_269 : i32
      scf.if %cond3A_270 {
        %dma_start3A_316 = arith.constant 0 : i32
        %dma_start3A_317 = arith.constant 0 : i32
        %dma_start3A_318 = tpu.memref_slice %arg21[%dma_start3A_316, %dma_start3A_317] : memref<10000x128xf32, #tpu.memory_space<vmem_shared>> -> memref<10000x128xf32, #tpu.memory_space<vmem_shared>>
        tpu.enqueue_indirect_dma source(%arg19 : memref<128x128xf32, #tpu.memory_space<vmem>>) target(%dma_start3A_318 : memref<10000x128xf32, #tpu.memory_space<vmem_shared>>) offsets(%arg16 : memref<128xi32, #tpu.memory_space<vmem>>) semaphore(%arg31 : memref<!tpu.dma_semaphore, #tpu.memory_space<semaphore_mem>>) {add = true}
      } else {
      }
      %add3A_271 = arith.constant 2 : i32
      %add3A_272 = arith.addi %add3A_253, %add3A_271 : i32
      %lt3A_273 = arith.cmpi slt, %add3A_272, %select_n3A : i32
      %convert_element_type3A_274 = arith.extui %lt3A_273 : i1 to i32
      %cond3A_275 = arith.constant 0 : i32
      %cond3A_276 = arith.cmpi ne, %convert_element_type3A_274, %cond3A_275 : i32
      scf.if %cond3A_276 {
        %add3A_316 = arith.constant 2 : i32
        %add3A_317 = arith.addi %add3A_253, %add3A_316 : i32
        %add3A_318 = arith.addi %add3A_6, %add3A_317 : i32
        %add3A_319 = arith.addi %add3A_6, %add3A_317 : i32
        %dma_wait3A_320 = arith.constant 0 : i32
        %dma_wait3A_321 = tpu.memref_slice %arg3[%add3A_318, %dma_wait3A_320] : memref<2500x128xi32, #tpu.memory_space<hbm>> -> memref<1x128xi32, #tpu.memory_space<hbm>>
        %dma_wait3A_322 = tpu.memref_squeeze %dma_wait3A_321 : memref<1x128xi32, #tpu.memory_space<hbm>> -> memref<128xi32, #tpu.memory_space<hbm>>
        %dma_wait3A_323 = arith.constant 0 : i32
        %dma_wait3A_324 = tpu.memref_slice %arg3[%add3A_318, %dma_wait3A_323] : memref<2500x128xi32, #tpu.memory_space<hbm>> -> memref<1x128xi32, #tpu.memory_space<hbm>>
        %dma_wait3A_325 = tpu.memref_squeeze %dma_wait3A_324 : memref<1x128xi32, #tpu.memory_space<hbm>> -> memref<128xi32, #tpu.memory_space<hbm>>
        tpu.wait_dma2 semaphore(%arg22 : memref<!tpu.dma_semaphore, #tpu.memory_space<semaphore_mem>>) src(%dma_wait3A_325 : memref<128xi32, #tpu.memory_space<hbm>>) dst(%arg6 : memref<128xi32, #tpu.memory_space<vmem>>)
        %dma_wait3A_326 = arith.constant 0 : i32
        %dma_wait3A_327 = tpu.memref_slice %arg4[%add3A_319, %dma_wait3A_326] : memref<2500x128xi32, #tpu.memory_space<hbm>> -> memref<1x128xi32, #tpu.memory_space<hbm>>
        %dma_wait3A_328 = tpu.memref_squeeze %dma_wait3A_327 : memref<1x128xi32, #tpu.memory_space<hbm>> -> memref<128xi32, #tpu.memory_space<hbm>>
        %dma_wait3A_329 = arith.constant 0 : i32
        %dma_wait3A_330 = tpu.memref_slice %arg4[%add3A_319, %dma_wait3A_329] : memref<2500x128xi32, #tpu.memory_space<hbm>> -> memref<1x128xi32, #tpu.memory_space<hbm>>
        %dma_wait3A_331 = tpu.memref_squeeze %dma_wait3A_330 : memref<1x128xi32, #tpu.memory_space<hbm>> -> memref<128xi32, #tpu.memory_space<hbm>>
        tpu.wait_dma2 semaphore(%arg22 : memref<!tpu.dma_semaphore, #tpu.memory_space<semaphore_mem>>) src(%dma_wait3A_331 : memref<128xi32, #tpu.memory_space<hbm>>) dst(%arg12 : memref<128xi32, #tpu.memory_space<vmem>>)
        %dma_start3A_332 = arith.constant 0 : i32
        %dma_start3A_333 = arith.constant 0 : i32
        %dma_start3A_334 = tpu.memref_slice %arg2[%dma_start3A_332, %dma_start3A_333] : memref<10000x128xf32, #tpu.memory_space<hbm>> -> memref<10000x128xf32, #tpu.memory_space<hbm>>
        tpu.enqueue_indirect_dma source(%dma_start3A_334 : memref<10000x128xf32, #tpu.memory_space<hbm>>) target(%arg18 : memref<128x128xf32, #tpu.memory_space<vmem>>) offsets(%arg6 : memref<128xi32, #tpu.memory_space<vmem>>) semaphore(%arg28 : memref<!tpu.dma_semaphore, #tpu.memory_space<semaphore_mem>>)
      } else {
      }
      %add3A_277 = arith.constant 4 : i32
      %add3A_278 = arith.addi %add3A_253, %add3A_277 : i32
      %lt3A_279 = arith.cmpi slt, %add3A_278, %select_n3A : i32
      %convert_element_type3A_280 = arith.extui %lt3A_279 : i1 to i32
      %cond3A_281 = arith.constant 0 : i32
      %cond3A_282 = arith.cmpi ne, %convert_element_type3A_280, %cond3A_281 : i32
      scf.if %cond3A_282 {
        %add3A_316 = arith.constant 4 : i32
        %add3A_317 = arith.addi %add3A_253, %add3A_316 : i32
        %add3A_318 = arith.addi %add3A_6, %add3A_317 : i32
        %add3A_319 = arith.addi %add3A_6, %add3A_317 : i32
        %dma_start3A_320 = arith.constant 0 : i32
        %dma_start3A_321 = tpu.memref_slice %arg3[%add3A_318, %dma_start3A_320] : memref<2500x128xi32, #tpu.memory_space<hbm>> -> memref<1x128xi32, #tpu.memory_space<hbm>>
        %dma_start3A_322 = tpu.memref_squeeze %dma_start3A_321 : memref<1x128xi32, #tpu.memory_space<hbm>> -> memref<128xi32, #tpu.memory_space<hbm>>
        %dma_start3A_323 = arith.constant 0 : i32
        %dma_start3A_324 = tpu.memref_slice %arg3[%add3A_318, %dma_start3A_323] : memref<2500x128xi32, #tpu.memory_space<hbm>> -> memref<1x128xi32, #tpu.memory_space<hbm>>
        %dma_start3A_325 = tpu.memref_squeeze %dma_start3A_324 : memref<1x128xi32, #tpu.memory_space<hbm>> -> memref<128xi32, #tpu.memory_space<hbm>>
        tpu.enqueue_dma source(%dma_start3A_325 : memref<128xi32, #tpu.memory_space<hbm>>) target(%arg8 : memref<128xi32, #tpu.memory_space<vmem>>) target_semaphore(%arg24 : memref<!tpu.dma_semaphore, #tpu.memory_space<semaphore_mem>>)
        %dma_start3A_326 = arith.constant 0 : i32
        %dma_start3A_327 = tpu.memref_slice %arg4[%add3A_319, %dma_start3A_326] : memref<2500x128xi32, #tpu.memory_space<hbm>> -> memref<1x128xi32, #tpu.memory_space<hbm>>
        %dma_start3A_328 = tpu.memref_squeeze %dma_start3A_327 : memref<1x128xi32, #tpu.memory_space<hbm>> -> memref<128xi32, #tpu.memory_space<hbm>>
        %dma_start3A_329 = arith.constant 0 : i32
        %dma_start3A_330 = tpu.memref_slice %arg4[%add3A_319, %dma_start3A_329] : memref<2500x128xi32, #tpu.memory_space<hbm>> -> memref<1x128xi32, #tpu.memory_space<hbm>>
        %dma_start3A_331 = tpu.memref_squeeze %dma_start3A_330 : memref<1x128xi32, #tpu.memory_space<hbm>> -> memref<128xi32, #tpu.memory_space<hbm>>
        tpu.enqueue_dma source(%dma_start3A_331 : memref<128xi32, #tpu.memory_space<hbm>>) target(%arg14 : memref<128xi32, #tpu.memory_space<vmem>>) target_semaphore(%arg24 : memref<!tpu.dma_semaphore, #tpu.memory_space<semaphore_mem>>)
      } else {
      }
      %mul3A_283 = arith.constant 6 : i32
      %mul3A_284 = arith.muli %mul3A_283, %scan3A_121 : i32
      %add3A_285 = arith.constant 5 : i32
      %add3A_286 = arith.addi %mul3A_284, %add3A_285 : i32
      %lt3A_287 = arith.cmpi slt, %add3A_286, %select_n3A : i32
      %convert_element_type3A_288 = arith.extui %lt3A_287 : i1 to i32
      %cond3A_289 = arith.constant 0 : i32
      %cond3A_290 = arith.cmpi ne, %convert_element_type3A_288, %cond3A_289 : i32
      scf.if %cond3A_290 {
        %dma_wait3A_316 = arith.constant 0 : i32
        %dma_wait3A_317 = arith.constant 0 : i32
        %dma_wait3A_318 = tpu.memref_slice %arg2[%dma_wait3A_316, %dma_wait3A_317] : memref<10000x128xf32, #tpu.memory_space<hbm>> -> memref<10000x128xf32, #tpu.memory_space<hbm>>
        tpu.wait_indirect_dma semaphore(%arg30 : memref<!tpu.dma_semaphore, #tpu.memory_space<semaphore_mem>>) src(%dma_wait3A_318 : memref<10000x128xf32, #tpu.memory_space<hbm>>) dst(%arg20 : memref<128x128xf32, #tpu.memory_space<vmem>>)
      } else {
      }
      %ge3A_291 = arith.constant 1 : i32
      %ge3A_292 = arith.cmpi sge, %add3A_286, %ge3A_291 : i32
      %add3A_293 = arith.constant 1 : i32
      %add3A_294 = arith.addi %select_n3A, %add3A_293 : i32
      %lt3A_295 = arith.cmpi slt, %add3A_286, %add3A_294 : i32
      %and3A_296 = arith.andi %ge3A_292, %lt3A_295 : i1
      %convert_element_type3A_297 = arith.extui %and3A_296 : i1 to i32
      %cond3A_298 = arith.constant 0 : i32
      %cond3A_299 = arith.cmpi ne, %convert_element_type3A_297, %cond3A_298 : i32
      scf.if %cond3A_299 {
        %dma_wait3A_316 = arith.constant 0 : i32
        %dma_wait3A_317 = arith.constant 0 : i32
        %dma_wait3A_318 = tpu.memref_slice %arg21[%dma_wait3A_316, %dma_wait3A_317] : memref<10000x128xf32, #tpu.memory_space<vmem_shared>> -> memref<10000x128xf32, #tpu.memory_space<vmem_shared>>
        tpu.wait_indirect_dma semaphore(%arg31 : memref<!tpu.dma_semaphore, #tpu.memory_space<semaphore_mem>>) src(%arg19 : memref<128x128xf32, #tpu.memory_space<vmem>>) dst(%dma_wait3A_318 : memref<10000x128xf32, #tpu.memory_space<vmem_shared>>)
      } else {
      }
      %lt3A_300 = arith.cmpi slt, %add3A_286, %select_n3A : i32
      %convert_element_type3A_301 = arith.extui %lt3A_300 : i1 to i32
      %cond3A_302 = arith.constant 0 : i32
      %cond3A_303 = arith.cmpi ne, %convert_element_type3A_301, %cond3A_302 : i32
      scf.if %cond3A_303 {
        %dma_start3A_316 = arith.constant 0 : i32
        %dma_start3A_317 = arith.constant 0 : i32
        %dma_start3A_318 = tpu.memref_slice %arg21[%dma_start3A_316, %dma_start3A_317] : memref<10000x128xf32, #tpu.memory_space<vmem_shared>> -> memref<10000x128xf32, #tpu.memory_space<vmem_shared>>
        tpu.enqueue_indirect_dma source(%arg20 : memref<128x128xf32, #tpu.memory_space<vmem>>) target(%dma_start3A_318 : memref<10000x128xf32, #tpu.memory_space<vmem_shared>>) offsets(%arg17 : memref<128xi32, #tpu.memory_space<vmem>>) semaphore(%arg32 : memref<!tpu.dma_semaphore, #tpu.memory_space<semaphore_mem>>) {add = true}
      } else {
      }
      %add3A_304 = arith.constant 2 : i32
      %add3A_305 = arith.addi %add3A_286, %add3A_304 : i32
      %lt3A_306 = arith.cmpi slt, %add3A_305, %select_n3A : i32
      %convert_element_type3A_307 = arith.extui %lt3A_306 : i1 to i32
      %cond3A_308 = arith.constant 0 : i32
      %cond3A_309 = arith.cmpi ne, %convert_element_type3A_307, %cond3A_308 : i32
      scf.if %cond3A_309 {
        %add3A_316 = arith.constant 2 : i32
        %add3A_317 = arith.addi %add3A_286, %add3A_316 : i32
        %add3A_318 = arith.addi %add3A_6, %add3A_317 : i32
        %add3A_319 = arith.addi %add3A_6, %add3A_317 : i32
        %dma_wait3A_320 = arith.constant 0 : i32
        %dma_wait3A_321 = tpu.memref_slice %arg3[%add3A_318, %dma_wait3A_320] : memref<2500x128xi32, #tpu.memory_space<hbm>> -> memref<1x128xi32, #tpu.memory_space<hbm>>
        %dma_wait3A_322 = tpu.memref_squeeze %dma_wait3A_321 : memref<1x128xi32, #tpu.memory_space<hbm>> -> memref<128xi32, #tpu.memory_space<hbm>>
        %dma_wait3A_323 = arith.constant 0 : i32
        %dma_wait3A_324 = tpu.memref_slice %arg3[%add3A_318, %dma_wait3A_323] : memref<2500x128xi32, #tpu.memory_space<hbm>> -> memref<1x128xi32, #tpu.memory_space<hbm>>
        %dma_wait3A_325 = tpu.memref_squeeze %dma_wait3A_324 : memref<1x128xi32, #tpu.memory_space<hbm>> -> memref<128xi32, #tpu.memory_space<hbm>>
        tpu.wait_dma2 semaphore(%arg23 : memref<!tpu.dma_semaphore, #tpu.memory_space<semaphore_mem>>) src(%dma_wait3A_325 : memref<128xi32, #tpu.memory_space<hbm>>) dst(%arg7 : memref<128xi32, #tpu.memory_space<vmem>>)
        %dma_wait3A_326 = arith.constant 0 : i32
        %dma_wait3A_327 = tpu.memref_slice %arg4[%add3A_319, %dma_wait3A_326] : memref<2500x128xi32, #tpu.memory_space<hbm>> -> memref<1x128xi32, #tpu.memory_space<hbm>>
        %dma_wait3A_328 = tpu.memref_squeeze %dma_wait3A_327 : memref<1x128xi32, #tpu.memory_space<hbm>> -> memref<128xi32, #tpu.memory_space<hbm>>
        %dma_wait3A_329 = arith.constant 0 : i32
        %dma_wait3A_330 = tpu.memref_slice %arg4[%add3A_319, %dma_wait3A_329] : memref<2500x128xi32, #tpu.memory_space<hbm>> -> memref<1x128xi32, #tpu.memory_space<hbm>>
        %dma_wait3A_331 = tpu.memref_squeeze %dma_wait3A_330 : memref<1x128xi32, #tpu.memory_space<hbm>> -> memref<128xi32, #tpu.memory_space<hbm>>
        tpu.wait_dma2 semaphore(%arg23 : memref<!tpu.dma_semaphore, #tpu.memory_space<semaphore_mem>>) src(%dma_wait3A_331 : memref<128xi32, #tpu.memory_space<hbm>>) dst(%arg13 : memref<128xi32, #tpu.memory_space<vmem>>)
        %dma_start3A_332 = arith.constant 0 : i32
        %dma_start3A_333 = arith.constant 0 : i32
        %dma_start3A_334 = tpu.memref_slice %arg2[%dma_start3A_332, %dma_start3A_333] : memref<10000x128xf32, #tpu.memory_space<hbm>> -> memref<10000x128xf32, #tpu.memory_space<hbm>>
        tpu.enqueue_indirect_dma source(%dma_start3A_334 : memref<10000x128xf32, #tpu.memory_space<hbm>>) target(%arg19 : memref<128x128xf32, #tpu.memory_space<vmem>>) offsets(%arg7 : memref<128xi32, #tpu.memory_space<vmem>>) semaphore(%arg29 : memref<!tpu.dma_semaphore, #tpu.memory_space<semaphore_mem>>)
      } else {
      }
      %add3A_310 = arith.constant 4 : i32
      %add3A_311 = arith.addi %add3A_286, %add3A_310 : i32
      %lt3A_312 = arith.cmpi slt, %add3A_311, %select_n3A : i32
      %convert_element_type3A_313 = arith.extui %lt3A_312 : i1 to i32
      %cond3A_314 = arith.constant 0 : i32
      %cond3A_315 = arith.cmpi ne, %convert_element_type3A_313, %cond3A_314 : i32
      scf.if %cond3A_315 {
        %add3A_316 = arith.constant 4 : i32
        %add3A_317 = arith.addi %add3A_286, %add3A_316 : i32
        %add3A_318 = arith.addi %add3A_6, %add3A_317 : i32
        %add3A_319 = arith.addi %add3A_6, %add3A_317 : i32
        %dma_start3A_320 = arith.constant 0 : i32
        %dma_start3A_321 = tpu.memref_slice %arg3[%add3A_318, %dma_start3A_320] : memref<2500x128xi32, #tpu.memory_space<hbm>> -> memref<1x128xi32, #tpu.memory_space<hbm>>
        %dma_start3A_322 = tpu.memref_squeeze %dma_start3A_321 : memref<1x128xi32, #tpu.memory_space<hbm>> -> memref<128xi32, #tpu.memory_space<hbm>>
        %dma_start3A_323 = arith.constant 0 : i32
        %dma_start3A_324 = tpu.memref_slice %arg3[%add3A_318, %dma_start3A_323] : memref<2500x128xi32, #tpu.memory_space<hbm>> -> memref<1x128xi32, #tpu.memory_space<hbm>>
        %dma_start3A_325 = tpu.memref_squeeze %dma_start3A_324 : memref<1x128xi32, #tpu.memory_space<hbm>> -> memref<128xi32, #tpu.memory_space<hbm>>
        tpu.enqueue_dma source(%dma_start3A_325 : memref<128xi32, #tpu.memory_space<hbm>>) target(%arg9 : memref<128xi32, #tpu.memory_space<vmem>>) target_semaphore(%arg25 : memref<!tpu.dma_semaphore, #tpu.memory_space<semaphore_mem>>)
        %dma_start3A_326 = arith.constant 0 : i32
        %dma_start3A_327 = tpu.memref_slice %arg4[%add3A_319, %dma_start3A_326] : memref<2500x128xi32, #tpu.memory_space<hbm>> -> memref<1x128xi32, #tpu.memory_space<hbm>>
        %dma_start3A_328 = tpu.memref_squeeze %dma_start3A_327 : memref<1x128xi32, #tpu.memory_space<hbm>> -> memref<128xi32, #tpu.memory_space<hbm>>
        %dma_start3A_329 = arith.constant 0 : i32
        %dma_start3A_330 = tpu.memref_slice %arg4[%add3A_319, %dma_start3A_329] : memref<2500x128xi32, #tpu.memory_space<hbm>> -> memref<1x128xi32, #tpu.memory_space<hbm>>
        %dma_start3A_331 = tpu.memref_squeeze %dma_start3A_330 : memref<1x128xi32, #tpu.memory_space<hbm>> -> memref<128xi32, #tpu.memory_space<hbm>>
        tpu.enqueue_dma source(%dma_start3A_331 : memref<128xi32, #tpu.memory_space<hbm>>) target(%arg15 : memref<128xi32, #tpu.memory_space<vmem>>) target_semaphore(%arg25 : memref<!tpu.dma_semaphore, #tpu.memory_space<semaphore_mem>>)
      } else {
      }
    }
    %scan3A_115 = arith.constant 14 : i32
    %barrier3A_116 = arith.constant 0 : index
    tpu.barrier barrier_id(%barrier3A_116)
    %mul3A_117 = arith.constant 625 : i32
    %mul3A_118 = arith.muli %arg1, %mul3A_117 : i32
    %mul3A_119 = arith.constant 625 : i32
    %mul3A_120 = arith.muli %arg1, %mul3A_119 : i32
    "tpu.region"() ({
      %run_scoped3A = tpu.sem_alloc : memref<!tpu.dma_semaphore, #tpu.memory_space<semaphore_mem>>
      %dma_start3A_121 = arith.constant 0 : i32
      %dma_start3A_122 = tpu.memref_slice %arg5[%arg0, %mul3A_120, %dma_start3A_121] : memref<2x10000x128xf32, #tpu.memory_space<hbm>> -> memref<1x625x128xf32, #tpu.memory_space<hbm>>
      %dma_start3A_123 = tpu.memref_squeeze %dma_start3A_122 : memref<1x625x128xf32, #tpu.memory_space<hbm>> -> memref<625x128xf32, #tpu.memory_space<hbm>>
      %dma_start3A_124 = arith.constant 0 : i32
      %dma_start3A_125 = tpu.memref_slice %arg21[%mul3A_118, %dma_start3A_124] : memref<10000x128xf32, #tpu.memory_space<vmem_shared>> -> memref<625x128xf32, #tpu.memory_space<vmem_shared>>
      tpu.enqueue_dma source(%dma_start3A_125 : memref<625x128xf32, #tpu.memory_space<vmem_shared>>) target(%dma_start3A_123 : memref<625x128xf32, #tpu.memory_space<hbm>>) target_semaphore(%run_scoped3A : memref<!tpu.dma_semaphore, #tpu.memory_space<semaphore_mem>>)
      %dma_wait3A_126 = arith.constant 0 : i32
      %dma_wait3A_127 = tpu.memref_slice %arg5[%arg0, %mul3A_120, %dma_wait3A_126] : memref<2x10000x128xf32, #tpu.memory_space<hbm>> -> memref<1x625x128xf32, #tpu.memory_space<hbm>>
      %dma_wait3A_128 = tpu.memref_squeeze %dma_wait3A_127 : memref<1x625x128xf32, #tpu.memory_space<hbm>> -> memref<625x128xf32, #tpu.memory_space<hbm>>
      %dma_wait3A_129 = arith.constant 0 : i32
      %dma_wait3A_130 = tpu.memref_slice %arg21[%mul3A_118, %dma_wait3A_129] : memref<10000x128xf32, #tpu.memory_space<vmem_shared>> -> memref<625x128xf32, #tpu.memory_space<vmem_shared>>
      tpu.wait_dma2 semaphore(%run_scoped3A : memref<!tpu.dma_semaphore, #tpu.memory_space<semaphore_mem>>) src(%dma_wait3A_130 : memref<625x128xf32, #tpu.memory_space<vmem_shared>>) dst(%dma_wait3A_128 : memref<625x128xf32, #tpu.memory_space<hbm>>)
      tpu.yield
    }) : () -> ()
    return
  }
}

#map = affine_map<(d0, d1) -> (0, 0)>
#map1 = affine_map<(d0, d1) -> (0, 0, 0)>
module attributes {stable_mosaic.version = 14 : i64} {
  func.func @_deg_kernel(%arg0: i32, %arg1: i32, %arg2: memref<2500x128xi32, #tpu.memory_space<hbm>>, %arg3: memref<10000x8xf32, #tpu.memory_space<hbm>>, %arg4: memref<2x10000x8xf32, #tpu.memory_space<hbm>>, %arg5: memref<128xi32, #tpu.memory_space<vmem>>, %arg6: memref<128xi32, #tpu.memory_space<vmem>>, %arg7: memref<128xi32, #tpu.memory_space<vmem>>, %arg8: memref<128xi32, #tpu.memory_space<vmem>>, %arg9: memref<128xi32, #tpu.memory_space<vmem>>, %arg10: memref<128xi32, #tpu.memory_space<vmem>>, %arg11: memref<128x8xf32, #tpu.memory_space<vmem>>, %arg12: memref<10000x8xf32, #tpu.memory_space<vmem_shared>>, %arg13: memref<!tpu.dma_semaphore, #tpu.memory_space<semaphore_mem>>, %arg14: memref<!tpu.dma_semaphore, #tpu.memory_space<semaphore_mem>>, %arg15: memref<!tpu.dma_semaphore, #tpu.memory_space<semaphore_mem>>, %arg16: memref<!tpu.dma_semaphore, #tpu.memory_space<semaphore_mem>>, %arg17: memref<!tpu.dma_semaphore, #tpu.memory_space<semaphore_mem>>, %arg18: memref<!tpu.dma_semaphore, #tpu.memory_space<semaphore_mem>>, %arg19: memref<!tpu.dma_semaphore, #tpu.memory_space<semaphore_mem>>, %arg20: memref<!tpu.dma_semaphore, #tpu.memory_space<semaphore_mem>>, %arg21: memref<!tpu.dma_semaphore, #tpu.memory_space<semaphore_mem>>, %arg22: memref<!tpu.dma_semaphore, #tpu.memory_space<semaphore_mem>>) attributes {dimension_semantics = [#tpu.dimension_semantics<core_parallel>, #tpu.dimension_semantics<subcore_parallel>], iteration_bounds = array<i64: 2, 16>, scalar_prefetch = 0 : i64, scratch_operands = 18 : i64, tpu.core_type = #tpu.core_type<sc_vector_subcore>, window_params = [{transform_indices = #map}, {transform_indices = #map}, {transform_indices = #map1}]} {
    %mul3A = arith.constant 2 : i32
    %mul3A_0 = arith.muli %arg1, %mul3A : i32
    %add3A = arith.addi %mul3A_0, %arg0 : i32
    %lt3A = arith.constant 4 : i32
    %lt3A_1 = arith.cmpi slt, %add3A, %lt3A : i32
    %jit3A = arith.constant 79 : i32
    %jit3A_2 = arith.constant 78 : i32
    %select_n3A = arith.select %lt3A_1, %jit3A, %jit3A_2 : i32
    %mul3A_3 = arith.constant 78 : i32
    %mul3A_4 = arith.muli %add3A, %mul3A_3 : i32
    %min3A = arith.constant 4 : i32
    %min3A_5 = arith.minsi %add3A, %min3A : i32
    %add3A_6 = arith.addi %mul3A_4, %min3A_5 : i32
    %mul3A_7 = arith.constant 625 : i32
    %mul3A_8 = arith.muli %arg1, %mul3A_7 : i32
    %mul3A_9 = arith.constant 625 : i32
    %mul3A_10 = arith.muli %arg1, %mul3A_9 : i32
    "tpu.region"() ({
      %run_scoped3A = tpu.sem_alloc : memref<!tpu.dma_semaphore, #tpu.memory_space<semaphore_mem>>
      %dma_start3A_36 = arith.constant 0 : i32
      %dma_start3A_37 = tpu.memref_slice %arg12[%mul3A_10, %dma_start3A_36] : memref<10000x8xf32, #tpu.memory_space<vmem_shared>> -> memref<625x8xf32, #tpu.memory_space<vmem_shared>>
      %dma_start3A_38 = arith.constant 0 : i32
      %dma_start3A_39 = tpu.memref_slice %arg3[%mul3A_8, %dma_start3A_38] : memref<10000x8xf32, #tpu.memory_space<hbm>> -> memref<625x8xf32, #tpu.memory_space<hbm>>
      tpu.enqueue_dma source(%dma_start3A_39 : memref<625x8xf32, #tpu.memory_space<hbm>>) target(%dma_start3A_37 : memref<625x8xf32, #tpu.memory_space<vmem_shared>>) target_semaphore(%run_scoped3A : memref<!tpu.dma_semaphore, #tpu.memory_space<semaphore_mem>>)
      %dma_wait3A = arith.constant 0 : i32
      %dma_wait3A_40 = tpu.memref_slice %arg12[%mul3A_10, %dma_wait3A] : memref<10000x8xf32, #tpu.memory_space<vmem_shared>> -> memref<625x8xf32, #tpu.memory_space<vmem_shared>>
      %dma_wait3A_41 = arith.constant 0 : i32
      %dma_wait3A_42 = tpu.memref_slice %arg3[%mul3A_8, %dma_wait3A_41] : memref<10000x8xf32, #tpu.memory_space<hbm>> -> memref<625x8xf32, #tpu.memory_space<hbm>>
      tpu.wait_dma2 semaphore(%run_scoped3A : memref<!tpu.dma_semaphore, #tpu.memory_space<semaphore_mem>>) src(%dma_wait3A_42 : memref<625x8xf32, #tpu.memory_space<hbm>>) dst(%dma_wait3A_40 : memref<625x8xf32, #tpu.memory_space<vmem_shared>>)
      tpu.yield
    }) : () -> ()
    "tpu.region"() ({
      %run_scoped3A = tpu.sem_alloc : memref<!tpu.dma_semaphore, #tpu.memory_space<semaphore_mem>>
      %dma_start3A_36 = arith.constant 0 : i32
      %dma_start3A_37 = arith.constant 0 : i32
      %dma_start3A_38 = tpu.memref_slice %arg3[%dma_start3A_36, %dma_start3A_37] : memref<10000x8xf32, #tpu.memory_space<hbm>> -> memref<128x8xf32, #tpu.memory_space<hbm>>
      %dma_start3A_39 = arith.constant 0 : i32
      %dma_start3A_40 = arith.constant 0 : i32
      %dma_start3A_41 = tpu.memref_slice %arg3[%dma_start3A_39, %dma_start3A_40] : memref<10000x8xf32, #tpu.memory_space<hbm>> -> memref<128x8xf32, #tpu.memory_space<hbm>>
      tpu.enqueue_dma source(%dma_start3A_41 : memref<128x8xf32, #tpu.memory_space<hbm>>) target(%arg11 : memref<128x8xf32, #tpu.memory_space<vmem>>) target_semaphore(%run_scoped3A : memref<!tpu.dma_semaphore, #tpu.memory_space<semaphore_mem>>)
      %dma_wait3A = arith.constant 0 : i32
      %dma_wait3A_42 = arith.constant 0 : i32
      %dma_wait3A_43 = tpu.memref_slice %arg3[%dma_wait3A, %dma_wait3A_42] : memref<10000x8xf32, #tpu.memory_space<hbm>> -> memref<128x8xf32, #tpu.memory_space<hbm>>
      %dma_wait3A_44 = arith.constant 0 : i32
      %dma_wait3A_45 = arith.constant 0 : i32
      %dma_wait3A_46 = tpu.memref_slice %arg3[%dma_wait3A_44, %dma_wait3A_45] : memref<10000x8xf32, #tpu.memory_space<hbm>> -> memref<128x8xf32, #tpu.memory_space<hbm>>
      tpu.wait_dma2 semaphore(%run_scoped3A : memref<!tpu.dma_semaphore, #tpu.memory_space<semaphore_mem>>) src(%dma_wait3A_46 : memref<128x8xf32, #tpu.memory_space<hbm>>) dst(%arg11 : memref<128x8xf32, #tpu.memory_space<vmem>>)
      tpu.yield
    }) : () -> ()
    %barrier3A = arith.constant 0 : index
    tpu.barrier barrier_id(%barrier3A)
    %add3A_11 = arith.constant 0 : i32
    %add3A_12 = arith.addi %add3A_6, %add3A_11 : i32
    %dma_start3A = arith.constant 0 : i32
    %dma_start3A_13 = tpu.memref_slice %arg2[%add3A_12, %dma_start3A] : memref<2500x128xi32, #tpu.memory_space<hbm>> -> memref<1x128xi32, #tpu.memory_space<hbm>>
    %dma_start3A_14 = tpu.memref_squeeze %dma_start3A_13 : memref<1x128xi32, #tpu.memory_space<hbm>> -> memref<128xi32, #tpu.memory_space<hbm>>
    %dma_start3A_15 = arith.constant 0 : i32
    %dma_start3A_16 = tpu.memref_slice %arg2[%add3A_12, %dma_start3A_15] : memref<2500x128xi32, #tpu.memory_space<hbm>> -> memref<1x128xi32, #tpu.memory_space<hbm>>
    %dma_start3A_17 = tpu.memref_squeeze %dma_start3A_16 : memref<1x128xi32, #tpu.memory_space<hbm>> -> memref<128xi32, #tpu.memory_space<hbm>>
    tpu.enqueue_dma source(%dma_start3A_17 : memref<128xi32, #tpu.memory_space<hbm>>) target(%arg5 : memref<128xi32, #tpu.memory_space<vmem>>) target_semaphore(%arg13 : memref<!tpu.dma_semaphore, #tpu.memory_space<semaphore_mem>>)
    %add3A_18 = arith.constant 1 : i32
    %add3A_19 = arith.addi %add3A_6, %add3A_18 : i32
    %dma_start3A_20 = arith.constant 0 : i32
    %dma_start3A_21 = tpu.memref_slice %arg2[%add3A_19, %dma_start3A_20] : memref<2500x128xi32, #tpu.memory_space<hbm>> -> memref<1x128xi32, #tpu.memory_space<hbm>>
    %dma_start3A_22 = tpu.memref_squeeze %dma_start3A_21 : memref<1x128xi32, #tpu.memory_space<hbm>> -> memref<128xi32, #tpu.memory_space<hbm>>
    %dma_start3A_23 = arith.constant 0 : i32
    %dma_start3A_24 = tpu.memref_slice %arg2[%add3A_19, %dma_start3A_23] : memref<2500x128xi32, #tpu.memory_space<hbm>> -> memref<1x128xi32, #tpu.memory_space<hbm>>
    %dma_start3A_25 = tpu.memref_squeeze %dma_start3A_24 : memref<1x128xi32, #tpu.memory_space<hbm>> -> memref<128xi32, #tpu.memory_space<hbm>>
    tpu.enqueue_dma source(%dma_start3A_25 : memref<128xi32, #tpu.memory_space<hbm>>) target(%arg6 : memref<128xi32, #tpu.memory_space<vmem>>) target_semaphore(%arg14 : memref<!tpu.dma_semaphore, #tpu.memory_space<semaphore_mem>>)
    %scan3A = arith.constant 0 : i32
    %scan3A_26 = arith.constant 0 : i32
    %scan3A_27 = arith.constant 7 : i32
    %scan3A_28 = arith.addi %scan3A_26, %scan3A_27 : i32
    %scan3A_29 = arith.constant 1 : i32
    scf.for %scan3A_36 = %scan3A_26 to %scan3A_28 step %scan3A_29  : i32 {
      %mul3A_37 = arith.constant 12 : i32
      %mul3A_38 = arith.muli %mul3A_37, %scan3A_36 : i32
      %add3A_39 = arith.constant 0 : i32
      %add3A_40 = arith.addi %mul3A_38, %add3A_39 : i32
      %lt3A_41 = arith.cmpi slt, %add3A_40, %select_n3A : i32
      %convert_element_type3A = arith.extui %lt3A_41 : i1 to i32
      %cond3A = arith.constant 0 : i32
      %cond3A_42 = arith.cmpi ne, %convert_element_type3A, %cond3A : i32
      scf.if %cond3A_42 {
        %add3A_357 = arith.addi %add3A_6, %add3A_40 : i32
        %dma_wait3A = arith.constant 0 : i32
        %dma_wait3A_358 = tpu.memref_slice %arg2[%add3A_357, %dma_wait3A] : memref<2500x128xi32, #tpu.memory_space<hbm>> -> memref<1x128xi32, #tpu.memory_space<hbm>>
        %dma_wait3A_359 = tpu.memref_squeeze %dma_wait3A_358 : memref<1x128xi32, #tpu.memory_space<hbm>> -> memref<128xi32, #tpu.memory_space<hbm>>
        %dma_wait3A_360 = arith.constant 0 : i32
        %dma_wait3A_361 = tpu.memref_slice %arg2[%add3A_357, %dma_wait3A_360] : memref<2500x128xi32, #tpu.memory_space<hbm>> -> memref<1x128xi32, #tpu.memory_space<hbm>>
        %dma_wait3A_362 = tpu.memref_squeeze %dma_wait3A_361 : memref<1x128xi32, #tpu.memory_space<hbm>> -> memref<128xi32, #tpu.memory_space<hbm>>
        tpu.wait_dma2 semaphore(%arg13 : memref<!tpu.dma_semaphore, #tpu.memory_space<semaphore_mem>>) src(%dma_wait3A_362 : memref<128xi32, #tpu.memory_space<hbm>>) dst(%arg5 : memref<128xi32, #tpu.memory_space<vmem>>)
      } else {
      }
      %ge3A = arith.constant 3 : i32
      %ge3A_43 = arith.cmpi sge, %add3A_40, %ge3A : i32
      %add3A_44 = arith.constant 3 : i32
      %add3A_45 = arith.addi %select_n3A, %add3A_44 : i32
      %lt3A_46 = arith.cmpi slt, %add3A_40, %add3A_45 : i32
      %and3A = arith.andi %ge3A_43, %lt3A_46 : i1
      %convert_element_type3A_47 = arith.extui %and3A : i1 to i32
      %cond3A_48 = arith.constant 0 : i32
      %cond3A_49 = arith.cmpi ne, %convert_element_type3A_47, %cond3A_48 : i32
      scf.if %cond3A_49 {
        %dma_wait3A = arith.constant 0 : i32
        %dma_wait3A_357 = arith.constant 0 : i32
        %dma_wait3A_358 = tpu.memref_slice %arg12[%dma_wait3A, %dma_wait3A_357] : memref<10000x8xf32, #tpu.memory_space<vmem_shared>> -> memref<10000x8xf32, #tpu.memory_space<vmem_shared>>
        tpu.wait_indirect_dma semaphore(%arg20 : memref<!tpu.dma_semaphore, #tpu.memory_space<semaphore_mem>>) src(%arg11 : memref<128x8xf32, #tpu.memory_space<vmem>>) dst(%dma_wait3A_358 : memref<10000x8xf32, #tpu.memory_space<vmem_shared>>)
      } else {
      }
      %lt3A_50 = arith.cmpi slt, %add3A_40, %select_n3A : i32
      %convert_element_type3A_51 = arith.extui %lt3A_50 : i1 to i32
      %cond3A_52 = arith.constant 0 : i32
      %cond3A_53 = arith.cmpi ne, %convert_element_type3A_51, %cond3A_52 : i32
      scf.if %cond3A_53 {
        %dma_start3A_357 = arith.constant 0 : i32
        %dma_start3A_358 = arith.constant 0 : i32
        %dma_start3A_359 = tpu.memref_slice %arg12[%dma_start3A_357, %dma_start3A_358] : memref<10000x8xf32, #tpu.memory_space<vmem_shared>> -> memref<10000x8xf32, #tpu.memory_space<vmem_shared>>
        tpu.enqueue_indirect_dma source(%arg11 : memref<128x8xf32, #tpu.memory_space<vmem>>) target(%dma_start3A_359 : memref<10000x8xf32, #tpu.memory_space<vmem_shared>>) offsets(%arg5 : memref<128xi32, #tpu.memory_space<vmem>>) semaphore(%arg19 : memref<!tpu.dma_semaphore, #tpu.memory_space<semaphore_mem>>) {add = true}
      } else {
      }
      %add3A_54 = arith.constant 2 : i32
      %add3A_55 = arith.addi %add3A_40, %add3A_54 : i32
      %lt3A_56 = arith.cmpi slt, %add3A_55, %select_n3A : i32
      %convert_element_type3A_57 = arith.extui %lt3A_56 : i1 to i32
      %cond3A_58 = arith.constant 0 : i32
      %cond3A_59 = arith.cmpi ne, %convert_element_type3A_57, %cond3A_58 : i32
      scf.if %cond3A_59 {
        %add3A_357 = arith.constant 2 : i32
        %add3A_358 = arith.addi %add3A_40, %add3A_357 : i32
        %add3A_359 = arith.addi %add3A_6, %add3A_358 : i32
        %dma_start3A_360 = arith.constant 0 : i32
        %dma_start3A_361 = tpu.memref_slice %arg2[%add3A_359, %dma_start3A_360] : memref<2500x128xi32, #tpu.memory_space<hbm>> -> memref<1x128xi32, #tpu.memory_space<hbm>>
        %dma_start3A_362 = tpu.memref_squeeze %dma_start3A_361 : memref<1x128xi32, #tpu.memory_space<hbm>> -> memref<128xi32, #tpu.memory_space<hbm>>
        %dma_start3A_363 = arith.constant 0 : i32
        %dma_start3A_364 = tpu.memref_slice %arg2[%add3A_359, %dma_start3A_363] : memref<2500x128xi32, #tpu.memory_space<hbm>> -> memref<1x128xi32, #tpu.memory_space<hbm>>
        %dma_start3A_365 = tpu.memref_squeeze %dma_start3A_364 : memref<1x128xi32, #tpu.memory_space<hbm>> -> memref<128xi32, #tpu.memory_space<hbm>>
        tpu.enqueue_dma source(%dma_start3A_365 : memref<128xi32, #tpu.memory_space<hbm>>) target(%arg7 : memref<128xi32, #tpu.memory_space<vmem>>) target_semaphore(%arg15 : memref<!tpu.dma_semaphore, #tpu.memory_space<semaphore_mem>>)
      } else {
      }
      %mul3A_60 = arith.constant 12 : i32
      %mul3A_61 = arith.muli %mul3A_60, %scan3A_36 : i32
      %add3A_62 = arith.constant 1 : i32
      %add3A_63 = arith.addi %mul3A_61, %add3A_62 : i32
      %lt3A_64 = arith.cmpi slt, %add3A_63, %select_n3A : i32
      %convert_element_type3A_65 = arith.extui %lt3A_64 : i1 to i32
      %cond3A_66 = arith.constant 0 : i32
      %cond3A_67 = arith.cmpi ne, %convert_element_type3A_65, %cond3A_66 : i32
      scf.if %cond3A_67 {
        %add3A_357 = arith.addi %add3A_6, %add3A_63 : i32
        %dma_wait3A = arith.constant 0 : i32
        %dma_wait3A_358 = tpu.memref_slice %arg2[%add3A_357, %dma_wait3A] : memref<2500x128xi32, #tpu.memory_space<hbm>> -> memref<1x128xi32, #tpu.memory_space<hbm>>
        %dma_wait3A_359 = tpu.memref_squeeze %dma_wait3A_358 : memref<1x128xi32, #tpu.memory_space<hbm>> -> memref<128xi32, #tpu.memory_space<hbm>>
        %dma_wait3A_360 = arith.constant 0 : i32
        %dma_wait3A_361 = tpu.memref_slice %arg2[%add3A_357, %dma_wait3A_360] : memref<2500x128xi32, #tpu.memory_space<hbm>> -> memref<1x128xi32, #tpu.memory_space<hbm>>
        %dma_wait3A_362 = tpu.memref_squeeze %dma_wait3A_361 : memref<1x128xi32, #tpu.memory_space<hbm>> -> memref<128xi32, #tpu.memory_space<hbm>>
        tpu.wait_dma2 semaphore(%arg14 : memref<!tpu.dma_semaphore, #tpu.memory_space<semaphore_mem>>) src(%dma_wait3A_362 : memref<128xi32, #tpu.memory_space<hbm>>) dst(%arg6 : memref<128xi32, #tpu.memory_space<vmem>>)
      } else {
      }
      %ge3A_68 = arith.constant 3 : i32
      %ge3A_69 = arith.cmpi sge, %add3A_63, %ge3A_68 : i32
      %add3A_70 = arith.constant 3 : i32
      %add3A_71 = arith.addi %select_n3A, %add3A_70 : i32
      %lt3A_72 = arith.cmpi slt, %add3A_63, %add3A_71 : i32
      %and3A_73 = arith.andi %ge3A_69, %lt3A_72 : i1
      %convert_element_type3A_74 = arith.extui %and3A_73 : i1 to i32
      %cond3A_75 = arith.constant 0 : i32
      %cond3A_76 = arith.cmpi ne, %convert_element_type3A_74, %cond3A_75 : i32
      scf.if %cond3A_76 {
        %dma_wait3A = arith.constant 0 : i32
        %dma_wait3A_357 = arith.constant 0 : i32
        %dma_wait3A_358 = tpu.memref_slice %arg12[%dma_wait3A, %dma_wait3A_357] : memref<10000x8xf32, #tpu.memory_space<vmem_shared>> -> memref<10000x8xf32, #tpu.memory_space<vmem_shared>>
        tpu.wait_indirect_dma semaphore(%arg21 : memref<!tpu.dma_semaphore, #tpu.memory_space<semaphore_mem>>) src(%arg11 : memref<128x8xf32, #tpu.memory_space<vmem>>) dst(%dma_wait3A_358 : memref<10000x8xf32, #tpu.memory_space<vmem_shared>>)
      } else {
      }
      %lt3A_77 = arith.cmpi slt, %add3A_63, %select_n3A : i32
      %convert_element_type3A_78 = arith.extui %lt3A_77 : i1 to i32
      %cond3A_79 = arith.constant 0 : i32
      %cond3A_80 = arith.cmpi ne, %convert_element_type3A_78, %cond3A_79 : i32
      scf.if %cond3A_80 {
        %dma_start3A_357 = arith.constant 0 : i32
        %dma_start3A_358 = arith.constant 0 : i32
        %dma_start3A_359 = tpu.memref_slice %arg12[%dma_start3A_357, %dma_start3A_358] : memref<10000x8xf32, #tpu.memory_space<vmem_shared>> -> memref<10000x8xf32, #tpu.memory_space<vmem_shared>>
        tpu.enqueue_indirect_dma source(%arg11 : memref<128x8xf32, #tpu.memory_space<vmem>>) target(%dma_start3A_359 : memref<10000x8xf32, #tpu.memory_space<vmem_shared>>) offsets(%arg6 : memref<128xi32, #tpu.memory_space<vmem>>) semaphore(%arg20 : memref<!tpu.dma_semaphore, #tpu.memory_space<semaphore_mem>>) {add = true}
      } else {
      }
      %add3A_81 = arith.constant 2 : i32
      %add3A_82 = arith.addi %add3A_63, %add3A_81 : i32
      %lt3A_83 = arith.cmpi slt, %add3A_82, %select_n3A : i32
      %convert_element_type3A_84 = arith.extui %lt3A_83 : i1 to i32
      %cond3A_85 = arith.constant 0 : i32
      %cond3A_86 = arith.cmpi ne, %convert_element_type3A_84, %cond3A_85 : i32
      scf.if %cond3A_86 {
        %add3A_357 = arith.constant 2 : i32
        %add3A_358 = arith.addi %add3A_63, %add3A_357 : i32
        %add3A_359 = arith.addi %add3A_6, %add3A_358 : i32
        %dma_start3A_360 = arith.constant 0 : i32
        %dma_start3A_361 = tpu.memref_slice %arg2[%add3A_359, %dma_start3A_360] : memref<2500x128xi32, #tpu.memory_space<hbm>> -> memref<1x128xi32, #tpu.memory_space<hbm>>
        %dma_start3A_362 = tpu.memref_squeeze %dma_start3A_361 : memref<1x128xi32, #tpu.memory_space<hbm>> -> memref<128xi32, #tpu.memory_space<hbm>>
        %dma_start3A_363 = arith.constant 0 : i32
        %dma_start3A_364 = tpu.memref_slice %arg2[%add3A_359, %dma_start3A_363] : memref<2500x128xi32, #tpu.memory_space<hbm>> -> memref<1x128xi32, #tpu.memory_space<hbm>>
        %dma_start3A_365 = tpu.memref_squeeze %dma_start3A_364 : memref<1x128xi32, #tpu.memory_space<hbm>> -> memref<128xi32, #tpu.memory_space<hbm>>
        tpu.enqueue_dma source(%dma_start3A_365 : memref<128xi32, #tpu.memory_space<hbm>>) target(%arg8 : memref<128xi32, #tpu.memory_space<vmem>>) target_semaphore(%arg16 : memref<!tpu.dma_semaphore, #tpu.memory_space<semaphore_mem>>)
      } else {
      }
      %mul3A_87 = arith.constant 12 : i32
      %mul3A_88 = arith.muli %mul3A_87, %scan3A_36 : i32
      %add3A_89 = arith.constant 2 : i32
      %add3A_90 = arith.addi %mul3A_88, %add3A_89 : i32
      %lt3A_91 = arith.cmpi slt, %add3A_90, %select_n3A : i32
      %convert_element_type3A_92 = arith.extui %lt3A_91 : i1 to i32
      %cond3A_93 = arith.constant 0 : i32
      %cond3A_94 = arith.cmpi ne, %convert_element_type3A_92, %cond3A_93 : i32
      scf.if %cond3A_94 {
        %add3A_357 = arith.addi %add3A_6, %add3A_90 : i32
        %dma_wait3A = arith.constant 0 : i32
        %dma_wait3A_358 = tpu.memref_slice %arg2[%add3A_357, %dma_wait3A] : memref<2500x128xi32, #tpu.memory_space<hbm>> -> memref<1x128xi32, #tpu.memory_space<hbm>>
        %dma_wait3A_359 = tpu.memref_squeeze %dma_wait3A_358 : memref<1x128xi32, #tpu.memory_space<hbm>> -> memref<128xi32, #tpu.memory_space<hbm>>
        %dma_wait3A_360 = arith.constant 0 : i32
        %dma_wait3A_361 = tpu.memref_slice %arg2[%add3A_357, %dma_wait3A_360] : memref<2500x128xi32, #tpu.memory_space<hbm>> -> memref<1x128xi32, #tpu.memory_space<hbm>>
        %dma_wait3A_362 = tpu.memref_squeeze %dma_wait3A_361 : memref<1x128xi32, #tpu.memory_space<hbm>> -> memref<128xi32, #tpu.memory_space<hbm>>
        tpu.wait_dma2 semaphore(%arg15 : memref<!tpu.dma_semaphore, #tpu.memory_space<semaphore_mem>>) src(%dma_wait3A_362 : memref<128xi32, #tpu.memory_space<hbm>>) dst(%arg7 : memref<128xi32, #tpu.memory_space<vmem>>)
      } else {
      }
      %ge3A_95 = arith.constant 3 : i32
      %ge3A_96 = arith.cmpi sge, %add3A_90, %ge3A_95 : i32
      %add3A_97 = arith.constant 3 : i32
      %add3A_98 = arith.addi %select_n3A, %add3A_97 : i32
      %lt3A_99 = arith.cmpi slt, %add3A_90, %add3A_98 : i32
      %and3A_100 = arith.andi %ge3A_96, %lt3A_99 : i1
      %convert_element_type3A_101 = arith.extui %and3A_100 : i1 to i32
      %cond3A_102 = arith.constant 0 : i32
      %cond3A_103 = arith.cmpi ne, %convert_element_type3A_101, %cond3A_102 : i32
      scf.if %cond3A_103 {
        %dma_wait3A = arith.constant 0 : i32
        %dma_wait3A_357 = arith.constant 0 : i32
        %dma_wait3A_358 = tpu.memref_slice %arg12[%dma_wait3A, %dma_wait3A_357] : memref<10000x8xf32, #tpu.memory_space<vmem_shared>> -> memref<10000x8xf32, #tpu.memory_space<vmem_shared>>
        tpu.wait_indirect_dma semaphore(%arg22 : memref<!tpu.dma_semaphore, #tpu.memory_space<semaphore_mem>>) src(%arg11 : memref<128x8xf32, #tpu.memory_space<vmem>>) dst(%dma_wait3A_358 : memref<10000x8xf32, #tpu.memory_space<vmem_shared>>)
      } else {
      }
      %lt3A_104 = arith.cmpi slt, %add3A_90, %select_n3A : i32
      %convert_element_type3A_105 = arith.extui %lt3A_104 : i1 to i32
      %cond3A_106 = arith.constant 0 : i32
      %cond3A_107 = arith.cmpi ne, %convert_element_type3A_105, %cond3A_106 : i32
      scf.if %cond3A_107 {
        %dma_start3A_357 = arith.constant 0 : i32
        %dma_start3A_358 = arith.constant 0 : i32
        %dma_start3A_359 = tpu.memref_slice %arg12[%dma_start3A_357, %dma_start3A_358] : memref<10000x8xf32, #tpu.memory_space<vmem_shared>> -> memref<10000x8xf32, #tpu.memory_space<vmem_shared>>
        tpu.enqueue_indirect_dma source(%arg11 : memref<128x8xf32, #tpu.memory_space<vmem>>) target(%dma_start3A_359 : memref<10000x8xf32, #tpu.memory_space<vmem_shared>>) offsets(%arg7 : memref<128xi32, #tpu.memory_space<vmem>>) semaphore(%arg21 : memref<!tpu.dma_semaphore, #tpu.memory_space<semaphore_mem>>) {add = true}
      } else {
      }
      %add3A_108 = arith.constant 2 : i32
      %add3A_109 = arith.addi %add3A_90, %add3A_108 : i32
      %lt3A_110 = arith.cmpi slt, %add3A_109, %select_n3A : i32
      %convert_element_type3A_111 = arith.extui %lt3A_110 : i1 to i32
      %cond3A_112 = arith.constant 0 : i32
      %cond3A_113 = arith.cmpi ne, %convert_element_type3A_111, %cond3A_112 : i32
      scf.if %cond3A_113 {
        %add3A_357 = arith.constant 2 : i32
        %add3A_358 = arith.addi %add3A_90, %add3A_357 : i32
        %add3A_359 = arith.addi %add3A_6, %add3A_358 : i32
        %dma_start3A_360 = arith.constant 0 : i32
        %dma_start3A_361 = tpu.memref_slice %arg2[%add3A_359, %dma_start3A_360] : memref<2500x128xi32, #tpu.memory_space<hbm>> -> memref<1x128xi32, #tpu.memory_space<hbm>>
        %dma_start3A_362 = tpu.memref_squeeze %dma_start3A_361 : memref<1x128xi32, #tpu.memory_space<hbm>> -> memref<128xi32, #tpu.memory_space<hbm>>
        %dma_start3A_363 = arith.constant 0 : i32
        %dma_start3A_364 = tpu.memref_slice %arg2[%add3A_359, %dma_start3A_363] : memref<2500x128xi32, #tpu.memory_space<hbm>> -> memref<1x128xi32, #tpu.memory_space<hbm>>
        %dma_start3A_365 = tpu.memref_squeeze %dma_start3A_364 : memref<1x128xi32, #tpu.memory_space<hbm>> -> memref<128xi32, #tpu.memory_space<hbm>>
        tpu.enqueue_dma source(%dma_start3A_365 : memref<128xi32, #tpu.memory_space<hbm>>) target(%arg9 : memref<128xi32, #tpu.memory_space<vmem>>) target_semaphore(%arg17 : memref<!tpu.dma_semaphore, #tpu.memory_space<semaphore_mem>>)
      } else {
      }
      %mul3A_114 = arith.constant 12 : i32
      %mul3A_115 = arith.muli %mul3A_114, %scan3A_36 : i32
      %add3A_116 = arith.constant 3 : i32
      %add3A_117 = arith.addi %mul3A_115, %add3A_116 : i32
      %lt3A_118 = arith.cmpi slt, %add3A_117, %select_n3A : i32
      %convert_element_type3A_119 = arith.extui %lt3A_118 : i1 to i32
      %cond3A_120 = arith.constant 0 : i32
      %cond3A_121 = arith.cmpi ne, %convert_element_type3A_119, %cond3A_120 : i32
      scf.if %cond3A_121 {
        %add3A_357 = arith.addi %add3A_6, %add3A_117 : i32
        %dma_wait3A = arith.constant 0 : i32
        %dma_wait3A_358 = tpu.memref_slice %arg2[%add3A_357, %dma_wait3A] : memref<2500x128xi32, #tpu.memory_space<hbm>> -> memref<1x128xi32, #tpu.memory_space<hbm>>
        %dma_wait3A_359 = tpu.memref_squeeze %dma_wait3A_358 : memref<1x128xi32, #tpu.memory_space<hbm>> -> memref<128xi32, #tpu.memory_space<hbm>>
        %dma_wait3A_360 = arith.constant 0 : i32
        %dma_wait3A_361 = tpu.memref_slice %arg2[%add3A_357, %dma_wait3A_360] : memref<2500x128xi32, #tpu.memory_space<hbm>> -> memref<1x128xi32, #tpu.memory_space<hbm>>
        %dma_wait3A_362 = tpu.memref_squeeze %dma_wait3A_361 : memref<1x128xi32, #tpu.memory_space<hbm>> -> memref<128xi32, #tpu.memory_space<hbm>>
        tpu.wait_dma2 semaphore(%arg16 : memref<!tpu.dma_semaphore, #tpu.memory_space<semaphore_mem>>) src(%dma_wait3A_362 : memref<128xi32, #tpu.memory_space<hbm>>) dst(%arg8 : memref<128xi32, #tpu.memory_space<vmem>>)
      } else {
      }
      %ge3A_122 = arith.constant 3 : i32
      %ge3A_123 = arith.cmpi sge, %add3A_117, %ge3A_122 : i32
      %add3A_124 = arith.constant 3 : i32
      %add3A_125 = arith.addi %select_n3A, %add3A_124 : i32
      %lt3A_126 = arith.cmpi slt, %add3A_117, %add3A_125 : i32
      %and3A_127 = arith.andi %ge3A_123, %lt3A_126 : i1
      %convert_element_type3A_128 = arith.extui %and3A_127 : i1 to i32
      %cond3A_129 = arith.constant 0 : i32
      %cond3A_130 = arith.cmpi ne, %convert_element_type3A_128, %cond3A_129 : i32
      scf.if %cond3A_130 {
        %dma_wait3A = arith.constant 0 : i32
        %dma_wait3A_357 = arith.constant 0 : i32
        %dma_wait3A_358 = tpu.memref_slice %arg12[%dma_wait3A, %dma_wait3A_357] : memref<10000x8xf32, #tpu.memory_space<vmem_shared>> -> memref<10000x8xf32, #tpu.memory_space<vmem_shared>>
        tpu.wait_indirect_dma semaphore(%arg19 : memref<!tpu.dma_semaphore, #tpu.memory_space<semaphore_mem>>) src(%arg11 : memref<128x8xf32, #tpu.memory_space<vmem>>) dst(%dma_wait3A_358 : memref<10000x8xf32, #tpu.memory_space<vmem_shared>>)
      } else {
      }
      %lt3A_131 = arith.cmpi slt, %add3A_117, %select_n3A : i32
      %convert_element_type3A_132 = arith.extui %lt3A_131 : i1 to i32
      %cond3A_133 = arith.constant 0 : i32
      %cond3A_134 = arith.cmpi ne, %convert_element_type3A_132, %cond3A_133 : i32
      scf.if %cond3A_134 {
        %dma_start3A_357 = arith.constant 0 : i32
        %dma_start3A_358 = arith.constant 0 : i32
        %dma_start3A_359 = tpu.memref_slice %arg12[%dma_start3A_357, %dma_start3A_358] : memref<10000x8xf32, #tpu.memory_space<vmem_shared>> -> memref<10000x8xf32, #tpu.memory_space<vmem_shared>>
        tpu.enqueue_indirect_dma source(%arg11 : memref<128x8xf32, #tpu.memory_space<vmem>>) target(%dma_start3A_359 : memref<10000x8xf32, #tpu.memory_space<vmem_shared>>) offsets(%arg8 : memref<128xi32, #tpu.memory_space<vmem>>) semaphore(%arg22 : memref<!tpu.dma_semaphore, #tpu.memory_space<semaphore_mem>>) {add = true}
      } else {
      }
      %add3A_135 = arith.constant 2 : i32
      %add3A_136 = arith.addi %add3A_117, %add3A_135 : i32
      %lt3A_137 = arith.cmpi slt, %add3A_136, %select_n3A : i32
      %convert_element_type3A_138 = arith.extui %lt3A_137 : i1 to i32
      %cond3A_139 = arith.constant 0 : i32
      %cond3A_140 = arith.cmpi ne, %convert_element_type3A_138, %cond3A_139 : i32
      scf.if %cond3A_140 {
        %add3A_357 = arith.constant 2 : i32
        %add3A_358 = arith.addi %add3A_117, %add3A_357 : i32
        %add3A_359 = arith.addi %add3A_6, %add3A_358 : i32
        %dma_start3A_360 = arith.constant 0 : i32
        %dma_start3A_361 = tpu.memref_slice %arg2[%add3A_359, %dma_start3A_360] : memref<2500x128xi32, #tpu.memory_space<hbm>> -> memref<1x128xi32, #tpu.memory_space<hbm>>
        %dma_start3A_362 = tpu.memref_squeeze %dma_start3A_361 : memref<1x128xi32, #tpu.memory_space<hbm>> -> memref<128xi32, #tpu.memory_space<hbm>>
        %dma_start3A_363 = arith.constant 0 : i32
        %dma_start3A_364 = tpu.memref_slice %arg2[%add3A_359, %dma_start3A_363] : memref<2500x128xi32, #tpu.memory_space<hbm>> -> memref<1x128xi32, #tpu.memory_space<hbm>>
        %dma_start3A_365 = tpu.memref_squeeze %dma_start3A_364 : memref<1x128xi32, #tpu.memory_space<hbm>> -> memref<128xi32, #tpu.memory_space<hbm>>
        tpu.enqueue_dma source(%dma_start3A_365 : memref<128xi32, #tpu.memory_space<hbm>>) target(%arg10 : memref<128xi32, #tpu.memory_space<vmem>>) target_semaphore(%arg18 : memref<!tpu.dma_semaphore, #tpu.memory_space<semaphore_mem>>)
      } else {
      }
      %mul3A_141 = arith.constant 12 : i32
      %mul3A_142 = arith.muli %mul3A_141, %scan3A_36 : i32
      %add3A_143 = arith.constant 4 : i32
      %add3A_144 = arith.addi %mul3A_142, %add3A_143 : i32
      %lt3A_145 = arith.cmpi slt, %add3A_144, %select_n3A : i32
      %convert_element_type3A_146 = arith.extui %lt3A_145 : i1 to i32
      %cond3A_147 = arith.constant 0 : i32
      %cond3A_148 = arith.cmpi ne, %convert_element_type3A_146, %cond3A_147 : i32
      scf.if %cond3A_148 {
        %add3A_357 = arith.addi %add3A_6, %add3A_144 : i32
        %dma_wait3A = arith.constant 0 : i32
        %dma_wait3A_358 = tpu.memref_slice %arg2[%add3A_357, %dma_wait3A] : memref<2500x128xi32, #tpu.memory_space<hbm>> -> memref<1x128xi32, #tpu.memory_space<hbm>>
        %dma_wait3A_359 = tpu.memref_squeeze %dma_wait3A_358 : memref<1x128xi32, #tpu.memory_space<hbm>> -> memref<128xi32, #tpu.memory_space<hbm>>
        %dma_wait3A_360 = arith.constant 0 : i32
        %dma_wait3A_361 = tpu.memref_slice %arg2[%add3A_357, %dma_wait3A_360] : memref<2500x128xi32, #tpu.memory_space<hbm>> -> memref<1x128xi32, #tpu.memory_space<hbm>>
        %dma_wait3A_362 = tpu.memref_squeeze %dma_wait3A_361 : memref<1x128xi32, #tpu.memory_space<hbm>> -> memref<128xi32, #tpu.memory_space<hbm>>
        tpu.wait_dma2 semaphore(%arg17 : memref<!tpu.dma_semaphore, #tpu.memory_space<semaphore_mem>>) src(%dma_wait3A_362 : memref<128xi32, #tpu.memory_space<hbm>>) dst(%arg9 : memref<128xi32, #tpu.memory_space<vmem>>)
      } else {
      }
      %ge3A_149 = arith.constant 3 : i32
      %ge3A_150 = arith.cmpi sge, %add3A_144, %ge3A_149 : i32
      %add3A_151 = arith.constant 3 : i32
      %add3A_152 = arith.addi %select_n3A, %add3A_151 : i32
      %lt3A_153 = arith.cmpi slt, %add3A_144, %add3A_152 : i32
      %and3A_154 = arith.andi %ge3A_150, %lt3A_153 : i1
      %convert_element_type3A_155 = arith.extui %and3A_154 : i1 to i32
      %cond3A_156 = arith.constant 0 : i32
      %cond3A_157 = arith.cmpi ne, %convert_element_type3A_155, %cond3A_156 : i32
      scf.if %cond3A_157 {
        %dma_wait3A = arith.constant 0 : i32
        %dma_wait3A_357 = arith.constant 0 : i32
        %dma_wait3A_358 = tpu.memref_slice %arg12[%dma_wait3A, %dma_wait3A_357] : memref<10000x8xf32, #tpu.memory_space<vmem_shared>> -> memref<10000x8xf32, #tpu.memory_space<vmem_shared>>
        tpu.wait_indirect_dma semaphore(%arg20 : memref<!tpu.dma_semaphore, #tpu.memory_space<semaphore_mem>>) src(%arg11 : memref<128x8xf32, #tpu.memory_space<vmem>>) dst(%dma_wait3A_358 : memref<10000x8xf32, #tpu.memory_space<vmem_shared>>)
      } else {
      }
      %lt3A_158 = arith.cmpi slt, %add3A_144, %select_n3A : i32
      %convert_element_type3A_159 = arith.extui %lt3A_158 : i1 to i32
      %cond3A_160 = arith.constant 0 : i32
      %cond3A_161 = arith.cmpi ne, %convert_element_type3A_159, %cond3A_160 : i32
      scf.if %cond3A_161 {
        %dma_start3A_357 = arith.constant 0 : i32
        %dma_start3A_358 = arith.constant 0 : i32
        %dma_start3A_359 = tpu.memref_slice %arg12[%dma_start3A_357, %dma_start3A_358] : memref<10000x8xf32, #tpu.memory_space<vmem_shared>> -> memref<10000x8xf32, #tpu.memory_space<vmem_shared>>
        tpu.enqueue_indirect_dma source(%arg11 : memref<128x8xf32, #tpu.memory_space<vmem>>) target(%dma_start3A_359 : memref<10000x8xf32, #tpu.memory_space<vmem_shared>>) offsets(%arg9 : memref<128xi32, #tpu.memory_space<vmem>>) semaphore(%arg19 : memref<!tpu.dma_semaphore, #tpu.memory_space<semaphore_mem>>) {add = true}
      } else {
      }
      %add3A_162 = arith.constant 2 : i32
      %add3A_163 = arith.addi %add3A_144, %add3A_162 : i32
      %lt3A_164 = arith.cmpi slt, %add3A_163, %select_n3A : i32
      %convert_element_type3A_165 = arith.extui %lt3A_164 : i1 to i32
      %cond3A_166 = arith.constant 0 : i32
      %cond3A_167 = arith.cmpi ne, %convert_element_type3A_165, %cond3A_166 : i32
      scf.if %cond3A_167 {
        %add3A_357 = arith.constant 2 : i32
        %add3A_358 = arith.addi %add3A_144, %add3A_357 : i32
        %add3A_359 = arith.addi %add3A_6, %add3A_358 : i32
        %dma_start3A_360 = arith.constant 0 : i32
        %dma_start3A_361 = tpu.memref_slice %arg2[%add3A_359, %dma_start3A_360] : memref<2500x128xi32, #tpu.memory_space<hbm>> -> memref<1x128xi32, #tpu.memory_space<hbm>>
        %dma_start3A_362 = tpu.memref_squeeze %dma_start3A_361 : memref<1x128xi32, #tpu.memory_space<hbm>> -> memref<128xi32, #tpu.memory_space<hbm>>
        %dma_start3A_363 = arith.constant 0 : i32
        %dma_start3A_364 = tpu.memref_slice %arg2[%add3A_359, %dma_start3A_363] : memref<2500x128xi32, #tpu.memory_space<hbm>> -> memref<1x128xi32, #tpu.memory_space<hbm>>
        %dma_start3A_365 = tpu.memref_squeeze %dma_start3A_364 : memref<1x128xi32, #tpu.memory_space<hbm>> -> memref<128xi32, #tpu.memory_space<hbm>>
        tpu.enqueue_dma source(%dma_start3A_365 : memref<128xi32, #tpu.memory_space<hbm>>) target(%arg5 : memref<128xi32, #tpu.memory_space<vmem>>) target_semaphore(%arg13 : memref<!tpu.dma_semaphore, #tpu.memory_space<semaphore_mem>>)
      } else {
      }
      %mul3A_168 = arith.constant 12 : i32
      %mul3A_169 = arith.muli %mul3A_168, %scan3A_36 : i32
      %add3A_170 = arith.constant 5 : i32
      %add3A_171 = arith.addi %mul3A_169, %add3A_170 : i32
      %lt3A_172 = arith.cmpi slt, %add3A_171, %select_n3A : i32
      %convert_element_type3A_173 = arith.extui %lt3A_172 : i1 to i32
      %cond3A_174 = arith.constant 0 : i32
      %cond3A_175 = arith.cmpi ne, %convert_element_type3A_173, %cond3A_174 : i32
      scf.if %cond3A_175 {
        %add3A_357 = arith.addi %add3A_6, %add3A_171 : i32
        %dma_wait3A = arith.constant 0 : i32
        %dma_wait3A_358 = tpu.memref_slice %arg2[%add3A_357, %dma_wait3A] : memref<2500x128xi32, #tpu.memory_space<hbm>> -> memref<1x128xi32, #tpu.memory_space<hbm>>
        %dma_wait3A_359 = tpu.memref_squeeze %dma_wait3A_358 : memref<1x128xi32, #tpu.memory_space<hbm>> -> memref<128xi32, #tpu.memory_space<hbm>>
        %dma_wait3A_360 = arith.constant 0 : i32
        %dma_wait3A_361 = tpu.memref_slice %arg2[%add3A_357, %dma_wait3A_360] : memref<2500x128xi32, #tpu.memory_space<hbm>> -> memref<1x128xi32, #tpu.memory_space<hbm>>
        %dma_wait3A_362 = tpu.memref_squeeze %dma_wait3A_361 : memref<1x128xi32, #tpu.memory_space<hbm>> -> memref<128xi32, #tpu.memory_space<hbm>>
        tpu.wait_dma2 semaphore(%arg18 : memref<!tpu.dma_semaphore, #tpu.memory_space<semaphore_mem>>) src(%dma_wait3A_362 : memref<128xi32, #tpu.memory_space<hbm>>) dst(%arg10 : memref<128xi32, #tpu.memory_space<vmem>>)
      } else {
      }
      %ge3A_176 = arith.constant 3 : i32
      %ge3A_177 = arith.cmpi sge, %add3A_171, %ge3A_176 : i32
      %add3A_178 = arith.constant 3 : i32
      %add3A_179 = arith.addi %select_n3A, %add3A_178 : i32
      %lt3A_180 = arith.cmpi slt, %add3A_171, %add3A_179 : i32
      %and3A_181 = arith.andi %ge3A_177, %lt3A_180 : i1
      %convert_element_type3A_182 = arith.extui %and3A_181 : i1 to i32
      %cond3A_183 = arith.constant 0 : i32
      %cond3A_184 = arith.cmpi ne, %convert_element_type3A_182, %cond3A_183 : i32
      scf.if %cond3A_184 {
        %dma_wait3A = arith.constant 0 : i32
        %dma_wait3A_357 = arith.constant 0 : i32
        %dma_wait3A_358 = tpu.memref_slice %arg12[%dma_wait3A, %dma_wait3A_357] : memref<10000x8xf32, #tpu.memory_space<vmem_shared>> -> memref<10000x8xf32, #tpu.memory_space<vmem_shared>>
        tpu.wait_indirect_dma semaphore(%arg21 : memref<!tpu.dma_semaphore, #tpu.memory_space<semaphore_mem>>) src(%arg11 : memref<128x8xf32, #tpu.memory_space<vmem>>) dst(%dma_wait3A_358 : memref<10000x8xf32, #tpu.memory_space<vmem_shared>>)
      } else {
      }
      %lt3A_185 = arith.cmpi slt, %add3A_171, %select_n3A : i32
      %convert_element_type3A_186 = arith.extui %lt3A_185 : i1 to i32
      %cond3A_187 = arith.constant 0 : i32
      %cond3A_188 = arith.cmpi ne, %convert_element_type3A_186, %cond3A_187 : i32
      scf.if %cond3A_188 {
        %dma_start3A_357 = arith.constant 0 : i32
        %dma_start3A_358 = arith.constant 0 : i32
        %dma_start3A_359 = tpu.memref_slice %arg12[%dma_start3A_357, %dma_start3A_358] : memref<10000x8xf32, #tpu.memory_space<vmem_shared>> -> memref<10000x8xf32, #tpu.memory_space<vmem_shared>>
        tpu.enqueue_indirect_dma source(%arg11 : memref<128x8xf32, #tpu.memory_space<vmem>>) target(%dma_start3A_359 : memref<10000x8xf32, #tpu.memory_space<vmem_shared>>) offsets(%arg10 : memref<128xi32, #tpu.memory_space<vmem>>) semaphore(%arg20 : memref<!tpu.dma_semaphore, #tpu.memory_space<semaphore_mem>>) {add = true}
      } else {
      }
      %add3A_189 = arith.constant 2 : i32
      %add3A_190 = arith.addi %add3A_171, %add3A_189 : i32
      %lt3A_191 = arith.cmpi slt, %add3A_190, %select_n3A : i32
      %convert_element_type3A_192 = arith.extui %lt3A_191 : i1 to i32
      %cond3A_193 = arith.constant 0 : i32
      %cond3A_194 = arith.cmpi ne, %convert_element_type3A_192, %cond3A_193 : i32
      scf.if %cond3A_194 {
        %add3A_357 = arith.constant 2 : i32
        %add3A_358 = arith.addi %add3A_171, %add3A_357 : i32
        %add3A_359 = arith.addi %add3A_6, %add3A_358 : i32
        %dma_start3A_360 = arith.constant 0 : i32
        %dma_start3A_361 = tpu.memref_slice %arg2[%add3A_359, %dma_start3A_360] : memref<2500x128xi32, #tpu.memory_space<hbm>> -> memref<1x128xi32, #tpu.memory_space<hbm>>
        %dma_start3A_362 = tpu.memref_squeeze %dma_start3A_361 : memref<1x128xi32, #tpu.memory_space<hbm>> -> memref<128xi32, #tpu.memory_space<hbm>>
        %dma_start3A_363 = arith.constant 0 : i32
        %dma_start3A_364 = tpu.memref_slice %arg2[%add3A_359, %dma_start3A_363] : memref<2500x128xi32, #tpu.memory_space<hbm>> -> memref<1x128xi32, #tpu.memory_space<hbm>>
        %dma_start3A_365 = tpu.memref_squeeze %dma_start3A_364 : memref<1x128xi32, #tpu.memory_space<hbm>> -> memref<128xi32, #tpu.memory_space<hbm>>
        tpu.enqueue_dma source(%dma_start3A_365 : memref<128xi32, #tpu.memory_space<hbm>>) target(%arg6 : memref<128xi32, #tpu.memory_space<vmem>>) target_semaphore(%arg14 : memref<!tpu.dma_semaphore, #tpu.memory_space<semaphore_mem>>)
      } else {
      }
      %mul3A_195 = arith.constant 12 : i32
      %mul3A_196 = arith.muli %mul3A_195, %scan3A_36 : i32
      %add3A_197 = arith.constant 6 : i32
      %add3A_198 = arith.addi %mul3A_196, %add3A_197 : i32
      %lt3A_199 = arith.cmpi slt, %add3A_198, %select_n3A : i32
      %convert_element_type3A_200 = arith.extui %lt3A_199 : i1 to i32
      %cond3A_201 = arith.constant 0 : i32
      %cond3A_202 = arith.cmpi ne, %convert_element_type3A_200, %cond3A_201 : i32
      scf.if %cond3A_202 {
        %add3A_357 = arith.addi %add3A_6, %add3A_198 : i32
        %dma_wait3A = arith.constant 0 : i32
        %dma_wait3A_358 = tpu.memref_slice %arg2[%add3A_357, %dma_wait3A] : memref<2500x128xi32, #tpu.memory_space<hbm>> -> memref<1x128xi32, #tpu.memory_space<hbm>>
        %dma_wait3A_359 = tpu.memref_squeeze %dma_wait3A_358 : memref<1x128xi32, #tpu.memory_space<hbm>> -> memref<128xi32, #tpu.memory_space<hbm>>
        %dma_wait3A_360 = arith.constant 0 : i32
        %dma_wait3A_361 = tpu.memref_slice %arg2[%add3A_357, %dma_wait3A_360] : memref<2500x128xi32, #tpu.memory_space<hbm>> -> memref<1x128xi32, #tpu.memory_space<hbm>>
        %dma_wait3A_362 = tpu.memref_squeeze %dma_wait3A_361 : memref<1x128xi32, #tpu.memory_space<hbm>> -> memref<128xi32, #tpu.memory_space<hbm>>
        tpu.wait_dma2 semaphore(%arg13 : memref<!tpu.dma_semaphore, #tpu.memory_space<semaphore_mem>>) src(%dma_wait3A_362 : memref<128xi32, #tpu.memory_space<hbm>>) dst(%arg5 : memref<128xi32, #tpu.memory_space<vmem>>)
      } else {
      }
      %ge3A_203 = arith.constant 3 : i32
      %ge3A_204 = arith.cmpi sge, %add3A_198, %ge3A_203 : i32
      %add3A_205 = arith.constant 3 : i32
      %add3A_206 = arith.addi %select_n3A, %add3A_205 : i32
      %lt3A_207 = arith.cmpi slt, %add3A_198, %add3A_206 : i32
      %and3A_208 = arith.andi %ge3A_204, %lt3A_207 : i1
      %convert_element_type3A_209 = arith.extui %and3A_208 : i1 to i32
      %cond3A_210 = arith.constant 0 : i32
      %cond3A_211 = arith.cmpi ne, %convert_element_type3A_209, %cond3A_210 : i32
      scf.if %cond3A_211 {
        %dma_wait3A = arith.constant 0 : i32
        %dma_wait3A_357 = arith.constant 0 : i32
        %dma_wait3A_358 = tpu.memref_slice %arg12[%dma_wait3A, %dma_wait3A_357] : memref<10000x8xf32, #tpu.memory_space<vmem_shared>> -> memref<10000x8xf32, #tpu.memory_space<vmem_shared>>
        tpu.wait_indirect_dma semaphore(%arg22 : memref<!tpu.dma_semaphore, #tpu.memory_space<semaphore_mem>>) src(%arg11 : memref<128x8xf32, #tpu.memory_space<vmem>>) dst(%dma_wait3A_358 : memref<10000x8xf32, #tpu.memory_space<vmem_shared>>)
      } else {
      }
      %lt3A_212 = arith.cmpi slt, %add3A_198, %select_n3A : i32
      %convert_element_type3A_213 = arith.extui %lt3A_212 : i1 to i32
      %cond3A_214 = arith.constant 0 : i32
      %cond3A_215 = arith.cmpi ne, %convert_element_type3A_213, %cond3A_214 : i32
      scf.if %cond3A_215 {
        %dma_start3A_357 = arith.constant 0 : i32
        %dma_start3A_358 = arith.constant 0 : i32
        %dma_start3A_359 = tpu.memref_slice %arg12[%dma_start3A_357, %dma_start3A_358] : memref<10000x8xf32, #tpu.memory_space<vmem_shared>> -> memref<10000x8xf32, #tpu.memory_space<vmem_shared>>
        tpu.enqueue_indirect_dma source(%arg11 : memref<128x8xf32, #tpu.memory_space<vmem>>) target(%dma_start3A_359 : memref<10000x8xf32, #tpu.memory_space<vmem_shared>>) offsets(%arg5 : memref<128xi32, #tpu.memory_space<vmem>>) semaphore(%arg21 : memref<!tpu.dma_semaphore, #tpu.memory_space<semaphore_mem>>) {add = true}
      } else {
      }
      %add3A_216 = arith.constant 2 : i32
      %add3A_217 = arith.addi %add3A_198, %add3A_216 : i32
      %lt3A_218 = arith.cmpi slt, %add3A_217, %select_n3A : i32
      %convert_element_type3A_219 = arith.extui %lt3A_218 : i1 to i32
      %cond3A_220 = arith.constant 0 : i32
      %cond3A_221 = arith.cmpi ne, %convert_element_type3A_219, %cond3A_220 : i32
      scf.if %cond3A_221 {
        %add3A_357 = arith.constant 2 : i32
        %add3A_358 = arith.addi %add3A_198, %add3A_357 : i32
        %add3A_359 = arith.addi %add3A_6, %add3A_358 : i32
        %dma_start3A_360 = arith.constant 0 : i32
        %dma_start3A_361 = tpu.memref_slice %arg2[%add3A_359, %dma_start3A_360] : memref<2500x128xi32, #tpu.memory_space<hbm>> -> memref<1x128xi32, #tpu.memory_space<hbm>>
        %dma_start3A_362 = tpu.memref_squeeze %dma_start3A_361 : memref<1x128xi32, #tpu.memory_space<hbm>> -> memref<128xi32, #tpu.memory_space<hbm>>
        %dma_start3A_363 = arith.constant 0 : i32
        %dma_start3A_364 = tpu.memref_slice %arg2[%add3A_359, %dma_start3A_363] : memref<2500x128xi32, #tpu.memory_space<hbm>> -> memref<1x128xi32, #tpu.memory_space<hbm>>
        %dma_start3A_365 = tpu.memref_squeeze %dma_start3A_364 : memref<1x128xi32, #tpu.memory_space<hbm>> -> memref<128xi32, #tpu.memory_space<hbm>>
        tpu.enqueue_dma source(%dma_start3A_365 : memref<128xi32, #tpu.memory_space<hbm>>) target(%arg7 : memref<128xi32, #tpu.memory_space<vmem>>) target_semaphore(%arg15 : memref<!tpu.dma_semaphore, #tpu.memory_space<semaphore_mem>>)
      } else {
      }
      %mul3A_222 = arith.constant 12 : i32
      %mul3A_223 = arith.muli %mul3A_222, %scan3A_36 : i32
      %add3A_224 = arith.constant 7 : i32
      %add3A_225 = arith.addi %mul3A_223, %add3A_224 : i32
      %lt3A_226 = arith.cmpi slt, %add3A_225, %select_n3A : i32
      %convert_element_type3A_227 = arith.extui %lt3A_226 : i1 to i32
      %cond3A_228 = arith.constant 0 : i32
      %cond3A_229 = arith.cmpi ne, %convert_element_type3A_227, %cond3A_228 : i32
      scf.if %cond3A_229 {
        %add3A_357 = arith.addi %add3A_6, %add3A_225 : i32
        %dma_wait3A = arith.constant 0 : i32
        %dma_wait3A_358 = tpu.memref_slice %arg2[%add3A_357, %dma_wait3A] : memref<2500x128xi32, #tpu.memory_space<hbm>> -> memref<1x128xi32, #tpu.memory_space<hbm>>
        %dma_wait3A_359 = tpu.memref_squeeze %dma_wait3A_358 : memref<1x128xi32, #tpu.memory_space<hbm>> -> memref<128xi32, #tpu.memory_space<hbm>>
        %dma_wait3A_360 = arith.constant 0 : i32
        %dma_wait3A_361 = tpu.memref_slice %arg2[%add3A_357, %dma_wait3A_360] : memref<2500x128xi32, #tpu.memory_space<hbm>> -> memref<1x128xi32, #tpu.memory_space<hbm>>
        %dma_wait3A_362 = tpu.memref_squeeze %dma_wait3A_361 : memref<1x128xi32, #tpu.memory_space<hbm>> -> memref<128xi32, #tpu.memory_space<hbm>>
        tpu.wait_dma2 semaphore(%arg14 : memref<!tpu.dma_semaphore, #tpu.memory_space<semaphore_mem>>) src(%dma_wait3A_362 : memref<128xi32, #tpu.memory_space<hbm>>) dst(%arg6 : memref<128xi32, #tpu.memory_space<vmem>>)
      } else {
      }
      %ge3A_230 = arith.constant 3 : i32
      %ge3A_231 = arith.cmpi sge, %add3A_225, %ge3A_230 : i32
      %add3A_232 = arith.constant 3 : i32
      %add3A_233 = arith.addi %select_n3A, %add3A_232 : i32
      %lt3A_234 = arith.cmpi slt, %add3A_225, %add3A_233 : i32
      %and3A_235 = arith.andi %ge3A_231, %lt3A_234 : i1
      %convert_element_type3A_236 = arith.extui %and3A_235 : i1 to i32
      %cond3A_237 = arith.constant 0 : i32
      %cond3A_238 = arith.cmpi ne, %convert_element_type3A_236, %cond3A_237 : i32
      scf.if %cond3A_238 {
        %dma_wait3A = arith.constant 0 : i32
        %dma_wait3A_357 = arith.constant 0 : i32
        %dma_wait3A_358 = tpu.memref_slice %arg12[%dma_wait3A, %dma_wait3A_357] : memref<10000x8xf32, #tpu.memory_space<vmem_shared>> -> memref<10000x8xf32, #tpu.memory_space<vmem_shared>>
        tpu.wait_indirect_dma semaphore(%arg19 : memref<!tpu.dma_semaphore, #tpu.memory_space<semaphore_mem>>) src(%arg11 : memref<128x8xf32, #tpu.memory_space<vmem>>) dst(%dma_wait3A_358 : memref<10000x8xf32, #tpu.memory_space<vmem_shared>>)
      } else {
      }
      %lt3A_239 = arith.cmpi slt, %add3A_225, %select_n3A : i32
      %convert_element_type3A_240 = arith.extui %lt3A_239 : i1 to i32
      %cond3A_241 = arith.constant 0 : i32
      %cond3A_242 = arith.cmpi ne, %convert_element_type3A_240, %cond3A_241 : i32
      scf.if %cond3A_242 {
        %dma_start3A_357 = arith.constant 0 : i32
        %dma_start3A_358 = arith.constant 0 : i32
        %dma_start3A_359 = tpu.memref_slice %arg12[%dma_start3A_357, %dma_start3A_358] : memref<10000x8xf32, #tpu.memory_space<vmem_shared>> -> memref<10000x8xf32, #tpu.memory_space<vmem_shared>>
        tpu.enqueue_indirect_dma source(%arg11 : memref<128x8xf32, #tpu.memory_space<vmem>>) target(%dma_start3A_359 : memref<10000x8xf32, #tpu.memory_space<vmem_shared>>) offsets(%arg6 : memref<128xi32, #tpu.memory_space<vmem>>) semaphore(%arg22 : memref<!tpu.dma_semaphore, #tpu.memory_space<semaphore_mem>>) {add = true}
      } else {
      }
      %add3A_243 = arith.constant 2 : i32
      %add3A_244 = arith.addi %add3A_225, %add3A_243 : i32
      %lt3A_245 = arith.cmpi slt, %add3A_244, %select_n3A : i32
      %convert_element_type3A_246 = arith.extui %lt3A_245 : i1 to i32
      %cond3A_247 = arith.constant 0 : i32
      %cond3A_248 = arith.cmpi ne, %convert_element_type3A_246, %cond3A_247 : i32
      scf.if %cond3A_248 {
        %add3A_357 = arith.constant 2 : i32
        %add3A_358 = arith.addi %add3A_225, %add3A_357 : i32
        %add3A_359 = arith.addi %add3A_6, %add3A_358 : i32
        %dma_start3A_360 = arith.constant 0 : i32
        %dma_start3A_361 = tpu.memref_slice %arg2[%add3A_359, %dma_start3A_360] : memref<2500x128xi32, #tpu.memory_space<hbm>> -> memref<1x128xi32, #tpu.memory_space<hbm>>
        %dma_start3A_362 = tpu.memref_squeeze %dma_start3A_361 : memref<1x128xi32, #tpu.memory_space<hbm>> -> memref<128xi32, #tpu.memory_space<hbm>>
        %dma_start3A_363 = arith.constant 0 : i32
        %dma_start3A_364 = tpu.memref_slice %arg2[%add3A_359, %dma_start3A_363] : memref<2500x128xi32, #tpu.memory_space<hbm>> -> memref<1x128xi32, #tpu.memory_space<hbm>>
        %dma_start3A_365 = tpu.memref_squeeze %dma_start3A_364 : memref<1x128xi32, #tpu.memory_space<hbm>> -> memref<128xi32, #tpu.memory_space<hbm>>
        tpu.enqueue_dma source(%dma_start3A_365 : memref<128xi32, #tpu.memory_space<hbm>>) target(%arg8 : memref<128xi32, #tpu.memory_space<vmem>>) target_semaphore(%arg16 : memref<!tpu.dma_semaphore, #tpu.memory_space<semaphore_mem>>)
      } else {
      }
      %mul3A_249 = arith.constant 12 : i32
      %mul3A_250 = arith.muli %mul3A_249, %scan3A_36 : i32
      %add3A_251 = arith.constant 8 : i32
      %add3A_252 = arith.addi %mul3A_250, %add3A_251 : i32
      %lt3A_253 = arith.cmpi slt, %add3A_252, %select_n3A : i32
      %convert_element_type3A_254 = arith.extui %lt3A_253 : i1 to i32
      %cond3A_255 = arith.constant 0 : i32
      %cond3A_256 = arith.cmpi ne, %convert_element_type3A_254, %cond3A_255 : i32
      scf.if %cond3A_256 {
        %add3A_357 = arith.addi %add3A_6, %add3A_252 : i32
        %dma_wait3A = arith.constant 0 : i32
        %dma_wait3A_358 = tpu.memref_slice %arg2[%add3A_357, %dma_wait3A] : memref<2500x128xi32, #tpu.memory_space<hbm>> -> memref<1x128xi32, #tpu.memory_space<hbm>>
        %dma_wait3A_359 = tpu.memref_squeeze %dma_wait3A_358 : memref<1x128xi32, #tpu.memory_space<hbm>> -> memref<128xi32, #tpu.memory_space<hbm>>
        %dma_wait3A_360 = arith.constant 0 : i32
        %dma_wait3A_361 = tpu.memref_slice %arg2[%add3A_357, %dma_wait3A_360] : memref<2500x128xi32, #tpu.memory_space<hbm>> -> memref<1x128xi32, #tpu.memory_space<hbm>>
        %dma_wait3A_362 = tpu.memref_squeeze %dma_wait3A_361 : memref<1x128xi32, #tpu.memory_space<hbm>> -> memref<128xi32, #tpu.memory_space<hbm>>
        tpu.wait_dma2 semaphore(%arg15 : memref<!tpu.dma_semaphore, #tpu.memory_space<semaphore_mem>>) src(%dma_wait3A_362 : memref<128xi32, #tpu.memory_space<hbm>>) dst(%arg7 : memref<128xi32, #tpu.memory_space<vmem>>)
      } else {
      }
      %ge3A_257 = arith.constant 3 : i32
      %ge3A_258 = arith.cmpi sge, %add3A_252, %ge3A_257 : i32
      %add3A_259 = arith.constant 3 : i32
      %add3A_260 = arith.addi %select_n3A, %add3A_259 : i32
      %lt3A_261 = arith.cmpi slt, %add3A_252, %add3A_260 : i32
      %and3A_262 = arith.andi %ge3A_258, %lt3A_261 : i1
      %convert_element_type3A_263 = arith.extui %and3A_262 : i1 to i32
      %cond3A_264 = arith.constant 0 : i32
      %cond3A_265 = arith.cmpi ne, %convert_element_type3A_263, %cond3A_264 : i32
      scf.if %cond3A_265 {
        %dma_wait3A = arith.constant 0 : i32
        %dma_wait3A_357 = arith.constant 0 : i32
        %dma_wait3A_358 = tpu.memref_slice %arg12[%dma_wait3A, %dma_wait3A_357] : memref<10000x8xf32, #tpu.memory_space<vmem_shared>> -> memref<10000x8xf32, #tpu.memory_space<vmem_shared>>
        tpu.wait_indirect_dma semaphore(%arg20 : memref<!tpu.dma_semaphore, #tpu.memory_space<semaphore_mem>>) src(%arg11 : memref<128x8xf32, #tpu.memory_space<vmem>>) dst(%dma_wait3A_358 : memref<10000x8xf32, #tpu.memory_space<vmem_shared>>)
      } else {
      }
      %lt3A_266 = arith.cmpi slt, %add3A_252, %select_n3A : i32
      %convert_element_type3A_267 = arith.extui %lt3A_266 : i1 to i32
      %cond3A_268 = arith.constant 0 : i32
      %cond3A_269 = arith.cmpi ne, %convert_element_type3A_267, %cond3A_268 : i32
      scf.if %cond3A_269 {
        %dma_start3A_357 = arith.constant 0 : i32
        %dma_start3A_358 = arith.constant 0 : i32
        %dma_start3A_359 = tpu.memref_slice %arg12[%dma_start3A_357, %dma_start3A_358] : memref<10000x8xf32, #tpu.memory_space<vmem_shared>> -> memref<10000x8xf32, #tpu.memory_space<vmem_shared>>
        tpu.enqueue_indirect_dma source(%arg11 : memref<128x8xf32, #tpu.memory_space<vmem>>) target(%dma_start3A_359 : memref<10000x8xf32, #tpu.memory_space<vmem_shared>>) offsets(%arg7 : memref<128xi32, #tpu.memory_space<vmem>>) semaphore(%arg19 : memref<!tpu.dma_semaphore, #tpu.memory_space<semaphore_mem>>) {add = true}
      } else {
      }
      %add3A_270 = arith.constant 2 : i32
      %add3A_271 = arith.addi %add3A_252, %add3A_270 : i32
      %lt3A_272 = arith.cmpi slt, %add3A_271, %select_n3A : i32
      %convert_element_type3A_273 = arith.extui %lt3A_272 : i1 to i32
      %cond3A_274 = arith.constant 0 : i32
      %cond3A_275 = arith.cmpi ne, %convert_element_type3A_273, %cond3A_274 : i32
      scf.if %cond3A_275 {
        %add3A_357 = arith.constant 2 : i32
        %add3A_358 = arith.addi %add3A_252, %add3A_357 : i32
        %add3A_359 = arith.addi %add3A_6, %add3A_358 : i32
        %dma_start3A_360 = arith.constant 0 : i32
        %dma_start3A_361 = tpu.memref_slice %arg2[%add3A_359, %dma_start3A_360] : memref<2500x128xi32, #tpu.memory_space<hbm>> -> memref<1x128xi32, #tpu.memory_space<hbm>>
        %dma_start3A_362 = tpu.memref_squeeze %dma_start3A_361 : memref<1x128xi32, #tpu.memory_space<hbm>> -> memref<128xi32, #tpu.memory_space<hbm>>
        %dma_start3A_363 = arith.constant 0 : i32
        %dma_start3A_364 = tpu.memref_slice %arg2[%add3A_359, %dma_start3A_363] : memref<2500x128xi32, #tpu.memory_space<hbm>> -> memref<1x128xi32, #tpu.memory_space<hbm>>
        %dma_start3A_365 = tpu.memref_squeeze %dma_start3A_364 : memref<1x128xi32, #tpu.memory_space<hbm>> -> memref<128xi32, #tpu.memory_space<hbm>>
        tpu.enqueue_dma source(%dma_start3A_365 : memref<128xi32, #tpu.memory_space<hbm>>) target(%arg9 : memref<128xi32, #tpu.memory_space<vmem>>) target_semaphore(%arg17 : memref<!tpu.dma_semaphore, #tpu.memory_space<semaphore_mem>>)
      } else {
      }
      %mul3A_276 = arith.constant 12 : i32
      %mul3A_277 = arith.muli %mul3A_276, %scan3A_36 : i32
      %add3A_278 = arith.constant 9 : i32
      %add3A_279 = arith.addi %mul3A_277, %add3A_278 : i32
      %lt3A_280 = arith.cmpi slt, %add3A_279, %select_n3A : i32
      %convert_element_type3A_281 = arith.extui %lt3A_280 : i1 to i32
      %cond3A_282 = arith.constant 0 : i32
      %cond3A_283 = arith.cmpi ne, %convert_element_type3A_281, %cond3A_282 : i32
      scf.if %cond3A_283 {
        %add3A_357 = arith.addi %add3A_6, %add3A_279 : i32
        %dma_wait3A = arith.constant 0 : i32
        %dma_wait3A_358 = tpu.memref_slice %arg2[%add3A_357, %dma_wait3A] : memref<2500x128xi32, #tpu.memory_space<hbm>> -> memref<1x128xi32, #tpu.memory_space<hbm>>
        %dma_wait3A_359 = tpu.memref_squeeze %dma_wait3A_358 : memref<1x128xi32, #tpu.memory_space<hbm>> -> memref<128xi32, #tpu.memory_space<hbm>>
        %dma_wait3A_360 = arith.constant 0 : i32
        %dma_wait3A_361 = tpu.memref_slice %arg2[%add3A_357, %dma_wait3A_360] : memref<2500x128xi32, #tpu.memory_space<hbm>> -> memref<1x128xi32, #tpu.memory_space<hbm>>
        %dma_wait3A_362 = tpu.memref_squeeze %dma_wait3A_361 : memref<1x128xi32, #tpu.memory_space<hbm>> -> memref<128xi32, #tpu.memory_space<hbm>>
        tpu.wait_dma2 semaphore(%arg16 : memref<!tpu.dma_semaphore, #tpu.memory_space<semaphore_mem>>) src(%dma_wait3A_362 : memref<128xi32, #tpu.memory_space<hbm>>) dst(%arg8 : memref<128xi32, #tpu.memory_space<vmem>>)
      } else {
      }
      %ge3A_284 = arith.constant 3 : i32
      %ge3A_285 = arith.cmpi sge, %add3A_279, %ge3A_284 : i32
      %add3A_286 = arith.constant 3 : i32
      %add3A_287 = arith.addi %select_n3A, %add3A_286 : i32
      %lt3A_288 = arith.cmpi slt, %add3A_279, %add3A_287 : i32
      %and3A_289 = arith.andi %ge3A_285, %lt3A_288 : i1
      %convert_element_type3A_290 = arith.extui %and3A_289 : i1 to i32
      %cond3A_291 = arith.constant 0 : i32
      %cond3A_292 = arith.cmpi ne, %convert_element_type3A_290, %cond3A_291 : i32
      scf.if %cond3A_292 {
        %dma_wait3A = arith.constant 0 : i32
        %dma_wait3A_357 = arith.constant 0 : i32
        %dma_wait3A_358 = tpu.memref_slice %arg12[%dma_wait3A, %dma_wait3A_357] : memref<10000x8xf32, #tpu.memory_space<vmem_shared>> -> memref<10000x8xf32, #tpu.memory_space<vmem_shared>>
        tpu.wait_indirect_dma semaphore(%arg21 : memref<!tpu.dma_semaphore, #tpu.memory_space<semaphore_mem>>) src(%arg11 : memref<128x8xf32, #tpu.memory_space<vmem>>) dst(%dma_wait3A_358 : memref<10000x8xf32, #tpu.memory_space<vmem_shared>>)
      } else {
      }
      %lt3A_293 = arith.cmpi slt, %add3A_279, %select_n3A : i32
      %convert_element_type3A_294 = arith.extui %lt3A_293 : i1 to i32
      %cond3A_295 = arith.constant 0 : i32
      %cond3A_296 = arith.cmpi ne, %convert_element_type3A_294, %cond3A_295 : i32
      scf.if %cond3A_296 {
        %dma_start3A_357 = arith.constant 0 : i32
        %dma_start3A_358 = arith.constant 0 : i32
        %dma_start3A_359 = tpu.memref_slice %arg12[%dma_start3A_357, %dma_start3A_358] : memref<10000x8xf32, #tpu.memory_space<vmem_shared>> -> memref<10000x8xf32, #tpu.memory_space<vmem_shared>>
        tpu.enqueue_indirect_dma source(%arg11 : memref<128x8xf32, #tpu.memory_space<vmem>>) target(%dma_start3A_359 : memref<10000x8xf32, #tpu.memory_space<vmem_shared>>) offsets(%arg8 : memref<128xi32, #tpu.memory_space<vmem>>) semaphore(%arg20 : memref<!tpu.dma_semaphore, #tpu.memory_space<semaphore_mem>>) {add = true}
      } else {
      }
      %add3A_297 = arith.constant 2 : i32
      %add3A_298 = arith.addi %add3A_279, %add3A_297 : i32
      %lt3A_299 = arith.cmpi slt, %add3A_298, %select_n3A : i32
      %convert_element_type3A_300 = arith.extui %lt3A_299 : i1 to i32
      %cond3A_301 = arith.constant 0 : i32
      %cond3A_302 = arith.cmpi ne, %convert_element_type3A_300, %cond3A_301 : i32
      scf.if %cond3A_302 {
        %add3A_357 = arith.constant 2 : i32
        %add3A_358 = arith.addi %add3A_279, %add3A_357 : i32
        %add3A_359 = arith.addi %add3A_6, %add3A_358 : i32
        %dma_start3A_360 = arith.constant 0 : i32
        %dma_start3A_361 = tpu.memref_slice %arg2[%add3A_359, %dma_start3A_360] : memref<2500x128xi32, #tpu.memory_space<hbm>> -> memref<1x128xi32, #tpu.memory_space<hbm>>
        %dma_start3A_362 = tpu.memref_squeeze %dma_start3A_361 : memref<1x128xi32, #tpu.memory_space<hbm>> -> memref<128xi32, #tpu.memory_space<hbm>>
        %dma_start3A_363 = arith.constant 0 : i32
        %dma_start3A_364 = tpu.memref_slice %arg2[%add3A_359, %dma_start3A_363] : memref<2500x128xi32, #tpu.memory_space<hbm>> -> memref<1x128xi32, #tpu.memory_space<hbm>>
        %dma_start3A_365 = tpu.memref_squeeze %dma_start3A_364 : memref<1x128xi32, #tpu.memory_space<hbm>> -> memref<128xi32, #tpu.memory_space<hbm>>
        tpu.enqueue_dma source(%dma_start3A_365 : memref<128xi32, #tpu.memory_space<hbm>>) target(%arg10 : memref<128xi32, #tpu.memory_space<vmem>>) target_semaphore(%arg18 : memref<!tpu.dma_semaphore, #tpu.memory_space<semaphore_mem>>)
      } else {
      }
      %mul3A_303 = arith.constant 12 : i32
      %mul3A_304 = arith.muli %mul3A_303, %scan3A_36 : i32
      %add3A_305 = arith.constant 10 : i32
      %add3A_306 = arith.addi %mul3A_304, %add3A_305 : i32
      %lt3A_307 = arith.cmpi slt, %add3A_306, %select_n3A : i32
      %convert_element_type3A_308 = arith.extui %lt3A_307 : i1 to i32
      %cond3A_309 = arith.constant 0 : i32
      %cond3A_310 = arith.cmpi ne, %convert_element_type3A_308, %cond3A_309 : i32
      scf.if %cond3A_310 {
        %add3A_357 = arith.addi %add3A_6, %add3A_306 : i32
        %dma_wait3A = arith.constant 0 : i32
        %dma_wait3A_358 = tpu.memref_slice %arg2[%add3A_357, %dma_wait3A] : memref<2500x128xi32, #tpu.memory_space<hbm>> -> memref<1x128xi32, #tpu.memory_space<hbm>>
        %dma_wait3A_359 = tpu.memref_squeeze %dma_wait3A_358 : memref<1x128xi32, #tpu.memory_space<hbm>> -> memref<128xi32, #tpu.memory_space<hbm>>
        %dma_wait3A_360 = arith.constant 0 : i32
        %dma_wait3A_361 = tpu.memref_slice %arg2[%add3A_357, %dma_wait3A_360] : memref<2500x128xi32, #tpu.memory_space<hbm>> -> memref<1x128xi32, #tpu.memory_space<hbm>>
        %dma_wait3A_362 = tpu.memref_squeeze %dma_wait3A_361 : memref<1x128xi32, #tpu.memory_space<hbm>> -> memref<128xi32, #tpu.memory_space<hbm>>
        tpu.wait_dma2 semaphore(%arg17 : memref<!tpu.dma_semaphore, #tpu.memory_space<semaphore_mem>>) src(%dma_wait3A_362 : memref<128xi32, #tpu.memory_space<hbm>>) dst(%arg9 : memref<128xi32, #tpu.memory_space<vmem>>)
      } else {
      }
      %ge3A_311 = arith.constant 3 : i32
      %ge3A_312 = arith.cmpi sge, %add3A_306, %ge3A_311 : i32
      %add3A_313 = arith.constant 3 : i32
      %add3A_314 = arith.addi %select_n3A, %add3A_313 : i32
      %lt3A_315 = arith.cmpi slt, %add3A_306, %add3A_314 : i32
      %and3A_316 = arith.andi %ge3A_312, %lt3A_315 : i1
      %convert_element_type3A_317 = arith.extui %and3A_316 : i1 to i32
      %cond3A_318 = arith.constant 0 : i32
      %cond3A_319 = arith.cmpi ne, %convert_element_type3A_317, %cond3A_318 : i32
      scf.if %cond3A_319 {
        %dma_wait3A = arith.constant 0 : i32
        %dma_wait3A_357 = arith.constant 0 : i32
        %dma_wait3A_358 = tpu.memref_slice %arg12[%dma_wait3A, %dma_wait3A_357] : memref<10000x8xf32, #tpu.memory_space<vmem_shared>> -> memref<10000x8xf32, #tpu.memory_space<vmem_shared>>
        tpu.wait_indirect_dma semaphore(%arg22 : memref<!tpu.dma_semaphore, #tpu.memory_space<semaphore_mem>>) src(%arg11 : memref<128x8xf32, #tpu.memory_space<vmem>>) dst(%dma_wait3A_358 : memref<10000x8xf32, #tpu.memory_space<vmem_shared>>)
      } else {
      }
      %lt3A_320 = arith.cmpi slt, %add3A_306, %select_n3A : i32
      %convert_element_type3A_321 = arith.extui %lt3A_320 : i1 to i32
      %cond3A_322 = arith.constant 0 : i32
      %cond3A_323 = arith.cmpi ne, %convert_element_type3A_321, %cond3A_322 : i32
      scf.if %cond3A_323 {
        %dma_start3A_357 = arith.constant 0 : i32
        %dma_start3A_358 = arith.constant 0 : i32
        %dma_start3A_359 = tpu.memref_slice %arg12[%dma_start3A_357, %dma_start3A_358] : memref<10000x8xf32, #tpu.memory_space<vmem_shared>> -> memref<10000x8xf32, #tpu.memory_space<vmem_shared>>
        tpu.enqueue_indirect_dma source(%arg11 : memref<128x8xf32, #tpu.memory_space<vmem>>) target(%dma_start3A_359 : memref<10000x8xf32, #tpu.memory_space<vmem_shared>>) offsets(%arg9 : memref<128xi32, #tpu.memory_space<vmem>>) semaphore(%arg21 : memref<!tpu.dma_semaphore, #tpu.memory_space<semaphore_mem>>) {add = true}
      } else {
      }
      %add3A_324 = arith.constant 2 : i32
      %add3A_325 = arith.addi %add3A_306, %add3A_324 : i32
      %lt3A_326 = arith.cmpi slt, %add3A_325, %select_n3A : i32
      %convert_element_type3A_327 = arith.extui %lt3A_326 : i1 to i32
      %cond3A_328 = arith.constant 0 : i32
      %cond3A_329 = arith.cmpi ne, %convert_element_type3A_327, %cond3A_328 : i32
      scf.if %cond3A_329 {
        %add3A_357 = arith.constant 2 : i32
        %add3A_358 = arith.addi %add3A_306, %add3A_357 : i32
        %add3A_359 = arith.addi %add3A_6, %add3A_358 : i32
        %dma_start3A_360 = arith.constant 0 : i32
        %dma_start3A_361 = tpu.memref_slice %arg2[%add3A_359, %dma_start3A_360] : memref<2500x128xi32, #tpu.memory_space<hbm>> -> memref<1x128xi32, #tpu.memory_space<hbm>>
        %dma_start3A_362 = tpu.memref_squeeze %dma_start3A_361 : memref<1x128xi32, #tpu.memory_space<hbm>> -> memref<128xi32, #tpu.memory_space<hbm>>
        %dma_start3A_363 = arith.constant 0 : i32
        %dma_start3A_364 = tpu.memref_slice %arg2[%add3A_359, %dma_start3A_363] : memref<2500x128xi32, #tpu.memory_space<hbm>> -> memref<1x128xi32, #tpu.memory_space<hbm>>
        %dma_start3A_365 = tpu.memref_squeeze %dma_start3A_364 : memref<1x128xi32, #tpu.memory_space<hbm>> -> memref<128xi32, #tpu.memory_space<hbm>>
        tpu.enqueue_dma source(%dma_start3A_365 : memref<128xi32, #tpu.memory_space<hbm>>) target(%arg5 : memref<128xi32, #tpu.memory_space<vmem>>) target_semaphore(%arg13 : memref<!tpu.dma_semaphore, #tpu.memory_space<semaphore_mem>>)
      } else {
      }
      %mul3A_330 = arith.constant 12 : i32
      %mul3A_331 = arith.muli %mul3A_330, %scan3A_36 : i32
      %add3A_332 = arith.constant 11 : i32
      %add3A_333 = arith.addi %mul3A_331, %add3A_332 : i32
      %lt3A_334 = arith.cmpi slt, %add3A_333, %select_n3A : i32
      %convert_element_type3A_335 = arith.extui %lt3A_334 : i1 to i32
      %cond3A_336 = arith.constant 0 : i32
      %cond3A_337 = arith.cmpi ne, %convert_element_type3A_335, %cond3A_336 : i32
      scf.if %cond3A_337 {
        %add3A_357 = arith.addi %add3A_6, %add3A_333 : i32
        %dma_wait3A = arith.constant 0 : i32
        %dma_wait3A_358 = tpu.memref_slice %arg2[%add3A_357, %dma_wait3A] : memref<2500x128xi32, #tpu.memory_space<hbm>> -> memref<1x128xi32, #tpu.memory_space<hbm>>
        %dma_wait3A_359 = tpu.memref_squeeze %dma_wait3A_358 : memref<1x128xi32, #tpu.memory_space<hbm>> -> memref<128xi32, #tpu.memory_space<hbm>>
        %dma_wait3A_360 = arith.constant 0 : i32
        %dma_wait3A_361 = tpu.memref_slice %arg2[%add3A_357, %dma_wait3A_360] : memref<2500x128xi32, #tpu.memory_space<hbm>> -> memref<1x128xi32, #tpu.memory_space<hbm>>
        %dma_wait3A_362 = tpu.memref_squeeze %dma_wait3A_361 : memref<1x128xi32, #tpu.memory_space<hbm>> -> memref<128xi32, #tpu.memory_space<hbm>>
        tpu.wait_dma2 semaphore(%arg18 : memref<!tpu.dma_semaphore, #tpu.memory_space<semaphore_mem>>) src(%dma_wait3A_362 : memref<128xi32, #tpu.memory_space<hbm>>) dst(%arg10 : memref<128xi32, #tpu.memory_space<vmem>>)
      } else {
      }
      %ge3A_338 = arith.constant 3 : i32
      %ge3A_339 = arith.cmpi sge, %add3A_333, %ge3A_338 : i32
      %add3A_340 = arith.constant 3 : i32
      %add3A_341 = arith.addi %select_n3A, %add3A_340 : i32
      %lt3A_342 = arith.cmpi slt, %add3A_333, %add3A_341 : i32
      %and3A_343 = arith.andi %ge3A_339, %lt3A_342 : i1
      %convert_element_type3A_344 = arith.extui %and3A_343 : i1 to i32
      %cond3A_345 = arith.constant 0 : i32
      %cond3A_346 = arith.cmpi ne, %convert_element_type3A_344, %cond3A_345 : i32
      scf.if %cond3A_346 {
        %dma_wait3A = arith.constant 0 : i32
        %dma_wait3A_357 = arith.constant 0 : i32
        %dma_wait3A_358 = tpu.memref_slice %arg12[%dma_wait3A, %dma_wait3A_357] : memref<10000x8xf32, #tpu.memory_space<vmem_shared>> -> memref<10000x8xf32, #tpu.memory_space<vmem_shared>>
        tpu.wait_indirect_dma semaphore(%arg19 : memref<!tpu.dma_semaphore, #tpu.memory_space<semaphore_mem>>) src(%arg11 : memref<128x8xf32, #tpu.memory_space<vmem>>) dst(%dma_wait3A_358 : memref<10000x8xf32, #tpu.memory_space<vmem_shared>>)
      } else {
      }
      %lt3A_347 = arith.cmpi slt, %add3A_333, %select_n3A : i32
      %convert_element_type3A_348 = arith.extui %lt3A_347 : i1 to i32
      %cond3A_349 = arith.constant 0 : i32
      %cond3A_350 = arith.cmpi ne, %convert_element_type3A_348, %cond3A_349 : i32
      scf.if %cond3A_350 {
        %dma_start3A_357 = arith.constant 0 : i32
        %dma_start3A_358 = arith.constant 0 : i32
        %dma_start3A_359 = tpu.memref_slice %arg12[%dma_start3A_357, %dma_start3A_358] : memref<10000x8xf32, #tpu.memory_space<vmem_shared>> -> memref<10000x8xf32, #tpu.memory_space<vmem_shared>>
        tpu.enqueue_indirect_dma source(%arg11 : memref<128x8xf32, #tpu.memory_space<vmem>>) target(%dma_start3A_359 : memref<10000x8xf32, #tpu.memory_space<vmem_shared>>) offsets(%arg10 : memref<128xi32, #tpu.memory_space<vmem>>) semaphore(%arg22 : memref<!tpu.dma_semaphore, #tpu.memory_space<semaphore_mem>>) {add = true}
      } else {
      }
      %add3A_351 = arith.constant 2 : i32
      %add3A_352 = arith.addi %add3A_333, %add3A_351 : i32
      %lt3A_353 = arith.cmpi slt, %add3A_352, %select_n3A : i32
      %convert_element_type3A_354 = arith.extui %lt3A_353 : i1 to i32
      %cond3A_355 = arith.constant 0 : i32
      %cond3A_356 = arith.cmpi ne, %convert_element_type3A_354, %cond3A_355 : i32
      scf.if %cond3A_356 {
        %add3A_357 = arith.constant 2 : i32
        %add3A_358 = arith.addi %add3A_333, %add3A_357 : i32
        %add3A_359 = arith.addi %add3A_6, %add3A_358 : i32
        %dma_start3A_360 = arith.constant 0 : i32
        %dma_start3A_361 = tpu.memref_slice %arg2[%add3A_359, %dma_start3A_360] : memref<2500x128xi32, #tpu.memory_space<hbm>> -> memref<1x128xi32, #tpu.memory_space<hbm>>
        %dma_start3A_362 = tpu.memref_squeeze %dma_start3A_361 : memref<1x128xi32, #tpu.memory_space<hbm>> -> memref<128xi32, #tpu.memory_space<hbm>>
        %dma_start3A_363 = arith.constant 0 : i32
        %dma_start3A_364 = tpu.memref_slice %arg2[%add3A_359, %dma_start3A_363] : memref<2500x128xi32, #tpu.memory_space<hbm>> -> memref<1x128xi32, #tpu.memory_space<hbm>>
        %dma_start3A_365 = tpu.memref_squeeze %dma_start3A_364 : memref<1x128xi32, #tpu.memory_space<hbm>> -> memref<128xi32, #tpu.memory_space<hbm>>
        tpu.enqueue_dma source(%dma_start3A_365 : memref<128xi32, #tpu.memory_space<hbm>>) target(%arg6 : memref<128xi32, #tpu.memory_space<vmem>>) target_semaphore(%arg14 : memref<!tpu.dma_semaphore, #tpu.memory_space<semaphore_mem>>)
      } else {
      }
    }
    %scan3A_30 = arith.constant 7 : i32
    %barrier3A_31 = arith.constant 0 : index
    tpu.barrier barrier_id(%barrier3A_31)
    %mul3A_32 = arith.constant 625 : i32
    %mul3A_33 = arith.muli %arg1, %mul3A_32 : i32
    %mul3A_34 = arith.constant 625 : i32
    %mul3A_35 = arith.muli %arg1, %mul3A_34 : i32
    "tpu.region"() ({
      %run_scoped3A = tpu.sem_alloc : memref<!tpu.dma_semaphore, #tpu.memory_space<semaphore_mem>>
      %dma_start3A_36 = arith.constant 0 : i32
      %dma_start3A_37 = tpu.memref_slice %arg4[%arg0, %mul3A_35, %dma_start3A_36] : memref<2x10000x8xf32, #tpu.memory_space<hbm>> -> memref<1x625x8xf32, #tpu.memory_space<hbm>>
      %dma_start3A_38 = tpu.memref_squeeze %dma_start3A_37 : memref<1x625x8xf32, #tpu.memory_space<hbm>> -> memref<625x8xf32, #tpu.memory_space<hbm>>
      %dma_start3A_39 = arith.constant 0 : i32
      %dma_start3A_40 = tpu.memref_slice %arg12[%mul3A_33, %dma_start3A_39] : memref<10000x8xf32, #tpu.memory_space<vmem_shared>> -> memref<625x8xf32, #tpu.memory_space<vmem_shared>>
      tpu.enqueue_dma source(%dma_start3A_40 : memref<625x8xf32, #tpu.memory_space<vmem_shared>>) target(%dma_start3A_38 : memref<625x8xf32, #tpu.memory_space<hbm>>) target_semaphore(%run_scoped3A : memref<!tpu.dma_semaphore, #tpu.memory_space<semaphore_mem>>)
      %dma_wait3A = arith.constant 0 : i32
      %dma_wait3A_41 = tpu.memref_slice %arg4[%arg0, %mul3A_35, %dma_wait3A] : memref<2x10000x8xf32, #tpu.memory_space<hbm>> -> memref<1x625x8xf32, #tpu.memory_space<hbm>>
      %dma_wait3A_42 = tpu.memref_squeeze %dma_wait3A_41 : memref<1x625x8xf32, #tpu.memory_space<hbm>> -> memref<625x8xf32, #tpu.memory_space<hbm>>
      %dma_wait3A_43 = arith.constant 0 : i32
      %dma_wait3A_44 = tpu.memref_slice %arg12[%mul3A_33, %dma_wait3A_43] : memref<10000x8xf32, #tpu.memory_space<vmem_shared>> -> memref<625x8xf32, #tpu.memory_space<vmem_shared>>
      tpu.wait_dma2 semaphore(%run_scoped3A : memref<!tpu.dma_semaphore, #tpu.memory_space<semaphore_mem>>) src(%dma_wait3A_44 : memref<625x8xf32, #tpu.memory_space<vmem_shared>>) dst(%dma_wait3A_42 : memref<625x8xf32, #tpu.memory_space<hbm>>)
      tpu.yield
    }) : () -> ()
    return
  }
}

#map = affine_map<(d0, d1) -> (0, 0)>
#map1 = affine_map<(d0, d1) -> (0, 0, 0)>
module attributes {stable_mosaic.version = 14 : i64} {
  func.func @_conv_kernel(%arg0: i32, %arg1: i32, %arg2: memref<10000x128xf32, #tpu.memory_space<hbm>>, %arg3: memref<2500x128xi32, #tpu.memory_space<hbm>>, %arg4: memref<2500x128xi32, #tpu.memory_space<hbm>>, %arg5: memref<2x10000x128xf32, #tpu.memory_space<hbm>>, %arg6: memref<128xi32, #tpu.memory_space<vmem>>, %arg7: memref<128xi32, #tpu.memory_space<vmem>>, %arg8: memref<128xi32, #tpu.memory_space<vmem>>, %arg9: memref<128xi32, #tpu.memory_space<vmem>>, %arg10: memref<128xi32, #tpu.memory_space<vmem>>, %arg11: memref<128xi32, #tpu.memory_space<vmem>>, %arg12: memref<128xi32, #tpu.memory_space<vmem>>, %arg13: memref<128xi32, #tpu.memory_space<vmem>>, %arg14: memref<128xi32, #tpu.memory_space<vmem>>, %arg15: memref<128xi32, #tpu.memory_space<vmem>>, %arg16: memref<128xi32, #tpu.memory_space<vmem>>, %arg17: memref<128xi32, #tpu.memory_space<vmem>>, %arg18: memref<128x128xf32, #tpu.memory_space<vmem>>, %arg19: memref<128x128xf32, #tpu.memory_space<vmem>>, %arg20: memref<128x128xf32, #tpu.memory_space<vmem>>, %arg21: memref<10000x128xf32, #tpu.memory_space<vmem_shared>>, %arg22: memref<!tpu.dma_semaphore, #tpu.memory_space<semaphore_mem>>, %arg23: memref<!tpu.dma_semaphore, #tpu.memory_space<semaphore_mem>>, %arg24: memref<!tpu.dma_semaphore, #tpu.memory_space<semaphore_mem>>, %arg25: memref<!tpu.dma_semaphore, #tpu.memory_space<semaphore_mem>>, %arg26: memref<!tpu.dma_semaphore, #tpu.memory_space<semaphore_mem>>, %arg27: memref<!tpu.dma_semaphore, #tpu.memory_space<semaphore_mem>>, %arg28: memref<!tpu.dma_semaphore, #tpu.memory_space<semaphore_mem>>, %arg29: memref<!tpu.dma_semaphore, #tpu.memory_space<semaphore_mem>>, %arg30: memref<!tpu.dma_semaphore, #tpu.memory_space<semaphore_mem>>, %arg31: memref<!tpu.dma_semaphore, #tpu.memory_space<semaphore_mem>>, %arg32: memref<!tpu.dma_semaphore, #tpu.memory_space<semaphore_mem>>) attributes {dimension_semantics = [#tpu.dimension_semantics<core_parallel>, #tpu.dimension_semantics<subcore_parallel>], iteration_bounds = array<i64: 2, 16>, scalar_prefetch = 0 : i64, scratch_operands = 27 : i64, tpu.core_type = #tpu.core_type<sc_vector_subcore>, window_params = [{transform_indices = #map}, {transform_indices = #map}, {transform_indices = #map}, {transform_indices = #map1}]} {
    %mul3A = arith.constant 2 : i32
    %mul3A_0 = arith.muli %arg1, %mul3A : i32
    %add3A = arith.addi %mul3A_0, %arg0 : i32
    %lt3A = arith.constant 4 : i32
    %lt3A_1 = arith.cmpi slt, %add3A, %lt3A : i32
    %jit3A = arith.constant 79 : i32
    %jit3A_2 = arith.constant 78 : i32
    %select_n3A = arith.select %lt3A_1, %jit3A, %jit3A_2 : i32
    %mul3A_3 = arith.constant 78 : i32
    %mul3A_4 = arith.muli %add3A, %mul3A_3 : i32
    %min3A = arith.constant 4 : i32
    %min3A_5 = arith.minsi %add3A, %min3A : i32
    %add3A_6 = arith.addi %mul3A_4, %min3A_5 : i32
    %add3A_7 = arith.constant 0 : i32
    %add3A_8 = arith.addi %add3A_6, %add3A_7 : i32
    %add3A_9 = arith.constant 0 : i32
    %add3A_10 = arith.addi %add3A_6, %add3A_9 : i32
    %dma_start3A = arith.constant 0 : i32
    %dma_start3A_11 = tpu.memref_slice %arg3[%add3A_8, %dma_start3A] : memref<2500x128xi32, #tpu.memory_space<hbm>> -> memref<1x128xi32, #tpu.memory_space<hbm>>
    %dma_start3A_12 = tpu.memref_squeeze %dma_start3A_11 : memref<1x128xi32, #tpu.memory_space<hbm>> -> memref<128xi32, #tpu.memory_space<hbm>>
    %dma_start3A_13 = arith.constant 0 : i32
    %dma_start3A_14 = tpu.memref_slice %arg3[%add3A_8, %dma_start3A_13] : memref<2500x128xi32, #tpu.memory_space<hbm>> -> memref<1x128xi32, #tpu.memory_space<hbm>>
    %dma_start3A_15 = tpu.memref_squeeze %dma_start3A_14 : memref<1x128xi32, #tpu.memory_space<hbm>> -> memref<128xi32, #tpu.memory_space<hbm>>
    tpu.enqueue_dma source(%dma_start3A_15 : memref<128xi32, #tpu.memory_space<hbm>>) target(%arg6 : memref<128xi32, #tpu.memory_space<vmem>>) target_semaphore(%arg22 : memref<!tpu.dma_semaphore, #tpu.memory_space<semaphore_mem>>)
    %dma_start3A_16 = arith.constant 0 : i32
    %dma_start3A_17 = tpu.memref_slice %arg4[%add3A_10, %dma_start3A_16] : memref<2500x128xi32, #tpu.memory_space<hbm>> -> memref<1x128xi32, #tpu.memory_space<hbm>>
    %dma_start3A_18 = tpu.memref_squeeze %dma_start3A_17 : memref<1x128xi32, #tpu.memory_space<hbm>> -> memref<128xi32, #tpu.memory_space<hbm>>
    %dma_start3A_19 = arith.constant 0 : i32
    %dma_start3A_20 = tpu.memref_slice %arg4[%add3A_10, %dma_start3A_19] : memref<2500x128xi32, #tpu.memory_space<hbm>> -> memref<1x128xi32, #tpu.memory_space<hbm>>
    %dma_start3A_21 = tpu.memref_squeeze %dma_start3A_20 : memref<1x128xi32, #tpu.memory_space<hbm>> -> memref<128xi32, #tpu.memory_space<hbm>>
    tpu.enqueue_dma source(%dma_start3A_21 : memref<128xi32, #tpu.memory_space<hbm>>) target(%arg12 : memref<128xi32, #tpu.memory_space<vmem>>) target_semaphore(%arg22 : memref<!tpu.dma_semaphore, #tpu.memory_space<semaphore_mem>>)
    %add3A_22 = arith.constant 1 : i32
    %add3A_23 = arith.addi %add3A_6, %add3A_22 : i32
    %add3A_24 = arith.constant 1 : i32
    %add3A_25 = arith.addi %add3A_6, %add3A_24 : i32
    %dma_start3A_26 = arith.constant 0 : i32
    %dma_start3A_27 = tpu.memref_slice %arg3[%add3A_23, %dma_start3A_26] : memref<2500x128xi32, #tpu.memory_space<hbm>> -> memref<1x128xi32, #tpu.memory_space<hbm>>
    %dma_start3A_28 = tpu.memref_squeeze %dma_start3A_27 : memref<1x128xi32, #tpu.memory_space<hbm>> -> memref<128xi32, #tpu.memory_space<hbm>>
    %dma_start3A_29 = arith.constant 0 : i32
    %dma_start3A_30 = tpu.memref_slice %arg3[%add3A_23, %dma_start3A_29] : memref<2500x128xi32, #tpu.memory_space<hbm>> -> memref<1x128xi32, #tpu.memory_space<hbm>>
    %dma_start3A_31 = tpu.memref_squeeze %dma_start3A_30 : memref<1x128xi32, #tpu.memory_space<hbm>> -> memref<128xi32, #tpu.memory_space<hbm>>
    tpu.enqueue_dma source(%dma_start3A_31 : memref<128xi32, #tpu.memory_space<hbm>>) target(%arg7 : memref<128xi32, #tpu.memory_space<vmem>>) target_semaphore(%arg23 : memref<!tpu.dma_semaphore, #tpu.memory_space<semaphore_mem>>)
    %dma_start3A_32 = arith.constant 0 : i32
    %dma_start3A_33 = tpu.memref_slice %arg4[%add3A_25, %dma_start3A_32] : memref<2500x128xi32, #tpu.memory_space<hbm>> -> memref<1x128xi32, #tpu.memory_space<hbm>>
    %dma_start3A_34 = tpu.memref_squeeze %dma_start3A_33 : memref<1x128xi32, #tpu.memory_space<hbm>> -> memref<128xi32, #tpu.memory_space<hbm>>
    %dma_start3A_35 = arith.constant 0 : i32
    %dma_start3A_36 = tpu.memref_slice %arg4[%add3A_25, %dma_start3A_35] : memref<2500x128xi32, #tpu.memory_space<hbm>> -> memref<1x128xi32, #tpu.memory_space<hbm>>
    %dma_start3A_37 = tpu.memref_squeeze %dma_start3A_36 : memref<1x128xi32, #tpu.memory_space<hbm>> -> memref<128xi32, #tpu.memory_space<hbm>>
    tpu.enqueue_dma source(%dma_start3A_37 : memref<128xi32, #tpu.memory_space<hbm>>) target(%arg13 : memref<128xi32, #tpu.memory_space<vmem>>) target_semaphore(%arg23 : memref<!tpu.dma_semaphore, #tpu.memory_space<semaphore_mem>>)
    %add3A_38 = arith.constant 2 : i32
    %add3A_39 = arith.addi %add3A_6, %add3A_38 : i32
    %add3A_40 = arith.constant 2 : i32
    %add3A_41 = arith.addi %add3A_6, %add3A_40 : i32
    %dma_start3A_42 = arith.constant 0 : i32
    %dma_start3A_43 = tpu.memref_slice %arg3[%add3A_39, %dma_start3A_42] : memref<2500x128xi32, #tpu.memory_space<hbm>> -> memref<1x128xi32, #tpu.memory_space<hbm>>
    %dma_start3A_44 = tpu.memref_squeeze %dma_start3A_43 : memref<1x128xi32, #tpu.memory_space<hbm>> -> memref<128xi32, #tpu.memory_space<hbm>>
    %dma_start3A_45 = arith.constant 0 : i32
    %dma_start3A_46 = tpu.memref_slice %arg3[%add3A_39, %dma_start3A_45] : memref<2500x128xi32, #tpu.memory_space<hbm>> -> memref<1x128xi32, #tpu.memory_space<hbm>>
    %dma_start3A_47 = tpu.memref_squeeze %dma_start3A_46 : memref<1x128xi32, #tpu.memory_space<hbm>> -> memref<128xi32, #tpu.memory_space<hbm>>
    tpu.enqueue_dma source(%dma_start3A_47 : memref<128xi32, #tpu.memory_space<hbm>>) target(%arg8 : memref<128xi32, #tpu.memory_space<vmem>>) target_semaphore(%arg24 : memref<!tpu.dma_semaphore, #tpu.memory_space<semaphore_mem>>)
    %dma_start3A_48 = arith.constant 0 : i32
    %dma_start3A_49 = tpu.memref_slice %arg4[%add3A_41, %dma_start3A_48] : memref<2500x128xi32, #tpu.memory_space<hbm>> -> memref<1x128xi32, #tpu.memory_space<hbm>>
    %dma_start3A_50 = tpu.memref_squeeze %dma_start3A_49 : memref<1x128xi32, #tpu.memory_space<hbm>> -> memref<128xi32, #tpu.memory_space<hbm>>
    %dma_start3A_51 = arith.constant 0 : i32
    %dma_start3A_52 = tpu.memref_slice %arg4[%add3A_41, %dma_start3A_51] : memref<2500x128xi32, #tpu.memory_space<hbm>> -> memref<1x128xi32, #tpu.memory_space<hbm>>
    %dma_start3A_53 = tpu.memref_squeeze %dma_start3A_52 : memref<1x128xi32, #tpu.memory_space<hbm>> -> memref<128xi32, #tpu.memory_space<hbm>>
    tpu.enqueue_dma source(%dma_start3A_53 : memref<128xi32, #tpu.memory_space<hbm>>) target(%arg14 : memref<128xi32, #tpu.memory_space<vmem>>) target_semaphore(%arg24 : memref<!tpu.dma_semaphore, #tpu.memory_space<semaphore_mem>>)
    %add3A_54 = arith.constant 3 : i32
    %add3A_55 = arith.addi %add3A_6, %add3A_54 : i32
    %add3A_56 = arith.constant 3 : i32
    %add3A_57 = arith.addi %add3A_6, %add3A_56 : i32
    %dma_start3A_58 = arith.constant 0 : i32
    %dma_start3A_59 = tpu.memref_slice %arg3[%add3A_55, %dma_start3A_58] : memref<2500x128xi32, #tpu.memory_space<hbm>> -> memref<1x128xi32, #tpu.memory_space<hbm>>
    %dma_start3A_60 = tpu.memref_squeeze %dma_start3A_59 : memref<1x128xi32, #tpu.memory_space<hbm>> -> memref<128xi32, #tpu.memory_space<hbm>>
    %dma_start3A_61 = arith.constant 0 : i32
    %dma_start3A_62 = tpu.memref_slice %arg3[%add3A_55, %dma_start3A_61] : memref<2500x128xi32, #tpu.memory_space<hbm>> -> memref<1x128xi32, #tpu.memory_space<hbm>>
    %dma_start3A_63 = tpu.memref_squeeze %dma_start3A_62 : memref<1x128xi32, #tpu.memory_space<hbm>> -> memref<128xi32, #tpu.memory_space<hbm>>
    tpu.enqueue_dma source(%dma_start3A_63 : memref<128xi32, #tpu.memory_space<hbm>>) target(%arg9 : memref<128xi32, #tpu.memory_space<vmem>>) target_semaphore(%arg25 : memref<!tpu.dma_semaphore, #tpu.memory_space<semaphore_mem>>)
    %dma_start3A_64 = arith.constant 0 : i32
    %dma_start3A_65 = tpu.memref_slice %arg4[%add3A_57, %dma_start3A_64] : memref<2500x128xi32, #tpu.memory_space<hbm>> -> memref<1x128xi32, #tpu.memory_space<hbm>>
    %dma_start3A_66 = tpu.memref_squeeze %dma_start3A_65 : memref<1x128xi32, #tpu.memory_space<hbm>> -> memref<128xi32, #tpu.memory_space<hbm>>
    %dma_start3A_67 = arith.constant 0 : i32
    %dma_start3A_68 = tpu.memref_slice %arg4[%add3A_57, %dma_start3A_67] : memref<2500x128xi32, #tpu.memory_space<hbm>> -> memref<1x128xi32, #tpu.memory_space<hbm>>
    %dma_start3A_69 = tpu.memref_squeeze %dma_start3A_68 : memref<1x128xi32, #tpu.memory_space<hbm>> -> memref<128xi32, #tpu.memory_space<hbm>>
    tpu.enqueue_dma source(%dma_start3A_69 : memref<128xi32, #tpu.memory_space<hbm>>) target(%arg15 : memref<128xi32, #tpu.memory_space<vmem>>) target_semaphore(%arg25 : memref<!tpu.dma_semaphore, #tpu.memory_space<semaphore_mem>>)
    %add3A_70 = arith.constant 0 : i32
    %add3A_71 = arith.addi %add3A_6, %add3A_70 : i32
    %add3A_72 = arith.constant 0 : i32
    %add3A_73 = arith.addi %add3A_6, %add3A_72 : i32
    %dma_wait3A = arith.constant 0 : i32
    %dma_wait3A_74 = tpu.memref_slice %arg3[%add3A_71, %dma_wait3A] : memref<2500x128xi32, #tpu.memory_space<hbm>> -> memref<1x128xi32, #tpu.memory_space<hbm>>
    %dma_wait3A_75 = tpu.memref_squeeze %dma_wait3A_74 : memref<1x128xi32, #tpu.memory_space<hbm>> -> memref<128xi32, #tpu.memory_space<hbm>>
    %dma_wait3A_76 = arith.constant 0 : i32
    %dma_wait3A_77 = tpu.memref_slice %arg3[%add3A_71, %dma_wait3A_76] : memref<2500x128xi32, #tpu.memory_space<hbm>> -> memref<1x128xi32, #tpu.memory_space<hbm>>
    %dma_wait3A_78 = tpu.memref_squeeze %dma_wait3A_77 : memref<1x128xi32, #tpu.memory_space<hbm>> -> memref<128xi32, #tpu.memory_space<hbm>>
    tpu.wait_dma2 semaphore(%arg22 : memref<!tpu.dma_semaphore, #tpu.memory_space<semaphore_mem>>) src(%dma_wait3A_78 : memref<128xi32, #tpu.memory_space<hbm>>) dst(%arg6 : memref<128xi32, #tpu.memory_space<vmem>>)
    %dma_wait3A_79 = arith.constant 0 : i32
    %dma_wait3A_80 = tpu.memref_slice %arg4[%add3A_73, %dma_wait3A_79] : memref<2500x128xi32, #tpu.memory_space<hbm>> -> memref<1x128xi32, #tpu.memory_space<hbm>>
    %dma_wait3A_81 = tpu.memref_squeeze %dma_wait3A_80 : memref<1x128xi32, #tpu.memory_space<hbm>> -> memref<128xi32, #tpu.memory_space<hbm>>
    %dma_wait3A_82 = arith.constant 0 : i32
    %dma_wait3A_83 = tpu.memref_slice %arg4[%add3A_73, %dma_wait3A_82] : memref<2500x128xi32, #tpu.memory_space<hbm>> -> memref<1x128xi32, #tpu.memory_space<hbm>>
    %dma_wait3A_84 = tpu.memref_squeeze %dma_wait3A_83 : memref<1x128xi32, #tpu.memory_space<hbm>> -> memref<128xi32, #tpu.memory_space<hbm>>
    tpu.wait_dma2 semaphore(%arg22 : memref<!tpu.dma_semaphore, #tpu.memory_space<semaphore_mem>>) src(%dma_wait3A_84 : memref<128xi32, #tpu.memory_space<hbm>>) dst(%arg12 : memref<128xi32, #tpu.memory_space<vmem>>)
    %dma_start3A_85 = arith.constant 0 : i32
    %dma_start3A_86 = arith.constant 0 : i32
    %dma_start3A_87 = tpu.memref_slice %arg2[%dma_start3A_85, %dma_start3A_86] : memref<10000x128xf32, #tpu.memory_space<hbm>> -> memref<10000x128xf32, #tpu.memory_space<hbm>>
    tpu.enqueue_indirect_dma source(%dma_start3A_87 : memref<10000x128xf32, #tpu.memory_space<hbm>>) target(%arg18 : memref<128x128xf32, #tpu.memory_space<vmem>>) offsets(%arg6 : memref<128xi32, #tpu.memory_space<vmem>>) semaphore(%arg28 : memref<!tpu.dma_semaphore, #tpu.memory_space<semaphore_mem>>)
    %add3A_88 = arith.constant 1 : i32
    %add3A_89 = arith.addi %add3A_6, %add3A_88 : i32
    %add3A_90 = arith.constant 1 : i32
    %add3A_91 = arith.addi %add3A_6, %add3A_90 : i32
    %dma_wait3A_92 = arith.constant 0 : i32
    %dma_wait3A_93 = tpu.memref_slice %arg3[%add3A_89, %dma_wait3A_92] : memref<2500x128xi32, #tpu.memory_space<hbm>> -> memref<1x128xi32, #tpu.memory_space<hbm>>
    %dma_wait3A_94 = tpu.memref_squeeze %dma_wait3A_93 : memref<1x128xi32, #tpu.memory_space<hbm>> -> memref<128xi32, #tpu.memory_space<hbm>>
    %dma_wait3A_95 = arith.constant 0 : i32
    %dma_wait3A_96 = tpu.memref_slice %arg3[%add3A_89, %dma_wait3A_95] : memref<2500x128xi32, #tpu.memory_space<hbm>> -> memref<1x128xi32, #tpu.memory_space<hbm>>
    %dma_wait3A_97 = tpu.memref_squeeze %dma_wait3A_96 : memref<1x128xi32, #tpu.memory_space<hbm>> -> memref<128xi32, #tpu.memory_space<hbm>>
    tpu.wait_dma2 semaphore(%arg23 : memref<!tpu.dma_semaphore, #tpu.memory_space<semaphore_mem>>) src(%dma_wait3A_97 : memref<128xi32, #tpu.memory_space<hbm>>) dst(%arg7 : memref<128xi32, #tpu.memory_space<vmem>>)
    %dma_wait3A_98 = arith.constant 0 : i32
    %dma_wait3A_99 = tpu.memref_slice %arg4[%add3A_91, %dma_wait3A_98] : memref<2500x128xi32, #tpu.memory_space<hbm>> -> memref<1x128xi32, #tpu.memory_space<hbm>>
    %dma_wait3A_100 = tpu.memref_squeeze %dma_wait3A_99 : memref<1x128xi32, #tpu.memory_space<hbm>> -> memref<128xi32, #tpu.memory_space<hbm>>
    %dma_wait3A_101 = arith.constant 0 : i32
    %dma_wait3A_102 = tpu.memref_slice %arg4[%add3A_91, %dma_wait3A_101] : memref<2500x128xi32, #tpu.memory_space<hbm>> -> memref<1x128xi32, #tpu.memory_space<hbm>>
    %dma_wait3A_103 = tpu.memref_squeeze %dma_wait3A_102 : memref<1x128xi32, #tpu.memory_space<hbm>> -> memref<128xi32, #tpu.memory_space<hbm>>
    tpu.wait_dma2 semaphore(%arg23 : memref<!tpu.dma_semaphore, #tpu.memory_space<semaphore_mem>>) src(%dma_wait3A_103 : memref<128xi32, #tpu.memory_space<hbm>>) dst(%arg13 : memref<128xi32, #tpu.memory_space<vmem>>)
    %dma_start3A_104 = arith.constant 0 : i32
    %dma_start3A_105 = arith.constant 0 : i32
    %dma_start3A_106 = tpu.memref_slice %arg2[%dma_start3A_104, %dma_start3A_105] : memref<10000x128xf32, #tpu.memory_space<hbm>> -> memref<10000x128xf32, #tpu.memory_space<hbm>>
    tpu.enqueue_indirect_dma source(%dma_start3A_106 : memref<10000x128xf32, #tpu.memory_space<hbm>>) target(%arg19 : memref<128x128xf32, #tpu.memory_space<vmem>>) offsets(%arg7 : memref<128xi32, #tpu.memory_space<vmem>>) semaphore(%arg29 : memref<!tpu.dma_semaphore, #tpu.memory_space<semaphore_mem>>)
    %mul3A_107 = arith.constant 625 : i32
    %mul3A_108 = arith.muli %arg1, %mul3A_107 : i32
    %mul3A_109 = arith.constant 625 : i32
    %mul3A_110 = arith.muli %arg1, %mul3A_109 : i32
    "tpu.region"() ({
      %run_scoped3A = tpu.sem_alloc : memref<!tpu.dma_semaphore, #tpu.memory_space<semaphore_mem>>
      %dma_start3A_121 = arith.constant 0 : i32
      %dma_start3A_122 = tpu.memref_slice %arg21[%mul3A_110, %dma_start3A_121] : memref<10000x128xf32, #tpu.memory_space<vmem_shared>> -> memref<625x128xf32, #tpu.memory_space<vmem_shared>>
      %dma_start3A_123 = arith.constant 0 : i32
      %dma_start3A_124 = tpu.memref_slice %arg2[%mul3A_108, %dma_start3A_123] : memref<10000x128xf32, #tpu.memory_space<hbm>> -> memref<625x128xf32, #tpu.memory_space<hbm>>
      tpu.enqueue_dma source(%dma_start3A_124 : memref<625x128xf32, #tpu.memory_space<hbm>>) target(%dma_start3A_122 : memref<625x128xf32, #tpu.memory_space<vmem_shared>>) target_semaphore(%run_scoped3A : memref<!tpu.dma_semaphore, #tpu.memory_space<semaphore_mem>>)
      %dma_wait3A_125 = arith.constant 0 : i32
      %dma_wait3A_126 = tpu.memref_slice %arg21[%mul3A_110, %dma_wait3A_125] : memref<10000x128xf32, #tpu.memory_space<vmem_shared>> -> memref<625x128xf32, #tpu.memory_space<vmem_shared>>
      %dma_wait3A_127 = arith.constant 0 : i32
      %dma_wait3A_128 = tpu.memref_slice %arg2[%mul3A_108, %dma_wait3A_127] : memref<10000x128xf32, #tpu.memory_space<hbm>> -> memref<625x128xf32, #tpu.memory_space<hbm>>
      tpu.wait_dma2 semaphore(%run_scoped3A : memref<!tpu.dma_semaphore, #tpu.memory_space<semaphore_mem>>) src(%dma_wait3A_128 : memref<625x128xf32, #tpu.memory_space<hbm>>) dst(%dma_wait3A_126 : memref<625x128xf32, #tpu.memory_space<vmem_shared>>)
      tpu.yield
    }) : () -> ()
    %barrier3A = arith.constant 0 : index
    tpu.barrier barrier_id(%barrier3A)
    %scan3A = arith.constant 0 : i32
    %scan3A_111 = arith.constant 0 : i32
    %scan3A_112 = arith.constant 14 : i32
    %scan3A_113 = arith.addi %scan3A_111, %scan3A_112 : i32
    %scan3A_114 = arith.constant 1 : i32
    scf.for %scan3A_121 = %scan3A_111 to %scan3A_113 step %scan3A_114  : i32 {
      %mul3A_122 = arith.constant 6 : i32
      %mul3A_123 = arith.muli %mul3A_122, %scan3A_121 : i32
      %add3A_124 = arith.constant 0 : i32
      %add3A_125 = arith.addi %mul3A_123, %add3A_124 : i32
      %lt3A_126 = arith.cmpi slt, %add3A_125, %select_n3A : i32
      %convert_element_type3A = arith.extui %lt3A_126 : i1 to i32
      %cond3A = arith.constant 0 : i32
      %cond3A_127 = arith.cmpi ne, %convert_element_type3A, %cond3A : i32
      scf.if %cond3A_127 {
        %dma_wait3A_316 = arith.constant 0 : i32
        %dma_wait3A_317 = arith.constant 0 : i32
        %dma_wait3A_318 = tpu.memref_slice %arg2[%dma_wait3A_316, %dma_wait3A_317] : memref<10000x128xf32, #tpu.memory_space<hbm>> -> memref<10000x128xf32, #tpu.memory_space<hbm>>
        tpu.wait_indirect_dma semaphore(%arg28 : memref<!tpu.dma_semaphore, #tpu.memory_space<semaphore_mem>>) src(%dma_wait3A_318 : memref<10000x128xf32, #tpu.memory_space<hbm>>) dst(%arg18 : memref<128x128xf32, #tpu.memory_space<vmem>>)
      } else {
      }
      %ge3A = arith.constant 1 : i32
      %ge3A_128 = arith.cmpi sge, %add3A_125, %ge3A : i32
      %add3A_129 = arith.constant 1 : i32
      %add3A_130 = arith.addi %select_n3A, %add3A_129 : i32
      %lt3A_131 = arith.cmpi slt, %add3A_125, %add3A_130 : i32
      %and3A = arith.andi %ge3A_128, %lt3A_131 : i1
      %convert_element_type3A_132 = arith.extui %and3A : i1 to i32
      %cond3A_133 = arith.constant 0 : i32
      %cond3A_134 = arith.cmpi ne, %convert_element_type3A_132, %cond3A_133 : i32
      scf.if %cond3A_134 {
        %dma_wait3A_316 = arith.constant 0 : i32
        %dma_wait3A_317 = arith.constant 0 : i32
        %dma_wait3A_318 = tpu.memref_slice %arg21[%dma_wait3A_316, %dma_wait3A_317] : memref<10000x128xf32, #tpu.memory_space<vmem_shared>> -> memref<10000x128xf32, #tpu.memory_space<vmem_shared>>
        tpu.wait_indirect_dma semaphore(%arg32 : memref<!tpu.dma_semaphore, #tpu.memory_space<semaphore_mem>>) src(%arg20 : memref<128x128xf32, #tpu.memory_space<vmem>>) dst(%dma_wait3A_318 : memref<10000x128xf32, #tpu.memory_space<vmem_shared>>)
      } else {
      }
      %lt3A_135 = arith.cmpi slt, %add3A_125, %select_n3A : i32
      %convert_element_type3A_136 = arith.extui %lt3A_135 : i1 to i32
      %cond3A_137 = arith.constant 0 : i32
      %cond3A_138 = arith.cmpi ne, %convert_element_type3A_136, %cond3A_137 : i32
      scf.if %cond3A_138 {
        %dma_start3A_316 = arith.constant 0 : i32
        %dma_start3A_317 = arith.constant 0 : i32
        %dma_start3A_318 = tpu.memref_slice %arg21[%dma_start3A_316, %dma_start3A_317] : memref<10000x128xf32, #tpu.memory_space<vmem_shared>> -> memref<10000x128xf32, #tpu.memory_space<vmem_shared>>
        tpu.enqueue_indirect_dma source(%arg18 : memref<128x128xf32, #tpu.memory_space<vmem>>) target(%dma_start3A_318 : memref<10000x128xf32, #tpu.memory_space<vmem_shared>>) offsets(%arg12 : memref<128xi32, #tpu.memory_space<vmem>>) semaphore(%arg31 : memref<!tpu.dma_semaphore, #tpu.memory_space<semaphore_mem>>) {add = true}
      } else {
      }
      %add3A_139 = arith.constant 2 : i32
      %add3A_140 = arith.addi %add3A_125, %add3A_139 : i32
      %lt3A_141 = arith.cmpi slt, %add3A_140, %select_n3A : i32
      %convert_element_type3A_142 = arith.extui %lt3A_141 : i1 to i32
      %cond3A_143 = arith.constant 0 : i32
      %cond3A_144 = arith.cmpi ne, %convert_element_type3A_142, %cond3A_143 : i32
      scf.if %cond3A_144 {
        %add3A_316 = arith.constant 2 : i32
        %add3A_317 = arith.addi %add3A_125, %add3A_316 : i32
        %add3A_318 = arith.addi %add3A_6, %add3A_317 : i32
        %add3A_319 = arith.addi %add3A_6, %add3A_317 : i32
        %dma_wait3A_320 = arith.constant 0 : i32
        %dma_wait3A_321 = tpu.memref_slice %arg3[%add3A_318, %dma_wait3A_320] : memref<2500x128xi32, #tpu.memory_space<hbm>> -> memref<1x128xi32, #tpu.memory_space<hbm>>
        %dma_wait3A_322 = tpu.memref_squeeze %dma_wait3A_321 : memref<1x128xi32, #tpu.memory_space<hbm>> -> memref<128xi32, #tpu.memory_space<hbm>>
        %dma_wait3A_323 = arith.constant 0 : i32
        %dma_wait3A_324 = tpu.memref_slice %arg3[%add3A_318, %dma_wait3A_323] : memref<2500x128xi32, #tpu.memory_space<hbm>> -> memref<1x128xi32, #tpu.memory_space<hbm>>
        %dma_wait3A_325 = tpu.memref_squeeze %dma_wait3A_324 : memref<1x128xi32, #tpu.memory_space<hbm>> -> memref<128xi32, #tpu.memory_space<hbm>>
        tpu.wait_dma2 semaphore(%arg24 : memref<!tpu.dma_semaphore, #tpu.memory_space<semaphore_mem>>) src(%dma_wait3A_325 : memref<128xi32, #tpu.memory_space<hbm>>) dst(%arg8 : memref<128xi32, #tpu.memory_space<vmem>>)
        %dma_wait3A_326 = arith.constant 0 : i32
        %dma_wait3A_327 = tpu.memref_slice %arg4[%add3A_319, %dma_wait3A_326] : memref<2500x128xi32, #tpu.memory_space<hbm>> -> memref<1x128xi32, #tpu.memory_space<hbm>>
        %dma_wait3A_328 = tpu.memref_squeeze %dma_wait3A_327 : memref<1x128xi32, #tpu.memory_space<hbm>> -> memref<128xi32, #tpu.memory_space<hbm>>
        %dma_wait3A_329 = arith.constant 0 : i32
        %dma_wait3A_330 = tpu.memref_slice %arg4[%add3A_319, %dma_wait3A_329] : memref<2500x128xi32, #tpu.memory_space<hbm>> -> memref<1x128xi32, #tpu.memory_space<hbm>>
        %dma_wait3A_331 = tpu.memref_squeeze %dma_wait3A_330 : memref<1x128xi32, #tpu.memory_space<hbm>> -> memref<128xi32, #tpu.memory_space<hbm>>
        tpu.wait_dma2 semaphore(%arg24 : memref<!tpu.dma_semaphore, #tpu.memory_space<semaphore_mem>>) src(%dma_wait3A_331 : memref<128xi32, #tpu.memory_space<hbm>>) dst(%arg14 : memref<128xi32, #tpu.memory_space<vmem>>)
        %dma_start3A_332 = arith.constant 0 : i32
        %dma_start3A_333 = arith.constant 0 : i32
        %dma_start3A_334 = tpu.memref_slice %arg2[%dma_start3A_332, %dma_start3A_333] : memref<10000x128xf32, #tpu.memory_space<hbm>> -> memref<10000x128xf32, #tpu.memory_space<hbm>>
        tpu.enqueue_indirect_dma source(%dma_start3A_334 : memref<10000x128xf32, #tpu.memory_space<hbm>>) target(%arg20 : memref<128x128xf32, #tpu.memory_space<vmem>>) offsets(%arg8 : memref<128xi32, #tpu.memory_space<vmem>>) semaphore(%arg30 : memref<!tpu.dma_semaphore, #tpu.memory_space<semaphore_mem>>)
      } else {
      }
      %add3A_145 = arith.constant 4 : i32
      %add3A_146 = arith.addi %add3A_125, %add3A_145 : i32
      %lt3A_147 = arith.cmpi slt, %add3A_146, %select_n3A : i32
      %convert_element_type3A_148 = arith.extui %lt3A_147 : i1 to i32
      %cond3A_149 = arith.constant 0 : i32
      %cond3A_150 = arith.cmpi ne, %convert_element_type3A_148, %cond3A_149 : i32
      scf.if %cond3A_150 {
        %add3A_316 = arith.constant 4 : i32
        %add3A_317 = arith.addi %add3A_125, %add3A_316 : i32
        %add3A_318 = arith.addi %add3A_6, %add3A_317 : i32
        %add3A_319 = arith.addi %add3A_6, %add3A_317 : i32
        %dma_start3A_320 = arith.constant 0 : i32
        %dma_start3A_321 = tpu.memref_slice %arg3[%add3A_318, %dma_start3A_320] : memref<2500x128xi32, #tpu.memory_space<hbm>> -> memref<1x128xi32, #tpu.memory_space<hbm>>
        %dma_start3A_322 = tpu.memref_squeeze %dma_start3A_321 : memref<1x128xi32, #tpu.memory_space<hbm>> -> memref<128xi32, #tpu.memory_space<hbm>>
        %dma_start3A_323 = arith.constant 0 : i32
        %dma_start3A_324 = tpu.memref_slice %arg3[%add3A_318, %dma_start3A_323] : memref<2500x128xi32, #tpu.memory_space<hbm>> -> memref<1x128xi32, #tpu.memory_space<hbm>>
        %dma_start3A_325 = tpu.memref_squeeze %dma_start3A_324 : memref<1x128xi32, #tpu.memory_space<hbm>> -> memref<128xi32, #tpu.memory_space<hbm>>
        tpu.enqueue_dma source(%dma_start3A_325 : memref<128xi32, #tpu.memory_space<hbm>>) target(%arg10 : memref<128xi32, #tpu.memory_space<vmem>>) target_semaphore(%arg26 : memref<!tpu.dma_semaphore, #tpu.memory_space<semaphore_mem>>)
        %dma_start3A_326 = arith.constant 0 : i32
        %dma_start3A_327 = tpu.memref_slice %arg4[%add3A_319, %dma_start3A_326] : memref<2500x128xi32, #tpu.memory_space<hbm>> -> memref<1x128xi32, #tpu.memory_space<hbm>>
        %dma_start3A_328 = tpu.memref_squeeze %dma_start3A_327 : memref<1x128xi32, #tpu.memory_space<hbm>> -> memref<128xi32, #tpu.memory_space<hbm>>
        %dma_start3A_329 = arith.constant 0 : i32
        %dma_start3A_330 = tpu.memref_slice %arg4[%add3A_319, %dma_start3A_329] : memref<2500x128xi32, #tpu.memory_space<hbm>> -> memref<1x128xi32, #tpu.memory_space<hbm>>
        %dma_start3A_331 = tpu.memref_squeeze %dma_start3A_330 : memref<1x128xi32, #tpu.memory_space<hbm>> -> memref<128xi32, #tpu.memory_space<hbm>>
        tpu.enqueue_dma source(%dma_start3A_331 : memref<128xi32, #tpu.memory_space<hbm>>) target(%arg16 : memref<128xi32, #tpu.memory_space<vmem>>) target_semaphore(%arg26 : memref<!tpu.dma_semaphore, #tpu.memory_space<semaphore_mem>>)
      } else {
      }
      %mul3A_151 = arith.constant 6 : i32
      %mul3A_152 = arith.muli %mul3A_151, %scan3A_121 : i32
      %add3A_153 = arith.constant 1 : i32
      %add3A_154 = arith.addi %mul3A_152, %add3A_153 : i32
      %lt3A_155 = arith.cmpi slt, %add3A_154, %select_n3A : i32
      %convert_element_type3A_156 = arith.extui %lt3A_155 : i1 to i32
      %cond3A_157 = arith.constant 0 : i32
      %cond3A_158 = arith.cmpi ne, %convert_element_type3A_156, %cond3A_157 : i32
      scf.if %cond3A_158 {
        %dma_wait3A_316 = arith.constant 0 : i32
        %dma_wait3A_317 = arith.constant 0 : i32
        %dma_wait3A_318 = tpu.memref_slice %arg2[%dma_wait3A_316, %dma_wait3A_317] : memref<10000x128xf32, #tpu.memory_space<hbm>> -> memref<10000x128xf32, #tpu.memory_space<hbm>>
        tpu.wait_indirect_dma semaphore(%arg29 : memref<!tpu.dma_semaphore, #tpu.memory_space<semaphore_mem>>) src(%dma_wait3A_318 : memref<10000x128xf32, #tpu.memory_space<hbm>>) dst(%arg19 : memref<128x128xf32, #tpu.memory_space<vmem>>)
      } else {
      }
      %ge3A_159 = arith.constant 1 : i32
      %ge3A_160 = arith.cmpi sge, %add3A_154, %ge3A_159 : i32
      %add3A_161 = arith.constant 1 : i32
      %add3A_162 = arith.addi %select_n3A, %add3A_161 : i32
      %lt3A_163 = arith.cmpi slt, %add3A_154, %add3A_162 : i32
      %and3A_164 = arith.andi %ge3A_160, %lt3A_163 : i1
      %convert_element_type3A_165 = arith.extui %and3A_164 : i1 to i32
      %cond3A_166 = arith.constant 0 : i32
      %cond3A_167 = arith.cmpi ne, %convert_element_type3A_165, %cond3A_166 : i32
      scf.if %cond3A_167 {
        %dma_wait3A_316 = arith.constant 0 : i32
        %dma_wait3A_317 = arith.constant 0 : i32
        %dma_wait3A_318 = tpu.memref_slice %arg21[%dma_wait3A_316, %dma_wait3A_317] : memref<10000x128xf32, #tpu.memory_space<vmem_shared>> -> memref<10000x128xf32, #tpu.memory_space<vmem_shared>>
        tpu.wait_indirect_dma semaphore(%arg31 : memref<!tpu.dma_semaphore, #tpu.memory_space<semaphore_mem>>) src(%arg18 : memref<128x128xf32, #tpu.memory_space<vmem>>) dst(%dma_wait3A_318 : memref<10000x128xf32, #tpu.memory_space<vmem_shared>>)
      } else {
      }
      %lt3A_168 = arith.cmpi slt, %add3A_154, %select_n3A : i32
      %convert_element_type3A_169 = arith.extui %lt3A_168 : i1 to i32
      %cond3A_170 = arith.constant 0 : i32
      %cond3A_171 = arith.cmpi ne, %convert_element_type3A_169, %cond3A_170 : i32
      scf.if %cond3A_171 {
        %dma_start3A_316 = arith.constant 0 : i32
        %dma_start3A_317 = arith.constant 0 : i32
        %dma_start3A_318 = tpu.memref_slice %arg21[%dma_start3A_316, %dma_start3A_317] : memref<10000x128xf32, #tpu.memory_space<vmem_shared>> -> memref<10000x128xf32, #tpu.memory_space<vmem_shared>>
        tpu.enqueue_indirect_dma source(%arg19 : memref<128x128xf32, #tpu.memory_space<vmem>>) target(%dma_start3A_318 : memref<10000x128xf32, #tpu.memory_space<vmem_shared>>) offsets(%arg13 : memref<128xi32, #tpu.memory_space<vmem>>) semaphore(%arg32 : memref<!tpu.dma_semaphore, #tpu.memory_space<semaphore_mem>>) {add = true}
      } else {
      }
      %add3A_172 = arith.constant 2 : i32
      %add3A_173 = arith.addi %add3A_154, %add3A_172 : i32
      %lt3A_174 = arith.cmpi slt, %add3A_173, %select_n3A : i32
      %convert_element_type3A_175 = arith.extui %lt3A_174 : i1 to i32
      %cond3A_176 = arith.constant 0 : i32
      %cond3A_177 = arith.cmpi ne, %convert_element_type3A_175, %cond3A_176 : i32
      scf.if %cond3A_177 {
        %add3A_316 = arith.constant 2 : i32
        %add3A_317 = arith.addi %add3A_154, %add3A_316 : i32
        %add3A_318 = arith.addi %add3A_6, %add3A_317 : i32
        %add3A_319 = arith.addi %add3A_6, %add3A_317 : i32
        %dma_wait3A_320 = arith.constant 0 : i32
        %dma_wait3A_321 = tpu.memref_slice %arg3[%add3A_318, %dma_wait3A_320] : memref<2500x128xi32, #tpu.memory_space<hbm>> -> memref<1x128xi32, #tpu.memory_space<hbm>>
        %dma_wait3A_322 = tpu.memref_squeeze %dma_wait3A_321 : memref<1x128xi32, #tpu.memory_space<hbm>> -> memref<128xi32, #tpu.memory_space<hbm>>
        %dma_wait3A_323 = arith.constant 0 : i32
        %dma_wait3A_324 = tpu.memref_slice %arg3[%add3A_318, %dma_wait3A_323] : memref<2500x128xi32, #tpu.memory_space<hbm>> -> memref<1x128xi32, #tpu.memory_space<hbm>>
        %dma_wait3A_325 = tpu.memref_squeeze %dma_wait3A_324 : memref<1x128xi32, #tpu.memory_space<hbm>> -> memref<128xi32, #tpu.memory_space<hbm>>
        tpu.wait_dma2 semaphore(%arg25 : memref<!tpu.dma_semaphore, #tpu.memory_space<semaphore_mem>>) src(%dma_wait3A_325 : memref<128xi32, #tpu.memory_space<hbm>>) dst(%arg9 : memref<128xi32, #tpu.memory_space<vmem>>)
        %dma_wait3A_326 = arith.constant 0 : i32
        %dma_wait3A_327 = tpu.memref_slice %arg4[%add3A_319, %dma_wait3A_326] : memref<2500x128xi32, #tpu.memory_space<hbm>> -> memref<1x128xi32, #tpu.memory_space<hbm>>
        %dma_wait3A_328 = tpu.memref_squeeze %dma_wait3A_327 : memref<1x128xi32, #tpu.memory_space<hbm>> -> memref<128xi32, #tpu.memory_space<hbm>>
        %dma_wait3A_329 = arith.constant 0 : i32
        %dma_wait3A_330 = tpu.memref_slice %arg4[%add3A_319, %dma_wait3A_329] : memref<2500x128xi32, #tpu.memory_space<hbm>> -> memref<1x128xi32, #tpu.memory_space<hbm>>
        %dma_wait3A_331 = tpu.memref_squeeze %dma_wait3A_330 : memref<1x128xi32, #tpu.memory_space<hbm>> -> memref<128xi32, #tpu.memory_space<hbm>>
        tpu.wait_dma2 semaphore(%arg25 : memref<!tpu.dma_semaphore, #tpu.memory_space<semaphore_mem>>) src(%dma_wait3A_331 : memref<128xi32, #tpu.memory_space<hbm>>) dst(%arg15 : memref<128xi32, #tpu.memory_space<vmem>>)
        %dma_start3A_332 = arith.constant 0 : i32
        %dma_start3A_333 = arith.constant 0 : i32
        %dma_start3A_334 = tpu.memref_slice %arg2[%dma_start3A_332, %dma_start3A_333] : memref<10000x128xf32, #tpu.memory_space<hbm>> -> memref<10000x128xf32, #tpu.memory_space<hbm>>
        tpu.enqueue_indirect_dma source(%dma_start3A_334 : memref<10000x128xf32, #tpu.memory_space<hbm>>) target(%arg18 : memref<128x128xf32, #tpu.memory_space<vmem>>) offsets(%arg9 : memref<128xi32, #tpu.memory_space<vmem>>) semaphore(%arg28 : memref<!tpu.dma_semaphore, #tpu.memory_space<semaphore_mem>>)
      } else {
      }
      %add3A_178 = arith.constant 4 : i32
      %add3A_179 = arith.addi %add3A_154, %add3A_178 : i32
      %lt3A_180 = arith.cmpi slt, %add3A_179, %select_n3A : i32
      %convert_element_type3A_181 = arith.extui %lt3A_180 : i1 to i32
      %cond3A_182 = arith.constant 0 : i32
      %cond3A_183 = arith.cmpi ne, %convert_element_type3A_181, %cond3A_182 : i32
      scf.if %cond3A_183 {
        %add3A_316 = arith.constant 4 : i32
        %add3A_317 = arith.addi %add3A_154, %add3A_316 : i32
        %add3A_318 = arith.addi %add3A_6, %add3A_317 : i32
        %add3A_319 = arith.addi %add3A_6, %add3A_317 : i32
        %dma_start3A_320 = arith.constant 0 : i32
        %dma_start3A_321 = tpu.memref_slice %arg3[%add3A_318, %dma_start3A_320] : memref<2500x128xi32, #tpu.memory_space<hbm>> -> memref<1x128xi32, #tpu.memory_space<hbm>>
        %dma_start3A_322 = tpu.memref_squeeze %dma_start3A_321 : memref<1x128xi32, #tpu.memory_space<hbm>> -> memref<128xi32, #tpu.memory_space<hbm>>
        %dma_start3A_323 = arith.constant 0 : i32
        %dma_start3A_324 = tpu.memref_slice %arg3[%add3A_318, %dma_start3A_323] : memref<2500x128xi32, #tpu.memory_space<hbm>> -> memref<1x128xi32, #tpu.memory_space<hbm>>
        %dma_start3A_325 = tpu.memref_squeeze %dma_start3A_324 : memref<1x128xi32, #tpu.memory_space<hbm>> -> memref<128xi32, #tpu.memory_space<hbm>>
        tpu.enqueue_dma source(%dma_start3A_325 : memref<128xi32, #tpu.memory_space<hbm>>) target(%arg11 : memref<128xi32, #tpu.memory_space<vmem>>) target_semaphore(%arg27 : memref<!tpu.dma_semaphore, #tpu.memory_space<semaphore_mem>>)
        %dma_start3A_326 = arith.constant 0 : i32
        %dma_start3A_327 = tpu.memref_slice %arg4[%add3A_319, %dma_start3A_326] : memref<2500x128xi32, #tpu.memory_space<hbm>> -> memref<1x128xi32, #tpu.memory_space<hbm>>
        %dma_start3A_328 = tpu.memref_squeeze %dma_start3A_327 : memref<1x128xi32, #tpu.memory_space<hbm>> -> memref<128xi32, #tpu.memory_space<hbm>>
        %dma_start3A_329 = arith.constant 0 : i32
        %dma_start3A_330 = tpu.memref_slice %arg4[%add3A_319, %dma_start3A_329] : memref<2500x128xi32, #tpu.memory_space<hbm>> -> memref<1x128xi32, #tpu.memory_space<hbm>>
        %dma_start3A_331 = tpu.memref_squeeze %dma_start3A_330 : memref<1x128xi32, #tpu.memory_space<hbm>> -> memref<128xi32, #tpu.memory_space<hbm>>
        tpu.enqueue_dma source(%dma_start3A_331 : memref<128xi32, #tpu.memory_space<hbm>>) target(%arg17 : memref<128xi32, #tpu.memory_space<vmem>>) target_semaphore(%arg27 : memref<!tpu.dma_semaphore, #tpu.memory_space<semaphore_mem>>)
      } else {
      }
      %mul3A_184 = arith.constant 6 : i32
      %mul3A_185 = arith.muli %mul3A_184, %scan3A_121 : i32
      %add3A_186 = arith.constant 2 : i32
      %add3A_187 = arith.addi %mul3A_185, %add3A_186 : i32
      %lt3A_188 = arith.cmpi slt, %add3A_187, %select_n3A : i32
      %convert_element_type3A_189 = arith.extui %lt3A_188 : i1 to i32
      %cond3A_190 = arith.constant 0 : i32
      %cond3A_191 = arith.cmpi ne, %convert_element_type3A_189, %cond3A_190 : i32
      scf.if %cond3A_191 {
        %dma_wait3A_316 = arith.constant 0 : i32
        %dma_wait3A_317 = arith.constant 0 : i32
        %dma_wait3A_318 = tpu.memref_slice %arg2[%dma_wait3A_316, %dma_wait3A_317] : memref<10000x128xf32, #tpu.memory_space<hbm>> -> memref<10000x128xf32, #tpu.memory_space<hbm>>
        tpu.wait_indirect_dma semaphore(%arg30 : memref<!tpu.dma_semaphore, #tpu.memory_space<semaphore_mem>>) src(%dma_wait3A_318 : memref<10000x128xf32, #tpu.memory_space<hbm>>) dst(%arg20 : memref<128x128xf32, #tpu.memory_space<vmem>>)
      } else {
      }
      %ge3A_192 = arith.constant 1 : i32
      %ge3A_193 = arith.cmpi sge, %add3A_187, %ge3A_192 : i32
      %add3A_194 = arith.constant 1 : i32
      %add3A_195 = arith.addi %select_n3A, %add3A_194 : i32
      %lt3A_196 = arith.cmpi slt, %add3A_187, %add3A_195 : i32
      %and3A_197 = arith.andi %ge3A_193, %lt3A_196 : i1
      %convert_element_type3A_198 = arith.extui %and3A_197 : i1 to i32
      %cond3A_199 = arith.constant 0 : i32
      %cond3A_200 = arith.cmpi ne, %convert_element_type3A_198, %cond3A_199 : i32
      scf.if %cond3A_200 {
        %dma_wait3A_316 = arith.constant 0 : i32
        %dma_wait3A_317 = arith.constant 0 : i32
        %dma_wait3A_318 = tpu.memref_slice %arg21[%dma_wait3A_316, %dma_wait3A_317] : memref<10000x128xf32, #tpu.memory_space<vmem_shared>> -> memref<10000x128xf32, #tpu.memory_space<vmem_shared>>
        tpu.wait_indirect_dma semaphore(%arg32 : memref<!tpu.dma_semaphore, #tpu.memory_space<semaphore_mem>>) src(%arg19 : memref<128x128xf32, #tpu.memory_space<vmem>>) dst(%dma_wait3A_318 : memref<10000x128xf32, #tpu.memory_space<vmem_shared>>)
      } else {
      }
      %lt3A_201 = arith.cmpi slt, %add3A_187, %select_n3A : i32
      %convert_element_type3A_202 = arith.extui %lt3A_201 : i1 to i32
      %cond3A_203 = arith.constant 0 : i32
      %cond3A_204 = arith.cmpi ne, %convert_element_type3A_202, %cond3A_203 : i32
      scf.if %cond3A_204 {
        %dma_start3A_316 = arith.constant 0 : i32
        %dma_start3A_317 = arith.constant 0 : i32
        %dma_start3A_318 = tpu.memref_slice %arg21[%dma_start3A_316, %dma_start3A_317] : memref<10000x128xf32, #tpu.memory_space<vmem_shared>> -> memref<10000x128xf32, #tpu.memory_space<vmem_shared>>
        tpu.enqueue_indirect_dma source(%arg20 : memref<128x128xf32, #tpu.memory_space<vmem>>) target(%dma_start3A_318 : memref<10000x128xf32, #tpu.memory_space<vmem_shared>>) offsets(%arg14 : memref<128xi32, #tpu.memory_space<vmem>>) semaphore(%arg31 : memref<!tpu.dma_semaphore, #tpu.memory_space<semaphore_mem>>) {add = true}
      } else {
      }
      %add3A_205 = arith.constant 2 : i32
      %add3A_206 = arith.addi %add3A_187, %add3A_205 : i32
      %lt3A_207 = arith.cmpi slt, %add3A_206, %select_n3A : i32
      %convert_element_type3A_208 = arith.extui %lt3A_207 : i1 to i32
      %cond3A_209 = arith.constant 0 : i32
      %cond3A_210 = arith.cmpi ne, %convert_element_type3A_208, %cond3A_209 : i32
      scf.if %cond3A_210 {
        %add3A_316 = arith.constant 2 : i32
        %add3A_317 = arith.addi %add3A_187, %add3A_316 : i32
        %add3A_318 = arith.addi %add3A_6, %add3A_317 : i32
        %add3A_319 = arith.addi %add3A_6, %add3A_317 : i32
        %dma_wait3A_320 = arith.constant 0 : i32
        %dma_wait3A_321 = tpu.memref_slice %arg3[%add3A_318, %dma_wait3A_320] : memref<2500x128xi32, #tpu.memory_space<hbm>> -> memref<1x128xi32, #tpu.memory_space<hbm>>
        %dma_wait3A_322 = tpu.memref_squeeze %dma_wait3A_321 : memref<1x128xi32, #tpu.memory_space<hbm>> -> memref<128xi32, #tpu.memory_space<hbm>>
        %dma_wait3A_323 = arith.constant 0 : i32
        %dma_wait3A_324 = tpu.memref_slice %arg3[%add3A_318, %dma_wait3A_323] : memref<2500x128xi32, #tpu.memory_space<hbm>> -> memref<1x128xi32, #tpu.memory_space<hbm>>
        %dma_wait3A_325 = tpu.memref_squeeze %dma_wait3A_324 : memref<1x128xi32, #tpu.memory_space<hbm>> -> memref<128xi32, #tpu.memory_space<hbm>>
        tpu.wait_dma2 semaphore(%arg26 : memref<!tpu.dma_semaphore, #tpu.memory_space<semaphore_mem>>) src(%dma_wait3A_325 : memref<128xi32, #tpu.memory_space<hbm>>) dst(%arg10 : memref<128xi32, #tpu.memory_space<vmem>>)
        %dma_wait3A_326 = arith.constant 0 : i32
        %dma_wait3A_327 = tpu.memref_slice %arg4[%add3A_319, %dma_wait3A_326] : memref<2500x128xi32, #tpu.memory_space<hbm>> -> memref<1x128xi32, #tpu.memory_space<hbm>>
        %dma_wait3A_328 = tpu.memref_squeeze %dma_wait3A_327 : memref<1x128xi32, #tpu.memory_space<hbm>> -> memref<128xi32, #tpu.memory_space<hbm>>
        %dma_wait3A_329 = arith.constant 0 : i32
        %dma_wait3A_330 = tpu.memref_slice %arg4[%add3A_319, %dma_wait3A_329] : memref<2500x128xi32, #tpu.memory_space<hbm>> -> memref<1x128xi32, #tpu.memory_space<hbm>>
        %dma_wait3A_331 = tpu.memref_squeeze %dma_wait3A_330 : memref<1x128xi32, #tpu.memory_space<hbm>> -> memref<128xi32, #tpu.memory_space<hbm>>
        tpu.wait_dma2 semaphore(%arg26 : memref<!tpu.dma_semaphore, #tpu.memory_space<semaphore_mem>>) src(%dma_wait3A_331 : memref<128xi32, #tpu.memory_space<hbm>>) dst(%arg16 : memref<128xi32, #tpu.memory_space<vmem>>)
        %dma_start3A_332 = arith.constant 0 : i32
        %dma_start3A_333 = arith.constant 0 : i32
        %dma_start3A_334 = tpu.memref_slice %arg2[%dma_start3A_332, %dma_start3A_333] : memref<10000x128xf32, #tpu.memory_space<hbm>> -> memref<10000x128xf32, #tpu.memory_space<hbm>>
        tpu.enqueue_indirect_dma source(%dma_start3A_334 : memref<10000x128xf32, #tpu.memory_space<hbm>>) target(%arg19 : memref<128x128xf32, #tpu.memory_space<vmem>>) offsets(%arg10 : memref<128xi32, #tpu.memory_space<vmem>>) semaphore(%arg29 : memref<!tpu.dma_semaphore, #tpu.memory_space<semaphore_mem>>)
      } else {
      }
      %add3A_211 = arith.constant 4 : i32
      %add3A_212 = arith.addi %add3A_187, %add3A_211 : i32
      %lt3A_213 = arith.cmpi slt, %add3A_212, %select_n3A : i32
      %convert_element_type3A_214 = arith.extui %lt3A_213 : i1 to i32
      %cond3A_215 = arith.constant 0 : i32
      %cond3A_216 = arith.cmpi ne, %convert_element_type3A_214, %cond3A_215 : i32
      scf.if %cond3A_216 {
        %add3A_316 = arith.constant 4 : i32
        %add3A_317 = arith.addi %add3A_187, %add3A_316 : i32
        %add3A_318 = arith.addi %add3A_6, %add3A_317 : i32
        %add3A_319 = arith.addi %add3A_6, %add3A_317 : i32
        %dma_start3A_320 = arith.constant 0 : i32
        %dma_start3A_321 = tpu.memref_slice %arg3[%add3A_318, %dma_start3A_320] : memref<2500x128xi32, #tpu.memory_space<hbm>> -> memref<1x128xi32, #tpu.memory_space<hbm>>
        %dma_start3A_322 = tpu.memref_squeeze %dma_start3A_321 : memref<1x128xi32, #tpu.memory_space<hbm>> -> memref<128xi32, #tpu.memory_space<hbm>>
        %dma_start3A_323 = arith.constant 0 : i32
        %dma_start3A_324 = tpu.memref_slice %arg3[%add3A_318, %dma_start3A_323] : memref<2500x128xi32, #tpu.memory_space<hbm>> -> memref<1x128xi32, #tpu.memory_space<hbm>>
        %dma_start3A_325 = tpu.memref_squeeze %dma_start3A_324 : memref<1x128xi32, #tpu.memory_space<hbm>> -> memref<128xi32, #tpu.memory_space<hbm>>
        tpu.enqueue_dma source(%dma_start3A_325 : memref<128xi32, #tpu.memory_space<hbm>>) target(%arg6 : memref<128xi32, #tpu.memory_space<vmem>>) target_semaphore(%arg22 : memref<!tpu.dma_semaphore, #tpu.memory_space<semaphore_mem>>)
        %dma_start3A_326 = arith.constant 0 : i32
        %dma_start3A_327 = tpu.memref_slice %arg4[%add3A_319, %dma_start3A_326] : memref<2500x128xi32, #tpu.memory_space<hbm>> -> memref<1x128xi32, #tpu.memory_space<hbm>>
        %dma_start3A_328 = tpu.memref_squeeze %dma_start3A_327 : memref<1x128xi32, #tpu.memory_space<hbm>> -> memref<128xi32, #tpu.memory_space<hbm>>
        %dma_start3A_329 = arith.constant 0 : i32
        %dma_start3A_330 = tpu.memref_slice %arg4[%add3A_319, %dma_start3A_329] : memref<2500x128xi32, #tpu.memory_space<hbm>> -> memref<1x128xi32, #tpu.memory_space<hbm>>
        %dma_start3A_331 = tpu.memref_squeeze %dma_start3A_330 : memref<1x128xi32, #tpu.memory_space<hbm>> -> memref<128xi32, #tpu.memory_space<hbm>>
        tpu.enqueue_dma source(%dma_start3A_331 : memref<128xi32, #tpu.memory_space<hbm>>) target(%arg12 : memref<128xi32, #tpu.memory_space<vmem>>) target_semaphore(%arg22 : memref<!tpu.dma_semaphore, #tpu.memory_space<semaphore_mem>>)
      } else {
      }
      %mul3A_217 = arith.constant 6 : i32
      %mul3A_218 = arith.muli %mul3A_217, %scan3A_121 : i32
      %add3A_219 = arith.constant 3 : i32
      %add3A_220 = arith.addi %mul3A_218, %add3A_219 : i32
      %lt3A_221 = arith.cmpi slt, %add3A_220, %select_n3A : i32
      %convert_element_type3A_222 = arith.extui %lt3A_221 : i1 to i32
      %cond3A_223 = arith.constant 0 : i32
      %cond3A_224 = arith.cmpi ne, %convert_element_type3A_222, %cond3A_223 : i32
      scf.if %cond3A_224 {
        %dma_wait3A_316 = arith.constant 0 : i32
        %dma_wait3A_317 = arith.constant 0 : i32
        %dma_wait3A_318 = tpu.memref_slice %arg2[%dma_wait3A_316, %dma_wait3A_317] : memref<10000x128xf32, #tpu.memory_space<hbm>> -> memref<10000x128xf32, #tpu.memory_space<hbm>>
        tpu.wait_indirect_dma semaphore(%arg28 : memref<!tpu.dma_semaphore, #tpu.memory_space<semaphore_mem>>) src(%dma_wait3A_318 : memref<10000x128xf32, #tpu.memory_space<hbm>>) dst(%arg18 : memref<128x128xf32, #tpu.memory_space<vmem>>)
      } else {
      }
      %ge3A_225 = arith.constant 1 : i32
      %ge3A_226 = arith.cmpi sge, %add3A_220, %ge3A_225 : i32
      %add3A_227 = arith.constant 1 : i32
      %add3A_228 = arith.addi %select_n3A, %add3A_227 : i32
      %lt3A_229 = arith.cmpi slt, %add3A_220, %add3A_228 : i32
      %and3A_230 = arith.andi %ge3A_226, %lt3A_229 : i1
      %convert_element_type3A_231 = arith.extui %and3A_230 : i1 to i32
      %cond3A_232 = arith.constant 0 : i32
      %cond3A_233 = arith.cmpi ne, %convert_element_type3A_231, %cond3A_232 : i32
      scf.if %cond3A_233 {
        %dma_wait3A_316 = arith.constant 0 : i32
        %dma_wait3A_317 = arith.constant 0 : i32
        %dma_wait3A_318 = tpu.memref_slice %arg21[%dma_wait3A_316, %dma_wait3A_317] : memref<10000x128xf32, #tpu.memory_space<vmem_shared>> -> memref<10000x128xf32, #tpu.memory_space<vmem_shared>>
        tpu.wait_indirect_dma semaphore(%arg31 : memref<!tpu.dma_semaphore, #tpu.memory_space<semaphore_mem>>) src(%arg20 : memref<128x128xf32, #tpu.memory_space<vmem>>) dst(%dma_wait3A_318 : memref<10000x128xf32, #tpu.memory_space<vmem_shared>>)
      } else {
      }
      %lt3A_234 = arith.cmpi slt, %add3A_220, %select_n3A : i32
      %convert_element_type3A_235 = arith.extui %lt3A_234 : i1 to i32
      %cond3A_236 = arith.constant 0 : i32
      %cond3A_237 = arith.cmpi ne, %convert_element_type3A_235, %cond3A_236 : i32
      scf.if %cond3A_237 {
        %dma_start3A_316 = arith.constant 0 : i32
        %dma_start3A_317 = arith.constant 0 : i32
        %dma_start3A_318 = tpu.memref_slice %arg21[%dma_start3A_316, %dma_start3A_317] : memref<10000x128xf32, #tpu.memory_space<vmem_shared>> -> memref<10000x128xf32, #tpu.memory_space<vmem_shared>>
        tpu.enqueue_indirect_dma source(%arg18 : memref<128x128xf32, #tpu.memory_space<vmem>>) target(%dma_start3A_318 : memref<10000x128xf32, #tpu.memory_space<vmem_shared>>) offsets(%arg15 : memref<128xi32, #tpu.memory_space<vmem>>) semaphore(%arg32 : memref<!tpu.dma_semaphore, #tpu.memory_space<semaphore_mem>>) {add = true}
      } else {
      }
      %add3A_238 = arith.constant 2 : i32
      %add3A_239 = arith.addi %add3A_220, %add3A_238 : i32
      %lt3A_240 = arith.cmpi slt, %add3A_239, %select_n3A : i32
      %convert_element_type3A_241 = arith.extui %lt3A_240 : i1 to i32
      %cond3A_242 = arith.constant 0 : i32
      %cond3A_243 = arith.cmpi ne, %convert_element_type3A_241, %cond3A_242 : i32
      scf.if %cond3A_243 {
        %add3A_316 = arith.constant 2 : i32
        %add3A_317 = arith.addi %add3A_220, %add3A_316 : i32
        %add3A_318 = arith.addi %add3A_6, %add3A_317 : i32
        %add3A_319 = arith.addi %add3A_6, %add3A_317 : i32
        %dma_wait3A_320 = arith.constant 0 : i32
        %dma_wait3A_321 = tpu.memref_slice %arg3[%add3A_318, %dma_wait3A_320] : memref<2500x128xi32, #tpu.memory_space<hbm>> -> memref<1x128xi32, #tpu.memory_space<hbm>>
        %dma_wait3A_322 = tpu.memref_squeeze %dma_wait3A_321 : memref<1x128xi32, #tpu.memory_space<hbm>> -> memref<128xi32, #tpu.memory_space<hbm>>
        %dma_wait3A_323 = arith.constant 0 : i32
        %dma_wait3A_324 = tpu.memref_slice %arg3[%add3A_318, %dma_wait3A_323] : memref<2500x128xi32, #tpu.memory_space<hbm>> -> memref<1x128xi32, #tpu.memory_space<hbm>>
        %dma_wait3A_325 = tpu.memref_squeeze %dma_wait3A_324 : memref<1x128xi32, #tpu.memory_space<hbm>> -> memref<128xi32, #tpu.memory_space<hbm>>
        tpu.wait_dma2 semaphore(%arg27 : memref<!tpu.dma_semaphore, #tpu.memory_space<semaphore_mem>>) src(%dma_wait3A_325 : memref<128xi32, #tpu.memory_space<hbm>>) dst(%arg11 : memref<128xi32, #tpu.memory_space<vmem>>)
        %dma_wait3A_326 = arith.constant 0 : i32
        %dma_wait3A_327 = tpu.memref_slice %arg4[%add3A_319, %dma_wait3A_326] : memref<2500x128xi32, #tpu.memory_space<hbm>> -> memref<1x128xi32, #tpu.memory_space<hbm>>
        %dma_wait3A_328 = tpu.memref_squeeze %dma_wait3A_327 : memref<1x128xi32, #tpu.memory_space<hbm>> -> memref<128xi32, #tpu.memory_space<hbm>>
        %dma_wait3A_329 = arith.constant 0 : i32
        %dma_wait3A_330 = tpu.memref_slice %arg4[%add3A_319, %dma_wait3A_329] : memref<2500x128xi32, #tpu.memory_space<hbm>> -> memref<1x128xi32, #tpu.memory_space<hbm>>
        %dma_wait3A_331 = tpu.memref_squeeze %dma_wait3A_330 : memref<1x128xi32, #tpu.memory_space<hbm>> -> memref<128xi32, #tpu.memory_space<hbm>>
        tpu.wait_dma2 semaphore(%arg27 : memref<!tpu.dma_semaphore, #tpu.memory_space<semaphore_mem>>) src(%dma_wait3A_331 : memref<128xi32, #tpu.memory_space<hbm>>) dst(%arg17 : memref<128xi32, #tpu.memory_space<vmem>>)
        %dma_start3A_332 = arith.constant 0 : i32
        %dma_start3A_333 = arith.constant 0 : i32
        %dma_start3A_334 = tpu.memref_slice %arg2[%dma_start3A_332, %dma_start3A_333] : memref<10000x128xf32, #tpu.memory_space<hbm>> -> memref<10000x128xf32, #tpu.memory_space<hbm>>
        tpu.enqueue_indirect_dma source(%dma_start3A_334 : memref<10000x128xf32, #tpu.memory_space<hbm>>) target(%arg20 : memref<128x128xf32, #tpu.memory_space<vmem>>) offsets(%arg11 : memref<128xi32, #tpu.memory_space<vmem>>) semaphore(%arg30 : memref<!tpu.dma_semaphore, #tpu.memory_space<semaphore_mem>>)
      } else {
      }
      %add3A_244 = arith.constant 4 : i32
      %add3A_245 = arith.addi %add3A_220, %add3A_244 : i32
      %lt3A_246 = arith.cmpi slt, %add3A_245, %select_n3A : i32
      %convert_element_type3A_247 = arith.extui %lt3A_246 : i1 to i32
      %cond3A_248 = arith.constant 0 : i32
      %cond3A_249 = arith.cmpi ne, %convert_element_type3A_247, %cond3A_248 : i32
      scf.if %cond3A_249 {
        %add3A_316 = arith.constant 4 : i32
        %add3A_317 = arith.addi %add3A_220, %add3A_316 : i32
        %add3A_318 = arith.addi %add3A_6, %add3A_317 : i32
        %add3A_319 = arith.addi %add3A_6, %add3A_317 : i32
        %dma_start3A_320 = arith.constant 0 : i32
        %dma_start3A_321 = tpu.memref_slice %arg3[%add3A_318, %dma_start3A_320] : memref<2500x128xi32, #tpu.memory_space<hbm>> -> memref<1x128xi32, #tpu.memory_space<hbm>>
        %dma_start3A_322 = tpu.memref_squeeze %dma_start3A_321 : memref<1x128xi32, #tpu.memory_space<hbm>> -> memref<128xi32, #tpu.memory_space<hbm>>
        %dma_start3A_323 = arith.constant 0 : i32
        %dma_start3A_324 = tpu.memref_slice %arg3[%add3A_318, %dma_start3A_323] : memref<2500x128xi32, #tpu.memory_space<hbm>> -> memref<1x128xi32, #tpu.memory_space<hbm>>
        %dma_start3A_325 = tpu.memref_squeeze %dma_start3A_324 : memref<1x128xi32, #tpu.memory_space<hbm>> -> memref<128xi32, #tpu.memory_space<hbm>>
        tpu.enqueue_dma source(%dma_start3A_325 : memref<128xi32, #tpu.memory_space<hbm>>) target(%arg7 : memref<128xi32, #tpu.memory_space<vmem>>) target_semaphore(%arg23 : memref<!tpu.dma_semaphore, #tpu.memory_space<semaphore_mem>>)
        %dma_start3A_326 = arith.constant 0 : i32
        %dma_start3A_327 = tpu.memref_slice %arg4[%add3A_319, %dma_start3A_326] : memref<2500x128xi32, #tpu.memory_space<hbm>> -> memref<1x128xi32, #tpu.memory_space<hbm>>
        %dma_start3A_328 = tpu.memref_squeeze %dma_start3A_327 : memref<1x128xi32, #tpu.memory_space<hbm>> -> memref<128xi32, #tpu.memory_space<hbm>>
        %dma_start3A_329 = arith.constant 0 : i32
        %dma_start3A_330 = tpu.memref_slice %arg4[%add3A_319, %dma_start3A_329] : memref<2500x128xi32, #tpu.memory_space<hbm>> -> memref<1x128xi32, #tpu.memory_space<hbm>>
        %dma_start3A_331 = tpu.memref_squeeze %dma_start3A_330 : memref<1x128xi32, #tpu.memory_space<hbm>> -> memref<128xi32, #tpu.memory_space<hbm>>
        tpu.enqueue_dma source(%dma_start3A_331 : memref<128xi32, #tpu.memory_space<hbm>>) target(%arg13 : memref<128xi32, #tpu.memory_space<vmem>>) target_semaphore(%arg23 : memref<!tpu.dma_semaphore, #tpu.memory_space<semaphore_mem>>)
      } else {
      }
      %mul3A_250 = arith.constant 6 : i32
      %mul3A_251 = arith.muli %mul3A_250, %scan3A_121 : i32
      %add3A_252 = arith.constant 4 : i32
      %add3A_253 = arith.addi %mul3A_251, %add3A_252 : i32
      %lt3A_254 = arith.cmpi slt, %add3A_253, %select_n3A : i32
      %convert_element_type3A_255 = arith.extui %lt3A_254 : i1 to i32
      %cond3A_256 = arith.constant 0 : i32
      %cond3A_257 = arith.cmpi ne, %convert_element_type3A_255, %cond3A_256 : i32
      scf.if %cond3A_257 {
        %dma_wait3A_316 = arith.constant 0 : i32
        %dma_wait3A_317 = arith.constant 0 : i32
        %dma_wait3A_318 = tpu.memref_slice %arg2[%dma_wait3A_316, %dma_wait3A_317] : memref<10000x128xf32, #tpu.memory_space<hbm>> -> memref<10000x128xf32, #tpu.memory_space<hbm>>
        tpu.wait_indirect_dma semaphore(%arg29 : memref<!tpu.dma_semaphore, #tpu.memory_space<semaphore_mem>>) src(%dma_wait3A_318 : memref<10000x128xf32, #tpu.memory_space<hbm>>) dst(%arg19 : memref<128x128xf32, #tpu.memory_space<vmem>>)
      } else {
      }
      %ge3A_258 = arith.constant 1 : i32
      %ge3A_259 = arith.cmpi sge, %add3A_253, %ge3A_258 : i32
      %add3A_260 = arith.constant 1 : i32
      %add3A_261 = arith.addi %select_n3A, %add3A_260 : i32
      %lt3A_262 = arith.cmpi slt, %add3A_253, %add3A_261 : i32
      %and3A_263 = arith.andi %ge3A_259, %lt3A_262 : i1
      %convert_element_type3A_264 = arith.extui %and3A_263 : i1 to i32
      %cond3A_265 = arith.constant 0 : i32
      %cond3A_266 = arith.cmpi ne, %convert_element_type3A_264, %cond3A_265 : i32
      scf.if %cond3A_266 {
        %dma_wait3A_316 = arith.constant 0 : i32
        %dma_wait3A_317 = arith.constant 0 : i32
        %dma_wait3A_318 = tpu.memref_slice %arg21[%dma_wait3A_316, %dma_wait3A_317] : memref<10000x128xf32, #tpu.memory_space<vmem_shared>> -> memref<10000x128xf32, #tpu.memory_space<vmem_shared>>
        tpu.wait_indirect_dma semaphore(%arg32 : memref<!tpu.dma_semaphore, #tpu.memory_space<semaphore_mem>>) src(%arg18 : memref<128x128xf32, #tpu.memory_space<vmem>>) dst(%dma_wait3A_318 : memref<10000x128xf32, #tpu.memory_space<vmem_shared>>)
      } else {
      }
      %lt3A_267 = arith.cmpi slt, %add3A_253, %select_n3A : i32
      %convert_element_type3A_268 = arith.extui %lt3A_267 : i1 to i32
      %cond3A_269 = arith.constant 0 : i32
      %cond3A_270 = arith.cmpi ne, %convert_element_type3A_268, %cond3A_269 : i32
      scf.if %cond3A_270 {
        %dma_start3A_316 = arith.constant 0 : i32
        %dma_start3A_317 = arith.constant 0 : i32
        %dma_start3A_318 = tpu.memref_slice %arg21[%dma_start3A_316, %dma_start3A_317] : memref<10000x128xf32, #tpu.memory_space<vmem_shared>> -> memref<10000x128xf32, #tpu.memory_space<vmem_shared>>
        tpu.enqueue_indirect_dma source(%arg19 : memref<128x128xf32, #tpu.memory_space<vmem>>) target(%dma_start3A_318 : memref<10000x128xf32, #tpu.memory_space<vmem_shared>>) offsets(%arg16 : memref<128xi32, #tpu.memory_space<vmem>>) semaphore(%arg31 : memref<!tpu.dma_semaphore, #tpu.memory_space<semaphore_mem>>) {add = true}
      } else {
      }
      %add3A_271 = arith.constant 2 : i32
      %add3A_272 = arith.addi %add3A_253, %add3A_271 : i32
      %lt3A_273 = arith.cmpi slt, %add3A_272, %select_n3A : i32
      %convert_element_type3A_274 = arith.extui %lt3A_273 : i1 to i32
      %cond3A_275 = arith.constant 0 : i32
      %cond3A_276 = arith.cmpi ne, %convert_element_type3A_274, %cond3A_275 : i32
      scf.if %cond3A_276 {
        %add3A_316 = arith.constant 2 : i32
        %add3A_317 = arith.addi %add3A_253, %add3A_316 : i32
        %add3A_318 = arith.addi %add3A_6, %add3A_317 : i32
        %add3A_319 = arith.addi %add3A_6, %add3A_317 : i32
        %dma_wait3A_320 = arith.constant 0 : i32
        %dma_wait3A_321 = tpu.memref_slice %arg3[%add3A_318, %dma_wait3A_320] : memref<2500x128xi32, #tpu.memory_space<hbm>> -> memref<1x128xi32, #tpu.memory_space<hbm>>
        %dma_wait3A_322 = tpu.memref_squeeze %dma_wait3A_321 : memref<1x128xi32, #tpu.memory_space<hbm>> -> memref<128xi32, #tpu.memory_space<hbm>>
        %dma_wait3A_323 = arith.constant 0 : i32
        %dma_wait3A_324 = tpu.memref_slice %arg3[%add3A_318, %dma_wait3A_323] : memref<2500x128xi32, #tpu.memory_space<hbm>> -> memref<1x128xi32, #tpu.memory_space<hbm>>
        %dma_wait3A_325 = tpu.memref_squeeze %dma_wait3A_324 : memref<1x128xi32, #tpu.memory_space<hbm>> -> memref<128xi32, #tpu.memory_space<hbm>>
        tpu.wait_dma2 semaphore(%arg22 : memref<!tpu.dma_semaphore, #tpu.memory_space<semaphore_mem>>) src(%dma_wait3A_325 : memref<128xi32, #tpu.memory_space<hbm>>) dst(%arg6 : memref<128xi32, #tpu.memory_space<vmem>>)
        %dma_wait3A_326 = arith.constant 0 : i32
        %dma_wait3A_327 = tpu.memref_slice %arg4[%add3A_319, %dma_wait3A_326] : memref<2500x128xi32, #tpu.memory_space<hbm>> -> memref<1x128xi32, #tpu.memory_space<hbm>>
        %dma_wait3A_328 = tpu.memref_squeeze %dma_wait3A_327 : memref<1x128xi32, #tpu.memory_space<hbm>> -> memref<128xi32, #tpu.memory_space<hbm>>
        %dma_wait3A_329 = arith.constant 0 : i32
        %dma_wait3A_330 = tpu.memref_slice %arg4[%add3A_319, %dma_wait3A_329] : memref<2500x128xi32, #tpu.memory_space<hbm>> -> memref<1x128xi32, #tpu.memory_space<hbm>>
        %dma_wait3A_331 = tpu.memref_squeeze %dma_wait3A_330 : memref<1x128xi32, #tpu.memory_space<hbm>> -> memref<128xi32, #tpu.memory_space<hbm>>
        tpu.wait_dma2 semaphore(%arg22 : memref<!tpu.dma_semaphore, #tpu.memory_space<semaphore_mem>>) src(%dma_wait3A_331 : memref<128xi32, #tpu.memory_space<hbm>>) dst(%arg12 : memref<128xi32, #tpu.memory_space<vmem>>)
        %dma_start3A_332 = arith.constant 0 : i32
        %dma_start3A_333 = arith.constant 0 : i32
        %dma_start3A_334 = tpu.memref_slice %arg2[%dma_start3A_332, %dma_start3A_333] : memref<10000x128xf32, #tpu.memory_space<hbm>> -> memref<10000x128xf32, #tpu.memory_space<hbm>>
        tpu.enqueue_indirect_dma source(%dma_start3A_334 : memref<10000x128xf32, #tpu.memory_space<hbm>>) target(%arg18 : memref<128x128xf32, #tpu.memory_space<vmem>>) offsets(%arg6 : memref<128xi32, #tpu.memory_space<vmem>>) semaphore(%arg28 : memref<!tpu.dma_semaphore, #tpu.memory_space<semaphore_mem>>)
      } else {
      }
      %add3A_277 = arith.constant 4 : i32
      %add3A_278 = arith.addi %add3A_253, %add3A_277 : i32
      %lt3A_279 = arith.cmpi slt, %add3A_278, %select_n3A : i32
      %convert_element_type3A_280 = arith.extui %lt3A_279 : i1 to i32
      %cond3A_281 = arith.constant 0 : i32
      %cond3A_282 = arith.cmpi ne, %convert_element_type3A_280, %cond3A_281 : i32
      scf.if %cond3A_282 {
        %add3A_316 = arith.constant 4 : i32
        %add3A_317 = arith.addi %add3A_253, %add3A_316 : i32
        %add3A_318 = arith.addi %add3A_6, %add3A_317 : i32
        %add3A_319 = arith.addi %add3A_6, %add3A_317 : i32
        %dma_start3A_320 = arith.constant 0 : i32
        %dma_start3A_321 = tpu.memref_slice %arg3[%add3A_318, %dma_start3A_320] : memref<2500x128xi32, #tpu.memory_space<hbm>> -> memref<1x128xi32, #tpu.memory_space<hbm>>
        %dma_start3A_322 = tpu.memref_squeeze %dma_start3A_321 : memref<1x128xi32, #tpu.memory_space<hbm>> -> memref<128xi32, #tpu.memory_space<hbm>>
        %dma_start3A_323 = arith.constant 0 : i32
        %dma_start3A_324 = tpu.memref_slice %arg3[%add3A_318, %dma_start3A_323] : memref<2500x128xi32, #tpu.memory_space<hbm>> -> memref<1x128xi32, #tpu.memory_space<hbm>>
        %dma_start3A_325 = tpu.memref_squeeze %dma_start3A_324 : memref<1x128xi32, #tpu.memory_space<hbm>> -> memref<128xi32, #tpu.memory_space<hbm>>
        tpu.enqueue_dma source(%dma_start3A_325 : memref<128xi32, #tpu.memory_space<hbm>>) target(%arg8 : memref<128xi32, #tpu.memory_space<vmem>>) target_semaphore(%arg24 : memref<!tpu.dma_semaphore, #tpu.memory_space<semaphore_mem>>)
        %dma_start3A_326 = arith.constant 0 : i32
        %dma_start3A_327 = tpu.memref_slice %arg4[%add3A_319, %dma_start3A_326] : memref<2500x128xi32, #tpu.memory_space<hbm>> -> memref<1x128xi32, #tpu.memory_space<hbm>>
        %dma_start3A_328 = tpu.memref_squeeze %dma_start3A_327 : memref<1x128xi32, #tpu.memory_space<hbm>> -> memref<128xi32, #tpu.memory_space<hbm>>
        %dma_start3A_329 = arith.constant 0 : i32
        %dma_start3A_330 = tpu.memref_slice %arg4[%add3A_319, %dma_start3A_329] : memref<2500x128xi32, #tpu.memory_space<hbm>> -> memref<1x128xi32, #tpu.memory_space<hbm>>
        %dma_start3A_331 = tpu.memref_squeeze %dma_start3A_330 : memref<1x128xi32, #tpu.memory_space<hbm>> -> memref<128xi32, #tpu.memory_space<hbm>>
        tpu.enqueue_dma source(%dma_start3A_331 : memref<128xi32, #tpu.memory_space<hbm>>) target(%arg14 : memref<128xi32, #tpu.memory_space<vmem>>) target_semaphore(%arg24 : memref<!tpu.dma_semaphore, #tpu.memory_space<semaphore_mem>>)
      } else {
      }
      %mul3A_283 = arith.constant 6 : i32
      %mul3A_284 = arith.muli %mul3A_283, %scan3A_121 : i32
      %add3A_285 = arith.constant 5 : i32
      %add3A_286 = arith.addi %mul3A_284, %add3A_285 : i32
      %lt3A_287 = arith.cmpi slt, %add3A_286, %select_n3A : i32
      %convert_element_type3A_288 = arith.extui %lt3A_287 : i1 to i32
      %cond3A_289 = arith.constant 0 : i32
      %cond3A_290 = arith.cmpi ne, %convert_element_type3A_288, %cond3A_289 : i32
      scf.if %cond3A_290 {
        %dma_wait3A_316 = arith.constant 0 : i32
        %dma_wait3A_317 = arith.constant 0 : i32
        %dma_wait3A_318 = tpu.memref_slice %arg2[%dma_wait3A_316, %dma_wait3A_317] : memref<10000x128xf32, #tpu.memory_space<hbm>> -> memref<10000x128xf32, #tpu.memory_space<hbm>>
        tpu.wait_indirect_dma semaphore(%arg30 : memref<!tpu.dma_semaphore, #tpu.memory_space<semaphore_mem>>) src(%dma_wait3A_318 : memref<10000x128xf32, #tpu.memory_space<hbm>>) dst(%arg20 : memref<128x128xf32, #tpu.memory_space<vmem>>)
      } else {
      }
      %ge3A_291 = arith.constant 1 : i32
      %ge3A_292 = arith.cmpi sge, %add3A_286, %ge3A_291 : i32
      %add3A_293 = arith.constant 1 : i32
      %add3A_294 = arith.addi %select_n3A, %add3A_293 : i32
      %lt3A_295 = arith.cmpi slt, %add3A_286, %add3A_294 : i32
      %and3A_296 = arith.andi %ge3A_292, %lt3A_295 : i1
      %convert_element_type3A_297 = arith.extui %and3A_296 : i1 to i32
      %cond3A_298 = arith.constant 0 : i32
      %cond3A_299 = arith.cmpi ne, %convert_element_type3A_297, %cond3A_298 : i32
      scf.if %cond3A_299 {
        %dma_wait3A_316 = arith.constant 0 : i32
        %dma_wait3A_317 = arith.constant 0 : i32
        %dma_wait3A_318 = tpu.memref_slice %arg21[%dma_wait3A_316, %dma_wait3A_317] : memref<10000x128xf32, #tpu.memory_space<vmem_shared>> -> memref<10000x128xf32, #tpu.memory_space<vmem_shared>>
        tpu.wait_indirect_dma semaphore(%arg31 : memref<!tpu.dma_semaphore, #tpu.memory_space<semaphore_mem>>) src(%arg19 : memref<128x128xf32, #tpu.memory_space<vmem>>) dst(%dma_wait3A_318 : memref<10000x128xf32, #tpu.memory_space<vmem_shared>>)
      } else {
      }
      %lt3A_300 = arith.cmpi slt, %add3A_286, %select_n3A : i32
      %convert_element_type3A_301 = arith.extui %lt3A_300 : i1 to i32
      %cond3A_302 = arith.constant 0 : i32
      %cond3A_303 = arith.cmpi ne, %convert_element_type3A_301, %cond3A_302 : i32
      scf.if %cond3A_303 {
        %dma_start3A_316 = arith.constant 0 : i32
        %dma_start3A_317 = arith.constant 0 : i32
        %dma_start3A_318 = tpu.memref_slice %arg21[%dma_start3A_316, %dma_start3A_317] : memref<10000x128xf32, #tpu.memory_space<vmem_shared>> -> memref<10000x128xf32, #tpu.memory_space<vmem_shared>>
        tpu.enqueue_indirect_dma source(%arg20 : memref<128x128xf32, #tpu.memory_space<vmem>>) target(%dma_start3A_318 : memref<10000x128xf32, #tpu.memory_space<vmem_shared>>) offsets(%arg17 : memref<128xi32, #tpu.memory_space<vmem>>) semaphore(%arg32 : memref<!tpu.dma_semaphore, #tpu.memory_space<semaphore_mem>>) {add = true}
      } else {
      }
      %add3A_304 = arith.constant 2 : i32
      %add3A_305 = arith.addi %add3A_286, %add3A_304 : i32
      %lt3A_306 = arith.cmpi slt, %add3A_305, %select_n3A : i32
      %convert_element_type3A_307 = arith.extui %lt3A_306 : i1 to i32
      %cond3A_308 = arith.constant 0 : i32
      %cond3A_309 = arith.cmpi ne, %convert_element_type3A_307, %cond3A_308 : i32
      scf.if %cond3A_309 {
        %add3A_316 = arith.constant 2 : i32
        %add3A_317 = arith.addi %add3A_286, %add3A_316 : i32
        %add3A_318 = arith.addi %add3A_6, %add3A_317 : i32
        %add3A_319 = arith.addi %add3A_6, %add3A_317 : i32
        %dma_wait3A_320 = arith.constant 0 : i32
        %dma_wait3A_321 = tpu.memref_slice %arg3[%add3A_318, %dma_wait3A_320] : memref<2500x128xi32, #tpu.memory_space<hbm>> -> memref<1x128xi32, #tpu.memory_space<hbm>>
        %dma_wait3A_322 = tpu.memref_squeeze %dma_wait3A_321 : memref<1x128xi32, #tpu.memory_space<hbm>> -> memref<128xi32, #tpu.memory_space<hbm>>
        %dma_wait3A_323 = arith.constant 0 : i32
        %dma_wait3A_324 = tpu.memref_slice %arg3[%add3A_318, %dma_wait3A_323] : memref<2500x128xi32, #tpu.memory_space<hbm>> -> memref<1x128xi32, #tpu.memory_space<hbm>>
        %dma_wait3A_325 = tpu.memref_squeeze %dma_wait3A_324 : memref<1x128xi32, #tpu.memory_space<hbm>> -> memref<128xi32, #tpu.memory_space<hbm>>
        tpu.wait_dma2 semaphore(%arg23 : memref<!tpu.dma_semaphore, #tpu.memory_space<semaphore_mem>>) src(%dma_wait3A_325 : memref<128xi32, #tpu.memory_space<hbm>>) dst(%arg7 : memref<128xi32, #tpu.memory_space<vmem>>)
        %dma_wait3A_326 = arith.constant 0 : i32
        %dma_wait3A_327 = tpu.memref_slice %arg4[%add3A_319, %dma_wait3A_326] : memref<2500x128xi32, #tpu.memory_space<hbm>> -> memref<1x128xi32, #tpu.memory_space<hbm>>
        %dma_wait3A_328 = tpu.memref_squeeze %dma_wait3A_327 : memref<1x128xi32, #tpu.memory_space<hbm>> -> memref<128xi32, #tpu.memory_space<hbm>>
        %dma_wait3A_329 = arith.constant 0 : i32
        %dma_wait3A_330 = tpu.memref_slice %arg4[%add3A_319, %dma_wait3A_329] : memref<2500x128xi32, #tpu.memory_space<hbm>> -> memref<1x128xi32, #tpu.memory_space<hbm>>
        %dma_wait3A_331 = tpu.memref_squeeze %dma_wait3A_330 : memref<1x128xi32, #tpu.memory_space<hbm>> -> memref<128xi32, #tpu.memory_space<hbm>>
        tpu.wait_dma2 semaphore(%arg23 : memref<!tpu.dma_semaphore, #tpu.memory_space<semaphore_mem>>) src(%dma_wait3A_331 : memref<128xi32, #tpu.memory_space<hbm>>) dst(%arg13 : memref<128xi32, #tpu.memory_space<vmem>>)
        %dma_start3A_332 = arith.constant 0 : i32
        %dma_start3A_333 = arith.constant 0 : i32
        %dma_start3A_334 = tpu.memref_slice %arg2[%dma_start3A_332, %dma_start3A_333] : memref<10000x128xf32, #tpu.memory_space<hbm>> -> memref<10000x128xf32, #tpu.memory_space<hbm>>
        tpu.enqueue_indirect_dma source(%dma_start3A_334 : memref<10000x128xf32, #tpu.memory_space<hbm>>) target(%arg19 : memref<128x128xf32, #tpu.memory_space<vmem>>) offsets(%arg7 : memref<128xi32, #tpu.memory_space<vmem>>) semaphore(%arg29 : memref<!tpu.dma_semaphore, #tpu.memory_space<semaphore_mem>>)
      } else {
      }
      %add3A_310 = arith.constant 4 : i32
      %add3A_311 = arith.addi %add3A_286, %add3A_310 : i32
      %lt3A_312 = arith.cmpi slt, %add3A_311, %select_n3A : i32
      %convert_element_type3A_313 = arith.extui %lt3A_312 : i1 to i32
      %cond3A_314 = arith.constant 0 : i32
      %cond3A_315 = arith.cmpi ne, %convert_element_type3A_313, %cond3A_314 : i32
      scf.if %cond3A_315 {
        %add3A_316 = arith.constant 4 : i32
        %add3A_317 = arith.addi %add3A_286, %add3A_316 : i32
        %add3A_318 = arith.addi %add3A_6, %add3A_317 : i32
        %add3A_319 = arith.addi %add3A_6, %add3A_317 : i32
        %dma_start3A_320 = arith.constant 0 : i32
        %dma_start3A_321 = tpu.memref_slice %arg3[%add3A_318, %dma_start3A_320] : memref<2500x128xi32, #tpu.memory_space<hbm>> -> memref<1x128xi32, #tpu.memory_space<hbm>>
        %dma_start3A_322 = tpu.memref_squeeze %dma_start3A_321 : memref<1x128xi32, #tpu.memory_space<hbm>> -> memref<128xi32, #tpu.memory_space<hbm>>
        %dma_start3A_323 = arith.constant 0 : i32
        %dma_start3A_324 = tpu.memref_slice %arg3[%add3A_318, %dma_start3A_323] : memref<2500x128xi32, #tpu.memory_space<hbm>> -> memref<1x128xi32, #tpu.memory_space<hbm>>
        %dma_start3A_325 = tpu.memref_squeeze %dma_start3A_324 : memref<1x128xi32, #tpu.memory_space<hbm>> -> memref<128xi32, #tpu.memory_space<hbm>>
        tpu.enqueue_dma source(%dma_start3A_325 : memref<128xi32, #tpu.memory_space<hbm>>) target(%arg9 : memref<128xi32, #tpu.memory_space<vmem>>) target_semaphore(%arg25 : memref<!tpu.dma_semaphore, #tpu.memory_space<semaphore_mem>>)
        %dma_start3A_326 = arith.constant 0 : i32
        %dma_start3A_327 = tpu.memref_slice %arg4[%add3A_319, %dma_start3A_326] : memref<2500x128xi32, #tpu.memory_space<hbm>> -> memref<1x128xi32, #tpu.memory_space<hbm>>
        %dma_start3A_328 = tpu.memref_squeeze %dma_start3A_327 : memref<1x128xi32, #tpu.memory_space<hbm>> -> memref<128xi32, #tpu.memory_space<hbm>>
        %dma_start3A_329 = arith.constant 0 : i32
        %dma_start3A_330 = tpu.memref_slice %arg4[%add3A_319, %dma_start3A_329] : memref<2500x128xi32, #tpu.memory_space<hbm>> -> memref<1x128xi32, #tpu.memory_space<hbm>>
        %dma_start3A_331 = tpu.memref_squeeze %dma_start3A_330 : memref<1x128xi32, #tpu.memory_space<hbm>> -> memref<128xi32, #tpu.memory_space<hbm>>
        tpu.enqueue_dma source(%dma_start3A_331 : memref<128xi32, #tpu.memory_space<hbm>>) target(%arg15 : memref<128xi32, #tpu.memory_space<vmem>>) target_semaphore(%arg25 : memref<!tpu.dma_semaphore, #tpu.memory_space<semaphore_mem>>)
      } else {
      }
    }
    %scan3A_115 = arith.constant 14 : i32
    %barrier3A_116 = arith.constant 0 : index
    tpu.barrier barrier_id(%barrier3A_116)
    %mul3A_117 = arith.constant 625 : i32
    %mul3A_118 = arith.muli %arg1, %mul3A_117 : i32
    %mul3A_119 = arith.constant 625 : i32
    %mul3A_120 = arith.muli %arg1, %mul3A_119 : i32
    "tpu.region"() ({
      %run_scoped3A = tpu.sem_alloc : memref<!tpu.dma_semaphore, #tpu.memory_space<semaphore_mem>>
      %dma_start3A_121 = arith.constant 0 : i32
      %dma_start3A_122 = tpu.memref_slice %arg5[%arg0, %mul3A_120, %dma_start3A_121] : memref<2x10000x128xf32, #tpu.memory_space<hbm>> -> memref<1x625x128xf32, #tpu.memory_space<hbm>>
      %dma_start3A_123 = tpu.memref_squeeze %dma_start3A_122 : memref<1x625x128xf32, #tpu.memory_space<hbm>> -> memref<625x128xf32, #tpu.memory_space<hbm>>
      %dma_start3A_124 = arith.constant 0 : i32
      %dma_start3A_125 = tpu.memref_slice %arg21[%mul3A_118, %dma_start3A_124] : memref<10000x128xf32, #tpu.memory_space<vmem_shared>> -> memref<625x128xf32, #tpu.memory_space<vmem_shared>>
      tpu.enqueue_dma source(%dma_start3A_125 : memref<625x128xf32, #tpu.memory_space<vmem_shared>>) target(%dma_start3A_123 : memref<625x128xf32, #tpu.memory_space<hbm>>) target_semaphore(%run_scoped3A : memref<!tpu.dma_semaphore, #tpu.memory_space<semaphore_mem>>)
      %dma_wait3A_126 = arith.constant 0 : i32
      %dma_wait3A_127 = tpu.memref_slice %arg5[%arg0, %mul3A_120, %dma_wait3A_126] : memref<2x10000x128xf32, #tpu.memory_space<hbm>> -> memref<1x625x128xf32, #tpu.memory_space<hbm>>
      %dma_wait3A_128 = tpu.memref_squeeze %dma_wait3A_127 : memref<1x625x128xf32, #tpu.memory_space<hbm>> -> memref<625x128xf32, #tpu.memory_space<hbm>>
      %dma_wait3A_129 = arith.constant 0 : i32
      %dma_wait3A_130 = tpu.memref_slice %arg21[%mul3A_118, %dma_wait3A_129] : memref<10000x128xf32, #tpu.memory_space<vmem_shared>> -> memref<625x128xf32, #tpu.memory_space<vmem_shared>>
      tpu.wait_dma2 semaphore(%run_scoped3A : memref<!tpu.dma_semaphore, #tpu.memory_space<semaphore_mem>>) src(%dma_wait3A_130 : memref<625x128xf32, #tpu.memory_space<vmem_shared>>) dst(%dma_wait3A_128 : memref<625x128xf32, #tpu.memory_space<hbm>>)
      tpu.yield
    }) : () -> ()
    return
  }
}

module attributes {stable_mosaic.version = 14 : i64} {
  func.func @_prep_body(%arg0: i32, %arg1: memref<2000x1xf32, #tpu.memory_space<vmem>>, %arg2: memref<2000x1xf32, #tpu.memory_space<vmem>>, %arg3: memref<2000x128xf32, #tpu.memory_space<vmem>>, %arg4: memref<2000x1xf32, #tpu.memory_space<vmem>>, %arg5: memref<2000x128xf32, #tpu.memory_space<vmem>>) attributes {dimension_semantics = [#tpu.dimension_semantics<arbitrary>], iteration_bounds = array<i64: 5>, scalar_prefetch = 0 : i64, scratch_operands = 0 : i64, tpu.core_type = #tpu.core_type<tc>, window_params = [{transform_indices = @transform_0, window_bounds = array<i64: 2000, 1>}, {transform_indices = @transform_1, window_bounds = array<i64: 2000, 1>}, {transform_indices = @transform_2, window_bounds = array<i64: 2000, 128>}, {transform_indices = @transform_3, window_bounds = array<i64: 2000, 1>}, {transform_indices = @transform_4, window_bounds = array<i64: 2000, 128>}]} {
    %get3A = arith.constant 0 : index
    %get3A_0 = arith.constant 0 : index
    %get3A_1 = vector.load %arg1[%get3A, %get3A_0] : memref<2000x1xf32, #tpu.memory_space<vmem>>, vector<2000x1xf32>
    %get3A_2 = arith.constant 0 : index
    %get3A_3 = arith.constant 0 : index
    %get3A_4 = vector.load %arg2[%get3A_2, %get3A_3] : memref<2000x1xf32, #tpu.memory_space<vmem>>, vector<2000x1xf32>
    %add3A = arith.addf %get3A_1, %get3A_4 : vector<2000x1xf32>
    %sub3A = arith.constant 1.000000e+00 : f32
    %sub3A_5 = vector.broadcast %sub3A : f32 to vector<2000x1xf32>
    %sub3A_6 = arith.subf %add3A, %sub3A_5 : vector<2000x1xf32>
    %rsqrt3A = math.rsqrt %sub3A_6 : vector<2000x1xf32>
    %swap3A = arith.constant 0 : index
    %swap3A_7 = arith.constant 0 : index
    %swap3A_8 = vector.load %arg4[%swap3A, %swap3A_7] : memref<2000x1xf32, #tpu.memory_space<vmem>>, vector<2000x1xf32>
    tpu.vector_store %arg4[%swap3A, %swap3A_7], %rsqrt3A {strides = array<i32>} : memref<2000x1xf32, #tpu.memory_space<vmem>>, vector<2000x1xf32>,
    %get3A_9 = arith.constant 0 : index
    %get3A_10 = arith.constant 0 : index
    %get3A_11 = vector.load %arg3[%get3A_9, %get3A_10] : memref<2000x128xf32, #tpu.memory_space<vmem>>, vector<2000x128xf32>
    %mul3A = vector.broadcast %rsqrt3A : vector<2000x1xf32> to vector<2000x128xf32>
    %mul3A_12 = arith.mulf %get3A_11, %mul3A : vector<2000x128xf32>
    %swap3A_13 = arith.constant 0 : index
    %swap3A_14 = arith.constant 0 : index
    %swap3A_15 = vector.load %arg5[%swap3A_13, %swap3A_14] : memref<2000x128xf32, #tpu.memory_space<vmem>>, vector<2000x128xf32>
    tpu.vector_store %arg5[%swap3A_13, %swap3A_14], %mul3A_12 {strides = array<i32>} : memref<2000x128xf32, #tpu.memory_space<vmem>>, vector<2000x128xf32>,
    return
  }
  func.func @transform_0(%arg0: i32) -> (i32, i32) {
    %c0_i32 = arith.constant 0 : i32
    %c0_i32_0 = arith.constant 0 : i32
    return %arg0, %c0_i32 : i32, i32
  }
  func.func @transform_1(%arg0: i32) -> (i32, i32) {
    %c0_i32 = arith.constant 0 : i32
    %c0_i32_0 = arith.constant 0 : i32
    return %arg0, %c0_i32 : i32, i32
  }
  func.func @transform_2(%arg0: i32) -> (i32, i32) {
    %c0_i32 = arith.constant 0 : i32
    %c0_i32_0 = arith.constant 0 : i32
    return %arg0, %c0_i32 : i32, i32
  }
  func.func @transform_3(%arg0: i32) -> (i32, i32) {
    %c0_i32 = arith.constant 0 : i32
    %c0_i32_0 = arith.constant 0 : i32
    return %arg0, %c0_i32 : i32, i32
  }
  func.func @transform_4(%arg0: i32) -> (i32, i32) {
    %c0_i32 = arith.constant 0 : i32
    %c0_i32_0 = arith.constant 0 : i32
    return %arg0, %c0_i32 : i32, i32
  }
}

module attributes {stable_mosaic.version = 14 : i64} {
  func.func @_mmln_body(%arg0: i32, %arg1: memref<1x2000x128xf32, #tpu.memory_space<vmem>>, %arg2: memref<1x2000x128xf32, #tpu.memory_space<vmem>>, %arg3: memref<2000x128xf32, #tpu.memory_space<vmem>>, %arg4: memref<2000x1xf32, #tpu.memory_space<vmem>>, %arg5: memref<128x128xf32, #tpu.memory_space<vmem>>, %arg6: memref<1x128xf32, #tpu.memory_space<vmem>>, %arg7: memref<1x128xf32, #tpu.memory_space<vmem>>, %arg8: memref<1x128xf32, #tpu.memory_space<vmem>>, %arg9: memref<2000x128xf32, #tpu.memory_space<vmem>>, %arg10: memref<10000x128xf32, #tpu.memory_space<vmem>>, %arg11: memref<2xf32, #tpu.memory_space<smem>>) attributes {dimension_semantics = [#tpu.dimension_semantics<arbitrary>], iteration_bounds = array<i64: 10>, scalar_prefetch = 0 : i64, scratch_operands = 2 : i64, tpu.core_type = #tpu.core_type<tc>, window_params = [{transform_indices = @transform_0, window_bounds = array<i64: 1, 2000, 128>}, {transform_indices = @transform_1, window_bounds = array<i64: 1, 2000, 128>}, {transform_indices = @transform_2, window_bounds = array<i64: 2000, 128>}, {transform_indices = @transform_3, window_bounds = array<i64: 2000, 1>}, {pipeline_mode = #tpu.pipeline_mode<synchronous>, transform_indices = @transform_4, window_bounds = array<i64: 128, 128>}, {pipeline_mode = #tpu.pipeline_mode<synchronous>, transform_indices = @transform_5, window_bounds = array<i64: 1, 128>}, {pipeline_mode = #tpu.pipeline_mode<synchronous>, transform_indices = @transform_6, window_bounds = array<i64: 1, 128>}, {pipeline_mode = #tpu.pipeline_mode<synchronous>, transform_indices = @transform_7, window_bounds = array<i64: 1, 128>}, {transform_indices = @transform_8, window_bounds = array<i64: 2000, 128>}]} {
    %eq3A = arith.constant 0 : i32
    %eq3A_0 = arith.cmpi eq, %arg0, %eq3A : i32
    %convert_element_type3A = arith.extui %eq3A_0 : i1 to i32
    %cond3A = arith.constant 0 : i32
    %cond3A_1 = arith.cmpi ne, %convert_element_type3A, %cond3A : i32
    scf.if %cond3A_1 {
      %swap3A = arith.constant 0.000000e+00 : f32
      %swap3A_10 = arith.constant 0 : index
      %swap3A_11 = memref.load %arg11[%swap3A_10] : memref<2xf32, #tpu.memory_space<smem>>
      memref.store %swap3A, %arg11[%swap3A_10] : memref<2xf32, #tpu.memory_space<smem>>
      %swap3A_12 = arith.constant 0.000000e+00 : f32
      %swap3A_13 = arith.constant 1 : index
      %swap3A_14 = memref.load %arg11[%swap3A_13] : memref<2xf32, #tpu.memory_space<smem>>
      memref.store %swap3A_12, %arg11[%swap3A_13] : memref<2xf32, #tpu.memory_space<smem>>
    } else {
    }
    %lt3A = arith.constant 5 : i32
    %lt3A_2 = arith.cmpi slt, %arg0, %lt3A : i32
    %convert_element_type3A_3 = arith.extui %lt3A_2 : i1 to i32
    %cond3A_4 = arith.constant 0 : i32
    %cond3A_5 = arith.cmpi ne, %convert_element_type3A_3, %cond3A_4 : i32
    scf.if %cond3A_5 {
      %get3A = arith.constant 0 : index
      %get3A_10 = arith.constant 0 : index
      %get3A_11 = arith.constant 0 : index
      %get3A_12 = vector.load %arg1[%get3A, %get3A_10, %get3A_11] : memref<1x2000x128xf32, #tpu.memory_space<vmem>>, vector<1x2000x128xf32>
      %get3A_13 = vector.shape_cast %get3A_12 : vector<1x2000x128xf32> to vector<2000x128xf32>
      %get3A_14 = arith.constant 0 : index
      %get3A_15 = arith.constant 0 : index
      %get3A_16 = arith.constant 0 : index
      %get3A_17 = vector.load %arg2[%get3A_14, %get3A_15, %get3A_16] : memref<1x2000x128xf32, #tpu.memory_space<vmem>>, vector<1x2000x128xf32>
      %get3A_18 = vector.shape_cast %get3A_17 : vector<1x2000x128xf32> to vector<2000x128xf32>
      %add3A = arith.addf %get3A_13, %get3A_18 : vector<2000x128xf32>
      %get3A_19 = arith.constant 0 : index
      %get3A_20 = arith.constant 0 : index
      %get3A_21 = vector.load %arg3[%get3A_19, %get3A_20] : memref<2000x128xf32, #tpu.memory_space<vmem>>, vector<2000x128xf32>
      %sub3A = arith.subf %add3A, %get3A_21 : vector<2000x128xf32>
      %get3A_22 = arith.constant 0 : index
      %get3A_23 = arith.constant 0 : index
      %get3A_24 = vector.load %arg4[%get3A_22, %get3A_23] : memref<2000x1xf32, #tpu.memory_space<vmem>>, vector<2000x1xf32>
      %mul3A = vector.broadcast %get3A_24 : vector<2000x1xf32> to vector<2000x128xf32>
      %mul3A_25 = arith.mulf %sub3A, %mul3A : vector<2000x128xf32>
      %get3A_26 = arith.constant 0 : index
      %get3A_27 = arith.constant 0 : index
      %get3A_28 = vector.load %arg5[%get3A_26, %get3A_27] : memref<128x128xf32, #tpu.memory_space<vmem>>, vector<128x128xf32>
      %dot_general3A = arith.constant dense<0.000000e+00> : vector<2000x128xf32>
      %dot_general3A_29 = tpu.matmul %mul3A_25, %get3A_28, %dot_general3A {dimension_numbers = #tpu.dot_dimension_numbers<[1], [0], [0], [1], [0, 0, 1, 1], [], []>, transpose_lhs_hint = false} : vector<2000x128xf32>, vector<128x128xf32>, vector<2000x128xf32> -> vector<2000x128xf32>
      %get3A_30 = arith.constant 0 : index
      %get3A_31 = arith.constant 0 : index
      %get3A_32 = vector.load %arg6[%get3A_30, %get3A_31] : memref<1x128xf32, #tpu.memory_space<vmem>>, vector<1x128xf32>
      %add3A_33 = vector.broadcast %get3A_32 : vector<1x128xf32> to vector<2000x128xf32>
      %add3A_34 = arith.addf %dot_general3A_29, %add3A_33 : vector<2000x128xf32>
      %mul3A_35 = arith.constant 2000 : i32
      %mul3A_36 = arith.muli %arg0, %mul3A_35 : i32
      %swap3A = arith.index_cast %mul3A_36 : i32 to index
      %swap3A_37 = arith.constant 0 : index
      %swap3A_38 = vector.load %arg10[%swap3A, %swap3A_37] : memref<10000x128xf32, #tpu.memory_space<vmem>>, vector<2000x128xf32>
      tpu.vector_store %arg10[%swap3A, %swap3A_37], %add3A_34 {strides = array<i32>} : memref<10000x128xf32, #tpu.memory_space<vmem>>, vector<2000x128xf32>,
      %get3A_39 = arith.constant 0 : index
      %get3A_40 = memref.load %arg11[%get3A_39] : memref<2xf32, #tpu.memory_space<smem>>
      %reduce_sum3A = vector.shape_cast %add3A_34 : vector<2000x128xf32> to vector<1x2000x128xf32>
      %reduce_sum3A_41 = arith.constant dense<0.000000e+00> : vector<1xf32>
      %reduce_sum3A_42 = vector.multi_reduction <add>, %reduce_sum3A, %reduce_sum3A_41 [1, 2] : vector<1x2000x128xf32> to vector<1xf32>
      %reduce_sum3A_43 = vector.shape_cast %reduce_sum3A_42 : vector<1xf32> to vector<1x1x1xf32>
      %reduce_sum3A_44 = vector.extract %reduce_sum3A_43[0, 0, 0] : f32 from vector<1x1x1xf32>
      %add3A_45 = arith.addf %get3A_40, %reduce_sum3A_44 : f32
      %swap3A_46 = arith.constant 0 : index
      %swap3A_47 = memref.load %arg11[%swap3A_46] : memref<2xf32, #tpu.memory_space<smem>>
      memref.store %add3A_45, %arg11[%swap3A_46] : memref<2xf32, #tpu.memory_space<smem>>
      %get3A_48 = arith.constant 1 : index
      %get3A_49 = memref.load %arg11[%get3A_48] : memref<2xf32, #tpu.memory_space<smem>>
      %mul3A_50 = arith.mulf %add3A_34, %add3A_34 : vector<2000x128xf32>
      %reduce_sum3A_51 = vector.shape_cast %mul3A_50 : vector<2000x128xf32> to vector<1x2000x128xf32>
      %reduce_sum3A_52 = arith.constant dense<0.000000e+00> : vector<1xf32>
      %reduce_sum3A_53 = vector.multi_reduction <add>, %reduce_sum3A_51, %reduce_sum3A_52 [1, 2] : vector<1x2000x128xf32> to vector<1xf32>
      %reduce_sum3A_54 = vector.shape_cast %reduce_sum3A_53 : vector<1xf32> to vector<1x1x1xf32>
      %reduce_sum3A_55 = vector.extract %reduce_sum3A_54[0, 0, 0] : f32 from vector<1x1x1xf32>
      %add3A_56 = arith.addf %get3A_49, %reduce_sum3A_55 : f32
      %swap3A_57 = arith.constant 1 : index
      %swap3A_58 = memref.load %arg11[%swap3A_57] : memref<2xf32, #tpu.memory_space<smem>>
      memref.store %add3A_56, %arg11[%swap3A_57] : memref<2xf32, #tpu.memory_space<smem>>
    } else {
    }
    %ge3A = arith.constant 5 : i32
    %ge3A_6 = arith.cmpi sge, %arg0, %ge3A : i32
    %convert_element_type3A_7 = arith.extui %ge3A_6 : i1 to i32
    %cond3A_8 = arith.constant 0 : i32
    %cond3A_9 = arith.cmpi ne, %convert_element_type3A_7, %cond3A_8 : i32
    scf.if %cond3A_9 {
      %get3A = arith.constant 0 : index
      %get3A_10 = memref.load %arg11[%get3A] : memref<2xf32, #tpu.memory_space<smem>>
      %mul3A = arith.constant 7.812500e-07 : f32
      %mul3A_11 = arith.mulf %get3A_10, %mul3A : f32
      %get3A_12 = arith.constant 1 : index
      %get3A_13 = memref.load %arg11[%get3A_12] : memref<2xf32, #tpu.memory_space<smem>>
      %mul3A_14 = arith.constant 7.812500e-07 : f32
      %mul3A_15 = arith.mulf %get3A_13, %mul3A_14 : f32
      %mul3A_16 = arith.mulf %mul3A_11, %mul3A_11 : f32
      %sub3A = arith.subf %mul3A_15, %mul3A_16 : f32
      %add3A = arith.constant 9.99999974E-6 : f32
      %add3A_17 = arith.addf %sub3A, %add3A : f32
      %rsqrt3A = math.rsqrt %add3A_17 : f32
      %sub3A_18 = arith.constant 5 : i32
      %sub3A_19 = arith.subi %arg0, %sub3A_18 : i32
      %mul3A_20 = arith.constant 2000 : i32
      %mul3A_21 = arith.muli %sub3A_19, %mul3A_20 : i32
      %get3A_22 = arith.index_cast %mul3A_21 : i32 to index
      %get3A_23 = arith.constant 0 : index
      %get3A_24 = vector.load %arg10[%get3A_22, %get3A_23] : memref<10000x128xf32, #tpu.memory_space<vmem>>, vector<2000x128xf32>
      %sub3A_25 = vector.broadcast %mul3A_11 : f32 to vector<2000x128xf32>
      %sub3A_26 = arith.subf %get3A_24, %sub3A_25 : vector<2000x128xf32>
      %mul3A_27 = vector.broadcast %rsqrt3A : f32 to vector<2000x128xf32>
      %mul3A_28 = arith.mulf %sub3A_26, %mul3A_27 : vector<2000x128xf32>
      %get3A_29 = arith.constant 0 : index
      %get3A_30 = arith.constant 0 : index
      %get3A_31 = vector.load %arg7[%get3A_29, %get3A_30] : memref<1x128xf32, #tpu.memory_space<vmem>>, vector<1x128xf32>
      %mul3A_32 = vector.broadcast %get3A_31 : vector<1x128xf32> to vector<2000x128xf32>
      %mul3A_33 = arith.mulf %mul3A_28, %mul3A_32 : vector<2000x128xf32>
      %get3A_34 = arith.constant 0 : index
      %get3A_35 = arith.constant 0 : index
      %get3A_36 = vector.load %arg8[%get3A_34, %get3A_35] : memref<1x128xf32, #tpu.memory_space<vmem>>, vector<1x128xf32>
      %add3A_37 = vector.broadcast %get3A_36 : vector<1x128xf32> to vector<2000x128xf32>
      %add3A_38 = arith.addf %mul3A_33, %add3A_37 : vector<2000x128xf32>
      %max3A = arith.constant 0.000000e+00 : f32
      %max3A_39 = vector.broadcast %max3A : f32 to vector<2000x128xf32>
      %max3A_40 = arith.maximumf %add3A_38, %max3A_39 : vector<2000x128xf32>
      %get3A_41 = arith.constant 0 : index
      %get3A_42 = arith.constant 0 : index
      %get3A_43 = vector.load %arg4[%get3A_41, %get3A_42] : memref<2000x1xf32, #tpu.memory_space<vmem>>, vector<2000x1xf32>
      %mul3A_44 = vector.broadcast %get3A_43 : vector<2000x1xf32> to vector<2000x128xf32>
      %mul3A_45 = arith.mulf %max3A_40, %mul3A_44 : vector<2000x128xf32>
      %swap3A = arith.constant 0 : index
      %swap3A_46 = arith.constant 0 : index
      %swap3A_47 = vector.load %arg9[%swap3A, %swap3A_46] : memref<2000x128xf32, #tpu.memory_space<vmem>>, vector<2000x128xf32>
      tpu.vector_store %arg9[%swap3A, %swap3A_46], %mul3A_45 {strides = array<i32>} : memref<2000x128xf32, #tpu.memory_space<vmem>>, vector<2000x128xf32>,
    } else {
    }
    return
  }
  func.func @transform_0(%arg0: i32) -> (i32, i32, i32) {
    %min3A = arith.constant 4 : i32
    %min3A_0 = arith.minsi %arg0, %min3A : i32
    %c0_i32 = arith.constant 0 : i32
    %c0_i32_1 = arith.constant 0 : i32
    %c0_i32_2 = arith.constant 0 : i32
    return %c0_i32, %min3A_0, %c0_i32_1 : i32, i32, i32
  }
  func.func @transform_1(%arg0: i32) -> (i32, i32, i32) {
    %min3A = arith.constant 4 : i32
    %min3A_0 = arith.minsi %arg0, %min3A : i32
    %c1_i32 = arith.constant 1 : i32
    %c0_i32 = arith.constant 0 : i32
    %c0_i32_1 = arith.constant 0 : i32
    return %c1_i32, %min3A_0, %c0_i32 : i32, i32, i32
  }
  func.func @transform_2(%arg0: i32) -> (i32, i32) {
    %min3A = arith.constant 4 : i32
    %min3A_0 = arith.minsi %arg0, %min3A : i32
    %c0_i32 = arith.constant 0 : i32
    %c0_i32_1 = arith.constant 0 : i32
    return %min3A_0, %c0_i32 : i32, i32
  }
  func.func @transform_3(%arg0: i32) -> (i32, i32) {
    %jit3A = arith.constant 5 : i32
    %eq3A = arith.constant 0 : i32
    %eq3A_0 = arith.cmpi eq, %jit3A, %eq3A : i32
    %jit3A_1 = arith.constant 1 : i32
    %select_n3A = arith.select %eq3A_0, %jit3A_1, %jit3A : i32
    %rem3A = arith.remsi %arg0, %select_n3A : i32
    %ne3A = arith.constant 0 : i32
    %ne3A_2 = arith.cmpi ne, %rem3A, %ne3A : i32
    %lt3A = arith.constant 0 : i32
    %lt3A_3 = arith.cmpi slt, %rem3A, %lt3A : i32
    %lt3A_4 = arith.constant 0 : i32
    %lt3A_5 = arith.cmpi slt, %select_n3A, %lt3A_4 : i32
    %ne3A_6 = arith.xori %lt3A_3, %lt3A_5 : i1
    %and3A = arith.andi %ne3A_6, %ne3A_2 : i1
    %add3A = arith.addi %rem3A, %select_n3A : i32
    %select_n3A_7 = arith.select %and3A, %add3A, %rem3A : i32
    %c0_i32 = arith.constant 0 : i32
    %c0_i32_8 = arith.constant 0 : i32
    return %select_n3A_7, %c0_i32 : i32, i32
  }
  func.func @transform_4(%arg0: i32) -> (i32, i32) {
    %c0_i32 = arith.constant 0 : i32
    %c0_i32_0 = arith.constant 0 : i32
    %c0_i32_1 = arith.constant 0 : i32
    return %c0_i32, %c0_i32_0 : i32, i32
  }
  func.func @transform_5(%arg0: i32) -> (i32, i32) {
    %c0_i32 = arith.constant 0 : i32
    %c0_i32_0 = arith.constant 0 : i32
    %c0_i32_1 = arith.constant 0 : i32
    return %c0_i32, %c0_i32_0 : i32, i32
  }
  func.func @transform_6(%arg0: i32) -> (i32, i32) {
    %c0_i32 = arith.constant 0 : i32
    %c0_i32_0 = arith.constant 0 : i32
    %c0_i32_1 = arith.constant 0 : i32
    return %c0_i32, %c0_i32_0 : i32, i32
  }
  func.func @transform_7(%arg0: i32) -> (i32, i32) {
    %c0_i32 = arith.constant 0 : i32
    %c0_i32_0 = arith.constant 0 : i32
    %c0_i32_1 = arith.constant 0 : i32
    return %c0_i32, %c0_i32_0 : i32, i32
  }
  func.func @transform_8(%arg0: i32) -> (i32, i32) {
    %lt3A = arith.constant 5 : i32
    %lt3A_0 = arith.cmpi slt, %arg0, %lt3A : i32
    %sub3A = arith.constant 5 : i32
    %sub3A_1 = arith.subi %arg0, %sub3A : i32
    %jit3A = arith.constant 0 : i32
    %select_n3A = arith.select %lt3A_0, %jit3A, %sub3A_1 : i32
    %c0_i32 = arith.constant 0 : i32
    %c0_i32_2 = arith.constant 0 : i32
    return %select_n3A, %c0_i32 : i32, i32
  }
}

module attributes {stable_mosaic.version = 14 : i64} {
  func.func @_mmln_body(%arg0: i32, %arg1: memref<1x2000x128xf32, #tpu.memory_space<vmem>>, %arg2: memref<1x2000x128xf32, #tpu.memory_space<vmem>>, %arg3: memref<2000x128xf32, #tpu.memory_space<vmem>>, %arg4: memref<2000x1xf32, #tpu.memory_space<vmem>>, %arg5: memref<128x128xf32, #tpu.memory_space<vmem>>, %arg6: memref<1x128xf32, #tpu.memory_space<vmem>>, %arg7: memref<2000x128xf32, #tpu.memory_space<vmem>>, %arg8: memref<1x128xf32, #tpu.memory_space<vmem>>, %arg9: memref<1x128xf32, #tpu.memory_space<vmem>>, %arg10: memref<2000x128xf32, #tpu.memory_space<vmem>>, %arg11: memref<10000x128xf32, #tpu.memory_space<vmem>>, %arg12: memref<2xf32, #tpu.memory_space<smem>>) attributes {dimension_semantics = [#tpu.dimension_semantics<arbitrary>], iteration_bounds = array<i64: 10>, scalar_prefetch = 0 : i64, scratch_operands = 2 : i64, tpu.core_type = #tpu.core_type<tc>, window_params = [{transform_indices = @transform_0, window_bounds = array<i64: 1, 2000, 128>}, {transform_indices = @transform_1, window_bounds = array<i64: 1, 2000, 128>}, {transform_indices = @transform_2, window_bounds = array<i64: 2000, 128>}, {transform_indices = @transform_3, window_bounds = array<i64: 2000, 1>}, {pipeline_mode = #tpu.pipeline_mode<synchronous>, transform_indices = @transform_4, window_bounds = array<i64: 128, 128>}, {pipeline_mode = #tpu.pipeline_mode<synchronous>, transform_indices = @transform_5, window_bounds = array<i64: 1, 128>}, {transform_indices = @transform_6, window_bounds = array<i64: 2000, 128>}, {pipeline_mode = #tpu.pipeline_mode<synchronous>, transform_indices = @transform_7, window_bounds = array<i64: 1, 128>}, {pipeline_mode = #tpu.pipeline_mode<synchronous>, transform_indices = @transform_8, window_bounds = array<i64: 1, 128>}, {transform_indices = @transform_9, window_bounds = array<i64: 2000, 128>}]} {
    %eq3A = arith.constant 0 : i32
    %eq3A_0 = arith.cmpi eq, %arg0, %eq3A : i32
    %convert_element_type3A = arith.extui %eq3A_0 : i1 to i32
    %cond3A = arith.constant 0 : i32
    %cond3A_1 = arith.cmpi ne, %convert_element_type3A, %cond3A : i32
    scf.if %cond3A_1 {
      %swap3A = arith.constant 0.000000e+00 : f32
      %swap3A_10 = arith.constant 0 : index
      %swap3A_11 = memref.load %arg12[%swap3A_10] : memref<2xf32, #tpu.memory_space<smem>>
      memref.store %swap3A, %arg12[%swap3A_10] : memref<2xf32, #tpu.memory_space<smem>>
      %swap3A_12 = arith.constant 0.000000e+00 : f32
      %swap3A_13 = arith.constant 1 : index
      %swap3A_14 = memref.load %arg12[%swap3A_13] : memref<2xf32, #tpu.memory_space<smem>>
      memref.store %swap3A_12, %arg12[%swap3A_13] : memref<2xf32, #tpu.memory_space<smem>>
    } else {
    }
    %lt3A = arith.constant 5 : i32
    %lt3A_2 = arith.cmpi slt, %arg0, %lt3A : i32
    %convert_element_type3A_3 = arith.extui %lt3A_2 : i1 to i32
    %cond3A_4 = arith.constant 0 : i32
    %cond3A_5 = arith.cmpi ne, %convert_element_type3A_3, %cond3A_4 : i32
    scf.if %cond3A_5 {
      %get3A = arith.constant 0 : index
      %get3A_10 = arith.constant 0 : index
      %get3A_11 = arith.constant 0 : index
      %get3A_12 = vector.load %arg1[%get3A, %get3A_10, %get3A_11] : memref<1x2000x128xf32, #tpu.memory_space<vmem>>, vector<1x2000x128xf32>
      %get3A_13 = vector.shape_cast %get3A_12 : vector<1x2000x128xf32> to vector<2000x128xf32>
      %get3A_14 = arith.constant 0 : index
      %get3A_15 = arith.constant 0 : index
      %get3A_16 = arith.constant 0 : index
      %get3A_17 = vector.load %arg2[%get3A_14, %get3A_15, %get3A_16] : memref<1x2000x128xf32, #tpu.memory_space<vmem>>, vector<1x2000x128xf32>
      %get3A_18 = vector.shape_cast %get3A_17 : vector<1x2000x128xf32> to vector<2000x128xf32>
      %add3A = arith.addf %get3A_13, %get3A_18 : vector<2000x128xf32>
      %get3A_19 = arith.constant 0 : index
      %get3A_20 = arith.constant 0 : index
      %get3A_21 = vector.load %arg3[%get3A_19, %get3A_20] : memref<2000x128xf32, #tpu.memory_space<vmem>>, vector<2000x128xf32>
      %sub3A = arith.subf %add3A, %get3A_21 : vector<2000x128xf32>
      %get3A_22 = arith.constant 0 : index
      %get3A_23 = arith.constant 0 : index
      %get3A_24 = vector.load %arg4[%get3A_22, %get3A_23] : memref<2000x1xf32, #tpu.memory_space<vmem>>, vector<2000x1xf32>
      %mul3A = vector.broadcast %get3A_24 : vector<2000x1xf32> to vector<2000x128xf32>
      %mul3A_25 = arith.mulf %sub3A, %mul3A : vector<2000x128xf32>
      %get3A_26 = arith.constant 0 : index
      %get3A_27 = arith.constant 0 : index
      %get3A_28 = vector.load %arg5[%get3A_26, %get3A_27] : memref<128x128xf32, #tpu.memory_space<vmem>>, vector<128x128xf32>
      %dot_general3A = arith.constant dense<0.000000e+00> : vector<2000x128xf32>
      %dot_general3A_29 = tpu.matmul %mul3A_25, %get3A_28, %dot_general3A {dimension_numbers = #tpu.dot_dimension_numbers<[1], [0], [0], [1], [0, 0, 1, 1], [], []>, transpose_lhs_hint = false} : vector<2000x128xf32>, vector<128x128xf32>, vector<2000x128xf32> -> vector<2000x128xf32>
      %get3A_30 = arith.constant 0 : index
      %get3A_31 = arith.constant 0 : index
      %get3A_32 = vector.load %arg6[%get3A_30, %get3A_31] : memref<1x128xf32, #tpu.memory_space<vmem>>, vector<1x128xf32>
      %add3A_33 = vector.broadcast %get3A_32 : vector<1x128xf32> to vector<2000x128xf32>
      %add3A_34 = arith.addf %dot_general3A_29, %add3A_33 : vector<2000x128xf32>
      %get3A_35 = arith.constant 0 : index
      %get3A_36 = arith.constant 0 : index
      %get3A_37 = vector.load %arg7[%get3A_35, %get3A_36] : memref<2000x128xf32, #tpu.memory_space<vmem>>, vector<2000x128xf32>
      %add3A_38 = arith.addf %add3A_34, %get3A_37 : vector<2000x128xf32>
      %mul3A_39 = arith.constant 2000 : i32
      %mul3A_40 = arith.muli %arg0, %mul3A_39 : i32
      %swap3A = arith.index_cast %mul3A_40 : i32 to index
      %swap3A_41 = arith.constant 0 : index
      %swap3A_42 = vector.load %arg11[%swap3A, %swap3A_41] : memref<10000x128xf32, #tpu.memory_space<vmem>>, vector<2000x128xf32>
      tpu.vector_store %arg11[%swap3A, %swap3A_41], %add3A_38 {strides = array<i32>} : memref<10000x128xf32, #tpu.memory_space<vmem>>, vector<2000x128xf32>,
      %get3A_43 = arith.constant 0 : index
      %get3A_44 = memref.load %arg12[%get3A_43] : memref<2xf32, #tpu.memory_space<smem>>
      %reduce_sum3A = vector.shape_cast %add3A_38 : vector<2000x128xf32> to vector<1x2000x128xf32>
      %reduce_sum3A_45 = arith.constant dense<0.000000e+00> : vector<1xf32>
      %reduce_sum3A_46 = vector.multi_reduction <add>, %reduce_sum3A, %reduce_sum3A_45 [1, 2] : vector<1x2000x128xf32> to vector<1xf32>
      %reduce_sum3A_47 = vector.shape_cast %reduce_sum3A_46 : vector<1xf32> to vector<1x1x1xf32>
      %reduce_sum3A_48 = vector.extract %reduce_sum3A_47[0, 0, 0] : f32 from vector<1x1x1xf32>
      %add3A_49 = arith.addf %get3A_44, %reduce_sum3A_48 : f32
      %swap3A_50 = arith.constant 0 : index
      %swap3A_51 = memref.load %arg12[%swap3A_50] : memref<2xf32, #tpu.memory_space<smem>>
      memref.store %add3A_49, %arg12[%swap3A_50] : memref<2xf32, #tpu.memory_space<smem>>
      %get3A_52 = arith.constant 1 : index
      %get3A_53 = memref.load %arg12[%get3A_52] : memref<2xf32, #tpu.memory_space<smem>>
      %mul3A_54 = arith.mulf %add3A_38, %add3A_38 : vector<2000x128xf32>
      %reduce_sum3A_55 = vector.shape_cast %mul3A_54 : vector<2000x128xf32> to vector<1x2000x128xf32>
      %reduce_sum3A_56 = arith.constant dense<0.000000e+00> : vector<1xf32>
      %reduce_sum3A_57 = vector.multi_reduction <add>, %reduce_sum3A_55, %reduce_sum3A_56 [1, 2] : vector<1x2000x128xf32> to vector<1xf32>
      %reduce_sum3A_58 = vector.shape_cast %reduce_sum3A_57 : vector<1xf32> to vector<1x1x1xf32>
      %reduce_sum3A_59 = vector.extract %reduce_sum3A_58[0, 0, 0] : f32 from vector<1x1x1xf32>
      %add3A_60 = arith.addf %get3A_53, %reduce_sum3A_59 : f32
      %swap3A_61 = arith.constant 1 : index
      %swap3A_62 = memref.load %arg12[%swap3A_61] : memref<2xf32, #tpu.memory_space<smem>>
      memref.store %add3A_60, %arg12[%swap3A_61] : memref<2xf32, #tpu.memory_space<smem>>
    } else {
    }
    %ge3A = arith.constant 5 : i32
    %ge3A_6 = arith.cmpi sge, %arg0, %ge3A : i32
    %convert_element_type3A_7 = arith.extui %ge3A_6 : i1 to i32
    %cond3A_8 = arith.constant 0 : i32
    %cond3A_9 = arith.cmpi ne, %convert_element_type3A_7, %cond3A_8 : i32
    scf.if %cond3A_9 {
      %get3A = arith.constant 0 : index
      %get3A_10 = memref.load %arg12[%get3A] : memref<2xf32, #tpu.memory_space<smem>>
      %mul3A = arith.constant 7.812500e-07 : f32
      %mul3A_11 = arith.mulf %get3A_10, %mul3A : f32
      %get3A_12 = arith.constant 1 : index
      %get3A_13 = memref.load %arg12[%get3A_12] : memref<2xf32, #tpu.memory_space<smem>>
      %mul3A_14 = arith.constant 7.812500e-07 : f32
      %mul3A_15 = arith.mulf %get3A_13, %mul3A_14 : f32
      %mul3A_16 = arith.mulf %mul3A_11, %mul3A_11 : f32
      %sub3A = arith.subf %mul3A_15, %mul3A_16 : f32
      %add3A = arith.constant 9.99999974E-6 : f32
      %add3A_17 = arith.addf %sub3A, %add3A : f32
      %rsqrt3A = math.rsqrt %add3A_17 : f32
      %sub3A_18 = arith.constant 5 : i32
      %sub3A_19 = arith.subi %arg0, %sub3A_18 : i32
      %mul3A_20 = arith.constant 2000 : i32
      %mul3A_21 = arith.muli %sub3A_19, %mul3A_20 : i32
      %get3A_22 = arith.index_cast %mul3A_21 : i32 to index
      %get3A_23 = arith.constant 0 : index
      %get3A_24 = vector.load %arg11[%get3A_22, %get3A_23] : memref<10000x128xf32, #tpu.memory_space<vmem>>, vector<2000x128xf32>
      %sub3A_25 = vector.broadcast %mul3A_11 : f32 to vector<2000x128xf32>
      %sub3A_26 = arith.subf %get3A_24, %sub3A_25 : vector<2000x128xf32>
      %mul3A_27 = vector.broadcast %rsqrt3A : f32 to vector<2000x128xf32>
      %mul3A_28 = arith.mulf %sub3A_26, %mul3A_27 : vector<2000x128xf32>
      %get3A_29 = arith.constant 0 : index
      %get3A_30 = arith.constant 0 : index
      %get3A_31 = vector.load %arg8[%get3A_29, %get3A_30] : memref<1x128xf32, #tpu.memory_space<vmem>>, vector<1x128xf32>
      %mul3A_32 = vector.broadcast %get3A_31 : vector<1x128xf32> to vector<2000x128xf32>
      %mul3A_33 = arith.mulf %mul3A_28, %mul3A_32 : vector<2000x128xf32>
      %get3A_34 = arith.constant 0 : index
      %get3A_35 = arith.constant 0 : index
      %get3A_36 = vector.load %arg9[%get3A_34, %get3A_35] : memref<1x128xf32, #tpu.memory_space<vmem>>, vector<1x128xf32>
      %add3A_37 = vector.broadcast %get3A_36 : vector<1x128xf32> to vector<2000x128xf32>
      %add3A_38 = arith.addf %mul3A_33, %add3A_37 : vector<2000x128xf32>
      %max3A = arith.constant 0.000000e+00 : f32
      %max3A_39 = vector.broadcast %max3A : f32 to vector<2000x128xf32>
      %max3A_40 = arith.maximumf %add3A_38, %max3A_39 : vector<2000x128xf32>
      %swap3A = arith.constant 0 : index
      %swap3A_41 = arith.constant 0 : index
      %swap3A_42 = vector.load %arg10[%swap3A, %swap3A_41] : memref<2000x128xf32, #tpu.memory_space<vmem>>, vector<2000x128xf32>
      tpu.vector_store %arg10[%swap3A, %swap3A_41], %max3A_40 {strides = array<i32>} : memref<2000x128xf32, #tpu.memory_space<vmem>>, vector<2000x128xf32>,
    } else {
    }
    return
  }
  func.func @transform_0(%arg0: i32) -> (i32, i32, i32) {
    %min3A = arith.constant 4 : i32
    %min3A_0 = arith.minsi %arg0, %min3A : i32
    %c0_i32 = arith.constant 0 : i32
    %c0_i32_1 = arith.constant 0 : i32
    %c0_i32_2 = arith.constant 0 : i32
    return %c0_i32, %min3A_0, %c0_i32_1 : i32, i32, i32
  }
  func.func @transform_1(%arg0: i32) -> (i32, i32, i32) {
    %min3A = arith.constant 4 : i32
    %min3A_0 = arith.minsi %arg0, %min3A : i32
    %c1_i32 = arith.constant 1 : i32
    %c0_i32 = arith.constant 0 : i32
    %c0_i32_1 = arith.constant 0 : i32
    return %c1_i32, %min3A_0, %c0_i32 : i32, i32, i32
  }
  func.func @transform_2(%arg0: i32) -> (i32, i32) {
    %min3A = arith.constant 4 : i32
    %min3A_0 = arith.minsi %arg0, %min3A : i32
    %c0_i32 = arith.constant 0 : i32
    %c0_i32_1 = arith.constant 0 : i32
    return %min3A_0, %c0_i32 : i32, i32
  }
  func.func @transform_3(%arg0: i32) -> (i32, i32) {
    %jit3A = arith.constant 5 : i32
    %eq3A = arith.constant 0 : i32
    %eq3A_0 = arith.cmpi eq, %jit3A, %eq3A : i32
    %jit3A_1 = arith.constant 1 : i32
    %select_n3A = arith.select %eq3A_0, %jit3A_1, %jit3A : i32
    %rem3A = arith.remsi %arg0, %select_n3A : i32
    %ne3A = arith.constant 0 : i32
    %ne3A_2 = arith.cmpi ne, %rem3A, %ne3A : i32
    %lt3A = arith.constant 0 : i32
    %lt3A_3 = arith.cmpi slt, %rem3A, %lt3A : i32
    %lt3A_4 = arith.constant 0 : i32
    %lt3A_5 = arith.cmpi slt, %select_n3A, %lt3A_4 : i32
    %ne3A_6 = arith.xori %lt3A_3, %lt3A_5 : i1
    %and3A = arith.andi %ne3A_6, %ne3A_2 : i1
    %add3A = arith.addi %rem3A, %select_n3A : i32
    %select_n3A_7 = arith.select %and3A, %add3A, %rem3A : i32
    %c0_i32 = arith.constant 0 : i32
    %c0_i32_8 = arith.constant 0 : i32
    return %select_n3A_7, %c0_i32 : i32, i32
  }
  func.func @transform_4(%arg0: i32) -> (i32, i32) {
    %c0_i32 = arith.constant 0 : i32
    %c0_i32_0 = arith.constant 0 : i32
    %c0_i32_1 = arith.constant 0 : i32
    return %c0_i32, %c0_i32_0 : i32, i32
  }
  func.func @transform_5(%arg0: i32) -> (i32, i32) {
    %c0_i32 = arith.constant 0 : i32
    %c0_i32_0 = arith.constant 0 : i32
    %c0_i32_1 = arith.constant 0 : i32
    return %c0_i32, %c0_i32_0 : i32, i32
  }
  func.func @transform_6(%arg0: i32) -> (i32, i32) {
    %min3A = arith.constant 4 : i32
    %min3A_0 = arith.minsi %arg0, %min3A : i32
    %c0_i32 = arith.constant 0 : i32
    %c0_i32_1 = arith.constant 0 : i32
    return %min3A_0, %c0_i32 : i32, i32
  }
  func.func @transform_7(%arg0: i32) -> (i32, i32) {
    %c0_i32 = arith.constant 0 : i32
    %c0_i32_0 = arith.constant 0 : i32
    %c0_i32_1 = arith.constant 0 : i32
    return %c0_i32, %c0_i32_0 : i32, i32
  }
  func.func @transform_8(%arg0: i32) -> (i32, i32) {
    %c0_i32 = arith.constant 0 : i32
    %c0_i32_0 = arith.constant 0 : i32
    %c0_i32_1 = arith.constant 0 : i32
    return %c0_i32, %c0_i32_0 : i32, i32
  }
  func.func @transform_9(%arg0: i32) -> (i32, i32) {
    %lt3A = arith.constant 5 : i32
    %lt3A_0 = arith.cmpi slt, %arg0, %lt3A : i32
    %sub3A = arith.constant 5 : i32
    %sub3A_1 = arith.subi %arg0, %sub3A : i32
    %jit3A = arith.constant 0 : i32
    %select_n3A = arith.select %lt3A_0, %jit3A, %sub3A_1 : i32
    %c0_i32 = arith.constant 0 : i32
    %c0_i32_2 = arith.constant 0 : i32
    return %select_n3A, %c0_i32 : i32, i32
  }
}

</mosaic_0001>

<sc_bundles>
// kernel: kernel.11.cloned.1.call-start
scs
__scs_entry_jumppad:
0x0: {  	(pc) =	sbr.rel $0x88, $3  }
0x1: {  	(tag) =	ssettag $0x0;
	lr =	simm.s32 $0x1  }
0x2: {  	[smem:$0x3F97] =	sst lr;
	_ =	strace $0xD0000000  }
0x3: {  	_ = 	snop  }
0x4: {  	_ = 	snop  }
0x5: {  	_ = 	snop  }
0x6: {  	_ = 	snop  }
0x7: {  	_ = 	snop  }
__scs_overlays_trampoline_lowered:
0x8: {  	[smem:$0x3FA6] =	sst s0  }
0x9: {  	[smem:$0x3FA7] =	sst s1  }
0xa: {  	[smem:$0x3FA8] =	sst s2  }
0xb: {  	[smem:$0x3FA9] =	sst s3  }
0xc: {  	[smem:$0x3FAA] =	sst s4  }
0xd: {  	[smem:$0x3FAB] =	sst s5  }
0xe: {  	[smem:$0x3FAC] =	sst s6  }
0xf: {  	[smem:$0x3FAD] =	sst s7  }
0x10: {  	[smem:$0x3FAE] =	sst s8  }
0x11: {  	[smem:$0x3FAF] =	sst s9;
	s0 =	simm.s32 @!p0 $0x0  }
0x12: {  	s1 =	sld [smem:$0x3F95];
	s0 =	simm.s32 @p0 $0x1  }
0x13: {  	[smem:$0x3FB0] =	sst s0;
	s0 =	simm.s32 @!p1 $0x0  }
0x14: {  	s2 =	sld [smem:$0x3F94];
	s0 =	simm.s32 @p1 $0x1  }
0x15: {  	[smem:$0x3FB1] =	sst s0;
	s0 =	simm.s32 @!p2 $0x0  }
0x16: {  	s3 =	sld [smem:$0x3FDB];
	s0 =	simm.s32 @p2 $0x1  }
0x17: {  	s4 =	simm.s32 $0x1BF5;
	[smem:$0x3FB3] =	sst s0  }
0x18: {  	s0 =	sld [smem:$0x3F96];
	_ =	swait.ge [sflag:s4], $0x0  }
0x19: {  	s7 =	sld [smem:$0x3F97]  }
0x1a: {  	s8 =	sadd.s32 $0xFFFFE003, lr  }
0x1b: {  	s9 =	sadd.s32 $0xFFFFFEF7, lr;
	s5 =	simm.s32 $0xFFFFFFFF;
	p2 =	slt.u32 s8, $0xFFFFF086  }
0x1c: {  	p1 =	slt.u32 s9, $0xF7A;
	s5 =	simm.s32 @!p2 $0x0  }
0x1d: {  	s5 =	simm.s32 @p1 $0x1;
	p0 =	seq.s32 s7, s2  }
0x1e: {  	s7 =	smul.u32 @!p0 $0xF7A, s2;
	p2 =	seq.s32 @!p0 s5, $0x0  }
0x1f: {  	s9 =	smul.u32 $0xF7A, s1;
	s8 =	simm.s32 @!p0 $0x1BF5;
	p2 =	por !p2, p0  }
0x20: {  	[sflag:s8] =	ssyncset.s32 @!p0 $0xFFFFF086;
	s6 =	sadd.s32 @!p0 s3, s7;
	s7 =	simm.s32 @!p0 $0x108  }
0x21: {  	s3 =	sadd.s32 s3, s9;
	s6 =	sadd.s32 @!p0 $0x88, s6;
	s7 =	simm.s32 @p2 $0x1082  }
0x22: {  	[simem:s7], [sflag:s8] =	dma.local @!p0 [hbm:s6], $0xF7A  }
0x23: {  	s9 =	sor.u32 $0xD0000000, s2;
	s6 =	simm.s32 $0x108;
	_ =	swait.ge @!p0 [sflag:s8], $0x0  }
0x24: {  	s3 =	sadd.s32 $0x88, s3;
	s6 =	simm.s32 @!p1 $0x1082;
	[sflag:s4] =	ssyncset.s32 $0xFFFFF086  }
0x25: {  	[simem:s6], [sflag:s4] =	dma.local [hbm:s3], $0xF7A  }
0x26: {  	[smem:$0x3F97] =	sst s1;
	(tag) =	ssettag s2;
	_ =	strace s9  }
0x27: {  	s1 =	sld [smem:$0x3FA7]  }
0x28: {  	s2 =	sld [smem:$0x3FA8]  }
0x29: {  	s4 =	sld [smem:$0x3FAA]  }
0x2a: {  	p0 =	seq.s32 s5, $0x0;
	s5 =	sld [smem:$0x3FAB]  }
0x2b: {  	s6 =	sld [smem:$0x3FAC]  }
0x2c: {  	s7 =	sld [smem:$0x3FAD]  }
0x2d: {  	s3 =	simm.s32 $0x108;
	s8 =	sld [smem:$0x3FAE]  }
0x2e: {  	s3 =	simm.s32 @!p0 $0x1082;
	s9 =	sld [smem:$0x3FAF]  }
0x2f: {  	lr =	sadd.s32 s0, s3;
	s0 =	sld [smem:$0x3FA6]  }
0x30: {  	s3 =	sld [smem:$0x3FA9]  }
0x31: {  	[smem:$0x3FB2] =	sst s10  }
0x32: {  	s10 =	sld [smem:$0x3FB0];
	_ =	sdelay $0x3  }
0x33: {  	p0 =	seq.s32 s10, $0x1;
	s10 =	sld [smem:$0x3FB2];
	_ =	sdelay $0x3  }
0x34: {  	[smem:$0x3FB2] =	sst s10  }
0x35: {  	s10 =	sld [smem:$0x3FB1];
	_ =	sdelay $0x3  }
0x36: {  	p1 =	seq.s32 s10, $0x1;
	s10 =	sld [smem:$0x3FB2];
	_ =	sdelay $0x3  }
0x37: {  	[smem:$0x3FB2] =	sst s10  }
0x38: {  	s10 =	sld [smem:$0x3FB3]  }
0x39: {  	_ = 	snop;
	(pc) =	sbr.ind lr, $3  }
0x3a: {  	_ = 	snop  }
0x3b: {  	_ = 	snop  }
0x3c: {  	p2 =	seq.s32 s10, $0x1;
	s10 =	sld [smem:$0x3FB2]  }
0x3d: {  	_ =	shalt  }
0x3e: {  	_ =	shalt  }
0x3f: {  	_ =	shalt  }
0x40: {  	_ =	shalt  }
0x41: {  	_ =	shalt  }
0x42: {  	_ =	shalt  }
0x43: {  	_ =	shalt  }
0x44: {  	_ =	shalt  }
0x45: {  	_ =	shalt  }
0x46: {  	_ =	shalt  }
0x47: {  	_ =	shalt  }
0x48: {  	_ =	shalt  }
0x49: {  	_ =	shalt  }
0x4a: {  	_ =	shalt  }
0x4b: {  	_ =	shalt  }
0x4c: {  	_ =	shalt  }
0x4d: {  	_ =	shalt  }
0x4e: {  	_ =	shalt  }
0x4f: {  	_ =	shalt  }
0x50: {  	_ =	shalt  }
0x51: {  	_ =	shalt  }
0x52: {  	_ =	shalt  }
0x53: {  	_ =	shalt  }
0x54: {  	_ =	shalt  }
0x55: {  	_ =	shalt  }
0x56: {  	_ =	shalt  }
0x57: {  	_ =	shalt  }
0x58: {  	_ =	shalt  }
0x59: {  	_ =	shalt  }
0x5a: {  	_ =	shalt  }
0x5b: {  	_ =	shalt  }
0x5c: {  	_ =	shalt  }
0x5d: {  	_ =	shalt  }
0x5e: {  	_ =	shalt  }
0x5f: {  	_ =	shalt  }
0x60: {  	_ =	shalt  }
0x61: {  	_ =	shalt  }
0x62: {  	_ =	shalt  }
0x63: {  	_ =	shalt  }
0x64: {  	_ =	shalt  }
0x65: {  	_ =	shalt  }
0x66: {  	_ =	shalt  }
0x67: {  	_ =	shalt  }
0x68: {  	_ =	shalt  }
0x69: {  	_ =	shalt  }
0x6a: {  	_ =	shalt  }
0x6b: {  	_ =	shalt  }
0x6c: {  	_ =	shalt  }
0x6d: {  	_ =	shalt  }
0x6e: {  	_ =	shalt  }
0x6f: {  	_ =	shalt  }
0x70: {  	_ =	shalt  }
0x71: {  	_ =	shalt  }
0x72: {  	_ =	shalt  }
0x73: {  	_ =	shalt  }
0x74: {  	_ =	shalt  }
0x75: {  	_ =	shalt  }
0x76: {  	_ =	shalt  }
0x77: {  	_ =	shalt  }
0x78: {  	_ =	shalt  }
0x79: {  	_ =	shalt  }
0x7a: {  	_ =	shalt  }
0x7b: {  	_ =	shalt  }
0x7c: {  	_ =	shalt  }
0x7d: {  	_ =	shalt  }
0x7e: {  	_ =	shalt  }
0x7f: {  	_ =	shalt  }
0x80: {  	_ =	shalt  }
0x81: {  	_ =	shalt  }
0x82: {  	_ =	shalt  }
0x83: {  	_ =	shalt  }
0x84: {  	_ =	shalt  }
0x85: {  	_ =	shalt  }
0x86: {  	_ =	shalt  }
0x87: {  	_ =	shalt  }
.Lfunc_end0:
.L_simem_size_0:
called_computation.1_lowered:
.L_overlay_start_0:
0x88: {  	s2 =	sld [smem:$0x3FD9]  }
0x89: {  	s3 =	sld [smem:$0x3FFE];
	_ =	sdelay $0x1  }
0x8a: {  	s1 =	srdreg.scid  }
0x8b: {  	s0 =	sand.u32 $0x1, s1  }
0x8c: {  	s17 =	sshll.u32 s0, $0xA;
	s2 =	sadd.s32 s3, s2  }
0x8d: {  	s2 =	sadd.s32 s2, s17  }
0x8e: {  	[smem:$0x3FBE] =	sst s2  }
0x8f: {  	_ = 	snop  }
0x90: {  	s2 =	sld [smem:$0x3FD0];
	(tm) =	ssettm $0x1  }
0x91: {  	s18 =	sld [smem:$0x3FFB];
	_ =	sdelay $0x3  }
0x92: {  	_ =	strace s18  }
0x93: {  	s3 =	sld [smem:$0x3FFC];
	_ =	sdelay $0x3  }
0x94: {  	_ =	strace s3  }
0x95: {  	s3 =	sld [smem:$0x3FFD];
	_ =	sdelay $0x3  }
0x96: {  	_ =	strace s3  }
0x97: {  	_ =	strace $0x8FFFFFFF  }
0x98: {  	s19 =	sld [smem:$0x3FDB];
	_ =	sdelay $0x1  }
0x99: {  	s4 =	simm.s32 $_scs_section_size  }
0x9a: {  	s5 =	simm.s32 $_size__tile_overlayer_lowered;
	s6 =	simm.s32 $_tile_overlayer_lowered  }
0x9b: {  	s22 =	simm.s32 $0x1BFF;
	s21 =	sshll.u32 s6, $0x1;
	s3 =	sadd.s32 s4, s19  }
0x9c: {  	s7 =	simm.s32 $0x0;
	s20 =	sshll.u32 s5, $0x1;
	s5 =	sadd.s32 s21, s3  }
0x9d: {  	[timem:s7], [sflag:s22] =	dma.local [hbm:s5], s20  }
0x9e: {  	_ =	swait.ge [sflag:s22], s20  }
0x9f: {  	s4 =	ssub.s32 $0x0, s20;
	[sflag:s22] =	ssyncset.done $0x0  }
0xa0: {  	[sflag:s22] =	ssyncadd.s32 s4;
	_ =	sdelay $0x1  }
0xa1: {  	s23 =	simm.s32 $0x1B8B  }
0xa2: {  	_ =	swait.ge [sflag:s23], $0x1  }
0xa3: {  	[sflag:s23] =	ssyncset.done $0x0  }
0xa4: {  	s25 =	simm.s32 $0x1B8E;
	s24 =	sld [smem:$0x3FFE];
	[sflag:s23] =	ssyncadd.s32 $0xFFFFFFFF  }
0xa5: {  	s26 =	simm.s32 $execute0_lowered;
	[smem:$0x3FD2] =	sst s25  }
0xa6: {  	s5 =	sshll.u32 s26, $0x1;
	_ =	strace $0x80000049;
	[dreg:$0x1] =	wrdreg $0xFFFFFFFF  }
0xa7: {  	s28 =	simm.s32 $_size_execute0_lowered;
	s3 =	sadd.s32 s3, s5;
	[dreg:$0x0] =	wrdreg $0x0  }
0xa8: {  	s5 =	sshll.u32 s28, $0x1;
	[dreg:$0x2] =	wrdreg s3  }
0xa9: {  	[dreg:$0x3] =	wrdreg s5  }
0xaa: {  	[dreg:$0x4] =	wrdreg $0xC0  }
0xab: {  	_ =	task [dreg:s7], $0x5FFFF  }
0xac: {  	[dreg:$0x1] =	wrdreg $0xFFFFFFFF  }
0xad: {  	[dreg:$0x0] =	wrdreg $0x60  }
0xae: {  	[dreg:$0x2] =	wrdreg s2  }
0xaf: {  	[dreg:$0x3] =	wrdreg s24  }
0xb0: {  	[dreg:$0x4] =	wrdreg $0xC6000  }
0xb1: {  	[dreg:$0x5] =	wrdreg $0x9  }
0xb2: {  	_ =	task.clear_ibuf [dreg:s7], $0x6FFFF;
	_ =	strace $0x90000049  }
0xb3: {  	s29 =	simm.s32 $0x9;
	_ =	strace $0x8000004B  }
0xb4: {  	_ =	swait.ge [sflag:s29], $0x1  }
0xb5: {  	[sflag:s29] =	ssyncadd.s32 $0xFFFFFFFF  }
0xb6: {  	_ =	strace $0x9000004B  }
0xb7: {  	_ =	sfence  }
0xb8: {  	s30 =	sld [smem:$0x0];
	_ =	sdelay $0x2  }
0xb9: {  	s31 =	sshll.u32 s1, $0xD;
	s1 =	sshrl.u32 s1, $0x2  }
0xba: {  	s3 =	sand.u32 $0x4000, s31;
	s1 =	sadd.s32 s1, s30  }
0xbb: {  	s0 =	sor.u32 s3, s0;
	s1 =	sshll.u32 s1, $0x11  }
0xbc: {  	s0 =	sor.u32 s1, s0  }
0xbd: {  	s0 =	sadd.s32 $0x8F2B, s0  }
0xbe: {  	[sflag:s0] =	ssyncadd.remote.s32 $0x1  }
0xbf: {  	_ =	sfence.sel $0xFFFF  }
0xc0: {  	[dreg:$0x0] =	wrdreg $0xFFFFFFFF;
	(pc) =	sbr.abs _section_cstart, $3  }
0xc1: {  	[dreg:$0x1] =	wrdreg $0xFFFFFFFF  }
0xc2: {  	_ =	task.clear_ibuf [dreg:s7], $0x2FFFF;
	_ =	strace $0x9FFFFFFF  }
0xc3: {  	(tm) =	ssettm $0x7FFFFFFF  }
tec
execute0_lowered:
.L_overlay_start_1:
0x0: {  	(tag) =	ssettag $0x1  }
0x1: {  	s1 =	rddreg [dreg:$0x0]  }
0x2: {  	s5 =	rddreg [dreg:$0x1]  }
0x3: {  	s3 =	rddreg [dreg:$0x2];
	s4 =	simm.s32 $0x0;
	s0 =	srdreg.scid  }
0x4: {  	s13 =	stileid.u32;
	[smem:$0x7FF] =	sst s4  }
0x5: {  	s6 =	sand.u32 $0x1, s0;
	s7 =	smul.u32 $0x13880, s13;
	s2 =	sadd.s32 $0x2800, s5  }
0x6: {  	s0 =	sadd.s32 $0xC600, s5;
	s9 =	sshll.u32 s13, $0x1;
	s29 =	smul.u32 $0x9C, s13  }
0x7: {  	p0 =	slt.u32 s13, $0x2;
	s8 =	smul.u32 $0x138800, s6;
	s9 =	sor.u32 s6, s9  }
0x8: {  	_ =	strace $0x8000004A;
	s10 =	ssub.s32 $0x2, s6;
	s12 =	smul.u32 $0x4E, s9  }
0x9: {  	s6 =	smul.u32 $0x4E, s6;
	s11 =	sshrl.u32 s10, $0x1;
	s9 =	smin.u32 s9, $0x4  }
0xa: {  	s8 =	sadd.s32 s7, s8;
	s10 =	ssub.s32 s10, s11;
	s26 =	sadd.s32 s9, s12  }
0xb: {  	s6 =	sadd.s32 s6, s29;
	s8 =	sshrl.u32 s8, $0x3;
	s11 =	sshll.u32 s26, $0x4  }
0xc: {  	s6 =	sadd.s32 s9, s6;
	s8 =	sadd.s32 s8, s5;
	s14 =	sadd.s32 s2, s11  }
0xd: {  	s15 =	sadd.s32 $0x10, s11;
	[dreg:$0x11] =	wrdreg s14;
	s14 =	sadd.s32 s0, s11  }
0xe: {  	s5 =	simm.s32 $0x4F;
	s16 =	sadd.s32 s2, s15;
	[dreg:$0x12] =	wrdreg s14  }
0xf: {  	s18 =	sadd.s32 $0x20, s11;
	s17 =	sadd.s32 s0, s15;
	[dreg:$0x13] =	wrdreg s16  }
0x10: {  	s6 =	sshll.u32 s6, $0x4;
	s19 =	sadd.s32 s2, s18;
	[dreg:$0x14] =	wrdreg s17  }
0x11: {  	s21 =	sadd.s32 $0x30, s11;
	s20 =	sadd.s32 s0, s18;
	[dreg:$0x15] =	wrdreg s19  }
0x12: {  	s5 =	simm.s32 @!p0 $0x4E;
	s24 =	sadd.s32 s2, s21;
	[dreg:$0x16] =	wrdreg s20  }
0x13: {  	s23 =	sadd.s32 $0x90, s6;
	s22 =	sadd.s32 $0xFFFFFFFF, s5;
	[dreg:$0x17] =	wrdreg s24  }
0x14: {  	s25 =	sadd.s32 s23, s2;
	[dreg:$0x6] =	wrdreg s22  }
0x15: {  	s9 =	sadd.s32 s0, s21;
	[dreg:$0xf] =	wrdreg s25  }
0x16: {  	s29 =	sadd.s32 $0x80, s6;
	s26 =	sadd.s32 s23, s0;
	[dreg:$0x18] =	wrdreg s9  }
0x17: {  	s13 =	sadd.s32 s29, s2;
	[dreg:$0x10] =	wrdreg s26  }
0x18: {  	[dreg:$0xd] =	wrdreg s13;
	s16 =	sadd.s32 s7, s3  }
0x19: {  	s15 =	sadd.s32 $0x70, s6;
	s14 =	sadd.s32 s29, s0;
	[dreg:$0x19] =	wrdreg s16  }
0x1a: {  	s17 =	sadd.s32 s15, s2;
	[dreg:$0xe] =	wrdreg s14  }
0x1b: {  	s21 =	sadd.s32 s6, s0;
	s18 =	sadd.s32 s15, s0;
	[dreg:$0xb] =	wrdreg s17  }
0x1c: {  	s23 =	sadd.s32 $0x50, s6;
	s22 =	sadd.s32 $0x60, s21;
	[dreg:$0xc] =	wrdreg s18  }
0x1d: {  	s24 =	sadd.s32 s23, s2;
	[dreg:$0xa] =	wrdreg s22  }
0x1e: {  	s25 =	sadd.s32 s23, s0;
	[dreg:$0x7] =	wrdreg s24  }
0x1f: {  	s28 =	simm.s32 $0x2;
	s26 =	sadd.s32 $0x16400, s8;
	[dreg:$0x8] =	wrdreg s25  }
0x20: {  	s19 =	sadd.s32 s6, s2;
	s29 =	smax.u32 s10, $0x1;
	[dreg:$0x1b] =	wrdreg s26  }
0x21: {  	s7 =	sshrl.u32 s7, $0x3;
	s20 =	sadd.s32 $0x60, s19;
	[dreg:$0x1c] =	wrdreg s29  }
0x22: {  	s6 =	sadd.s32 $0x40, s6;
	s7 =	sadd.s32 s1, s7;
	[dreg:$0x9] =	wrdreg s20  }
0x23: {  	s30 =	simm.s32 $0xC;
	s2 =	sadd.s32 s6, s2;
	[dreg:$0x1a] =	wrdreg s7  }
0x24: {  	s31 =	simm.s32 $0x0;
	s0 =	sadd.s32 s6, s0;
	[dreg:$0x4] =	wrdreg s2  }
0x25: {  	s19 =	simm.s32 $0x80;
	s25 =	simm.s32 $0x1;
	[dreg:$0x5] =	wrdreg s0  }
.LBB2_1:
0x26: {  	s0 =	rddreg [dreg:$0x11]  }
0x27: {  	[tilespmem:s4], [sflag:$0x1] =	stream.linear.gather [hbm4b:s0+s4], $0x80, $0x38;
	[tilespmem:$0x1FE80] =	vst v63  }
0x28: {  	s7 =	rddreg [dreg:$0x12];
	s2 =	simm.s32 $0x300  }
0x29: {  	[tilespmem:s2], [sflag:$0x1] =	stream.linear.gather [hbm4b:s7+s4], $0x80, $0x38;
	[tilespmem:$0x1FE80] =	vst v63  }
0x2a: {  	s8 =	rddreg [dreg:$0x13]  }
0x2b: {  	[tilespmem:s19], [sflag:$0x2] =	stream.linear.gather [hbm4b:s8+s4], $0x80, $0x38;
	[tilespmem:$0x1FE80] =	vst v63  }
0x2c: {  	s9 =	rddreg [dreg:$0x14];
	s10 =	simm.s32 $0x380  }
0x2d: {  	[tilespmem:s10], [sflag:$0x2] =	stream.linear.gather [hbm4b:s9+s4], $0x80, $0x38;
	[tilespmem:$0x1FE80] =	vst v63  }
0x2e: {  	s11 =	rddreg [dreg:$0x15];
	s12 =	simm.s32 $0x100  }
0x2f: {  	[tilespmem:s12], [sflag:$0x3] =	stream.linear.gather [hbm4b:s11+s4], $0x80, $0x38;
	[tilespmem:$0x1FE80] =	vst v63  }
0x30: {  	s13 =	rddreg [dreg:$0x16];
	s14 =	simm.s32 $0x400  }
0x31: {  	[tilespmem:s14], [sflag:$0x3] =	stream.linear.gather [hbm4b:s13+s4], $0x80, $0x38;
	[tilespmem:$0x1FE80] =	vst v63  }
0x32: {  	s15 =	rddreg [dreg:$0x17];
	s16 =	simm.s32 $0x180  }
0x33: {  	[tilespmem:s16], [sflag:$0x4] =	stream.linear.gather [hbm4b:s15+s4], $0x80, $0x38;
	[tilespmem:$0x1FE80] =	vst v63  }
0x34: {  	s17 =	rddreg [dreg:$0x18];
	s18 =	simm.s32 $0x480  }
0x35: {  	[tilespmem:s18], [sflag:$0x4] =	stream.linear.gather [hbm4b:s17+s4], $0x80, $0x38;
	[tilespmem:$0x1FE80] =	vst v63  }
0x36: {  	_ =	swait.ge [sflag:s25], $0x80  }
0x37: {  	[sflag:s25] =	ssyncset.done $0x0  }
0x38: {  	[sflag:s25] =	ssyncadd.s32 $0xFFFFFF80  }
0x39: {  	_ =	swait.ge [sflag:s25], $0x80  }
0x3a: {  	[sflag:s25] =	ssyncset.done $0x0  }
0x3b: {  	s20 =	simm.s32 $0x600;
	[sflag:s25] =	ssyncadd.s32 $0xFFFFFF80  }
0x3c: {  	[tilespmem:s20], [sflag:$0x7] =	stream.indirect.gather [hbm4b:s1+s19], $0x80, s4, s19, $0xb8;
	[tilespmem:$0x1FE80] =	vst v63  }
0x3d: {  	_ =	swait.ge [sflag:s28], $0x80  }
0x3e: {  	[sflag:s28] =	ssyncset.done $0x0  }
0x3f: {  	s22 =	stileid.u32;
	[sflag:s28] =	ssyncadd.s32 $0xFFFFFF80  }
0x40: {  	s21 =	simm.s32 $0x4600;
	s0 =	sshll.u32 s22, $0x6;
	_ =	swait.ge [sflag:s28], $0x80  }
0x41: {  	s0 =	sor.u32 $0x1C0C, s0;
	[sflag:s28] =	ssyncset.done $0x0;
	s23 =	rddreg [dreg:$0x19]  }
0x42: {  	s24 =	rddreg [dreg:$0x1a];
	[sflag:s28] =	ssyncadd.s32 $0xFFFFFF80;
	s18 =	sshrl.u32 s23, $0x3  }
0x43: {  	[tilespmem:s21], [sflag:$0x8] =	stream.indirect.gather [hbm4b:s1+s19], $0x80, s19, s19, $0xb8;
	[tilespmem:$0x1FE80] =	vst v63  }
0x44: {  	[spmem:s18], [sflag:s0] =	dma.local [hbm:s24], $0x2710  }
0x45: {  	_ =	swait.ge [sflag:s30], $0x2710  }
0x46: {  	[sflag:s30] =	ssyncset.done $0x0  }
0x47: {  	p0 =	sle.u32 s5, $0x0;
	[sflag:s30] =	ssyncadd.s32 $0xFFFFD8F0  }
0x48: {  	s2 =	simm.s32 @!p0 $0x7;
	[bflag:$0x0] =	sbarrier.arrive $0xFFFF  }
0x49: {  	_ =	swait.ge @!p0 [sflag:s2], $0x4000  }
0x4a: {  	p1 =	por $0x1, $0x1;
	[sflag:s2] =	ssyncset.done @!p0 $0x0  }
0x4b: {  	s6 =	simm.s32 @!p1 $0xB;
	[sflag:s2] =	ssyncadd.s32 @!p0 $0xFFFFC000  }
0x4c: {  	p2 =	sle.u32 s5, $0x2;
	_ =	swait.ge @!p1 [sflag:s6], $0x4000  }
0x4d: {  	s7 =	simm.s32 @!p0 $0x80;
	s8 =	simm.s32 @!p0 $0x300;
	[sflag:s6] =	ssyncset.done @!p1 $0x0  }
0x4e: {  	s9 =	simm.s32 @!p2 $0x3;
	s2 =	simm.s32 @!p0 $0x600;
	[sflag:s6] =	ssyncadd.s32 @!p1 $0xFFFFC000  }
0x4f: {  	[spmem:s3] =	stream.indirect.scatter.add.f32 @!p0 [tilespmem:s2], [sflag:$0xA], $0x80, s8, s7, $0xb8;
	[tilespmem:$0x1FE80] =	vst v63  }
0x50: {  	_ =	swait.ge @!p2 [sflag:s9], $0x80  }
0x51: {  	[sflag:s9] =	ssyncset.done @!p2 $0x0  }
0x52: {  	s10 =	simm.s32 @!p2 $0x80;
	p1 =	sle.u32 s5, $0x4;
	[sflag:s9] =	ssyncadd.s32 @!p2 $0xFFFFFF80  }
0x53: {  	s7 =	simm.s32 @!p2 $0x8600;
	s2 =	simm.s32 @!p2 $0x100;
	_ =	swait.ge @!p2 [sflag:s9], $0x80  }
0x54: {  	s6 =	simm.s32 @!p1 $0x200;
	[sflag:s9] =	ssyncset.done @!p2 $0x0;
	s8 =	rddreg [dreg:$0x4]  }
0x55: {  	s11 =	simm.s32 @!p1 $0x0;
	s26 =	rddreg [dreg:$0x6];
	[sflag:s9] =	ssyncadd.s32 @!p2 $0xFFFFFF80  }
0x56: {  	[tilespmem:s7], [sflag:$0x9] =	stream.indirect.gather @!p2 [hbm4b:s1+s10], $0x80, s2, s10, $0xb8;
	[tilespmem:$0x1FE80] =	vst v63  }
0x57: {  	p4 =	sle.u32 s26, $0x0;
	s2 =	sadd.s32 @!p1 $0x0, s8;
	s8 =	rddreg [dreg:$0x5]  }
0x58: {  	[tilespmem:s6], [sflag:$0x5] =	stream.linear.gather @!p1 [hbm4b:s2+s11], $0x80, $0x38;
	[tilespmem:$0x1FE80] =	vst v63  }
0x59: {  	s9 =	simm.s32 @!p4 $0x8;
	s8 =	sadd.s32 @!p1 $0x0, s8;
	s2 =	simm.s32 @!p1 $0x500  }
0x5a: {  	[tilespmem:s2], [sflag:$0x5] =	stream.linear.gather @!p1 [hbm4b:s8+s11], $0x80, $0x38;
	[tilespmem:$0x1FE80] =	vst v63  }
0x5b: {  	_ =	swait.ge @!p4 [sflag:s9], $0x4000  }
0x5c: {  	[sflag:s9] =	ssyncset.done @!p4 $0x0  }
0x5d: {  	s8 =	simm.s32 @!p0 $0xA;
	[sflag:s9] =	ssyncadd.s32 @!p4 $0xFFFFC000  }
0x5e: {  	p3 =	sle.u32 s5, $0x3;
	_ =	swait.ge @!p0 [sflag:s8], $0x4000  }
0x5f: {  	s12 =	simm.s32 @!p3 $0x4;
	s11 =	simm.s32 @!p4 $0x4600;
	[sflag:s8] =	ssyncset.done @!p0 $0x0  }
0x60: {  	s9 =	simm.s32 @!p4 $0x380;
	[sflag:s8] =	ssyncadd.s32 @!p0 $0xFFFFC000;
	s8 =	simm.s32 @!p4 $0x80  }
0x61: {  	[spmem:s3] =	stream.indirect.scatter.add.f32 @!p4 [tilespmem:s11], [sflag:$0xB], $0x80, s9, s8, $0xb8;
	[tilespmem:$0x1FE80] =	vst v63  }
0x62: {  	_ =	swait.ge @!p3 [sflag:s12], $0x80  }
0x63: {  	[sflag:s12] =	ssyncset.done @!p3 $0x0  }
0x64: {  	[sflag:s12] =	ssyncadd.s32 @!p3 $0xFFFFFF80  }
0x65: {  	s13 =	simm.s32 @!p3 $0x80;
	p0 =	sle.u32 s5, $0x5;
	_ =	swait.ge @!p3 [sflag:s12], $0x80  }
0x66: {  	s8 =	simm.s32 @!p3 $0x600;
	s9 =	simm.s32 @!p3 $0x180;
	[sflag:s12] =	ssyncset.done @!p3 $0x0  }
0x67: {  	s14 =	simm.s32 @!p0 $0x280;
	s11 =	rddreg [dreg:$0x7];
	[sflag:s12] =	ssyncadd.s32 @!p3 $0xFFFFFF80  }
0x68: {  	[tilespmem:s8], [sflag:$0x7] =	stream.indirect.gather @!p3 [hbm4b:s1+s13], $0x80, s9, s13, $0xb8;
	[tilespmem:$0x1FE80] =	vst v63  }
0x69: {  	s12 =	rddreg [dreg:$0x8];
	s9 =	sadd.s32 @!p0 $0x0, s11;
	s11 =	simm.s32 @!p0 $0x0  }
0x6a: {  	[tilespmem:s14], [sflag:$0x6] =	stream.linear.gather @!p0 [hbm4b:s9+s11], $0x80, $0x38;
	[tilespmem:$0x1FE80] =	vst v63  }
0x6b: {  	s24 =	simm.s32 @!p0 $0x580;
	s12 =	sadd.s32 @!p0 $0x0, s12;
	s9 =	simm.s32 @!p2 $0x9  }
0x6c: {  	[tilespmem:s24], [sflag:$0x6] =	stream.linear.gather @!p0 [hbm4b:s12+s11], $0x80, $0x38;
	[tilespmem:$0x1FE80] =	vst v63  }
0x6d: {  	_ =	swait.ge @!p2 [sflag:s9], $0x4000  }
0x6e: {  	p4 =	slt.u32 s5, $0x2;
	[sflag:s9] =	ssyncset.done @!p2 $0x0  }
0x6f: {  	s11 =	simm.s32 @!p4 $0xB;
	[sflag:s9] =	ssyncadd.s32 @!p2 $0xFFFFC000  }
0x70: {  	_ =	swait.ge @!p4 [sflag:s11], $0x4000  }
0x71: {  	[sflag:s11] =	ssyncset.done @!p4 $0x0  }
0x72: {  	s9 =	simm.s32 @!p2 $0x400;
	[sflag:s11] =	ssyncadd.s32 @!p4 $0xFFFFC000;
	s11 =	simm.s32 @!p1 $0x5  }
0x73: {  	[spmem:s3] =	stream.indirect.scatter.add.f32 @!p2 [tilespmem:s7], [sflag:$0xA], $0x80, s9, s10, $0xb8;
	[tilespmem:$0x1FE80] =	vst v63  }
0x74: {  	_ =	swait.ge @!p1 [sflag:s11], $0x80  }
0x75: {  	[sflag:s11] =	ssyncset.done @!p1 $0x0  }
0x76: {  	[sflag:s11] =	ssyncadd.s32 @!p1 $0xFFFFFF80  }
0x77: {  	_ =	swait.ge @!p1 [sflag:s11], $0x80  }
0x78: {  	p2 =	sle.u32 s5, $0x6;
	s9 =	simm.s32 @!p1 $0x80;
	[sflag:s11] =	ssyncset.done @!p1 $0x0  }
0x79: {  	s10 =	simm.s32 @!p1 $0x4600;
	s7 =	rddreg [dreg:$0x9];
	[sflag:s11] =	ssyncadd.s32 @!p1 $0xFFFFFF80  }
0x7a: {  	[tilespmem:s10], [sflag:$0x8] =	stream.indirect.gather @!p1 [hbm4b:s1+s9], $0x80, s6, s9, $0xb8;
	[tilespmem:$0x1FE80] =	vst v63  }
0x7b: {  	s12 =	simm.s32 @!p2 $0x0;
	s11 =	rddreg [dreg:$0xa];
	s6 =	sadd.s32 @!p2 $0x0, s7  }
0x7c: {  	[tilespmem:s12], [sflag:$0x1] =	stream.linear.gather @!p2 [hbm4b:s6+s12], $0x80, $0x38;
	[tilespmem:$0x1FE80] =	vst v63  }
0x7d: {  	s7 =	sadd.s32 @!p2 $0x0, s11;
	s11 =	simm.s32 @!p3 $0x7;
	s6 =	simm.s32 @!p2 $0x300  }
0x7e: {  	[tilespmem:s6], [sflag:$0x1] =	stream.linear.gather @!p2 [hbm4b:s7+s12], $0x80, $0x38;
	[tilespmem:$0x1FE80] =	vst v63  }
0x7f: {  	_ =	swait.ge @!p3 [sflag:s11], $0x4000  }
0x80: {  	p4 =	slt.u32 s5, $0x3;
	[sflag:s11] =	ssyncset.done @!p3 $0x0  }
0x81: {  	s6 =	simm.s32 @!p4 $0xA;
	[sflag:s11] =	ssyncadd.s32 @!p3 $0xFFFFC000  }
0x82: {  	_ =	swait.ge @!p4 [sflag:s6], $0x4000  }
0x83: {  	[sflag:s6] =	ssyncset.done @!p4 $0x0  }
0x84: {  	s7 =	simm.s32 @!p0 $0x6;
	[sflag:s6] =	ssyncadd.s32 @!p4 $0xFFFFC000;
	s6 =	simm.s32 @!p3 $0x480  }
0x85: {  	[spmem:s3] =	stream.indirect.scatter.add.f32 @!p3 [tilespmem:s8], [sflag:$0xB], $0x80, s6, s13, $0xb8;
	[tilespmem:$0x1FE80] =	vst v63  }
0x86: {  	_ =	swait.ge @!p0 [sflag:s7], $0x80  }
0x87: {  	[sflag:s7] =	ssyncset.done @!p0 $0x0  }
0x88: {  	[sflag:s7] =	ssyncadd.s32 @!p0 $0xFFFFFF80  }
0x89: {  	s29 =	simm.s32 @!p0 $0x80;
	_ =	swait.ge @!p0 [sflag:s7], $0x80  }
0x8a: {  	p3 =	sle.u32 s5, $0x7;
	s8 =	simm.s32 @!p0 $0x8600;
	[sflag:s7] =	ssyncset.done @!p0 $0x0  }
0x8b: {  	s13 =	simm.s32 @!p3 $0x0;
	s6 =	rddreg [dreg:$0xb];
	[sflag:s7] =	ssyncadd.s32 @!p0 $0xFFFFFF80  }
0x8c: {  	[tilespmem:s8], [sflag:$0x9] =	stream.indirect.gather @!p0 [hbm4b:s1+s29], $0x80, s14, s29, $0xb8;
	[tilespmem:$0x1FE80] =	vst v63  }
0x8d: {  	s11 =	rddreg [dreg:$0xc];
	s6 =	sadd.s32 @!p3 $0x0, s6;
	s7 =	simm.s32 @!p3 $0x80  }
0x8e: {  	[tilespmem:s7], [sflag:$0x2] =	stream.linear.gather @!p3 [hbm4b:s6+s13], $0x80, $0x38;
	[tilespmem:$0x1FE80] =	vst v63  }
0x8f: {  	s11 =	sadd.s32 @!p3 $0x0, s11;
	s6 =	simm.s32 @!p3 $0x380  }
0x90: {  	[tilespmem:s6], [sflag:$0x2] =	stream.linear.gather @!p3 [hbm4b:s11+s13], $0x80, $0x38;
	[tilespmem:$0x1FE80] =	vst v63  }
0x91: {  	s6 =	simm.s32 @!p1 $0x8  }
0x92: {  	_ =	swait.ge @!p1 [sflag:s6], $0x4000  }
0x93: {  	p4 =	slt.u32 s5, $0x4;
	[sflag:s6] =	ssyncset.done @!p1 $0x0  }
0x94: {  	[sflag:s6] =	ssyncadd.s32 @!p1 $0xFFFFC000;
	s6 =	simm.s32 @!p4 $0xB  }
0x95: {  	_ =	swait.ge @!p4 [sflag:s6], $0x4000  }
0x96: {  	[sflag:s6] =	ssyncset.done @!p4 $0x0  }
0x97: {  	s11 =	simm.s32 @!p2 $0x1;
	[sflag:s6] =	ssyncadd.s32 @!p4 $0xFFFFC000  }
0x98: {  	[spmem:s3] =	stream.indirect.scatter.add.f32 @!p1 [tilespmem:s10], [sflag:$0xA], $0x80, s2, s9, $0xb8;
	[tilespmem:$0x1FE80] =	vst v63  }
0x99: {  	_ =	swait.ge @!p2 [sflag:s11], $0x80  }
0x9a: {  	[sflag:s11] =	ssyncset.done @!p2 $0x0  }
0x9b: {  	s22 =	simm.s32 $0x60;
	[sflag:s11] =	ssyncadd.s32 @!p2 $0xFFFFFF80  }
0x9c: {  	s20 =	simm.s32 $0x0;
	p1 =	sle.u32 s5, $0x8;
	_ =	swait.ge @!p2 [sflag:s11], $0x80  }
0x9d: {  	s2 =	simm.s32 @!p2 $0x600;
	[sflag:s11] =	ssyncset.done @!p2 $0x0;
	s6 =	rddreg [dreg:$0xd]  }
0x9e: {  	s9 =	simm.s32 @!p2 $0x80;
	s10 =	rddreg [dreg:$0xe];
	[sflag:s11] =	ssyncadd.s32 @!p2 $0xFFFFFF80  }
0x9f: {  	[tilespmem:s2], [sflag:$0x7] =	stream.indirect.gather @!p2 [hbm4b:s1+s9], $0x80, s12, s9, $0xb8;
	[tilespmem:$0x1FE80] =	vst v63  }
0xa0: {  	s2 =	sadd.s32 @!p1 $0x0, s6;
	s6 =	simm.s32 @!p1 $0x0;
	s9 =	simm.s32 @!p1 $0x100  }
0xa1: {  	[tilespmem:s9], [sflag:$0x3] =	stream.linear.gather @!p1 [hbm4b:s2+s6], $0x80, $0x38;
	[tilespmem:$0x1FE80] =	vst v63  }
0xa2: {  	s23 =	simm.s32 $0x6;
	s2 =	simm.s32 @!p1 $0x400;
	s9 =	sadd.s32 @!p1 $0x0, s10  }
0xa3: {  	[tilespmem:s2], [sflag:$0x3] =	stream.linear.gather @!p1 [hbm4b:s9+s6], $0x80, $0x38;
	[tilespmem:$0x1FE80] =	vst v63  }
0xa4: {  	s21 =	simm.s32 $0x0;
	s26 =	simm.s32 $0x5;
	s2 =	simm.s32 @!p0 $0x9  }
.LBB2_2:
0xa5: {  	_ =	swait.ge @!p0 [sflag:s2], $0x4000  }
0xa6: {  	p2 =	sgt.u32 s26, s5;
	[sflag:s2] =	ssyncset.done @!p0 $0x0  }
0xa7: {  	[sflag:s2] =	ssyncadd.s32 @!p0 $0xFFFFC000;
	s2 =	simm.s32 @!p2 $0xA  }
0xa8: {  	_ =	swait.ge @!p2 [sflag:s2], $0x4000  }
0xa9: {  	[sflag:s2] =	ssyncset.done @!p2 $0x0  }
0xaa: {  	[sflag:s2] =	ssyncadd.s32 @!p2 $0xFFFFC000;
	s2 =	simm.s32 @!p3 $0x2  }
0xab: {  	[spmem:s3] =	stream.indirect.scatter.add.f32 @!p0 [tilespmem:s8], [sflag:$0xB], $0x80, s24, s29, $0xb8;
	[tilespmem:$0x1FE80] =	vst v63  }
0xac: {  	_ =	swait.ge @!p3 [sflag:s2], $0x80  }
0xad: {  	[sflag:s2] =	ssyncset.done @!p3 $0x0  }
0xae: {  	[sflag:s2] =	ssyncadd.s32 @!p3 $0xFFFFFF80  }
0xaf: {  	s9 =	sadd.s32 $0x9, s21;
	p4 =	sge.u32 s23, s5;
	_ =	swait.ge @!p3 [sflag:s2], $0x80  }
0xb0: {  	p0 =	sge.u32 s9, s5;
	[sflag:s2] =	ssyncset.done @!p3 $0x0;
	s9 =	rddreg [dreg:$0xf]  }
0xb1: {  	s8 =	simm.s32 @!p3 $0x4600;
	[sflag:s2] =	ssyncadd.s32 @!p3 $0xFFFFFF80;
	s2 =	rddreg [dreg:$0x10]  }
0xb2: {  	[tilespmem:s8], [sflag:$0x8] =	stream.indirect.gather @!p3 [hbm4b:s1+s7], $0x80, s7, s7, $0xb8;
	[tilespmem:$0x1FE80] =	vst v63  }
0xb3: {  	s7 =	sadd.s32 @!p0 s20, s9;
	s8 =	simm.s32 @!p0 $0x0;
	s9 =	simm.s32 @!p0 $0x180  }
0xb4: {  	[tilespmem:s9], [sflag:$0x4] =	stream.linear.gather @!p0 [hbm4b:s7+s8], $0x80, $0x38;
	[tilespmem:$0x1FE80] =	vst v63  }
0xb5: {  	s10 =	simm.s32 @!p0 $0x480;
	s2 =	sadd.s32 @!p0 s20, s2;
	s9 =	simm.s32 @!p4 $0x7  }
0xb6: {  	[tilespmem:s10], [sflag:$0x4] =	stream.linear.gather @!p0 [hbm4b:s2+s8], $0x80, $0x38;
	[tilespmem:$0x1FE80] =	vst v63  }
0xb7: {  	s6 =	smov.u32 s22;
	_ =	swait.ge @!p4 [sflag:s9], $0x4000  }
0xb8: {  	p2 =	seq.s32 s6, $0x0;
	[sflag:s9] =	ssyncset.done @!p4 $0x0  }
0xb9: {  	s20 =	smov.u32 s6;
	s2 =	simm.s32 @!p2 $0xB;
	[sflag:s9] =	ssyncadd.s32 @!p4 $0xFFFFC000  }
0xba: {  	s6 =	simm.s32 @!p4 $0x600;
	s7 =	sadd.s32 $0x2, s23;
	_ =	swait.ge @!p2 [sflag:s2], $0x4000  }
0xbb: {  	p3 =	sge.u32 s7, s5;
	s8 =	simm.s32 @!p4 $0x80;
	[sflag:s2] =	ssyncset.done @!p2 $0x0  }
0xbc: {  	s10 =	simm.s32 @!p3 $0x3;
	s9 =	simm.s32 @!p4 $0x300;
	[sflag:s2] =	ssyncadd.s32 @!p2 $0xFFFFC000  }
0xbd: {  	[spmem:s3] =	stream.indirect.scatter.add.f32 @!p4 [tilespmem:s6], [sflag:$0xA], $0x80, s9, s8, $0xb8;
	[tilespmem:$0x1FE80] =	vst v63  }
0xbe: {  	_ =	swait.ge @!p3 [sflag:s10], $0x80  }
0xbf: {  	s29 =	simm.s32 @!p3 $0x8600;
	[sflag:s10] =	ssyncset.done @!p3 $0x0  }
0xc0: {  	s11 =	simm.s32 @!p3 $0x80;
	s2 =	sadd.s32 $0x4, s23;
	[sflag:s10] =	ssyncadd.s32 @!p3 $0xFFFFFF80  }
0xc1: {  	p2 =	sge.u32 s2, s5;
	s6 =	simm.s32 @!p3 $0x100;
	_ =	swait.ge @!p3 [sflag:s10], $0x80  }
0xc2: {  	s8 =	simm.s32 @!p2 $0x200;
	[sflag:s10] =	ssyncset.done @!p3 $0x0;
	s9 =	rddreg [dreg:$0x4]  }
0xc3: {  	s12 =	rddreg [dreg:$0x6];
	[sflag:s10] =	ssyncadd.s32 @!p3 $0xFFFFFF80;
	s10 =	simm.s32 @!p2 $0x0  }
0xc4: {  	[tilespmem:s29], [sflag:$0x9] =	stream.indirect.gather @!p3 [hbm4b:s1+s11], $0x80, s6, s11, $0xb8;
	[tilespmem:$0x1FE80] =	vst v63  }
0xc5: {  	p6 =	sge.u32 s23, s12;
	s6 =	sadd.s32 @!p2 s20, s9;
	s9 =	rddreg [dreg:$0x5]  }
0xc6: {  	[tilespmem:s8], [sflag:$0x5] =	stream.linear.gather @!p2 [hbm4b:s6+s10], $0x80, $0x38;
	[tilespmem:$0x1FE80] =	vst v63  }
0xc7: {  	s12 =	simm.s32 @!p6 $0x8;
	s9 =	sadd.s32 @!p2 s20, s9;
	s6 =	simm.s32 @!p2 $0x500  }
0xc8: {  	[tilespmem:s6], [sflag:$0x5] =	stream.linear.gather @!p2 [hbm4b:s9+s10], $0x80, $0x38;
	[tilespmem:$0x1FE80] =	vst v63  }
0xc9: {  	_ =	swait.ge @!p6 [sflag:s12], $0x4000  }
0xca: {  	[sflag:s12] =	ssyncset.done @!p6 $0x0  }
0xcb: {  	s9 =	simm.s32 @!p4 $0xA;
	s10 =	sadd.s32 $0x3, s23;
	[sflag:s12] =	ssyncadd.s32 @!p6 $0xFFFFC000  }
0xcc: {  	p5 =	sge.u32 s10, s5;
	_ =	swait.ge @!p4 [sflag:s9], $0x4000  }
0xcd: {  	s13 =	simm.s32 @!p6 $0x4600;
	s14 =	simm.s32 @!p5 $0x4;
	[sflag:s9] =	ssyncset.done @!p4 $0x0  }
0xce: {  	s12 =	simm.s32 @!p6 $0x380;
	[sflag:s9] =	ssyncadd.s32 @!p4 $0xFFFFC000;
	s9 =	simm.s32 @!p6 $0x80  }
0xcf: {  	[spmem:s3] =	stream.indirect.scatter.add.f32 @!p6 [tilespmem:s13], [sflag:$0xB], $0x80, s12, s9, $0xb8;
	[tilespmem:$0x1FE80] =	vst v63  }
0xd0: {  	_ =	swait.ge @!p5 [sflag:s14], $0x80  }
0xd1: {  	s26 =	sadd.s32 $0x5, s23;
	[sflag:s14] =	ssyncset.done @!p5 $0x0  }
0xd2: {  	p0 =	sge.u32 s26, s5;
	[sflag:s14] =	ssyncadd.s32 @!p5 $0xFFFFFF80  }
0xd3: {  	s17 =	simm.s32 @!p0 $0x0;
	_ =	swait.ge @!p5 [sflag:s14], $0x80  }
0xd4: {  	s15 =	simm.s32 @!p5 $0x80;
	s13 =	simm.s32 @!p5 $0x600;
	[sflag:s14] =	ssyncset.done @!p5 $0x0  }
0xd5: {  	s12 =	simm.s32 @!p5 $0x180;
	s16 =	rddreg [dreg:$0x7];
	[sflag:s14] =	ssyncadd.s32 @!p5 $0xFFFFFF80  }
0xd6: {  	[tilespmem:s13], [sflag:$0x7] =	stream.indirect.gather @!p5 [hbm4b:s1+s15], $0x80, s12, s15, $0xb8;
	[tilespmem:$0x1FE80] =	vst v63  }
0xd7: {  	s14 =	rddreg [dreg:$0x8];
	s16 =	sadd.s32 @!p0 s20, s16;
	s12 =	simm.s32 @!p0 $0x280  }
0xd8: {  	[tilespmem:s12], [sflag:$0x6] =	stream.linear.gather @!p0 [hbm4b:s16+s17], $0x80, $0x38;
	[tilespmem:$0x1FE80] =	vst v63  }
0xd9: {  	s24 =	simm.s32 @!p0 $0x580;
	s9 =	simm.s32 @!p3 $0x9;
	s14 =	sadd.s32 @!p0 s20, s14  }
0xda: {  	[tilespmem:s24], [sflag:$0x6] =	stream.linear.gather @!p0 [hbm4b:s14+s17], $0x80, $0x38;
	[tilespmem:$0x1FE80] =	vst v63  }
0xdb: {  	_ =	swait.ge @!p3 [sflag:s9], $0x4000  }
0xdc: {  	p6 =	sgt.u32 s7, s5;
	[sflag:s9] =	ssyncset.done @!p3 $0x0  }
0xdd: {  	s7 =	simm.s32 @!p6 $0xB;
	[sflag:s9] =	ssyncadd.s32 @!p3 $0xFFFFC000  }
0xde: {  	_ =	swait.ge @!p6 [sflag:s7], $0x4000  }
0xdf: {  	[sflag:s7] =	ssyncset.done @!p6 $0x0  }
0xe0: {  	s16 =	simm.s32 @!p2 $0x5;
	[sflag:s7] =	ssyncadd.s32 @!p6 $0xFFFFC000;
	s7 =	simm.s32 @!p3 $0x400  }
0xe1: {  	[spmem:s3] =	stream.indirect.scatter.add.f32 @!p3 [tilespmem:s29], [sflag:$0xA], $0x80, s7, s11, $0xb8;
	[tilespmem:$0x1FE80] =	vst v63  }
0xe2: {  	_ =	swait.ge @!p2 [sflag:s16], $0x80  }
0xe3: {  	[sflag:s16] =	ssyncset.done @!p2 $0x0  }
0xe4: {  	[sflag:s16] =	ssyncadd.s32 @!p2 $0xFFFFFF80  }
0xe5: {  	s21 =	smov.u32 s23;
	s23 =	sadd.s32 $0x6, s23;
	_ =	swait.ge @!p2 [sflag:s16], $0x80  }
0xe6: {  	p4 =	sge.u32 s23, s5;
	s14 =	simm.s32 @!p2 $0x4600;
	[sflag:s16] =	ssyncset.done @!p2 $0x0  }
0xe7: {  	s9 =	simm.s32 @!p2 $0x80;
	s11 =	rddreg [dreg:$0x9];
	[sflag:s16] =	ssyncadd.s32 @!p2 $0xFFFFFF80  }
0xe8: {  	[tilespmem:s14], [sflag:$0x8] =	stream.indirect.gather @!p2 [hbm4b:s1+s9], $0x80, s8, s9, $0xb8;
	[tilespmem:$0x1FE80] =	vst v63  }
0xe9: {  	s16 =	rddreg [dreg:$0xa];
	s8 =	sadd.s32 @!p4 s20, s11;
	s11 =	simm.s32 @!p4 $0x0  }
0xea: {  	[tilespmem:s11], [sflag:$0x1] =	stream.linear.gather @!p4 [hbm4b:s8+s11], $0x80, $0x38;
	[tilespmem:$0x1FE80] =	vst v63  }
0xeb: {  	s7 =	simm.s32 @!p4 $0x300;
	s8 =	sadd.s32 @!p4 s20, s16;
	s16 =	simm.s32 @!p5 $0x7  }
0xec: {  	[tilespmem:s7], [sflag:$0x1] =	stream.linear.gather @!p4 [hbm4b:s8+s11], $0x80, $0x38;
	[tilespmem:$0x1FE80] =	vst v63  }
0xed: {  	_ =	swait.ge @!p5 [sflag:s16], $0x4000  }
0xee: {  	p3 =	sgt.u32 s10, s5;
	[sflag:s16] =	ssyncset.done @!p5 $0x0  }
0xef: {  	s7 =	simm.s32 @!p3 $0xA;
	[sflag:s16] =	ssyncadd.s32 @!p5 $0xFFFFC000  }
0xf0: {  	_ =	swait.ge @!p3 [sflag:s7], $0x4000  }
0xf1: {  	[sflag:s7] =	ssyncset.done @!p3 $0x0  }
0xf2: {  	s8 =	simm.s32 @!p0 $0x6;
	[sflag:s7] =	ssyncadd.s32 @!p3 $0xFFFFC000;
	s7 =	simm.s32 @!p5 $0x480  }
0xf3: {  	[spmem:s3] =	stream.indirect.scatter.add.f32 @!p5 [tilespmem:s13], [sflag:$0xB], $0x80, s7, s15, $0xb8;
	[tilespmem:$0x1FE80] =	vst v63  }
0xf4: {  	_ =	swait.ge @!p0 [sflag:s8], $0x80  }
0xf5: {  	[sflag:s8] =	ssyncset.done @!p0 $0x0  }
0xf6: {  	s16 =	sadd.s32 $0x7, s21;
	[sflag:s8] =	ssyncadd.s32 @!p0 $0xFFFFFF80  }
0xf7: {  	p3 =	sge.u32 s16, s5;
	_ =	swait.ge @!p0 [sflag:s8], $0x80  }
0xf8: {  	s29 =	simm.s32 @!p0 $0x80;
	s16 =	simm.s32 @!p3 $0x0;
	[sflag:s8] =	ssyncset.done @!p0 $0x0  }
0xf9: {  	s7 =	rddreg [dreg:$0xb];
	[sflag:s8] =	ssyncadd.s32 @!p0 $0xFFFFFF80;
	s8 =	simm.s32 @!p0 $0x8600  }
0xfa: {  	[tilespmem:s8], [sflag:$0x9] =	stream.indirect.gather @!p0 [hbm4b:s1+s29], $0x80, s12, s29, $0xb8;
	[tilespmem:$0x1FE80] =	vst v63  }
0xfb: {  	s15 =	rddreg [dreg:$0xc];
	s12 =	sadd.s32 @!p3 s20, s7;
	s7 =	simm.s32 @!p3 $0x80  }
0xfc: {  	[tilespmem:s7], [sflag:$0x2] =	stream.linear.gather @!p3 [hbm4b:s12+s16], $0x80, $0x38;
	[tilespmem:$0x1FE80] =	vst v63  }
0xfd: {  	s10 =	simm.s32 @!p3 $0x380;
	s13 =	simm.s32 @!p2 $0x8;
	s12 =	sadd.s32 @!p3 s20, s15  }
0xfe: {  	[tilespmem:s10], [sflag:$0x2] =	stream.linear.gather @!p3 [hbm4b:s12+s16], $0x80, $0x38;
	[tilespmem:$0x1FE80] =	vst v63  }
0xff: {  	_ =	swait.ge @!p2 [sflag:s13], $0x4000  }
0x100: {  	p6 =	sgt.u32 s2, s5;
	[sflag:s13] =	ssyncset.done @!p2 $0x0  }
0x101: {  	s10 =	simm.s32 @!p6 $0xB;
	[sflag:s13] =	ssyncadd.s32 @!p2 $0xFFFFC000  }
0x102: {  	_ =	swait.ge @!p6 [sflag:s10], $0x4000  }
0x103: {  	[sflag:s10] =	ssyncset.done @!p6 $0x0  }
0x104: {  	s12 =	simm.s32 @!p4 $0x1;
	[sflag:s10] =	ssyncadd.s32 @!p6 $0xFFFFC000  }
0x105: {  	[spmem:s3] =	stream.indirect.scatter.add.f32 @!p2 [tilespmem:s14], [sflag:$0xA], $0x80, s6, s9, $0xb8;
	[tilespmem:$0x1FE80] =	vst v63  }
0x106: {  	_ =	swait.ge @!p4 [sflag:s12], $0x80  }
0x107: {  	[sflag:s12] =	ssyncset.done @!p4 $0x0  }
0x108: {  	s22 =	sadd.s32 $0x60, s22;
	[sflag:s12] =	ssyncadd.s32 @!p4 $0xFFFFFF80  }
0x109: {  	p1 =	sne.s32 s22, $0x540;
	_ =	swait.ge @!p4 [sflag:s12], $0x80  }
0x10a: {  	s17 =	sadd.s32 $0x8, s21;
	s9 =	simm.s32 @!p4 $0x600;
	[sflag:s12] =	ssyncset.done @!p4 $0x0  }
0x10b: {  	s10 =	rddreg [dreg:$0xd];
	[sflag:s12] =	ssyncadd.s32 @!p4 $0xFFFFFF80;
	s12 =	simm.s32 @!p4 $0x80  }
0x10c: {  	[tilespmem:s9], [sflag:$0x7] =	stream.indirect.gather @!p4 [hbm4b:s1+s12], $0x80, s11, s12, $0xb8;
	[tilespmem:$0x1FE80] =	vst v63  }
.Ltmp0:
0x10d: {  	p5 =	sge.u32 s17, s5;
	s13 =	rddreg [dreg:$0xe];
	(pc) =	sbr.rel @p1 .LBB2_2-.Ltmp0, $4  }
0x10e: {  	s9 =	sadd.s32 @!p5 s20, s10;
	s10 =	simm.s32 @!p5 $0x0;
	s11 =	simm.s32 @!p5 $0x100  }
0x10f: {  	[tilespmem:s11], [sflag:$0x3] =	stream.linear.gather @!p5 [hbm4b:s9+s10], $0x80, $0x38;
	[tilespmem:$0x1FE80] =	vst v63  }
0x110: {  	s2 =	simm.s32 @!p0 $0x9;
	s6 =	simm.s32 @!p5 $0x400;
	s9 =	sadd.s32 @!p5 s20, s13  }
0x111: {  	[tilespmem:s6], [sflag:$0x3] =	stream.linear.gather @!p5 [hbm4b:s9+s10], $0x80, $0x38;
	[tilespmem:$0x1FE80] =	vst v63  }
0x112: {  	_ =	swait.ge @!p0 [sflag:s2], $0x4000  }
0x113: {  	p1 =	sgt.u32 s26, s5;
	[sflag:s2] =	ssyncset.done @!p0 $0x0  }
0x114: {  	[sflag:s2] =	ssyncadd.s32 @!p0 $0xFFFFC000;
	s2 =	simm.s32 @!p1 $0xA  }
0x115: {  	_ =	swait.ge @!p1 [sflag:s2], $0x4000  }
0x116: {  	[sflag:s2] =	ssyncset.done @!p1 $0x0  }
0x117: {  	[sflag:s2] =	ssyncadd.s32 @!p1 $0xFFFFC000;
	s2 =	simm.s32 @!p3 $0x2  }
0x118: {  	[spmem:s3] =	stream.indirect.scatter.add.f32 @!p0 [tilespmem:s8], [sflag:$0xB], $0x80, s24, s29, $0xb8;
	[tilespmem:$0x1FE80] =	vst v63  }
0x119: {  	_ =	swait.ge @!p3 [sflag:s2], $0x80  }
0x11a: {  	[sflag:s2] =	ssyncset.done @!p3 $0x0  }
0x11b: {  	[sflag:s2] =	ssyncadd.s32 @!p3 $0xFFFFFF80  }
0x11c: {  	s6 =	sadd.s32 $0x9, s21;
	_ =	swait.ge @!p3 [sflag:s2], $0x80  }
0x11d: {  	p0 =	sge.u32 s6, s5;
	[sflag:s2] =	ssyncset.done @!p3 $0x0;
	s6 =	rddreg [dreg:$0xf]  }
0x11e: {  	s8 =	simm.s32 @!p3 $0x4600;
	[sflag:s2] =	ssyncadd.s32 @!p3 $0xFFFFFF80;
	s2 =	rddreg [dreg:$0x10]  }
0x11f: {  	[tilespmem:s8], [sflag:$0x8] =	stream.indirect.gather @!p3 [hbm4b:s1+s7], $0x80, s7, s7, $0xb8;
	[tilespmem:$0x1FE80] =	vst v63  }
0x120: {  	s6 =	sadd.s32 @!p0 s20, s6;
	s7 =	simm.s32 @!p0 $0x0;
	s8 =	simm.s32 @!p0 $0x180  }
0x121: {  	[tilespmem:s8], [sflag:$0x4] =	stream.linear.gather @!p0 [hbm4b:s6+s7], $0x80, $0x38;
	[tilespmem:$0x1FE80] =	vst v63  }
0x122: {  	s2 =	sadd.s32 @!p0 s20, s2;
	s6 =	simm.s32 @!p0 $0x480  }
0x123: {  	[tilespmem:s6], [sflag:$0x4] =	stream.linear.gather @!p0 [hbm4b:s2+s7], $0x80, $0x38;
	[tilespmem:$0x1FE80] =	vst v63  }
0x124: {  	[bflag:$0x0] =	sbarrier.arrive $0xFFFF  }
0x125: {  	s26 =	rddreg [dreg:$0x1b]  }
0x126: {  	[hbm:s26], [sflag:s0] =	dma.local [spmem:s18], $0x2710  }
0x127: {  	_ =	swait.ge [sflag:s30], $0x2710  }
0x128: {  	s31 =	sadd.s32 $0x1, s31;
	s29 =	rddreg [dreg:$0x1c]  }
0x129: {  	p0 =	sne.s32 s31, s29  }
.Ltmp1:
0x12a: {  	_ = 	snop;
	(pc) =	sbr.rel @p0 .LBB2_1-.Ltmp1, $3  }
0x12b: {  	_ =	sdelay $0x1  }
0x12c: {  	[sflag:s30] =	ssyncset.done $0x0  }
0x12d: {  	[sflag:s30] =	ssyncadd.s32 $0xFFFFD8F0  }
0x12e: {  	_ =	sfence.sel $0x180000  }
0x12f: {  	[bflag:$0x0] =	sbarrier.arrive $0xFFFF  }
0x130: {  	_ =	strace $0x9000004A  }
0x131: {  	s0 =	stileid.u32;
	[bflag:$0x2] =	sbarrier.arrive $0xFFFF  }
0x132: {  	p0 =	sne.s32 s0, $0x0;
	s0 =	rddreg [dreg:$0x3]  }
0x133: {  	s0 =	sadd.s32 @!p0 $0x100000, s0  }
0x134: {  	[sflag:s0] =	ssyncadd.tile.s32 @!p0 $0x1;
	_ =	shalt  }
.Lfunc_end2:
_tile_overlayer_lowered:
.L_overlay_start_2:
0x135: {  	(tag) =	ssettag $0x2  }
0x136: {  	s0 =	rddreg [dreg:$0x0];
	s2 =	stileid.u32  }
0x137: {  	s1 =	rddreg [dreg:$0x1];
	p0 =	sne.s32 s2, $0x0  }
0x138: {  	s3 =	rddreg [dreg:$0x2];
	[bflag:$0x3] =	sbarrier.arrive $0xFFFF;
	s2 =	simm.s32 @!p0 $0x1C0C  }
0x139: {  	[timem:s3], [sflag:s2] =	dma.local @!p0 [hbm:s0], s1  }
0x13a: {  	s0 =	simm.s32 @!p0 $0xC  }
0x13b: {  	_ =	swait.ge @!p0 [sflag:s0], s1  }
0x13c: {  	s1 =	ssub.s32 @!p0 $0x0, s1;
	[sflag:s0] =	ssyncset.done @!p0 $0x0  }
0x13d: {  	[sflag:s0] =	ssyncadd.s32 @!p0 s1  }
0x13e: {  	[bflag:$0x3] =	sbarrier.arrive $0xFFFF  }
0x13f: {  	_ =	shalt  }

// kernel: kernel.14.cloned.1.call-start
scs
__scs_entry_jumppad:
0x0: {  	(pc) =	sbr.rel $0x88, $3  }
0x1: {  	(tag) =	ssettag $0x0;
	lr =	simm.s32 $0x1  }
0x2: {  	[smem:$0x3F97] =	sst lr;
	_ =	strace $0xD0000000  }
0x3: {  	_ = 	snop  }
0x4: {  	_ = 	snop  }
0x5: {  	_ = 	snop  }
0x6: {  	_ = 	snop  }
0x7: {  	_ = 	snop  }
__scs_overlays_trampoline_lowered:
0x8: {  	[smem:$0x3FA6] =	sst s0  }
0x9: {  	[smem:$0x3FA7] =	sst s1  }
0xa: {  	[smem:$0x3FA8] =	sst s2  }
0xb: {  	[smem:$0x3FA9] =	sst s3  }
0xc: {  	[smem:$0x3FAA] =	sst s4  }
0xd: {  	[smem:$0x3FAB] =	sst s5  }
0xe: {  	[smem:$0x3FAC] =	sst s6  }
0xf: {  	[smem:$0x3FAD] =	sst s7  }
0x10: {  	[smem:$0x3FAE] =	sst s8  }
0x11: {  	[smem:$0x3FAF] =	sst s9;
	s0 =	simm.s32 @!p0 $0x0  }
0x12: {  	s1 =	sld [smem:$0x3F95];
	s0 =	simm.s32 @p0 $0x1  }
0x13: {  	[smem:$0x3FB0] =	sst s0;
	s0 =	simm.s32 @!p1 $0x0  }
0x14: {  	s2 =	sld [smem:$0x3F94];
	s0 =	simm.s32 @p1 $0x1  }
0x15: {  	[smem:$0x3FB1] =	sst s0;
	s0 =	simm.s32 @!p2 $0x0  }
0x16: {  	s3 =	sld [smem:$0x3FDB];
	s0 =	simm.s32 @p2 $0x1  }
0x17: {  	s4 =	simm.s32 $0x1BF5;
	[smem:$0x3FB3] =	sst s0  }
0x18: {  	s0 =	sld [smem:$0x3F96];
	_ =	swait.ge [sflag:s4], $0x0  }
0x19: {  	s7 =	sld [smem:$0x3F97]  }
0x1a: {  	s8 =	sadd.s32 $0xFFFFE003, lr  }
0x1b: {  	s9 =	sadd.s32 $0xFFFFFEF7, lr;
	s5 =	simm.s32 $0xFFFFFFFF;
	p2 =	slt.u32 s8, $0xFFFFF086  }
0x1c: {  	p1 =	slt.u32 s9, $0xF7A;
	s5 =	simm.s32 @!p2 $0x0  }
0x1d: {  	s5 =	simm.s32 @p1 $0x1;
	p0 =	seq.s32 s7, s2  }
0x1e: {  	s7 =	smul.u32 @!p0 $0xF7A, s2;
	p2 =	seq.s32 @!p0 s5, $0x0  }
0x1f: {  	s9 =	smul.u32 $0xF7A, s1;
	s8 =	simm.s32 @!p0 $0x1BF5;
	p2 =	por !p2, p0  }
0x20: {  	[sflag:s8] =	ssyncset.s32 @!p0 $0xFFFFF086;
	s6 =	sadd.s32 @!p0 s3, s7;
	s7 =	simm.s32 @!p0 $0x108  }
0x21: {  	s3 =	sadd.s32 s3, s9;
	s6 =	sadd.s32 @!p0 $0x88, s6;
	s7 =	simm.s32 @p2 $0x1082  }
0x22: {  	[simem:s7], [sflag:s8] =	dma.local @!p0 [hbm:s6], $0xF7A  }
0x23: {  	s9 =	sor.u32 $0xD0000000, s2;
	s6 =	simm.s32 $0x108;
	_ =	swait.ge @!p0 [sflag:s8], $0x0  }
0x24: {  	s3 =	sadd.s32 $0x88, s3;
	s6 =	simm.s32 @!p1 $0x1082;
	[sflag:s4] =	ssyncset.s32 $0xFFFFF086  }
0x25: {  	[simem:s6], [sflag:s4] =	dma.local [hbm:s3], $0xF7A  }
0x26: {  	[smem:$0x3F97] =	sst s1;
	(tag) =	ssettag s2;
	_ =	strace s9  }
0x27: {  	s1 =	sld [smem:$0x3FA7]  }
0x28: {  	s2 =	sld [smem:$0x3FA8]  }
0x29: {  	s4 =	sld [smem:$0x3FAA]  }
0x2a: {  	p0 =	seq.s32 s5, $0x0;
	s5 =	sld [smem:$0x3FAB]  }
0x2b: {  	s6 =	sld [smem:$0x3FAC]  }
0x2c: {  	s7 =	sld [smem:$0x3FAD]  }
0x2d: {  	s3 =	simm.s32 $0x108;
	s8 =	sld [smem:$0x3FAE]  }
0x2e: {  	s3 =	simm.s32 @!p0 $0x1082;
	s9 =	sld [smem:$0x3FAF]  }
0x2f: {  	lr =	sadd.s32 s0, s3;
	s0 =	sld [smem:$0x3FA6]  }
0x30: {  	s3 =	sld [smem:$0x3FA9]  }
0x31: {  	[smem:$0x3FB2] =	sst s10  }
0x32: {  	s10 =	sld [smem:$0x3FB0];
	_ =	sdelay $0x3  }
0x33: {  	p0 =	seq.s32 s10, $0x1;
	s10 =	sld [smem:$0x3FB2];
	_ =	sdelay $0x3  }
0x34: {  	[smem:$0x3FB2] =	sst s10  }
0x35: {  	s10 =	sld [smem:$0x3FB1];
	_ =	sdelay $0x3  }
0x36: {  	p1 =	seq.s32 s10, $0x1;
	s10 =	sld [smem:$0x3FB2];
	_ =	sdelay $0x3  }
0x37: {  	[smem:$0x3FB2] =	sst s10  }
0x38: {  	s10 =	sld [smem:$0x3FB3]  }
0x39: {  	_ = 	snop;
	(pc) =	sbr.ind lr, $3  }
0x3a: {  	_ = 	snop  }
0x3b: {  	_ = 	snop  }
0x3c: {  	p2 =	seq.s32 s10, $0x1;
	s10 =	sld [smem:$0x3FB2]  }
0x3d: {  	_ =	shalt  }
0x3e: {  	_ =	shalt  }
0x3f: {  	_ =	shalt  }
0x40: {  	_ =	shalt  }
0x41: {  	_ =	shalt  }
0x42: {  	_ =	shalt  }
0x43: {  	_ =	shalt  }
0x44: {  	_ =	shalt  }
0x45: {  	_ =	shalt  }
0x46: {  	_ =	shalt  }
0x47: {  	_ =	shalt  }
0x48: {  	_ =	shalt  }
0x49: {  	_ =	shalt  }
0x4a: {  	_ =	shalt  }
0x4b: {  	_ =	shalt  }
0x4c: {  	_ =	shalt  }
0x4d: {  	_ =	shalt  }
0x4e: {  	_ =	shalt  }
0x4f: {  	_ =	shalt  }
0x50: {  	_ =	shalt  }
0x51: {  	_ =	shalt  }
0x52: {  	_ =	shalt  }
0x53: {  	_ =	shalt  }
0x54: {  	_ =	shalt  }
0x55: {  	_ =	shalt  }
0x56: {  	_ =	shalt  }
0x57: {  	_ =	shalt  }
0x58: {  	_ =	shalt  }
0x59: {  	_ =	shalt  }
0x5a: {  	_ =	shalt  }
0x5b: {  	_ =	shalt  }
0x5c: {  	_ =	shalt  }
0x5d: {  	_ =	shalt  }
0x5e: {  	_ =	shalt  }
0x5f: {  	_ =	shalt  }
0x60: {  	_ =	shalt  }
0x61: {  	_ =	shalt  }
0x62: {  	_ =	shalt  }
0x63: {  	_ =	shalt  }
0x64: {  	_ =	shalt  }
0x65: {  	_ =	shalt  }
0x66: {  	_ =	shalt  }
0x67: {  	_ =	shalt  }
0x68: {  	_ =	shalt  }
0x69: {  	_ =	shalt  }
0x6a: {  	_ =	shalt  }
0x6b: {  	_ =	shalt  }
0x6c: {  	_ =	shalt  }
0x6d: {  	_ =	shalt  }
0x6e: {  	_ =	shalt  }
0x6f: {  	_ =	shalt  }
0x70: {  	_ =	shalt  }
0x71: {  	_ =	shalt  }
0x72: {  	_ =	shalt  }
0x73: {  	_ =	shalt  }
0x74: {  	_ =	shalt  }
0x75: {  	_ =	shalt  }
0x76: {  	_ =	shalt  }
0x77: {  	_ =	shalt  }
0x78: {  	_ =	shalt  }
0x79: {  	_ =	shalt  }
0x7a: {  	_ =	shalt  }
0x7b: {  	_ =	shalt  }
0x7c: {  	_ =	shalt  }
0x7d: {  	_ =	shalt  }
0x7e: {  	_ =	shalt  }
0x7f: {  	_ =	shalt  }
0x80: {  	_ =	shalt  }
0x81: {  	_ =	shalt  }
0x82: {  	_ =	shalt  }
0x83: {  	_ =	shalt  }
0x84: {  	_ =	shalt  }
0x85: {  	_ =	shalt  }
0x86: {  	_ =	shalt  }
0x87: {  	_ =	shalt  }
.Lfunc_end0:
.L_simem_size_0:
called_computation.2_lowered:
.L_overlay_start_0:
0x88: {  	s2 =	sld [smem:$0x3FD9]  }
0x89: {  	s3 =	sld [smem:$0x3FFE];
	_ =	sdelay $0x1  }
0x8a: {  	s1 =	srdreg.scid  }
0x8b: {  	s0 =	sand.u32 $0x1, s1  }
0x8c: {  	s17 =	sshll.u32 s0, $0xA;
	s2 =	sadd.s32 s3, s2  }
0x8d: {  	s2 =	sadd.s32 s2, s17  }
0x8e: {  	[smem:$0x3FBE] =	sst s2  }
0x8f: {  	_ = 	snop  }
0x90: {  	s2 =	sld [smem:$0x3FD0];
	(tm) =	ssettm $0x1  }
0x91: {  	s18 =	sld [smem:$0x3FFB];
	_ =	sdelay $0x3  }
0x92: {  	_ =	strace s18  }
0x93: {  	s3 =	sld [smem:$0x3FFC];
	_ =	sdelay $0x3  }
0x94: {  	_ =	strace s3  }
0x95: {  	s3 =	sld [smem:$0x3FFD];
	_ =	sdelay $0x3  }
0x96: {  	_ =	strace s3  }
0x97: {  	_ =	strace $0x8FFFFFFF  }
0x98: {  	s19 =	sld [smem:$0x3FDB];
	_ =	sdelay $0x1  }
0x99: {  	s4 =	simm.s32 $_scs_section_size  }
0x9a: {  	s5 =	simm.s32 $_size__tile_overlayer_lowered;
	s6 =	simm.s32 $_tile_overlayer_lowered  }
0x9b: {  	s22 =	simm.s32 $0x1BFF;
	s21 =	sshll.u32 s6, $0x1;
	s3 =	sadd.s32 s4, s19  }
0x9c: {  	s7 =	simm.s32 $0x0;
	s20 =	sshll.u32 s5, $0x1;
	s5 =	sadd.s32 s21, s3  }
0x9d: {  	[timem:s7], [sflag:s22] =	dma.local [hbm:s5], s20  }
0x9e: {  	_ =	swait.ge [sflag:s22], s20  }
0x9f: {  	s4 =	ssub.s32 $0x0, s20;
	[sflag:s22] =	ssyncset.done $0x0  }
0xa0: {  	[sflag:s22] =	ssyncadd.s32 s4;
	_ =	sdelay $0x1  }
0xa1: {  	s23 =	simm.s32 $0x1B8B  }
0xa2: {  	_ =	swait.ge [sflag:s23], $0x1  }
0xa3: {  	[sflag:s23] =	ssyncset.done $0x0  }
0xa4: {  	s25 =	simm.s32 $0x1B8E;
	s24 =	sld [smem:$0x3FFE];
	[sflag:s23] =	ssyncadd.s32 $0xFFFFFFFF  }
0xa5: {  	s26 =	simm.s32 $execute0_lowered;
	[smem:$0x3FD2] =	sst s25  }
0xa6: {  	s5 =	sshll.u32 s26, $0x1;
	_ =	strace $0x8000004C;
	[dreg:$0x1] =	wrdreg $0xFFFFFFFF  }
0xa7: {  	s28 =	simm.s32 $_size_execute0_lowered;
	s3 =	sadd.s32 s3, s5;
	[dreg:$0x0] =	wrdreg $0x0  }
0xa8: {  	s5 =	sshll.u32 s28, $0x1;
	[dreg:$0x2] =	wrdreg s3  }
0xa9: {  	[dreg:$0x3] =	wrdreg s5  }
0xaa: {  	[dreg:$0x4] =	wrdreg $0xC0  }
0xab: {  	_ =	task [dreg:s7], $0x5FFFF  }
0xac: {  	[dreg:$0x1] =	wrdreg $0xFFFFFFFF  }
0xad: {  	[dreg:$0x0] =	wrdreg $0x60  }
0xae: {  	[dreg:$0x2] =	wrdreg s2  }
0xaf: {  	[dreg:$0x3] =	wrdreg s24  }
0xb0: {  	[dreg:$0x4] =	wrdreg $0xC6000  }
0xb1: {  	[dreg:$0x5] =	wrdreg $0x9  }
0xb2: {  	_ =	task.clear_ibuf [dreg:s7], $0x6FFFF;
	_ =	strace $0x9000004C  }
0xb3: {  	s29 =	simm.s32 $0x9;
	_ =	strace $0x8000004E  }
0xb4: {  	_ =	swait.ge [sflag:s29], $0x1  }
0xb5: {  	[sflag:s29] =	ssyncadd.s32 $0xFFFFFFFF  }
0xb6: {  	_ =	strace $0x9000004E  }
0xb7: {  	_ =	sfence  }
0xb8: {  	s30 =	sld [smem:$0x0];
	_ =	sdelay $0x2  }
0xb9: {  	s31 =	sshll.u32 s1, $0xD;
	s1 =	sshrl.u32 s1, $0x2  }
0xba: {  	s3 =	sand.u32 $0x4000, s31;
	s1 =	sadd.s32 s1, s30  }
0xbb: {  	s0 =	sor.u32 s3, s0;
	s1 =	sshll.u32 s1, $0x11  }
0xbc: {  	s0 =	sor.u32 s1, s0  }
0xbd: {  	s0 =	sadd.s32 $0x8F2B, s0  }
0xbe: {  	[sflag:s0] =	ssyncadd.remote.s32 $0x1  }
0xbf: {  	_ =	sfence.sel $0xFFFF  }
0xc0: {  	[dreg:$0x0] =	wrdreg $0xFFFFFFFF;
	(pc) =	sbr.abs _section_cstart, $3  }
0xc1: {  	[dreg:$0x1] =	wrdreg $0xFFFFFFFF  }
0xc2: {  	_ =	task.clear_ibuf [dreg:s7], $0x2FFFF;
	_ =	strace $0x9FFFFFFF  }
0xc3: {  	(tm) =	ssettm $0x7FFFFFFF  }
tec
execute0_lowered:
.L_overlay_start_1:
0x0: {  	(tag) =	ssettag $0x1  }
0x1: {  	s1 =	rddreg [dreg:$0x0]  }
0x2: {  	s5 =	rddreg [dreg:$0x1]  }
0x3: {  	s3 =	rddreg [dreg:$0x2];
	s4 =	simm.s32 $0x0;
	s0 =	srdreg.scid  }
0x4: {  	s13 =	stileid.u32;
	[smem:$0x7FF] =	sst s4  }
0x5: {  	s6 =	sand.u32 $0x1, s0;
	s7 =	smul.u32 $0x13880, s13;
	s2 =	sadd.s32 $0x2800, s5  }
0x6: {  	s0 =	sadd.s32 $0xC600, s5;
	s9 =	sshll.u32 s13, $0x1;
	s29 =	smul.u32 $0x9C, s13  }
0x7: {  	p0 =	slt.u32 s13, $0x2;
	s8 =	smul.u32 $0x138800, s6;
	s9 =	sor.u32 s6, s9  }
0x8: {  	_ =	strace $0x8000004D;
	s10 =	ssub.s32 $0x2, s6;
	s12 =	smul.u32 $0x4E, s9  }
0x9: {  	s6 =	smul.u32 $0x4E, s6;
	s11 =	sshrl.u32 s10, $0x1;
	s9 =	smin.u32 s9, $0x4  }
0xa: {  	s8 =	sadd.s32 s7, s8;
	s10 =	ssub.s32 s10, s11;
	s26 =	sadd.s32 s9, s12  }
0xb: {  	s6 =	sadd.s32 s6, s29;
	s8 =	sshrl.u32 s8, $0x3;
	s11 =	sshll.u32 s26, $0x4  }
0xc: {  	s6 =	sadd.s32 s9, s6;
	s8 =	sadd.s32 s8, s5;
	s14 =	sadd.s32 s2, s11  }
0xd: {  	s15 =	sadd.s32 $0x10, s11;
	[dreg:$0x11] =	wrdreg s14;
	s14 =	sadd.s32 s0, s11  }
0xe: {  	s5 =	simm.s32 $0x4F;
	s16 =	sadd.s32 s2, s15;
	[dreg:$0x12] =	wrdreg s14  }
0xf: {  	s18 =	sadd.s32 $0x20, s11;
	s17 =	sadd.s32 s0, s15;
	[dreg:$0x13] =	wrdreg s16  }
0x10: {  	s6 =	sshll.u32 s6, $0x4;
	s19 =	sadd.s32 s2, s18;
	[dreg:$0x14] =	wrdreg s17  }
0x11: {  	s21 =	sadd.s32 $0x30, s11;
	s20 =	sadd.s32 s0, s18;
	[dreg:$0x15] =	wrdreg s19  }
0x12: {  	s5 =	simm.s32 @!p0 $0x4E;
	s24 =	sadd.s32 s2, s21;
	[dreg:$0x16] =	wrdreg s20  }
0x13: {  	s23 =	sadd.s32 $0x90, s6;
	s22 =	sadd.s32 $0xFFFFFFFF, s5;
	[dreg:$0x17] =	wrdreg s24  }
0x14: {  	s25 =	sadd.s32 s23, s2;
	[dreg:$0x6] =	wrdreg s22  }
0x15: {  	s9 =	sadd.s32 s0, s21;
	[dreg:$0xf] =	wrdreg s25  }
0x16: {  	s29 =	sadd.s32 $0x80, s6;
	s26 =	sadd.s32 s23, s0;
	[dreg:$0x18] =	wrdreg s9  }
0x17: {  	s13 =	sadd.s32 s29, s2;
	[dreg:$0x10] =	wrdreg s26  }
0x18: {  	[dreg:$0xd] =	wrdreg s13;
	s16 =	sadd.s32 s7, s3  }
0x19: {  	s15 =	sadd.s32 $0x70, s6;
	s14 =	sadd.s32 s29, s0;
	[dreg:$0x19] =	wrdreg s16  }
0x1a: {  	s17 =	sadd.s32 s15, s2;
	[dreg:$0xe] =	wrdreg s14  }
0x1b: {  	s21 =	sadd.s32 s6, s0;
	s18 =	sadd.s32 s15, s0;
	[dreg:$0xb] =	wrdreg s17  }
0x1c: {  	s23 =	sadd.s32 $0x50, s6;
	s22 =	sadd.s32 $0x60, s21;
	[dreg:$0xc] =	wrdreg s18  }
0x1d: {  	s24 =	sadd.s32 s23, s2;
	[dreg:$0xa] =	wrdreg s22  }
0x1e: {  	s25 =	sadd.s32 s23, s0;
	[dreg:$0x7] =	wrdreg s24  }
0x1f: {  	s28 =	simm.s32 $0x2;
	s26 =	sadd.s32 $0x16400, s8;
	[dreg:$0x8] =	wrdreg s25  }
0x20: {  	s19 =	sadd.s32 s6, s2;
	s29 =	smax.u32 s10, $0x1;
	[dreg:$0x1b] =	wrdreg s26  }
0x21: {  	s7 =	sshrl.u32 s7, $0x3;
	s20 =	sadd.s32 $0x60, s19;
	[dreg:$0x1c] =	wrdreg s29  }
0x22: {  	s6 =	sadd.s32 $0x40, s6;
	s7 =	sadd.s32 s1, s7;
	[dreg:$0x9] =	wrdreg s20  }
0x23: {  	s30 =	simm.s32 $0xC;
	s2 =	sadd.s32 s6, s2;
	[dreg:$0x1a] =	wrdreg s7  }
0x24: {  	s31 =	simm.s32 $0x0;
	s0 =	sadd.s32 s6, s0;
	[dreg:$0x4] =	wrdreg s2  }
0x25: {  	s19 =	simm.s32 $0x80;
	s25 =	simm.s32 $0x1;
	[dreg:$0x5] =	wrdreg s0  }
.LBB2_1:
0x26: {  	s0 =	rddreg [dreg:$0x11]  }
0x27: {  	[tilespmem:s4], [sflag:$0x1] =	stream.linear.gather [hbm4b:s0+s4], $0x80, $0x38;
	[tilespmem:$0x1FE80] =	vst v63  }
0x28: {  	s7 =	rddreg [dreg:$0x12];
	s2 =	simm.s32 $0x300  }
0x29: {  	[tilespmem:s2], [sflag:$0x1] =	stream.linear.gather [hbm4b:s7+s4], $0x80, $0x38;
	[tilespmem:$0x1FE80] =	vst v63  }
0x2a: {  	s8 =	rddreg [dreg:$0x13]  }
0x2b: {  	[tilespmem:s19], [sflag:$0x2] =	stream.linear.gather [hbm4b:s8+s4], $0x80, $0x38;
	[tilespmem:$0x1FE80] =	vst v63  }
0x2c: {  	s9 =	rddreg [dreg:$0x14];
	s10 =	simm.s32 $0x380  }
0x2d: {  	[tilespmem:s10], [sflag:$0x2] =	stream.linear.gather [hbm4b:s9+s4], $0x80, $0x38;
	[tilespmem:$0x1FE80] =	vst v63  }
0x2e: {  	s11 =	rddreg [dreg:$0x15];
	s12 =	simm.s32 $0x100  }
0x2f: {  	[tilespmem:s12], [sflag:$0x3] =	stream.linear.gather [hbm4b:s11+s4], $0x80, $0x38;
	[tilespmem:$0x1FE80] =	vst v63  }
0x30: {  	s13 =	rddreg [dreg:$0x16];
	s14 =	simm.s32 $0x400  }
0x31: {  	[tilespmem:s14], [sflag:$0x3] =	stream.linear.gather [hbm4b:s13+s4], $0x80, $0x38;
	[tilespmem:$0x1FE80] =	vst v63  }
0x32: {  	s15 =	rddreg [dreg:$0x17];
	s16 =	simm.s32 $0x180  }
0x33: {  	[tilespmem:s16], [sflag:$0x4] =	stream.linear.gather [hbm4b:s15+s4], $0x80, $0x38;
	[tilespmem:$0x1FE80] =	vst v63  }
0x34: {  	s17 =	rddreg [dreg:$0x18];
	s18 =	simm.s32 $0x480  }
0x35: {  	[tilespmem:s18], [sflag:$0x4] =	stream.linear.gather [hbm4b:s17+s4], $0x80, $0x38;
	[tilespmem:$0x1FE80] =	vst v63  }
0x36: {  	_ =	swait.ge [sflag:s25], $0x80  }
0x37: {  	[sflag:s25] =	ssyncset.done $0x0  }
0x38: {  	[sflag:s25] =	ssyncadd.s32 $0xFFFFFF80  }
0x39: {  	_ =	swait.ge [sflag:s25], $0x80  }
0x3a: {  	[sflag:s25] =	ssyncset.done $0x0  }
0x3b: {  	s20 =	simm.s32 $0x600;
	[sflag:s25] =	ssyncadd.s32 $0xFFFFFF80  }
0x3c: {  	[tilespmem:s20], [sflag:$0x7] =	stream.indirect.gather [hbm4b:s1+s19], $0x80, s4, s19, $0xb8;
	[tilespmem:$0x1FE80] =	vst v63  }
0x3d: {  	_ =	swait.ge [sflag:s28], $0x80  }
0x3e: {  	[sflag:s28] =	ssyncset.done $0x0  }
0x3f: {  	s22 =	stileid.u32;
	[sflag:s28] =	ssyncadd.s32 $0xFFFFFF80  }
0x40: {  	s21 =	simm.s32 $0x4600;
	s0 =	sshll.u32 s22, $0x6;
	_ =	swait.ge [sflag:s28], $0x80  }
0x41: {  	s0 =	sor.u32 $0x1C0C, s0;
	[sflag:s28] =	ssyncset.done $0x0;
	s23 =	rddreg [dreg:$0x19]  }
0x42: {  	s24 =	rddreg [dreg:$0x1a];
	[sflag:s28] =	ssyncadd.s32 $0xFFFFFF80;
	s18 =	sshrl.u32 s23, $0x3  }
0x43: {  	[tilespmem:s21], [sflag:$0x8] =	stream.indirect.gather [hbm4b:s1+s19], $0x80, s19, s19, $0xb8;
	[tilespmem:$0x1FE80] =	vst v63  }
0x44: {  	[spmem:s18], [sflag:s0] =	dma.local [hbm:s24], $0x2710  }
0x45: {  	_ =	swait.ge [sflag:s30], $0x2710  }
0x46: {  	[sflag:s30] =	ssyncset.done $0x0  }
0x47: {  	p0 =	sle.u32 s5, $0x0;
	[sflag:s30] =	ssyncadd.s32 $0xFFFFD8F0  }
0x48: {  	s2 =	simm.s32 @!p0 $0x7;
	[bflag:$0x0] =	sbarrier.arrive $0xFFFF  }
0x49: {  	_ =	swait.ge @!p0 [sflag:s2], $0x4000  }
0x4a: {  	p1 =	por $0x1, $0x1;
	[sflag:s2] =	ssyncset.done @!p0 $0x0  }
0x4b: {  	s6 =	simm.s32 @!p1 $0xB;
	[sflag:s2] =	ssyncadd.s32 @!p0 $0xFFFFC000  }
0x4c: {  	p2 =	sle.u32 s5, $0x2;
	_ =	swait.ge @!p1 [sflag:s6], $0x4000  }
0x4d: {  	s7 =	simm.s32 @!p0 $0x80;
	s8 =	simm.s32 @!p0 $0x300;
	[sflag:s6] =	ssyncset.done @!p1 $0x0  }
0x4e: {  	s9 =	simm.s32 @!p2 $0x3;
	s2 =	simm.s32 @!p0 $0x600;
	[sflag:s6] =	ssyncadd.s32 @!p1 $0xFFFFC000  }
0x4f: {  	[spmem:s3] =	stream.indirect.scatter.add.f32 @!p0 [tilespmem:s2], [sflag:$0xA], $0x80, s8, s7, $0xb8;
	[tilespmem:$0x1FE80] =	vst v63  }
0x50: {  	_ =	swait.ge @!p2 [sflag:s9], $0x80  }
0x51: {  	[sflag:s9] =	ssyncset.done @!p2 $0x0  }
0x52: {  	s10 =	simm.s32 @!p2 $0x80;
	p1 =	sle.u32 s5, $0x4;
	[sflag:s9] =	ssyncadd.s32 @!p2 $0xFFFFFF80  }
0x53: {  	s7 =	simm.s32 @!p2 $0x8600;
	s2 =	simm.s32 @!p2 $0x100;
	_ =	swait.ge @!p2 [sflag:s9], $0x80  }
0x54: {  	s6 =	simm.s32 @!p1 $0x200;
	[sflag:s9] =	ssyncset.done @!p2 $0x0;
	s8 =	rddreg [dreg:$0x4]  }
0x55: {  	s11 =	simm.s32 @!p1 $0x0;
	s26 =	rddreg [dreg:$0x6];
	[sflag:s9] =	ssyncadd.s32 @!p2 $0xFFFFFF80  }
0x56: {  	[tilespmem:s7], [sflag:$0x9] =	stream.indirect.gather @!p2 [hbm4b:s1+s10], $0x80, s2, s10, $0xb8;
	[tilespmem:$0x1FE80] =	vst v63  }
0x57: {  	p4 =	sle.u32 s26, $0x0;
	s2 =	sadd.s32 @!p1 $0x0, s8;
	s8 =	rddreg [dreg:$0x5]  }
0x58: {  	[tilespmem:s6], [sflag:$0x5] =	stream.linear.gather @!p1 [hbm4b:s2+s11], $0x80, $0x38;
	[tilespmem:$0x1FE80] =	vst v63  }
0x59: {  	s9 =	simm.s32 @!p4 $0x8;
	s8 =	sadd.s32 @!p1 $0x0, s8;
	s2 =	simm.s32 @!p1 $0x500  }
0x5a: {  	[tilespmem:s2], [sflag:$0x5] =	stream.linear.gather @!p1 [hbm4b:s8+s11], $0x80, $0x38;
	[tilespmem:$0x1FE80] =	vst v63  }
0x5b: {  	_ =	swait.ge @!p4 [sflag:s9], $0x4000  }
0x5c: {  	[sflag:s9] =	ssyncset.done @!p4 $0x0  }
0x5d: {  	s8 =	simm.s32 @!p0 $0xA;
	[sflag:s9] =	ssyncadd.s32 @!p4 $0xFFFFC000  }
0x5e: {  	p3 =	sle.u32 s5, $0x3;
	_ =	swait.ge @!p0 [sflag:s8], $0x4000  }
0x5f: {  	s12 =	simm.s32 @!p3 $0x4;
	s11 =	simm.s32 @!p4 $0x4600;
	[sflag:s8] =	ssyncset.done @!p0 $0x0  }
0x60: {  	s9 =	simm.s32 @!p4 $0x380;
	[sflag:s8] =	ssyncadd.s32 @!p0 $0xFFFFC000;
	s8 =	simm.s32 @!p4 $0x80  }
0x61: {  	[spmem:s3] =	stream.indirect.scatter.add.f32 @!p4 [tilespmem:s11], [sflag:$0xB], $0x80, s9, s8, $0xb8;
	[tilespmem:$0x1FE80] =	vst v63  }
0x62: {  	_ =	swait.ge @!p3 [sflag:s12], $0x80  }
0x63: {  	[sflag:s12] =	ssyncset.done @!p3 $0x0  }
0x64: {  	[sflag:s12] =	ssyncadd.s32 @!p3 $0xFFFFFF80  }
0x65: {  	s13 =	simm.s32 @!p3 $0x80;
	p0 =	sle.u32 s5, $0x5;
	_ =	swait.ge @!p3 [sflag:s12], $0x80  }
0x66: {  	s8 =	simm.s32 @!p3 $0x600;
	s9 =	simm.s32 @!p3 $0x180;
	[sflag:s12] =	ssyncset.done @!p3 $0x0  }
0x67: {  	s14 =	simm.s32 @!p0 $0x280;
	s11 =	rddreg [dreg:$0x7];
	[sflag:s12] =	ssyncadd.s32 @!p3 $0xFFFFFF80  }
0x68: {  	[tilespmem:s8], [sflag:$0x7] =	stream.indirect.gather @!p3 [hbm4b:s1+s13], $0x80, s9, s13, $0xb8;
	[tilespmem:$0x1FE80] =	vst v63  }
0x69: {  	s12 =	rddreg [dreg:$0x8];
	s9 =	sadd.s32 @!p0 $0x0, s11;
	s11 =	simm.s32 @!p0 $0x0  }
0x6a: {  	[tilespmem:s14], [sflag:$0x6] =	stream.linear.gather @!p0 [hbm4b:s9+s11], $0x80, $0x38;
	[tilespmem:$0x1FE80] =	vst v63  }
0x6b: {  	s24 =	simm.s32 @!p0 $0x580;
	s12 =	sadd.s32 @!p0 $0x0, s12;
	s9 =	simm.s32 @!p2 $0x9  }
0x6c: {  	[tilespmem:s24], [sflag:$0x6] =	stream.linear.gather @!p0 [hbm4b:s12+s11], $0x80, $0x38;
	[tilespmem:$0x1FE80] =	vst v63  }
0x6d: {  	_ =	swait.ge @!p2 [sflag:s9], $0x4000  }
0x6e: {  	p4 =	slt.u32 s5, $0x2;
	[sflag:s9] =	ssyncset.done @!p2 $0x0  }
0x6f: {  	s11 =	simm.s32 @!p4 $0xB;
	[sflag:s9] =	ssyncadd.s32 @!p2 $0xFFFFC000  }
0x70: {  	_ =	swait.ge @!p4 [sflag:s11], $0x4000  }
0x71: {  	[sflag:s11] =	ssyncset.done @!p4 $0x0  }
0x72: {  	s9 =	simm.s32 @!p2 $0x400;
	[sflag:s11] =	ssyncadd.s32 @!p4 $0xFFFFC000;
	s11 =	simm.s32 @!p1 $0x5  }
0x73: {  	[spmem:s3] =	stream.indirect.scatter.add.f32 @!p2 [tilespmem:s7], [sflag:$0xA], $0x80, s9, s10, $0xb8;
	[tilespmem:$0x1FE80] =	vst v63  }
0x74: {  	_ =	swait.ge @!p1 [sflag:s11], $0x80  }
0x75: {  	[sflag:s11] =	ssyncset.done @!p1 $0x0  }
0x76: {  	[sflag:s11] =	ssyncadd.s32 @!p1 $0xFFFFFF80  }
0x77: {  	_ =	swait.ge @!p1 [sflag:s11], $0x80  }
0x78: {  	p2 =	sle.u32 s5, $0x6;
	s9 =	simm.s32 @!p1 $0x80;
	[sflag:s11] =	ssyncset.done @!p1 $0x0  }
0x79: {  	s10 =	simm.s32 @!p1 $0x4600;
	s7 =	rddreg [dreg:$0x9];
	[sflag:s11] =	ssyncadd.s32 @!p1 $0xFFFFFF80  }
0x7a: {  	[tilespmem:s10], [sflag:$0x8] =	stream.indirect.gather @!p1 [hbm4b:s1+s9], $0x80, s6, s9, $0xb8;
	[tilespmem:$0x1FE80] =	vst v63  }
0x7b: {  	s12 =	simm.s32 @!p2 $0x0;
	s11 =	rddreg [dreg:$0xa];
	s6 =	sadd.s32 @!p2 $0x0, s7  }
0x7c: {  	[tilespmem:s12], [sflag:$0x1] =	stream.linear.gather @!p2 [hbm4b:s6+s12], $0x80, $0x38;
	[tilespmem:$0x1FE80] =	vst v63  }
0x7d: {  	s7 =	sadd.s32 @!p2 $0x0, s11;
	s11 =	simm.s32 @!p3 $0x7;
	s6 =	simm.s32 @!p2 $0x300  }
0x7e: {  	[tilespmem:s6], [sflag:$0x1] =	stream.linear.gather @!p2 [hbm4b:s7+s12], $0x80, $0x38;
	[tilespmem:$0x1FE80] =	vst v63  }
0x7f: {  	_ =	swait.ge @!p3 [sflag:s11], $0x4000  }
0x80: {  	p4 =	slt.u32 s5, $0x3;
	[sflag:s11] =	ssyncset.done @!p3 $0x0  }
0x81: {  	s6 =	simm.s32 @!p4 $0xA;
	[sflag:s11] =	ssyncadd.s32 @!p3 $0xFFFFC000  }
0x82: {  	_ =	swait.ge @!p4 [sflag:s6], $0x4000  }
0x83: {  	[sflag:s6] =	ssyncset.done @!p4 $0x0  }
0x84: {  	s7 =	simm.s32 @!p0 $0x6;
	[sflag:s6] =	ssyncadd.s32 @!p4 $0xFFFFC000;
	s6 =	simm.s32 @!p3 $0x480  }
0x85: {  	[spmem:s3] =	stream.indirect.scatter.add.f32 @!p3 [tilespmem:s8], [sflag:$0xB], $0x80, s6, s13, $0xb8;
	[tilespmem:$0x1FE80] =	vst v63  }
0x86: {  	_ =	swait.ge @!p0 [sflag:s7], $0x80  }
0x87: {  	[sflag:s7] =	ssyncset.done @!p0 $0x0  }
0x88: {  	[sflag:s7] =	ssyncadd.s32 @!p0 $0xFFFFFF80  }
0x89: {  	s29 =	simm.s32 @!p0 $0x80;
	_ =	swait.ge @!p0 [sflag:s7], $0x80  }
0x8a: {  	p3 =	sle.u32 s5, $0x7;
	s8 =	simm.s32 @!p0 $0x8600;
	[sflag:s7] =	ssyncset.done @!p0 $0x0  }
0x8b: {  	s13 =	simm.s32 @!p3 $0x0;
	s6 =	rddreg [dreg:$0xb];
	[sflag:s7] =	ssyncadd.s32 @!p0 $0xFFFFFF80  }
0x8c: {  	[tilespmem:s8], [sflag:$0x9] =	stream.indirect.gather @!p0 [hbm4b:s1+s29], $0x80, s14, s29, $0xb8;
	[tilespmem:$0x1FE80] =	vst v63  }
0x8d: {  	s11 =	rddreg [dreg:$0xc];
	s6 =	sadd.s32 @!p3 $0x0, s6;
	s7 =	simm.s32 @!p3 $0x80  }
0x8e: {  	[tilespmem:s7], [sflag:$0x2] =	stream.linear.gather @!p3 [hbm4b:s6+s13], $0x80, $0x38;
	[tilespmem:$0x1FE80] =	vst v63  }
0x8f: {  	s11 =	sadd.s32 @!p3 $0x0, s11;
	s6 =	simm.s32 @!p3 $0x380  }
0x90: {  	[tilespmem:s6], [sflag:$0x2] =	stream.linear.gather @!p3 [hbm4b:s11+s13], $0x80, $0x38;
	[tilespmem:$0x1FE80] =	vst v63  }
0x91: {  	s6 =	simm.s32 @!p1 $0x8  }
0x92: {  	_ =	swait.ge @!p1 [sflag:s6], $0x4000  }
0x93: {  	p4 =	slt.u32 s5, $0x4;
	[sflag:s6] =	ssyncset.done @!p1 $0x0  }
0x94: {  	[sflag:s6] =	ssyncadd.s32 @!p1 $0xFFFFC000;
	s6 =	simm.s32 @!p4 $0xB  }
0x95: {  	_ =	swait.ge @!p4 [sflag:s6], $0x4000  }
0x96: {  	[sflag:s6] =	ssyncset.done @!p4 $0x0  }
0x97: {  	s11 =	simm.s32 @!p2 $0x1;
	[sflag:s6] =	ssyncadd.s32 @!p4 $0xFFFFC000  }
0x98: {  	[spmem:s3] =	stream.indirect.scatter.add.f32 @!p1 [tilespmem:s10], [sflag:$0xA], $0x80, s2, s9, $0xb8;
	[tilespmem:$0x1FE80] =	vst v63  }
0x99: {  	_ =	swait.ge @!p2 [sflag:s11], $0x80  }
0x9a: {  	[sflag:s11] =	ssyncset.done @!p2 $0x0  }
0x9b: {  	s22 =	simm.s32 $0x60;
	[sflag:s11] =	ssyncadd.s32 @!p2 $0xFFFFFF80  }
0x9c: {  	s20 =	simm.s32 $0x0;
	p1 =	sle.u32 s5, $0x8;
	_ =	swait.ge @!p2 [sflag:s11], $0x80  }
0x9d: {  	s2 =	simm.s32 @!p2 $0x600;
	[sflag:s11] =	ssyncset.done @!p2 $0x0;
	s6 =	rddreg [dreg:$0xd]  }
0x9e: {  	s9 =	simm.s32 @!p2 $0x80;
	s10 =	rddreg [dreg:$0xe];
	[sflag:s11] =	ssyncadd.s32 @!p2 $0xFFFFFF80  }
0x9f: {  	[tilespmem:s2], [sflag:$0x7] =	stream.indirect.gather @!p2 [hbm4b:s1+s9], $0x80, s12, s9, $0xb8;
	[tilespmem:$0x1FE80] =	vst v63  }
0xa0: {  	s2 =	sadd.s32 @!p1 $0x0, s6;
	s6 =	simm.s32 @!p1 $0x0;
	s9 =	simm.s32 @!p1 $0x100  }
0xa1: {  	[tilespmem:s9], [sflag:$0x3] =	stream.linear.gather @!p1 [hbm4b:s2+s6], $0x80, $0x38;
	[tilespmem:$0x1FE80] =	vst v63  }
0xa2: {  	s23 =	simm.s32 $0x6;
	s2 =	simm.s32 @!p1 $0x400;
	s9 =	sadd.s32 @!p1 $0x0, s10  }
0xa3: {  	[tilespmem:s2], [sflag:$0x3] =	stream.linear.gather @!p1 [hbm4b:s9+s6], $0x80, $0x38;
	[tilespmem:$0x1FE80] =	vst v63  }
0xa4: {  	s21 =	simm.s32 $0x0;
	s26 =	simm.s32 $0x5;
	s2 =	simm.s32 @!p0 $0x9  }
.LBB2_2:
0xa5: {  	_ =	swait.ge @!p0 [sflag:s2], $0x4000  }
0xa6: {  	p2 =	sgt.u32 s26, s5;
	[sflag:s2] =	ssyncset.done @!p0 $0x0  }
0xa7: {  	[sflag:s2] =	ssyncadd.s32 @!p0 $0xFFFFC000;
	s2 =	simm.s32 @!p2 $0xA  }
0xa8: {  	_ =	swait.ge @!p2 [sflag:s2], $0x4000  }
0xa9: {  	[sflag:s2] =	ssyncset.done @!p2 $0x0  }
0xaa: {  	[sflag:s2] =	ssyncadd.s32 @!p2 $0xFFFFC000;
	s2 =	simm.s32 @!p3 $0x2  }
0xab: {  	[spmem:s3] =	stream.indirect.scatter.add.f32 @!p0 [tilespmem:s8], [sflag:$0xB], $0x80, s24, s29, $0xb8;
	[tilespmem:$0x1FE80] =	vst v63  }
0xac: {  	_ =	swait.ge @!p3 [sflag:s2], $0x80  }
0xad: {  	[sflag:s2] =	ssyncset.done @!p3 $0x0  }
0xae: {  	[sflag:s2] =	ssyncadd.s32 @!p3 $0xFFFFFF80  }
0xaf: {  	s9 =	sadd.s32 $0x9, s21;
	p4 =	sge.u32 s23, s5;
	_ =	swait.ge @!p3 [sflag:s2], $0x80  }
0xb0: {  	p0 =	sge.u32 s9, s5;
	[sflag:s2] =	ssyncset.done @!p3 $0x0;
	s9 =	rddreg [dreg:$0xf]  }
0xb1: {  	s8 =	simm.s32 @!p3 $0x4600;
	[sflag:s2] =	ssyncadd.s32 @!p3 $0xFFFFFF80;
	s2 =	rddreg [dreg:$0x10]  }
0xb2: {  	[tilespmem:s8], [sflag:$0x8] =	stream.indirect.gather @!p3 [hbm4b:s1+s7], $0x80, s7, s7, $0xb8;
	[tilespmem:$0x1FE80] =	vst v63  }
0xb3: {  	s7 =	sadd.s32 @!p0 s20, s9;
	s8 =	simm.s32 @!p0 $0x0;
	s9 =	simm.s32 @!p0 $0x180  }
0xb4: {  	[tilespmem:s9], [sflag:$0x4] =	stream.linear.gather @!p0 [hbm4b:s7+s8], $0x80, $0x38;
	[tilespmem:$0x1FE80] =	vst v63  }
0xb5: {  	s10 =	simm.s32 @!p0 $0x480;
	s2 =	sadd.s32 @!p0 s20, s2;
	s9 =	simm.s32 @!p4 $0x7  }
0xb6: {  	[tilespmem:s10], [sflag:$0x4] =	stream.linear.gather @!p0 [hbm4b:s2+s8], $0x80, $0x38;
	[tilespmem:$0x1FE80] =	vst v63  }
0xb7: {  	s6 =	smov.u32 s22;
	_ =	swait.ge @!p4 [sflag:s9], $0x4000  }
0xb8: {  	p2 =	seq.s32 s6, $0x0;
	[sflag:s9] =	ssyncset.done @!p4 $0x0  }
0xb9: {  	s20 =	smov.u32 s6;
	s2 =	simm.s32 @!p2 $0xB;
	[sflag:s9] =	ssyncadd.s32 @!p4 $0xFFFFC000  }
0xba: {  	s6 =	simm.s32 @!p4 $0x600;
	s7 =	sadd.s32 $0x2, s23;
	_ =	swait.ge @!p2 [sflag:s2], $0x4000  }
0xbb: {  	p3 =	sge.u32 s7, s5;
	s8 =	simm.s32 @!p4 $0x80;
	[sflag:s2] =	ssyncset.done @!p2 $0x0  }
0xbc: {  	s10 =	simm.s32 @!p3 $0x3;
	s9 =	simm.s32 @!p4 $0x300;
	[sflag:s2] =	ssyncadd.s32 @!p2 $0xFFFFC000  }
0xbd: {  	[spmem:s3] =	stream.indirect.scatter.add.f32 @!p4 [tilespmem:s6], [sflag:$0xA], $0x80, s9, s8, $0xb8;
	[tilespmem:$0x1FE80] =	vst v63  }
0xbe: {  	_ =	swait.ge @!p3 [sflag:s10], $0x80  }
0xbf: {  	s29 =	simm.s32 @!p3 $0x8600;
	[sflag:s10] =	ssyncset.done @!p3 $0x0  }
0xc0: {  	s11 =	simm.s32 @!p3 $0x80;
	s2 =	sadd.s32 $0x4, s23;
	[sflag:s10] =	ssyncadd.s32 @!p3 $0xFFFFFF80  }
0xc1: {  	p2 =	sge.u32 s2, s5;
	s6 =	simm.s32 @!p3 $0x100;
	_ =	swait.ge @!p3 [sflag:s10], $0x80  }
0xc2: {  	s8 =	simm.s32 @!p2 $0x200;
	[sflag:s10] =	ssyncset.done @!p3 $0x0;
	s9 =	rddreg [dreg:$0x4]  }
0xc3: {  	s12 =	rddreg [dreg:$0x6];
	[sflag:s10] =	ssyncadd.s32 @!p3 $0xFFFFFF80;
	s10 =	simm.s32 @!p2 $0x0  }
0xc4: {  	[tilespmem:s29], [sflag:$0x9] =	stream.indirect.gather @!p3 [hbm4b:s1+s11], $0x80, s6, s11, $0xb8;
	[tilespmem:$0x1FE80] =	vst v63  }
0xc5: {  	p6 =	sge.u32 s23, s12;
	s6 =	sadd.s32 @!p2 s20, s9;
	s9 =	rddreg [dreg:$0x5]  }
0xc6: {  	[tilespmem:s8], [sflag:$0x5] =	stream.linear.gather @!p2 [hbm4b:s6+s10], $0x80, $0x38;
	[tilespmem:$0x1FE80] =	vst v63  }
0xc7: {  	s12 =	simm.s32 @!p6 $0x8;
	s9 =	sadd.s32 @!p2 s20, s9;
	s6 =	simm.s32 @!p2 $0x500  }
0xc8: {  	[tilespmem:s6], [sflag:$0x5] =	stream.linear.gather @!p2 [hbm4b:s9+s10], $0x80, $0x38;
	[tilespmem:$0x1FE80] =	vst v63  }
0xc9: {  	_ =	swait.ge @!p6 [sflag:s12], $0x4000  }
0xca: {  	[sflag:s12] =	ssyncset.done @!p6 $0x0  }
0xcb: {  	s9 =	simm.s32 @!p4 $0xA;
	s10 =	sadd.s32 $0x3, s23;
	[sflag:s12] =	ssyncadd.s32 @!p6 $0xFFFFC000  }
0xcc: {  	p5 =	sge.u32 s10, s5;
	_ =	swait.ge @!p4 [sflag:s9], $0x4000  }
0xcd: {  	s13 =	simm.s32 @!p6 $0x4600;
	s14 =	simm.s32 @!p5 $0x4;
	[sflag:s9] =	ssyncset.done @!p4 $0x0  }
0xce: {  	s12 =	simm.s32 @!p6 $0x380;
	[sflag:s9] =	ssyncadd.s32 @!p4 $0xFFFFC000;
	s9 =	simm.s32 @!p6 $0x80  }
0xcf: {  	[spmem:s3] =	stream.indirect.scatter.add.f32 @!p6 [tilespmem:s13], [sflag:$0xB], $0x80, s12, s9, $0xb8;
	[tilespmem:$0x1FE80] =	vst v63  }
0xd0: {  	_ =	swait.ge @!p5 [sflag:s14], $0x80  }
0xd1: {  	s26 =	sadd.s32 $0x5, s23;
	[sflag:s14] =	ssyncset.done @!p5 $0x0  }
0xd2: {  	p0 =	sge.u32 s26, s5;
	[sflag:s14] =	ssyncadd.s32 @!p5 $0xFFFFFF80  }
0xd3: {  	s17 =	simm.s32 @!p0 $0x0;
	_ =	swait.ge @!p5 [sflag:s14], $0x80  }
0xd4: {  	s15 =	simm.s32 @!p5 $0x80;
	s13 =	simm.s32 @!p5 $0x600;
	[sflag:s14] =	ssyncset.done @!p5 $0x0  }
0xd5: {  	s12 =	simm.s32 @!p5 $0x180;
	s16 =	rddreg [dreg:$0x7];
	[sflag:s14] =	ssyncadd.s32 @!p5 $0xFFFFFF80  }
0xd6: {  	[tilespmem:s13], [sflag:$0x7] =	stream.indirect.gather @!p5 [hbm4b:s1+s15], $0x80, s12, s15, $0xb8;
	[tilespmem:$0x1FE80] =	vst v63  }
0xd7: {  	s14 =	rddreg [dreg:$0x8];
	s16 =	sadd.s32 @!p0 s20, s16;
	s12 =	simm.s32 @!p0 $0x280  }
0xd8: {  	[tilespmem:s12], [sflag:$0x6] =	stream.linear.gather @!p0 [hbm4b:s16+s17], $0x80, $0x38;
	[tilespmem:$0x1FE80] =	vst v63  }
0xd9: {  	s24 =	simm.s32 @!p0 $0x580;
	s9 =	simm.s32 @!p3 $0x9;
	s14 =	sadd.s32 @!p0 s20, s14  }
0xda: {  	[tilespmem:s24], [sflag:$0x6] =	stream.linear.gather @!p0 [hbm4b:s14+s17], $0x80, $0x38;
	[tilespmem:$0x1FE80] =	vst v63  }
0xdb: {  	_ =	swait.ge @!p3 [sflag:s9], $0x4000  }
0xdc: {  	p6 =	sgt.u32 s7, s5;
	[sflag:s9] =	ssyncset.done @!p3 $0x0  }
0xdd: {  	s7 =	simm.s32 @!p6 $0xB;
	[sflag:s9] =	ssyncadd.s32 @!p3 $0xFFFFC000  }
0xde: {  	_ =	swait.ge @!p6 [sflag:s7], $0x4000  }
0xdf: {  	[sflag:s7] =	ssyncset.done @!p6 $0x0  }
0xe0: {  	s16 =	simm.s32 @!p2 $0x5;
	[sflag:s7] =	ssyncadd.s32 @!p6 $0xFFFFC000;
	s7 =	simm.s32 @!p3 $0x400  }
0xe1: {  	[spmem:s3] =	stream.indirect.scatter.add.f32 @!p3 [tilespmem:s29], [sflag:$0xA], $0x80, s7, s11, $0xb8;
	[tilespmem:$0x1FE80] =	vst v63  }
0xe2: {  	_ =	swait.ge @!p2 [sflag:s16], $0x80  }
0xe3: {  	[sflag:s16] =	ssyncset.done @!p2 $0x0  }
0xe4: {  	[sflag:s16] =	ssyncadd.s32 @!p2 $0xFFFFFF80  }
0xe5: {  	s21 =	smov.u32 s23;
	s23 =	sadd.s32 $0x6, s23;
	_ =	swait.ge @!p2 [sflag:s16], $0x80  }
0xe6: {  	p4 =	sge.u32 s23, s5;
	s14 =	simm.s32 @!p2 $0x4600;
	[sflag:s16] =	ssyncset.done @!p2 $0x0  }
0xe7: {  	s9 =	simm.s32 @!p2 $0x80;
	s11 =	rddreg [dreg:$0x9];
	[sflag:s16] =	ssyncadd.s32 @!p2 $0xFFFFFF80  }
0xe8: {  	[tilespmem:s14], [sflag:$0x8] =	stream.indirect.gather @!p2 [hbm4b:s1+s9], $0x80, s8, s9, $0xb8;
	[tilespmem:$0x1FE80] =	vst v63  }
0xe9: {  	s16 =	rddreg [dreg:$0xa];
	s8 =	sadd.s32 @!p4 s20, s11;
	s11 =	simm.s32 @!p4 $0x0  }
0xea: {  	[tilespmem:s11], [sflag:$0x1] =	stream.linear.gather @!p4 [hbm4b:s8+s11], $0x80, $0x38;
	[tilespmem:$0x1FE80] =	vst v63  }
0xeb: {  	s7 =	simm.s32 @!p4 $0x300;
	s8 =	sadd.s32 @!p4 s20, s16;
	s16 =	simm.s32 @!p5 $0x7  }
0xec: {  	[tilespmem:s7], [sflag:$0x1] =	stream.linear.gather @!p4 [hbm4b:s8+s11], $0x80, $0x38;
	[tilespmem:$0x1FE80] =	vst v63  }
0xed: {  	_ =	swait.ge @!p5 [sflag:s16], $0x4000  }
0xee: {  	p3 =	sgt.u32 s10, s5;
	[sflag:s16] =	ssyncset.done @!p5 $0x0  }
0xef: {  	s7 =	simm.s32 @!p3 $0xA;
	[sflag:s16] =	ssyncadd.s32 @!p5 $0xFFFFC000  }
0xf0: {  	_ =	swait.ge @!p3 [sflag:s7], $0x4000  }
0xf1: {  	[sflag:s7] =	ssyncset.done @!p3 $0x0  }
0xf2: {  	s8 =	simm.s32 @!p0 $0x6;
	[sflag:s7] =	ssyncadd.s32 @!p3 $0xFFFFC000;
	s7 =	simm.s32 @!p5 $0x480  }
0xf3: {  	[spmem:s3] =	stream.indirect.scatter.add.f32 @!p5 [tilespmem:s13], [sflag:$0xB], $0x80, s7, s15, $0xb8;
	[tilespmem:$0x1FE80] =	vst v63  }
0xf4: {  	_ =	swait.ge @!p0 [sflag:s8], $0x80  }
0xf5: {  	[sflag:s8] =	ssyncset.done @!p0 $0x0  }
0xf6: {  	s16 =	sadd.s32 $0x7, s21;
	[sflag:s8] =	ssyncadd.s32 @!p0 $0xFFFFFF80  }
0xf7: {  	p3 =	sge.u32 s16, s5;
	_ =	swait.ge @!p0 [sflag:s8], $0x80  }
0xf8: {  	s29 =	simm.s32 @!p0 $0x80;
	s16 =	simm.s32 @!p3 $0x0;
	[sflag:s8] =	ssyncset.done @!p0 $0x0  }
0xf9: {  	s7 =	rddreg [dreg:$0xb];
	[sflag:s8] =	ssyncadd.s32 @!p0 $0xFFFFFF80;
	s8 =	simm.s32 @!p0 $0x8600  }
0xfa: {  	[tilespmem:s8], [sflag:$0x9] =	stream.indirect.gather @!p0 [hbm4b:s1+s29], $0x80, s12, s29, $0xb8;
	[tilespmem:$0x1FE80] =	vst v63  }
0xfb: {  	s15 =	rddreg [dreg:$0xc];
	s12 =	sadd.s32 @!p3 s20, s7;
	s7 =	simm.s32 @!p3 $0x80  }
0xfc: {  	[tilespmem:s7], [sflag:$0x2] =	stream.linear.gather @!p3 [hbm4b:s12+s16], $0x80, $0x38;
	[tilespmem:$0x1FE80] =	vst v63  }
0xfd: {  	s10 =	simm.s32 @!p3 $0x380;
	s13 =	simm.s32 @!p2 $0x8;
	s12 =	sadd.s32 @!p3 s20, s15  }
0xfe: {  	[tilespmem:s10], [sflag:$0x2] =	stream.linear.gather @!p3 [hbm4b:s12+s16], $0x80, $0x38;
	[tilespmem:$0x1FE80] =	vst v63  }
0xff: {  	_ =	swait.ge @!p2 [sflag:s13], $0x4000  }
0x100: {  	p6 =	sgt.u32 s2, s5;
	[sflag:s13] =	ssyncset.done @!p2 $0x0  }
0x101: {  	s10 =	simm.s32 @!p6 $0xB;
	[sflag:s13] =	ssyncadd.s32 @!p2 $0xFFFFC000  }
0x102: {  	_ =	swait.ge @!p6 [sflag:s10], $0x4000  }
0x103: {  	[sflag:s10] =	ssyncset.done @!p6 $0x0  }
0x104: {  	s12 =	simm.s32 @!p4 $0x1;
	[sflag:s10] =	ssyncadd.s32 @!p6 $0xFFFFC000  }
0x105: {  	[spmem:s3] =	stream.indirect.scatter.add.f32 @!p2 [tilespmem:s14], [sflag:$0xA], $0x80, s6, s9, $0xb8;
	[tilespmem:$0x1FE80] =	vst v63  }
0x106: {  	_ =	swait.ge @!p4 [sflag:s12], $0x80  }
0x107: {  	[sflag:s12] =	ssyncset.done @!p4 $0x0  }
0x108: {  	s22 =	sadd.s32 $0x60, s22;
	[sflag:s12] =	ssyncadd.s32 @!p4 $0xFFFFFF80  }
0x109: {  	p1 =	sne.s32 s22, $0x540;
	_ =	swait.ge @!p4 [sflag:s12], $0x80  }
0x10a: {  	s17 =	sadd.s32 $0x8, s21;
	s9 =	simm.s32 @!p4 $0x600;
	[sflag:s12] =	ssyncset.done @!p4 $0x0  }
0x10b: {  	s10 =	rddreg [dreg:$0xd];
	[sflag:s12] =	ssyncadd.s32 @!p4 $0xFFFFFF80;
	s12 =	simm.s32 @!p4 $0x80  }
0x10c: {  	[tilespmem:s9], [sflag:$0x7] =	stream.indirect.gather @!p4 [hbm4b:s1+s12], $0x80, s11, s12, $0xb8;
	[tilespmem:$0x1FE80] =	vst v63  }
.Ltmp0:
0x10d: {  	p5 =	sge.u32 s17, s5;
	s13 =	rddreg [dreg:$0xe];
	(pc) =	sbr.rel @p1 .LBB2_2-.Ltmp0, $4  }
0x10e: {  	s9 =	sadd.s32 @!p5 s20, s10;
	s10 =	simm.s32 @!p5 $0x0;
	s11 =	simm.s32 @!p5 $0x100  }
0x10f: {  	[tilespmem:s11], [sflag:$0x3] =	stream.linear.gather @!p5 [hbm4b:s9+s10], $0x80, $0x38;
	[tilespmem:$0x1FE80] =	vst v63  }
0x110: {  	s2 =	simm.s32 @!p0 $0x9;
	s6 =	simm.s32 @!p5 $0x400;
	s9 =	sadd.s32 @!p5 s20, s13  }
0x111: {  	[tilespmem:s6], [sflag:$0x3] =	stream.linear.gather @!p5 [hbm4b:s9+s10], $0x80, $0x38;
	[tilespmem:$0x1FE80] =	vst v63  }
0x112: {  	_ =	swait.ge @!p0 [sflag:s2], $0x4000  }
0x113: {  	p1 =	sgt.u32 s26, s5;
	[sflag:s2] =	ssyncset.done @!p0 $0x0  }
0x114: {  	[sflag:s2] =	ssyncadd.s32 @!p0 $0xFFFFC000;
	s2 =	simm.s32 @!p1 $0xA  }
0x115: {  	_ =	swait.ge @!p1 [sflag:s2], $0x4000  }
0x116: {  	[sflag:s2] =	ssyncset.done @!p1 $0x0  }
0x117: {  	[sflag:s2] =	ssyncadd.s32 @!p1 $0xFFFFC000;
	s2 =	simm.s32 @!p3 $0x2  }
0x118: {  	[spmem:s3] =	stream.indirect.scatter.add.f32 @!p0 [tilespmem:s8], [sflag:$0xB], $0x80, s24, s29, $0xb8;
	[tilespmem:$0x1FE80] =	vst v63  }
0x119: {  	_ =	swait.ge @!p3 [sflag:s2], $0x80  }
0x11a: {  	[sflag:s2] =	ssyncset.done @!p3 $0x0  }
0x11b: {  	[sflag:s2] =	ssyncadd.s32 @!p3 $0xFFFFFF80  }
0x11c: {  	s6 =	sadd.s32 $0x9, s21;
	_ =	swait.ge @!p3 [sflag:s2], $0x80  }
0x11d: {  	p0 =	sge.u32 s6, s5;
	[sflag:s2] =	ssyncset.done @!p3 $0x0;
	s6 =	rddreg [dreg:$0xf]  }
0x11e: {  	s8 =	simm.s32 @!p3 $0x4600;
	[sflag:s2] =	ssyncadd.s32 @!p3 $0xFFFFFF80;
	s2 =	rddreg [dreg:$0x10]  }
0x11f: {  	[tilespmem:s8], [sflag:$0x8] =	stream.indirect.gather @!p3 [hbm4b:s1+s7], $0x80, s7, s7, $0xb8;
	[tilespmem:$0x1FE80] =	vst v63  }
0x120: {  	s6 =	sadd.s32 @!p0 s20, s6;
	s7 =	simm.s32 @!p0 $0x0;
	s8 =	simm.s32 @!p0 $0x180  }
0x121: {  	[tilespmem:s8], [sflag:$0x4] =	stream.linear.gather @!p0 [hbm4b:s6+s7], $0x80, $0x38;
	[tilespmem:$0x1FE80] =	vst v63  }
0x122: {  	s2 =	sadd.s32 @!p0 s20, s2;
	s6 =	simm.s32 @!p0 $0x480  }
0x123: {  	[tilespmem:s6], [sflag:$0x4] =	stream.linear.gather @!p0 [hbm4b:s2+s7], $0x80, $0x38;
	[tilespmem:$0x1FE80] =	vst v63  }
0x124: {  	[bflag:$0x0] =	sbarrier.arrive $0xFFFF  }
0x125: {  	s26 =	rddreg [dreg:$0x1b]  }
0x126: {  	[hbm:s26], [sflag:s0] =	dma.local [spmem:s18], $0x2710  }
0x127: {  	_ =	swait.ge [sflag:s30], $0x2710  }
0x128: {  	s31 =	sadd.s32 $0x1, s31;
	s29 =	rddreg [dreg:$0x1c]  }
0x129: {  	p0 =	sne.s32 s31, s29  }
.Ltmp1:
0x12a: {  	_ = 	snop;
	(pc) =	sbr.rel @p0 .LBB2_1-.Ltmp1, $3  }
0x12b: {  	_ =	sdelay $0x1  }
0x12c: {  	[sflag:s30] =	ssyncset.done $0x0  }
0x12d: {  	[sflag:s30] =	ssyncadd.s32 $0xFFFFD8F0  }
0x12e: {  	_ =	sfence.sel $0x180000  }
0x12f: {  	[bflag:$0x0] =	sbarrier.arrive $0xFFFF  }
0x130: {  	_ =	strace $0x9000004D  }
0x131: {  	s0 =	stileid.u32;
	[bflag:$0x2] =	sbarrier.arrive $0xFFFF  }
0x132: {  	p0 =	sne.s32 s0, $0x0;
	s0 =	rddreg [dreg:$0x3]  }
0x133: {  	s0 =	sadd.s32 @!p0 $0x100000, s0  }
0x134: {  	[sflag:s0] =	ssyncadd.tile.s32 @!p0 $0x1;
	_ =	shalt  }
.Lfunc_end2:
_tile_overlayer_lowered:
.L_overlay_start_2:
0x135: {  	(tag) =	ssettag $0x2  }
0x136: {  	s0 =	rddreg [dreg:$0x0];
	s2 =	stileid.u32  }
0x137: {  	s1 =	rddreg [dreg:$0x1];
	p0 =	sne.s32 s2, $0x0  }
0x138: {  	s3 =	rddreg [dreg:$0x2];
	[bflag:$0x3] =	sbarrier.arrive $0xFFFF;
	s2 =	simm.s32 @!p0 $0x1C0C  }
0x139: {  	[timem:s3], [sflag:s2] =	dma.local @!p0 [hbm:s0], s1  }
0x13a: {  	s0 =	simm.s32 @!p0 $0xC  }
0x13b: {  	_ =	swait.ge @!p0 [sflag:s0], s1  }
0x13c: {  	s1 =	ssub.s32 @!p0 $0x0, s1;
	[sflag:s0] =	ssyncset.done @!p0 $0x0  }
0x13d: {  	[sflag:s0] =	ssyncadd.s32 @!p0 s1  }
0x13e: {  	[bflag:$0x3] =	sbarrier.arrive $0xFFFF  }
0x13f: {  	_ =	shalt  }

// kernel: kernel.8.cloned.1.call-start
scs
__scs_entry_jumppad:
0x0: {  	(pc) =	sbr.rel $0x88, $3  }
0x1: {  	(tag) =	ssettag $0x0;
	lr =	simm.s32 $0x1  }
0x2: {  	[smem:$0x3F97] =	sst lr;
	_ =	strace $0xD0000000  }
0x3: {  	_ = 	snop  }
0x4: {  	_ = 	snop  }
0x5: {  	_ = 	snop  }
0x6: {  	_ = 	snop  }
0x7: {  	_ = 	snop  }
__scs_overlays_trampoline_lowered:
0x8: {  	[smem:$0x3FA6] =	sst s0  }
0x9: {  	[smem:$0x3FA7] =	sst s1  }
0xa: {  	[smem:$0x3FA8] =	sst s2  }
0xb: {  	[smem:$0x3FA9] =	sst s3  }
0xc: {  	[smem:$0x3FAA] =	sst s4  }
0xd: {  	[smem:$0x3FAB] =	sst s5  }
0xe: {  	[smem:$0x3FAC] =	sst s6  }
0xf: {  	[smem:$0x3FAD] =	sst s7  }
0x10: {  	[smem:$0x3FAE] =	sst s8  }
0x11: {  	[smem:$0x3FAF] =	sst s9;
	s0 =	simm.s32 @!p0 $0x0  }
0x12: {  	s1 =	sld [smem:$0x3F95];
	s0 =	simm.s32 @p0 $0x1  }
0x13: {  	[smem:$0x3FB0] =	sst s0;
	s0 =	simm.s32 @!p1 $0x0  }
0x14: {  	s2 =	sld [smem:$0x3F94];
	s0 =	simm.s32 @p1 $0x1  }
0x15: {  	[smem:$0x3FB1] =	sst s0;
	s0 =	simm.s32 @!p2 $0x0  }
0x16: {  	s3 =	sld [smem:$0x3FDB];
	s0 =	simm.s32 @p2 $0x1  }
0x17: {  	s4 =	simm.s32 $0x1BF5;
	[smem:$0x3FB3] =	sst s0  }
0x18: {  	s0 =	sld [smem:$0x3F96];
	_ =	swait.ge [sflag:s4], $0x0  }
0x19: {  	s7 =	sld [smem:$0x3F97]  }
0x1a: {  	s8 =	sadd.s32 $0xFFFFE003, lr  }
0x1b: {  	s9 =	sadd.s32 $0xFFFFFEF7, lr;
	s5 =	simm.s32 $0xFFFFFFFF;
	p2 =	slt.u32 s8, $0xFFFFF086  }
0x1c: {  	p1 =	slt.u32 s9, $0xF7A;
	s5 =	simm.s32 @!p2 $0x0  }
0x1d: {  	s5 =	simm.s32 @p1 $0x1;
	p0 =	seq.s32 s7, s2  }
0x1e: {  	s7 =	smul.u32 @!p0 $0xF7A, s2;
	p2 =	seq.s32 @!p0 s5, $0x0  }
0x1f: {  	s9 =	smul.u32 $0xF7A, s1;
	s8 =	simm.s32 @!p0 $0x1BF5;
	p2 =	por !p2, p0  }
0x20: {  	[sflag:s8] =	ssyncset.s32 @!p0 $0xFFFFF086;
	s6 =	sadd.s32 @!p0 s3, s7;
	s7 =	simm.s32 @!p0 $0x108  }
0x21: {  	s3 =	sadd.s32 s3, s9;
	s6 =	sadd.s32 @!p0 $0x88, s6;
	s7 =	simm.s32 @p2 $0x1082  }
0x22: {  	[simem:s7], [sflag:s8] =	dma.local @!p0 [hbm:s6], $0xF7A  }
0x23: {  	s9 =	sor.u32 $0xD0000000, s2;
	s6 =	simm.s32 $0x108;
	_ =	swait.ge @!p0 [sflag:s8], $0x0  }
0x24: {  	s3 =	sadd.s32 $0x88, s3;
	s6 =	simm.s32 @!p1 $0x1082;
	[sflag:s4] =	ssyncset.s32 $0xFFFFF086  }
0x25: {  	[simem:s6], [sflag:s4] =	dma.local [hbm:s3], $0xF7A  }
0x26: {  	[smem:$0x3F97] =	sst s1;
	(tag) =	ssettag s2;
	_ =	strace s9  }
0x27: {  	s1 =	sld [smem:$0x3FA7]  }
0x28: {  	s2 =	sld [smem:$0x3FA8]  }
0x29: {  	s4 =	sld [smem:$0x3FAA]  }
0x2a: {  	p0 =	seq.s32 s5, $0x0;
	s5 =	sld [smem:$0x3FAB]  }
0x2b: {  	s6 =	sld [smem:$0x3FAC]  }
0x2c: {  	s7 =	sld [smem:$0x3FAD]  }
0x2d: {  	s3 =	simm.s32 $0x108;
	s8 =	sld [smem:$0x3FAE]  }
0x2e: {  	s3 =	simm.s32 @!p0 $0x1082;
	s9 =	sld [smem:$0x3FAF]  }
0x2f: {  	lr =	sadd.s32 s0, s3;
	s0 =	sld [smem:$0x3FA6]  }
0x30: {  	s3 =	sld [smem:$0x3FA9]  }
0x31: {  	[smem:$0x3FB2] =	sst s10  }
0x32: {  	s10 =	sld [smem:$0x3FB0];
	_ =	sdelay $0x3  }
0x33: {  	p0 =	seq.s32 s10, $0x1;
	s10 =	sld [smem:$0x3FB2];
	_ =	sdelay $0x3  }
0x34: {  	[smem:$0x3FB2] =	sst s10  }
0x35: {  	s10 =	sld [smem:$0x3FB1];
	_ =	sdelay $0x3  }
0x36: {  	p1 =	seq.s32 s10, $0x1;
	s10 =	sld [smem:$0x3FB2];
	_ =	sdelay $0x3  }
0x37: {  	[smem:$0x3FB2] =	sst s10  }
0x38: {  	s10 =	sld [smem:$0x3FB3]  }
0x39: {  	_ = 	snop;
	(pc) =	sbr.ind lr, $3  }
0x3a: {  	_ = 	snop  }
0x3b: {  	_ = 	snop  }
0x3c: {  	p2 =	seq.s32 s10, $0x1;
	s10 =	sld [smem:$0x3FB2]  }
0x3d: {  	_ =	shalt  }
0x3e: {  	_ =	shalt  }
0x3f: {  	_ =	shalt  }
0x40: {  	_ =	shalt  }
0x41: {  	_ =	shalt  }
0x42: {  	_ =	shalt  }
0x43: {  	_ =	shalt  }
0x44: {  	_ =	shalt  }
0x45: {  	_ =	shalt  }
0x46: {  	_ =	shalt  }
0x47: {  	_ =	shalt  }
0x48: {  	_ =	shalt  }
0x49: {  	_ =	shalt  }
0x4a: {  	_ =	shalt  }
0x4b: {  	_ =	shalt  }
0x4c: {  	_ =	shalt  }
0x4d: {  	_ =	shalt  }
0x4e: {  	_ =	shalt  }
0x4f: {  	_ =	shalt  }
0x50: {  	_ =	shalt  }
0x51: {  	_ =	shalt  }
0x52: {  	_ =	shalt  }
0x53: {  	_ =	shalt  }
0x54: {  	_ =	shalt  }
0x55: {  	_ =	shalt  }
0x56: {  	_ =	shalt  }
0x57: {  	_ =	shalt  }
0x58: {  	_ =	shalt  }
0x59: {  	_ =	shalt  }
0x5a: {  	_ =	shalt  }
0x5b: {  	_ =	shalt  }
0x5c: {  	_ =	shalt  }
0x5d: {  	_ =	shalt  }
0x5e: {  	_ =	shalt  }
0x5f: {  	_ =	shalt  }
0x60: {  	_ =	shalt  }
0x61: {  	_ =	shalt  }
0x62: {  	_ =	shalt  }
0x63: {  	_ =	shalt  }
0x64: {  	_ =	shalt  }
0x65: {  	_ =	shalt  }
0x66: {  	_ =	shalt  }
0x67: {  	_ =	shalt  }
0x68: {  	_ =	shalt  }
0x69: {  	_ =	shalt  }
0x6a: {  	_ =	shalt  }
0x6b: {  	_ =	shalt  }
0x6c: {  	_ =	shalt  }
0x6d: {  	_ =	shalt  }
0x6e: {  	_ =	shalt  }
0x6f: {  	_ =	shalt  }
0x70: {  	_ =	shalt  }
0x71: {  	_ =	shalt  }
0x72: {  	_ =	shalt  }
0x73: {  	_ =	shalt  }
0x74: {  	_ =	shalt  }
0x75: {  	_ =	shalt  }
0x76: {  	_ =	shalt  }
0x77: {  	_ =	shalt  }
0x78: {  	_ =	shalt  }
0x79: {  	_ =	shalt  }
0x7a: {  	_ =	shalt  }
0x7b: {  	_ =	shalt  }
0x7c: {  	_ =	shalt  }
0x7d: {  	_ =	shalt  }
0x7e: {  	_ =	shalt  }
0x7f: {  	_ =	shalt  }
0x80: {  	_ =	shalt  }
0x81: {  	_ =	shalt  }
0x82: {  	_ =	shalt  }
0x83: {  	_ =	shalt  }
0x84: {  	_ =	shalt  }
0x85: {  	_ =	shalt  }
0x86: {  	_ =	shalt  }
0x87: {  	_ =	shalt  }
.Lfunc_end0:
.L_simem_size_0:
called_computation_lowered:
.L_overlay_start_0:
0x88: {  	s2 =	sld [smem:$0x3FD9]  }
0x89: {  	s3 =	sld [smem:$0x3FFE];
	_ =	sdelay $0x1  }
0x8a: {  	s1 =	srdreg.scid  }
0x8b: {  	s0 =	sand.u32 $0x1, s1  }
0x8c: {  	s17 =	sshll.u32 s0, $0xA;
	s2 =	sadd.s32 s3, s2  }
0x8d: {  	s2 =	sadd.s32 s2, s17  }
0x8e: {  	[smem:$0x3FBE] =	sst s2  }
0x8f: {  	_ = 	snop  }
0x90: {  	s2 =	sld [smem:$0x3FD0];
	(tm) =	ssettm $0x1  }
0x91: {  	s18 =	sld [smem:$0x3FFB];
	_ =	sdelay $0x3  }
0x92: {  	_ =	strace s18  }
0x93: {  	s3 =	sld [smem:$0x3FFC];
	_ =	sdelay $0x3  }
0x94: {  	_ =	strace s3  }
0x95: {  	s3 =	sld [smem:$0x3FFD];
	_ =	sdelay $0x3  }
0x96: {  	_ =	strace s3  }
0x97: {  	_ =	strace $0x8FFFFFFF  }
0x98: {  	s19 =	sld [smem:$0x3FDB];
	_ =	sdelay $0x1  }
0x99: {  	s4 =	simm.s32 $_scs_section_size  }
0x9a: {  	s5 =	simm.s32 $_size__tile_overlayer_lowered;
	s6 =	simm.s32 $_tile_overlayer_lowered  }
0x9b: {  	s22 =	simm.s32 $0x1BFF;
	s21 =	sshll.u32 s6, $0x1;
	s3 =	sadd.s32 s4, s19  }
0x9c: {  	s7 =	simm.s32 $0x0;
	s20 =	sshll.u32 s5, $0x1;
	s5 =	sadd.s32 s21, s3  }
0x9d: {  	[timem:s7], [sflag:s22] =	dma.local [hbm:s5], s20  }
0x9e: {  	_ =	swait.ge [sflag:s22], s20  }
0x9f: {  	s4 =	ssub.s32 $0x0, s20;
	[sflag:s22] =	ssyncset.done $0x0  }
0xa0: {  	[sflag:s22] =	ssyncadd.s32 s4;
	_ =	sdelay $0x1  }
0xa1: {  	s23 =	simm.s32 $0x1B8B  }
0xa2: {  	_ =	swait.ge [sflag:s23], $0x1  }
0xa3: {  	[sflag:s23] =	ssyncset.done $0x0  }
0xa4: {  	s25 =	simm.s32 $0x1B8E;
	s24 =	sld [smem:$0x3FFE];
	[sflag:s23] =	ssyncadd.s32 $0xFFFFFFFF  }
0xa5: {  	s26 =	simm.s32 $execute0_lowered;
	[smem:$0x3FD2] =	sst s25  }
0xa6: {  	s5 =	sshll.u32 s26, $0x1;
	_ =	strace $0x80000046;
	[dreg:$0x1] =	wrdreg $0xFFFFFFFF  }
0xa7: {  	s28 =	simm.s32 $_size_execute0_lowered;
	s3 =	sadd.s32 s3, s5;
	[dreg:$0x0] =	wrdreg $0x0  }
0xa8: {  	s5 =	sshll.u32 s28, $0x1;
	[dreg:$0x2] =	wrdreg s3  }
0xa9: {  	[dreg:$0x3] =	wrdreg s5  }
0xaa: {  	[dreg:$0x4] =	wrdreg $0xC0  }
0xab: {  	_ =	task [dreg:s7], $0x5FFFF  }
0xac: {  	[dreg:$0x1] =	wrdreg $0xFFFFFFFF  }
0xad: {  	[dreg:$0x0] =	wrdreg $0x60  }
0xae: {  	[dreg:$0x2] =	wrdreg s24  }
0xaf: {  	[dreg:$0x3] =	wrdreg s2  }
0xb0: {  	[dreg:$0x4] =	wrdreg $0x7000  }
0xb1: {  	[dreg:$0x5] =	wrdreg $0x9  }
0xb2: {  	_ =	task.clear_ibuf [dreg:s7], $0x6FFFF;
	_ =	strace $0x90000046  }
0xb3: {  	s29 =	simm.s32 $0x9;
	_ =	strace $0x80000048  }
0xb4: {  	_ =	swait.ge [sflag:s29], $0x1  }
0xb5: {  	[sflag:s29] =	ssyncadd.s32 $0xFFFFFFFF  }
0xb6: {  	_ =	strace $0x90000048  }
0xb7: {  	_ =	sfence  }
0xb8: {  	s30 =	sld [smem:$0x0];
	_ =	sdelay $0x2  }
0xb9: {  	s31 =	sshll.u32 s1, $0xD;
	s1 =	sshrl.u32 s1, $0x2  }
0xba: {  	s3 =	sand.u32 $0x4000, s31;
	s1 =	sadd.s32 s1, s30  }
0xbb: {  	s0 =	sor.u32 s3, s0;
	s1 =	sshll.u32 s1, $0x11  }
0xbc: {  	s0 =	sor.u32 s1, s0  }
0xbd: {  	s0 =	sadd.s32 $0x8F2B, s0  }
0xbe: {  	[sflag:s0] =	ssyncadd.remote.s32 $0x1  }
0xbf: {  	_ =	sfence.sel $0xFFFF  }
0xc0: {  	[dreg:$0x0] =	wrdreg $0xFFFFFFFF;
	(pc) =	sbr.abs _section_cstart, $3  }
0xc1: {  	[dreg:$0x1] =	wrdreg $0xFFFFFFFF  }
0xc2: {  	_ =	task.clear_ibuf [dreg:s7], $0x2FFFF;
	_ =	strace $0x9FFFFFFF  }
0xc3: {  	(tm) =	ssettm $0x7FFFFFFF  }
tec
execute0_lowered:
.L_overlay_start_1:
0x0: {  	(tag) =	ssettag $0x1  }
0x1: {  	s0 =	rddreg [dreg:$0x0]  }
0x2: {  	s3 =	rddreg [dreg:$0x1]  }
0x3: {  	s1 =	rddreg [dreg:$0x2];
	s2 =	simm.s32 $0x0;
	s5 =	srdreg.scid  }
0x4: {  	s11 =	stileid.u32;
	[smem:$0x7FF] =	sst s2;
	s4 =	sadd.s32 $0xC600, s0  }
0x5: {  	s13 =	sadd.s32 $0x16400, s0;
	s24 =	sand.u32 $0x1, s5;
	s25 =	smul.u32 $0x9C, s11  }
0x6: {  	s7 =	sshll.u32 s11, $0x1;
	s12 =	smul.u32 $0x1388, s11;
	s15 =	sshll.u32 s11, $0x6  }
0x7: {  	_ =	strace $0x80000047;
	s6 =	ssub.s32 $0x2, s24;
	s8 =	smul.u32 $0x4E, s24  }
0x8: {  	s7 =	sor.u32 s24, s7;
	[dreg:$0x10] =	wrdreg s13;
	s0 =	smul.u32 $0x13880, s24  }
0x9: {  	s9 =	sshrl.u32 s6, $0x1;
	s10 =	smul.u32 $0x4E, s7;
	s7 =	smin.u32 s7, $0x4  }
0xa: {  	s26 =	sshrl.u32 s12, $0x3;
	s31 =	sadd.s32 s12, s1;
	s8 =	sadd.s32 s8, s25  }
0xb: {  	s6 =	ssub.s32 s6, s9;
	[dreg:$0x11] =	wrdreg s31;
	s9 =	sadd.s32 s13, s26  }
0xc: {  	s0 =	sadd.s32 s12, s0;
	s8 =	sadd.s32 s7, s8;
	s7 =	sadd.s32 s7, s10  }
0xd: {  	[dreg:$0x12] =	wrdreg s9;
	s10 =	sor.u32 $0x1C0B, s15;
	s26 =	smax.u32 s6, $0x1  }
0xe: {  	s0 =	sshrl.u32 s0, $0x3;
	s8 =	sshll.u32 s8, $0x4;
	[dreg:$0x17] =	wrdreg s26  }
0xf: {  	s7 =	sshll.u32 s7, $0x4;
	s0 =	sadd.s32 s3, s0;
	[dreg:$0x13] =	wrdreg s10  }
0x10: {  	s8 =	sadd.s32 s8, s4;
	s7 =	sadd.s32 s4, s7;
	[dreg:$0x16] =	wrdreg s0  }
0x11: {  	s14 =	sadd.s32 $0x50, s8;
	[dreg:$0x14] =	wrdreg s7  }
0x12: {  	s16 =	sadd.s32 $0x40, s8;
	[dreg:$0x4] =	wrdreg s14  }
0x13: {  	s17 =	sadd.s32 $0x30, s8;
	[dreg:$0x5] =	wrdreg s16  }
0x14: {  	s28 =	simm.s32 $0x8;
	s18 =	sadd.s32 $0x20, s8;
	[dreg:$0x6] =	wrdreg s17  }
0x15: {  	s29 =	simm.s32 $0x6;
	s7 =	sadd.s32 $0x10, s7;
	[dreg:$0x7] =	wrdreg s18  }
0x16: {  	s30 =	simm.s32 $0x9;
	s19 =	sadd.s32 $0xD0, s8;
	[dreg:$0x15] =	wrdreg s7  }
0x17: {  	p0 =	slt.u32 s11, $0x2;
	s20 =	sadd.s32 $0xC0, s8;
	[dreg:$0x8] =	wrdreg s19  }
0x18: {  	s5 =	simm.s32 $0x4F;
	s21 =	sadd.s32 $0xB0, s8;
	[dreg:$0x9] =	wrdreg s20  }
0x19: {  	s5 =	simm.s32 @!p0 $0x4E;
	s22 =	sadd.s32 $0xA0, s8;
	[dreg:$0xa] =	wrdreg s21  }
0x1a: {  	s11 =	sadd.s32 $0x3, s5;
	s23 =	sadd.s32 $0x90, s8;
	[dreg:$0xb] =	wrdreg s22  }
0x1b: {  	s15 =	simm.s32 $0x300;
	s24 =	sadd.s32 $0x80, s8;
	[dreg:$0xc] =	wrdreg s23  }
0x1c: {  	s3 =	simm.s32 $0xB;
	s25 =	sadd.s32 $0x70, s8;
	[dreg:$0xd] =	wrdreg s24  }
0x1d: {  	s26 =	simm.s32 $0x5;
	s31 =	sadd.s32 $0x60, s8;
	[dreg:$0xe] =	wrdreg s25  }
0x1e: {  	s4 =	simm.s32 $0x0;
	[dreg:$0xf] =	wrdreg s31;
	s16 =	simm.s32 $0x80  }
0x1f: {  	s17 =	simm.s32 $0x1;
	s18 =	simm.s32 $0x100;
	s19 =	simm.s32 $0x2  }
0x20: {  	s20 =	simm.s32 $0x180;
	s21 =	simm.s32 $0x3;
	s22 =	simm.s32 $0x200  }
0x21: {  	s23 =	simm.s32 $0x4;
	s24 =	simm.s32 $0x7;
	s25 =	simm.s32 $0x280  }
.LBB2_1:
0x22: {  	[dreg:$0x18] =	wrdreg s4  }
0x23: {  	s0 =	rddreg [dreg:$0x11]  }
0x24: {  	s31 =	rddreg [dreg:$0x12];
	s14 =	sshrl.u32 s0, $0x3  }
0x25: {  	[dreg:$0x19] =	wrdreg s14  }
0x26: {  	[spmem:s14], [sflag:s10] =	dma.local [hbm:s31], $0x271  }
0x27: {  	_ =	swait.ge [sflag:s3], $0x271  }
0x28: {  	[sflag:s3] =	ssyncset.done $0x0  }
0x29: {  	s4 =	rddreg [dreg:$0x10];
	[sflag:s3] =	ssyncadd.s32 $0xFFFFFD8F  }
0x2a: {  	[tilespmem:s15], [sflag:$0xB] =	stream.linear.gather [hbm4b:s4+s2], $0x400, $0x38;
	[tilespmem:$0x1A88] =	vst v63  }
0x2b: {  	_ =	swait.ge [sflag:s3], $0x400  }
0x2c: {  	[sflag:s3] =	ssyncset.done $0x0  }
0x2d: {  	[sflag:s3] =	ssyncadd.s32 $0xFFFFFC00  }
0x2e: {  	[bflag:$0x0] =	sbarrier.arrive $0xFFFF  }
0x2f: {  	s6 =	rddreg [dreg:$0x14]  }
0x30: {  	[tilespmem:s2], [sflag:$0x1] =	stream.linear.gather [hbm4b:s6+s2], $0x80, $0x38;
	[tilespmem:$0x1A88] =	vst v63  }
0x31: {  	s7 =	rddreg [dreg:$0x15]  }
0x32: {  	[tilespmem:s16], [sflag:$0x2] =	stream.linear.gather [hbm4b:s7+s2], $0x80, $0x38;
	[tilespmem:$0x1A88] =	vst v63  }
0x33: {  	_ =	swait.ge [sflag:s17], $0x80  }
0x34: {  	p0 =	por $0x1, $0x1;
	[sflag:s17] =	ssyncset.done $0x0  }
0x35: {  	s3 =	simm.s32 @!p0 $0x8;
	[sflag:s17] =	ssyncadd.s32 $0xFFFFFF80  }
0x36: {  	_ =	swait.ge @!p0 [sflag:s3], $0x400  }
0x37: {  	[sflag:s3] =	ssyncset.done @!p0 $0x0  }
0x38: {  	s8 =	rddreg [dreg:$0x7];
	[sflag:s3] =	ssyncadd.s32 @!p0 $0xFFFFFC00  }
0x39: {  	[spmem:s1] =	stream.indirect.scatter.add.f32 [tilespmem:s15], [sflag:$0x7], $0x8, s2, s16, $0xb8;
	[tilespmem:$0x1A88] =	vst v63  }
0x3a: {  	s9 =	sadd.s32 $0x0, s8  }
0x3b: {  	[tilespmem:s18], [sflag:$0x3] =	stream.linear.gather [hbm4b:s9+s2], $0x80, $0x38;
	[tilespmem:$0x1A88] =	vst v63  }
0x3c: {  	_ =	swait.ge [sflag:s19], $0x80  }
0x3d: {  	[sflag:s19] =	ssyncset.done $0x0  }
0x3e: {  	s3 =	simm.s32 @!p0 $0x9;
	[sflag:s19] =	ssyncadd.s32 $0xFFFFFF80  }
0x3f: {  	_ =	swait.ge @!p0 [sflag:s3], $0x400  }
0x40: {  	[sflag:s3] =	ssyncset.done @!p0 $0x0  }
0x41: {  	s10 =	rddreg [dreg:$0x6];
	[sflag:s3] =	ssyncadd.s32 @!p0 $0xFFFFFC00  }
0x42: {  	[spmem:s1] =	stream.indirect.scatter.add.f32 [tilespmem:s15], [sflag:$0x8], $0x8, s16, s16, $0xb8;
	[tilespmem:$0x1A88] =	vst v63  }
0x43: {  	s12 =	sadd.s32 $0x0, s10  }
0x44: {  	[tilespmem:s20], [sflag:$0x4] =	stream.linear.gather [hbm4b:s12+s2], $0x80, $0x38;
	[tilespmem:$0x1A88] =	vst v63  }
0x45: {  	_ =	swait.ge [sflag:s21], $0x80  }
0x46: {  	[sflag:s21] =	ssyncset.done $0x0  }
0x47: {  	s3 =	simm.s32 @!p0 $0xA;
	[sflag:s21] =	ssyncadd.s32 $0xFFFFFF80  }
0x48: {  	_ =	swait.ge @!p0 [sflag:s3], $0x400  }
0x49: {  	[sflag:s3] =	ssyncset.done @!p0 $0x0  }
0x4a: {  	s13 =	rddreg [dreg:$0x5];
	[sflag:s3] =	ssyncadd.s32 @!p0 $0xFFFFFC00  }
0x4b: {  	[spmem:s1] =	stream.indirect.scatter.add.f32 [tilespmem:s15], [sflag:$0x9], $0x8, s18, s16, $0xb8;
	[tilespmem:$0x1A88] =	vst v63  }
0x4c: {  	s14 =	sadd.s32 $0x0, s13  }
0x4d: {  	[tilespmem:s22], [sflag:$0x5] =	stream.linear.gather [hbm4b:s14+s2], $0x80, $0x38;
	[tilespmem:$0x1A88] =	vst v63  }
0x4e: {  	_ =	swait.ge [sflag:s23], $0x80  }
0x4f: {  	[sflag:s23] =	ssyncset.done $0x0  }
0x50: {  	[sflag:s23] =	ssyncadd.s32 $0xFFFFFF80  }
0x51: {  	_ =	swait.ge [sflag:s24], $0x400  }
0x52: {  	[sflag:s24] =	ssyncset.done $0x0  }
0x53: {  	s31 =	rddreg [dreg:$0x4];
	[sflag:s24] =	ssyncadd.s32 $0xFFFFFC00  }
0x54: {  	[spmem:s1] =	stream.indirect.scatter.add.f32 [tilespmem:s15], [sflag:$0xA], $0x8, s20, s16, $0xb8;
	[tilespmem:$0x1A88] =	vst v63  }
0x55: {  	s3 =	sadd.s32 $0x0, s31  }
0x56: {  	[tilespmem:s25], [sflag:$0x6] =	stream.linear.gather [hbm4b:s3+s2], $0x80, $0x38;
	[tilespmem:$0x1A88] =	vst v63  }
0x57: {  	_ =	swait.ge [sflag:s26], $0x80  }
0x58: {  	[sflag:s26] =	ssyncset.done $0x0  }
0x59: {  	[sflag:s26] =	ssyncadd.s32 $0xFFFFFF80  }
0x5a: {  	_ =	swait.ge [sflag:s28], $0x400  }
0x5b: {  	[sflag:s28] =	ssyncset.done $0x0  }
0x5c: {  	p0 =	sle.u32 s5, $0x6;
	s3 =	rddreg [dreg:$0xf];
	[sflag:s28] =	ssyncadd.s32 $0xFFFFFC00  }
0x5d: {  	[spmem:s1] =	stream.indirect.scatter.add.f32 [tilespmem:s15], [sflag:$0x7], $0x8, s22, s16, $0xb8;
	[tilespmem:$0x1A88] =	vst v63  }
0x5e: {  	s4 =	simm.s32 @!p0 $0x0;
	s3 =	sadd.s32 @!p0 $0x0, s3  }
0x5f: {  	[tilespmem:s4], [sflag:$0x1] =	stream.linear.gather @!p0 [hbm4b:s3+s4], $0x80, $0x38;
	[tilespmem:$0x1A88] =	vst v63  }
0x60: {  	_ =	swait.ge [sflag:s29], $0x80  }
0x61: {  	[sflag:s29] =	ssyncset.done $0x0  }
0x62: {  	[sflag:s29] =	ssyncadd.s32 $0xFFFFFF80  }
0x63: {  	p1 =	sle.u32 s5, $0x7;
	_ =	swait.ge [sflag:s30], $0x400  }
0x64: {  	s6 =	simm.s32 @!p1 $0x0;
	[sflag:s30] =	ssyncset.done $0x0  }
0x65: {  	p0 =	sgt.u32 s5, $0x6;
	s3 =	rddreg [dreg:$0xe];
	[sflag:s30] =	ssyncadd.s32 $0xFFFFFC00  }
0x66: {  	[spmem:s1] =	stream.indirect.scatter.add.f32 [tilespmem:s15], [sflag:$0x8], $0x8, s25, s16, $0xb8;
	[tilespmem:$0x1A88] =	vst v63  }
0x67: {  	s4 =	simm.s32 @!p1 $0x80;
	s7 =	simm.s32 @p0 $0x1;
	s3 =	sadd.s32 @!p1 $0x0, s3  }
0x68: {  	[tilespmem:s4], [sflag:$0x2] =	stream.linear.gather @!p1 [hbm4b:s3+s6], $0x80, $0x38;
	[tilespmem:$0x1A88] =	vst v63  }
0x69: {  	_ =	swait.ge @p0 [sflag:s7], $0x80  }
0x6a: {  	[sflag:s7] =	ssyncset.done @p0 $0x0  }
0x6b: {  	s3 =	simm.s32 @p0 $0xA;
	[sflag:s7] =	ssyncadd.s32 @p0 $0xFFFFFF80  }
0x6c: {  	p2 =	sle.u32 s5, $0x8;
	_ =	swait.ge @p0 [sflag:s3], $0x400  }
0x6d: {  	s8 =	simm.s32 @!p0 $0xA;
	s4 =	simm.s32 @p0 $0x300;
	[sflag:s3] =	ssyncset.done @p0 $0x0  }
0x6e: {  	s6 =	simm.s32 @p0 $0x80;
	s7 =	simm.s32 @p0 $0x0;
	[sflag:s3] =	ssyncadd.s32 @p0 $0xFFFFFC00  }
0x6f: {  	[spmem:s1] =	stream.indirect.scatter.add.f32 @p0 [tilespmem:s4], [sflag:$0x9], $0x8, s7, s6, $0xb8;
	[tilespmem:$0x1A88] =	vst v63  }
0x70: {  	p1 =	sgt.u32 s5, $0x7;
	s4 =	simm.s32 @!p2 $0x100;
	_ =	swait.ge @!p0 [sflag:s8], $0x400  }
0x71: {  	s6 =	simm.s32 @p1 $0x2;
	s3 =	rddreg [dreg:$0xd];
	[sflag:s8] =	ssyncset.done @!p0 $0x0  }
0x72: {  	s7 =	simm.s32 @!p2 $0x0;
	[sflag:s8] =	ssyncadd.s32 @!p0 $0xFFFFFC00;
	s3 =	sadd.s32 @!p2 $0x0, s3  }
0x73: {  	[tilespmem:s4], [sflag:$0x3] =	stream.linear.gather @!p2 [hbm4b:s3+s7], $0x80, $0x38;
	[tilespmem:$0x1A88] =	vst v63  }
0x74: {  	_ =	swait.ge @p1 [sflag:s6], $0x80  }
0x75: {  	[sflag:s6] =	ssyncset.done @p1 $0x0  }
0x76: {  	s3 =	simm.s32 @p1 $0x7;
	[sflag:s6] =	ssyncadd.s32 @p1 $0xFFFFFF80  }
0x77: {  	_ =	swait.ge @p1 [sflag:s3], $0x400  }
0x78: {  	s4 =	simm.s32 @p1 $0x80;
	[sflag:s3] =	ssyncset.done @p1 $0x0  }
0x79: {  	s7 =	simm.s32 @!p1 $0x7;
	s6 =	simm.s32 @p1 $0x300;
	[sflag:s3] =	ssyncadd.s32 @p1 $0xFFFFFC00  }
0x7a: {  	[spmem:s1] =	stream.indirect.scatter.add.f32 @p1 [tilespmem:s6], [sflag:$0xA], $0x8, s4, s4, $0xb8;
	[tilespmem:$0x1A88] =	vst v63  }
0x7b: {  	p0 =	sle.u32 s5, $0x9;
	_ =	swait.ge @!p1 [sflag:s7], $0x400  }
0x7c: {  	s4 =	simm.s32 @!p0 $0x180;
	[sflag:s7] =	ssyncset.done @!p1 $0x0  }
0x7d: {  	s3 =	rddreg [dreg:$0xc];
	[sflag:s7] =	ssyncadd.s32 @!p1 $0xFFFFFC00;
	p1 =	sgt.u32 s5, $0x8  }
0x7e: {  	s3 =	sadd.s32 @!p0 $0x0, s3;
	s7 =	simm.s32 @!p0 $0x0;
	s6 =	simm.s32 @p1 $0x3  }
0x7f: {  	[tilespmem:s4], [sflag:$0x4] =	stream.linear.gather @!p0 [hbm4b:s3+s7], $0x80, $0x38;
	[tilespmem:$0x1A88] =	vst v63  }
0x80: {  	_ =	swait.ge @p1 [sflag:s6], $0x80  }
0x81: {  	[sflag:s6] =	ssyncset.done @p1 $0x0  }
0x82: {  	s3 =	simm.s32 @p1 $0x8;
	[sflag:s6] =	ssyncadd.s32 @p1 $0xFFFFFF80  }
0x83: {  	p2 =	sle.u32 s5, $0xA;
	_ =	swait.ge @p1 [sflag:s3], $0x400  }
0x84: {  	s7 =	simm.s32 @p1 $0x80;
	s8 =	simm.s32 @p1 $0x100;
	[sflag:s3] =	ssyncset.done @p1 $0x0  }
0x85: {  	s9 =	simm.s32 @!p1 $0x8;
	s6 =	simm.s32 @p1 $0x300;
	[sflag:s3] =	ssyncadd.s32 @p1 $0xFFFFFC00  }
0x86: {  	[spmem:s1] =	stream.indirect.scatter.add.f32 @p1 [tilespmem:s6], [sflag:$0x7], $0x8, s8, s7, $0xb8;
	[tilespmem:$0x1A88] =	vst v63  }
0x87: {  	s6 =	simm.s32 @!p2 $0x0;
	_ =	swait.ge @!p1 [sflag:s9], $0x400  }
0x88: {  	s7 =	simm.s32 @!p2 $0x200;
	s3 =	rddreg [dreg:$0xb];
	[sflag:s9] =	ssyncset.done @!p1 $0x0  }
0x89: {  	s8 =	simm.s32 @!p0 $0x4;
	[sflag:s9] =	ssyncadd.s32 @!p1 $0xFFFFFC00;
	s3 =	sadd.s32 @!p2 $0x0, s3  }
0x8a: {  	[tilespmem:s7], [sflag:$0x5] =	stream.linear.gather @!p2 [hbm4b:s3+s6], $0x80, $0x38;
	[tilespmem:$0x1A88] =	vst v63  }
0x8b: {  	_ =	swait.ge @!p0 [sflag:s8], $0x80  }
0x8c: {  	p3 =	sle.u32 s11, $0x9;
	[sflag:s8] =	ssyncset.done @!p0 $0x0  }
0x8d: {  	s3 =	simm.s32 @!p3 $0x9;
	[sflag:s8] =	ssyncadd.s32 @!p0 $0xFFFFFF80  }
0x8e: {  	s10 =	simm.s32 @!p0 $0x300;
	_ =	swait.ge @!p3 [sflag:s3], $0x400  }
0x8f: {  	p1 =	sle.u32 s5, $0xB;
	s6 =	simm.s32 @!p2 $0x5;
	[sflag:s3] =	ssyncset.done @!p3 $0x0  }
0x90: {  	s8 =	simm.s32 @!p0 $0x80;
	s9 =	rddreg [dreg:$0xa];
	[sflag:s3] =	ssyncadd.s32 @!p3 $0xFFFFFC00  }
0x91: {  	[spmem:s1] =	stream.indirect.scatter.add.f32 @!p0 [tilespmem:s10], [sflag:$0x8], $0x8, s4, s8, $0xb8;
	[tilespmem:$0x1A88] =	vst v63  }
0x92: {  	s3 =	simm.s32 @!p1 $0x0;
	s10 =	simm.s32 @!p1 $0x280;
	s4 =	sadd.s32 @!p1 $0x0, s9  }
0x93: {  	[tilespmem:s10], [sflag:$0x6] =	stream.linear.gather @!p1 [hbm4b:s4+s3], $0x80, $0x38;
	[tilespmem:$0x1A88] =	vst v63  }
0x94: {  	_ =	swait.ge @!p2 [sflag:s6], $0x80  }
0x95: {  	p0 =	sle.u32 s11, $0xA;
	[sflag:s6] =	ssyncset.done @!p2 $0x0  }
0x96: {  	s3 =	simm.s32 @!p0 $0xA;
	[sflag:s6] =	ssyncadd.s32 @!p2 $0xFFFFFF80  }
0x97: {  	_ =	swait.ge @!p0 [sflag:s3], $0x400  }
0x98: {  	p3 =	sle.u32 s5, $0xC;
	s8 =	simm.s32 @!p2 $0x300;
	[sflag:s3] =	ssyncset.done @!p0 $0x0  }
0x99: {  	s4 =	simm.s32 @!p2 $0x80;
	s6 =	rddreg [dreg:$0x9];
	[sflag:s3] =	ssyncadd.s32 @!p0 $0xFFFFFC00  }
0x9a: {  	[spmem:s1] =	stream.indirect.scatter.add.f32 @!p2 [tilespmem:s8], [sflag:$0x9], $0x8, s7, s4, $0xb8;
	[tilespmem:$0x1A88] =	vst v63  }
0x9b: {  	s3 =	simm.s32 @!p3 $0x0;
	s6 =	sadd.s32 @!p3 $0x0, s6;
	s4 =	simm.s32 @!p1 $0x6  }
0x9c: {  	[tilespmem:s3], [sflag:$0x1] =	stream.linear.gather @!p3 [hbm4b:s6+s3], $0x80, $0x38;
	[tilespmem:$0x1A88] =	vst v63  }
0x9d: {  	s12 =	simm.s32 @!p1 $0x80;
	_ =	swait.ge @!p1 [sflag:s4], $0x80  }
0x9e: {  	s13 =	simm.s32 @!p1 $0x300;
	p2 =	sle.u32 s11, $0xB;
	[sflag:s4] =	ssyncset.done @!p1 $0x0  }
0x9f: {  	s9 =	simm.s32 @!p2 $0x7;
	s3 =	simm.s32 $0xC0;
	[sflag:s4] =	ssyncadd.s32 @!p1 $0xFFFFFF80  }
0xa0: {  	p3 =	sle.u32 s5, $0xD;
	s6 =	simm.s32 $0x0;
	_ =	swait.ge @!p2 [sflag:s9], $0x400  }
0xa1: {  	s4 =	simm.s32 $0x19;
	[sflag:s9] =	ssyncset.done @!p2 $0x0;
	s8 =	rddreg [dreg:$0x8]  }
.LBB2_2:
0xa2: {  	[sflag:s9] =	ssyncadd.s32 @!p2 $0xFFFFFC00  }
0xa3: {  	[spmem:s1] =	stream.indirect.scatter.add.f32 @!p1 [tilespmem:s13], [sflag:$0xA], $0x8, s10, s12, $0xb8;
	[tilespmem:$0x1A88] =	vst v63  }
0xa4: {  	s9 =	simm.s32 @!p3 $0x0;
	s0 =	simm.s32 @!p3 $0x80;
	s6 =	sadd.s32 @!p3 s6, s8  }
0xa5: {  	[tilespmem:s0], [sflag:$0x2] =	stream.linear.gather @!p3 [hbm4b:s6+s9], $0x80, $0x38;
	[tilespmem:$0x1A88] =	vst v63  }
0xa6: {  	s14 =	smov.u32 s3;
	_ =	swait.ge [sflag:s17], $0x80  }
0xa7: {  	p1 =	seq.s32 s14, $0x0;
	[sflag:s17] =	ssyncset.done $0x0  }
0xa8: {  	s0 =	simm.s32 @!p1 $0x8;
	[sflag:s17] =	ssyncadd.s32 $0xFFFFFF80  }
0xa9: {  	_ =	swait.ge @!p1 [sflag:s0], $0x400  }
0xaa: {  	[sflag:s0] =	ssyncset.done @!p1 $0x0  }
0xab: {  	s6 =	smov.u32 s14;
	s13 =	rddreg [dreg:$0x7];
	[sflag:s0] =	ssyncadd.s32 @!p1 $0xFFFFFC00  }
0xac: {  	[spmem:s1] =	stream.indirect.scatter.add.f32 [tilespmem:s15], [sflag:$0x7], $0x8, s2, s16, $0xb8;
	[tilespmem:$0x1A88] =	vst v63  }
0xad: {  	s14 =	sadd.s32 s6, s13  }
0xae: {  	[tilespmem:s18], [sflag:$0x3] =	stream.linear.gather [hbm4b:s14+s2], $0x80, $0x38;
	[tilespmem:$0x1A88] =	vst v63  }
0xaf: {  	_ =	swait.ge [sflag:s19], $0x80  }
0xb0: {  	[sflag:s19] =	ssyncset.done $0x0  }
0xb1: {  	s0 =	simm.s32 @!p1 $0x9;
	[sflag:s19] =	ssyncadd.s32 $0xFFFFFF80  }
0xb2: {  	_ =	swait.ge @!p1 [sflag:s0], $0x400  }
0xb3: {  	[sflag:s0] =	ssyncset.done @!p1 $0x0  }
0xb4: {  	s31 =	rddreg [dreg:$0x6];
	[sflag:s0] =	ssyncadd.s32 @!p1 $0xFFFFFC00  }
0xb5: {  	[spmem:s1] =	stream.indirect.scatter.add.f32 [tilespmem:s15], [sflag:$0x8], $0x8, s16, s16, $0xb8;
	[tilespmem:$0x1A88] =	vst v63  }
0xb6: {  	s8 =	sadd.s32 s6, s31  }
0xb7: {  	[tilespmem:s20], [sflag:$0x4] =	stream.linear.gather [hbm4b:s8+s2], $0x80, $0x38;
	[tilespmem:$0x1A88] =	vst v63  }
0xb8: {  	_ =	swait.ge [sflag:s21], $0x80  }
0xb9: {  	[sflag:s21] =	ssyncset.done $0x0  }
0xba: {  	s0 =	simm.s32 @!p1 $0xA;
	[sflag:s21] =	ssyncadd.s32 $0xFFFFFF80  }
0xbb: {  	_ =	swait.ge @!p1 [sflag:s0], $0x400  }
0xbc: {  	[sflag:s0] =	ssyncset.done @!p1 $0x0  }
0xbd: {  	s9 =	rddreg [dreg:$0x5];
	[sflag:s0] =	ssyncadd.s32 @!p1 $0xFFFFFC00  }
0xbe: {  	[spmem:s1] =	stream.indirect.scatter.add.f32 [tilespmem:s15], [sflag:$0x9], $0x8, s18, s16, $0xb8;
	[tilespmem:$0x1A88] =	vst v63  }
0xbf: {  	s10 =	sadd.s32 s6, s9  }
0xc0: {  	[tilespmem:s22], [sflag:$0x5] =	stream.linear.gather [hbm4b:s10+s2], $0x80, $0x38;
	[tilespmem:$0x1A88] =	vst v63  }
0xc1: {  	_ =	swait.ge [sflag:s23], $0x80  }
0xc2: {  	[sflag:s23] =	ssyncset.done $0x0  }
0xc3: {  	[sflag:s23] =	ssyncadd.s32 $0xFFFFFF80  }
0xc4: {  	_ =	swait.ge [sflag:s24], $0x400  }
0xc5: {  	[sflag:s24] =	ssyncset.done $0x0  }
0xc6: {  	s12 =	rddreg [dreg:$0x4];
	[sflag:s24] =	ssyncadd.s32 $0xFFFFFC00  }
0xc7: {  	[spmem:s1] =	stream.indirect.scatter.add.f32 [tilespmem:s15], [sflag:$0xA], $0x8, s20, s16, $0xb8;
	[tilespmem:$0x1A88] =	vst v63  }
0xc8: {  	s0 =	sadd.s32 s6, s12  }
0xc9: {  	[tilespmem:s25], [sflag:$0x6] =	stream.linear.gather [hbm4b:s0+s2], $0x80, $0x38;
	[tilespmem:$0x1A88] =	vst v63  }
0xca: {  	_ =	swait.ge [sflag:s26], $0x80  }
0xcb: {  	[sflag:s26] =	ssyncset.done $0x0  }
0xcc: {  	[sflag:s26] =	ssyncadd.s32 $0xFFFFFF80  }
0xcd: {  	_ =	swait.ge [sflag:s28], $0x400  }
0xce: {  	s13 =	sadd.s32 $0xFFFFFFF9, s4;
	[sflag:s28] =	ssyncset.done $0x0  }
0xcf: {  	p1 =	sge.u32 s13, s5;
	s8 =	rddreg [dreg:$0xf];
	[sflag:s28] =	ssyncadd.s32 $0xFFFFFC00  }
0xd0: {  	[spmem:s1] =	stream.indirect.scatter.add.f32 [tilespmem:s15], [sflag:$0x7], $0x8, s22, s16, $0xb8;
	[tilespmem:$0x1A88] =	vst v63  }
0xd1: {  	s9 =	simm.s32 @!p1 $0x0;
	s8 =	sadd.s32 @!p1 s6, s8  }
0xd2: {  	[tilespmem:s9], [sflag:$0x1] =	stream.linear.gather @!p1 [hbm4b:s8+s9], $0x80, $0x38;
	[tilespmem:$0x1A88] =	vst v63  }
0xd3: {  	_ =	swait.ge [sflag:s29], $0x80  }
0xd4: {  	[sflag:s29] =	ssyncset.done $0x0  }
0xd5: {  	s14 =	sadd.s32 $0xFFFFFFFA, s4;
	[sflag:s29] =	ssyncadd.s32 $0xFFFFFF80  }
0xd6: {  	p2 =	sge.u32 s14, s5;
	_ =	swait.ge [sflag:s30], $0x400  }
0xd7: {  	s10 =	simm.s32 @!p2 $0x0;
	[sflag:s30] =	ssyncset.done $0x0  }
0xd8: {  	p1 =	slt.u32 s13, s5;
	s0 =	rddreg [dreg:$0xe];
	[sflag:s30] =	ssyncadd.s32 $0xFFFFFC00  }
0xd9: {  	[spmem:s1] =	stream.indirect.scatter.add.f32 [tilespmem:s15], [sflag:$0x8], $0x8, s25, s16, $0xb8;
	[tilespmem:$0x1A88] =	vst v63  }
0xda: {  	s9 =	simm.s32 @!p2 $0x80;
	s12 =	simm.s32 @p1 $0x1;
	s0 =	sadd.s32 @!p2 s6, s0  }
0xdb: {  	[tilespmem:s9], [sflag:$0x2] =	stream.linear.gather @!p2 [hbm4b:s0+s10], $0x80, $0x38;
	[tilespmem:$0x1A88] =	vst v63  }
0xdc: {  	_ =	swait.ge @p1 [sflag:s12], $0x80  }
0xdd: {  	[sflag:s12] =	ssyncset.done @p1 $0x0  }
0xde: {  	s0 =	simm.s32 @p1 $0xA;
	[sflag:s12] =	ssyncadd.s32 @p1 $0xFFFFFF80  }
0xdf: {  	s18 =	sadd.s32 $0xFFFFFFFB, s4;
	_ =	swait.ge @p1 [sflag:s0], $0x400  }
0xe0: {  	s13 =	simm.s32 @!p1 $0xA;
	s9 =	simm.s32 @p1 $0x300;
	[sflag:s0] =	ssyncset.done @p1 $0x0  }
0xe1: {  	s10 =	simm.s32 @p1 $0x80;
	s12 =	simm.s32 @p1 $0x0;
	[sflag:s0] =	ssyncadd.s32 @p1 $0xFFFFFC00  }
0xe2: {  	[spmem:s1] =	stream.indirect.scatter.add.f32 @p1 [tilespmem:s9], [sflag:$0x9], $0x8, s12, s10, $0xb8;
	[tilespmem:$0x1A88] =	vst v63  }
0xe3: {  	p2 =	sge.u32 s18, s5;
	_ =	swait.ge @!p1 [sflag:s13], $0x400  }
0xe4: {  	s10 =	simm.s32 @!p2 $0x100;
	[sflag:s13] =	ssyncset.done @!p1 $0x0  }
0xe5: {  	s9 =	rddreg [dreg:$0xd];
	[sflag:s13] =	ssyncadd.s32 @!p1 $0xFFFFFC00;
	p1 =	slt.u32 s14, s5  }
0xe6: {  	s12 =	simm.s32 @!p2 $0x0;
	s9 =	sadd.s32 @!p2 s6, s9;
	s8 =	simm.s32 @p1 $0x2  }
0xe7: {  	[tilespmem:s10], [sflag:$0x3] =	stream.linear.gather @!p2 [hbm4b:s9+s12], $0x80, $0x38;
	[tilespmem:$0x1A88] =	vst v63  }
0xe8: {  	_ =	swait.ge @p1 [sflag:s8], $0x80  }
0xe9: {  	[sflag:s8] =	ssyncset.done @p1 $0x0  }
0xea: {  	s9 =	simm.s32 @p1 $0x7;
	[sflag:s8] =	ssyncadd.s32 @p1 $0xFFFFFF80  }
0xeb: {  	_ =	swait.ge @p1 [sflag:s9], $0x400  }
0xec: {  	s20 =	sadd.s32 $0xFFFFFFFC, s4;
	s10 =	simm.s32 @p1 $0x300;
	[sflag:s9] =	ssyncset.done @p1 $0x0  }
0xed: {  	s12 =	simm.s32 @!p1 $0x7;
	s8 =	simm.s32 @p1 $0x80;
	[sflag:s9] =	ssyncadd.s32 @p1 $0xFFFFFC00  }
0xee: {  	[spmem:s1] =	stream.indirect.scatter.add.f32 @p1 [tilespmem:s10], [sflag:$0xA], $0x8, s8, s8, $0xb8;
	[tilespmem:$0x1A88] =	vst v63  }
0xef: {  	p2 =	sge.u32 s20, s5;
	_ =	swait.ge @!p1 [sflag:s12], $0x400  }
0xf0: {  	s9 =	simm.s32 @!p2 $0x180;
	[sflag:s12] =	ssyncset.done @!p1 $0x0  }
0xf1: {  	s10 =	rddreg [dreg:$0xc];
	[sflag:s12] =	ssyncadd.s32 @!p1 $0xFFFFFC00;
	p1 =	slt.u32 s18, s5  }
0xf2: {  	s10 =	sadd.s32 @!p2 s6, s10;
	s12 =	simm.s32 @!p2 $0x0;
	s0 =	simm.s32 @p1 $0x3  }
0xf3: {  	[tilespmem:s9], [sflag:$0x4] =	stream.linear.gather @!p2 [hbm4b:s10+s12], $0x80, $0x38;
	[tilespmem:$0x1A88] =	vst v63  }
0xf4: {  	_ =	swait.ge @p1 [sflag:s0], $0x80  }
0xf5: {  	[sflag:s0] =	ssyncset.done @p1 $0x0  }
0xf6: {  	s10 =	simm.s32 @p1 $0x8;
	[sflag:s0] =	ssyncadd.s32 @p1 $0xFFFFFF80  }
0xf7: {  	_ =	swait.ge @p1 [sflag:s10], $0x400  }
0xf8: {  	s12 =	simm.s32 @p1 $0x80;
	s13 =	simm.s32 @p1 $0x100;
	[sflag:s10] =	ssyncset.done @p1 $0x0  }
0xf9: {  	s14 =	simm.s32 @!p1 $0x8;
	s0 =	simm.s32 @p1 $0x300;
	[sflag:s10] =	ssyncadd.s32 @p1 $0xFFFFFC00  }
0xfa: {  	[spmem:s1] =	stream.indirect.scatter.add.f32 @p1 [tilespmem:s0], [sflag:$0x7], $0x8, s13, s12, $0xb8;
	[tilespmem:$0x1A88] =	vst v63  }
0xfb: {  	s0 =	sadd.s32 $0xFFFFFFFD, s4;
	_ =	swait.ge @!p1 [sflag:s14], $0x400  }
0xfc: {  	p3 =	sge.u32 s0, s5;
	[sflag:s14] =	ssyncset.done @!p1 $0x0  }
0xfd: {  	s10 =	rddreg [dreg:$0xb];
	s12 =	simm.s32 @!p3 $0x0;
	s13 =	simm.s32 @!p3 $0x200  }
0xfe: {  	[sflag:s14] =	ssyncadd.s32 @!p1 $0xFFFFFC00;
	s14 =	simm.s32 @!p2 $0x4;
	s10 =	sadd.s32 @!p3 s6, s10  }
0xff: {  	[tilespmem:s13], [sflag:$0x5] =	stream.linear.gather @!p3 [hbm4b:s10+s12], $0x80, $0x38;
	[tilespmem:$0x1A88] =	vst v63  }
0x100: {  	_ =	swait.ge @!p2 [sflag:s14], $0x80  }
0x101: {  	p4 =	sge.u32 s20, s11;
	[sflag:s14] =	ssyncset.done @!p2 $0x0  }
0x102: {  	s8 =	simm.s32 @!p4 $0x9;
	[sflag:s14] =	ssyncadd.s32 @!p2 $0xFFFFFF80  }
0x103: {  	s31 =	simm.s32 @!p2 $0x80;
	s12 =	sadd.s32 $0xFFFFFFFE, s4;
	_ =	swait.ge @!p4 [sflag:s8], $0x400  }
0x104: {  	s18 =	simm.s32 @!p2 $0x300;
	p1 =	sge.u32 s12, s5;
	[sflag:s8] =	ssyncset.done @!p4 $0x0  }
0x105: {  	s10 =	simm.s32 @!p1 $0x280;
	s20 =	rddreg [dreg:$0xa];
	[sflag:s8] =	ssyncadd.s32 @!p4 $0xFFFFFC00  }
0x106: {  	[spmem:s1] =	stream.indirect.scatter.add.f32 @!p2 [tilespmem:s18], [sflag:$0x8], $0x8, s9, s31, $0xb8;
	[tilespmem:$0x1A88] =	vst v63  }
0x107: {  	s14 =	simm.s32 @!p3 $0x5;
	s8 =	simm.s32 @!p1 $0x0;
	s9 =	sadd.s32 @!p1 s6, s20  }
0x108: {  	[tilespmem:s10], [sflag:$0x6] =	stream.linear.gather @!p1 [hbm4b:s9+s8], $0x80, $0x38;
	[tilespmem:$0x1A88] =	vst v63  }
0x109: {  	_ =	swait.ge @!p3 [sflag:s14], $0x80  }
0x10a: {  	s7 =	smov.u32 s4;
	p2 =	sge.u32 s0, s11;
	[sflag:s14] =	ssyncset.done @!p3 $0x0  }
0x10b: {  	s3 =	sadd.s32 $0xC0, s3;
	s0 =	simm.s32 @!p2 $0xA;
	[sflag:s14] =	ssyncadd.s32 @!p3 $0xFFFFFF80  }
0x10c: {  	p0 =	sne.s32 s3, $0x540;
	s31 =	sadd.s32 $0xFFFFFFFF, s4;
	_ =	swait.ge @!p2 [sflag:s0], $0x400  }
0x10d: {  	p4 =	sge.u32 s31, s5;
	s9 =	simm.s32 @!p3 $0x80;
	[sflag:s0] =	ssyncset.done @!p2 $0x0  }
0x10e: {  	s14 =	simm.s32 @!p3 $0x300;
	s8 =	rddreg [dreg:$0x9];
	[sflag:s0] =	ssyncadd.s32 @!p2 $0xFFFFFC00  }
0x10f: {  	[spmem:s1] =	stream.indirect.scatter.add.f32 @!p3 [tilespmem:s14], [sflag:$0x9], $0x8, s13, s9, $0xb8;
	[tilespmem:$0x1A88] =	vst v63  }
0x110: {  	s18 =	simm.s32 @!p1 $0x6;
	s0 =	simm.s32 @!p4 $0x0;
	s8 =	sadd.s32 @!p4 s6, s8  }
0x111: {  	[tilespmem:s0], [sflag:$0x1] =	stream.linear.gather @!p4 [hbm4b:s8+s0], $0x80, $0x38;
	[tilespmem:$0x1A88] =	vst v63  }
.Ltmp0:
0x112: {  	s20 =	simm.s32 $0x180;
	_ =	swait.ge @!p1 [sflag:s18], $0x80;
	(pc) =	sbr.rel @p0 .LBB2_2-.Ltmp0, $4  }
0x113: {  	s4 =	sadd.s32 $0xC, s4;
	p2 =	sge.u32 s12, s11;
	[sflag:s18] =	ssyncset.done @!p1 $0x0  }
0x114: {  	s12 =	simm.s32 @!p1 $0x80;
	s9 =	simm.s32 @!p2 $0x7;
	[sflag:s18] =	ssyncadd.s32 @!p1 $0xFFFFFF80  }
0x115: {  	s13 =	simm.s32 @!p1 $0x300;
	p3 =	sge.u32 s7, s5;
	_ =	swait.ge @!p2 [sflag:s9], $0x400  }
0x116: {  	s18 =	simm.s32 $0x100;
	[sflag:s9] =	ssyncset.done @!p2 $0x0;
	s8 =	rddreg [dreg:$0x8]  }
0x117: {  	[sflag:s9] =	ssyncadd.s32 @!p2 $0xFFFFFC00  }
0x118: {  	[spmem:s1] =	stream.indirect.scatter.add.f32 @!p1 [tilespmem:s13], [sflag:$0xA], $0x8, s10, s12, $0xb8;
	[tilespmem:$0x1A88] =	vst v63  }
0x119: {  	s0 =	simm.s32 @!p3 $0x0;
	s3 =	simm.s32 @!p3 $0x80;
	s4 =	sadd.s32 @!p3 s6, s8  }
0x11a: {  	[tilespmem:s3], [sflag:$0x2] =	stream.linear.gather @!p3 [hbm4b:s4+s0], $0x80, $0x38;
	[tilespmem:$0x1A88] =	vst v63  }
0x11b: {  	[bflag:$0x0] =	sbarrier.arrive $0xFFFF  }
0x11c: {  	s10 =	rddreg [dreg:$0x13]  }
0x11d: {  	s12 =	rddreg [dreg:$0x16]  }
0x11e: {  	s3 =	simm.s32 $0xB;
	s13 =	rddreg [dreg:$0x19]  }
0x11f: {  	[hbm:s12], [sflag:s10] =	dma.local [spmem:s13], $0x271  }
0x120: {  	_ =	swait.ge [sflag:s3], $0x271  }
0x121: {  	s14 =	rddreg [dreg:$0x18]  }
0x122: {  	s31 =	rddreg [dreg:$0x17];
	s4 =	sadd.s32 $0x1, s14  }
0x123: {  	p0 =	sne.s32 s4, s31  }
.Ltmp1:
0x124: {  	_ = 	snop;
	(pc) =	sbr.rel @p0 .LBB2_1-.Ltmp1, $3  }
0x125: {  	_ =	sdelay $0x1  }
0x126: {  	[sflag:s3] =	ssyncset.done $0x0  }
0x127: {  	[sflag:s3] =	ssyncadd.s32 $0xFFFFFD8F  }
0x128: {  	_ =	sfence.sel $0x180000  }
0x129: {  	[bflag:$0x0] =	sbarrier.arrive $0xFFFF  }
0x12a: {  	_ =	strace $0x90000047  }
0x12b: {  	s0 =	stileid.u32;
	[bflag:$0x2] =	sbarrier.arrive $0xFFFF  }
0x12c: {  	p0 =	sne.s32 s0, $0x0;
	s0 =	rddreg [dreg:$0x3]  }
0x12d: {  	s0 =	sadd.s32 @!p0 $0x100000, s0  }
0x12e: {  	[sflag:s0] =	ssyncadd.tile.s32 @!p0 $0x1;
	_ =	shalt  }
.Lfunc_end2:
_tile_overlayer_lowered:
.L_overlay_start_2:
0x12f: {  	(tag) =	ssettag $0x2  }
0x130: {  	s0 =	rddreg [dreg:$0x0];
	s2 =	stileid.u32  }
0x131: {  	s1 =	rddreg [dreg:$0x1];
	p0 =	sne.s32 s2, $0x0  }
0x132: {  	s3 =	rddreg [dreg:$0x2];
	[bflag:$0x3] =	sbarrier.arrive $0xFFFF;
	s2 =	simm.s32 @!p0 $0x1C0B  }
0x133: {  	[timem:s3], [sflag:s2] =	dma.local @!p0 [hbm:s0], s1  }
0x134: {  	s0 =	simm.s32 @!p0 $0xB  }
0x135: {  	_ =	swait.ge @!p0 [sflag:s0], s1  }
0x136: {  	s1 =	ssub.s32 @!p0 $0x0, s1;
	[sflag:s0] =	ssyncset.done @!p0 $0x0  }
0x137: {  	[sflag:s0] =	ssyncadd.s32 @!p0 s1  }
0x138: {  	[bflag:$0x3] =	sbarrier.arrive $0xFFFF  }
0x139: {  	_ =	shalt  }

</sc_bundles>
